<compile_context>
chip_gen: v7x
topology: tpu7x:2x2x1
jax: 0.10.2.dev20260603
libtpu: 0.0.44.dev20260713+nightly
codegen_flags: <defaults>
</compile_context>

<pallas_src>
import functools

import jax
import jax.numpy as jnp
from jax import lax
from jax.experimental import pallas as pl
from jax.experimental.pallas import tpu as pltpu
from jax.experimental.pallas import tpu_sc as plsc

K = 8
D = 1024
BLK = 512
NC = 2
NS = 16
NW = NC * NS
L = 16
QR = 32

@functools.cache
def _sc_mesh():
    return plsc.VectorSubcoreMesh(core_axis_name="c", subcore_axis_name="s")


_SC_PARAMS = pltpu.CompilerParams(needs_layout_passes=False)


def _wid():
    return lax.axis_index("s") * NC + lax.axis_index("c")



def _sc_counts_body(cls_hbm, counts_hbm, cls_v, cnt_v):
    wid = _wid()
    chunk = cls_hbm.shape[0] // NW
    pltpu.sync_copy(cls_hbm.at[pl.ds(wid * chunk, chunk)], cls_v)
    lane = lax.iota(jnp.int32, L)
    counts = jnp.zeros((L,), jnp.int32)
    for v in range(chunk // L):
        c = cls_v[pl.ds(v * L, L)]
        for k in range(K):
            pc = jnp.sum((c == k).astype(jnp.int32))
            counts = counts + jnp.where(lane == k, pc, 0)
    cnt_v[...] = counts
    pltpu.sync_copy(cnt_v, counts_hbm.at[wid])


def _sc_counts(cls):
    n = cls.shape[0]
    chunk = n // NW
    f = pl.kernel(
        _sc_counts_body,
        out_type=jax.ShapeDtypeStruct((NW, L), jnp.int32),
        mesh=_sc_mesh(),
        scratch_types=[
            pltpu.VMEM((chunk,), jnp.int32),
            pltpu.VMEM((L,), jnp.int32),
        ],
        compiler_params=_SC_PARAMS,
    )
    return f(cls)



def _sc_route_body(cls_hbm, counts_hbm, feats_hbm, xsorted_hbm, dest_hbm,
                   cls_v, cnts_v, dest_v, rows_v, csem, ksem, sem):
    wid = _wid()
    chunk = cls_hbm.shape[0] // NW
    half = chunk // 2
    t0 = wid * chunk
    cp_cls = pltpu.async_copy(cls_hbm.at[pl.ds(t0, chunk)], cls_v, csem)
    cp_cnt = pltpu.async_copy(counts_hbm, cnts_v, ksem)
    cp_cnt.wait()
    total = jnp.zeros((L,), jnp.int32)
    pref = jnp.zeros((L,), jnp.int32)
    for w2 in range(NW):
        row = cnts_v[w2]
        total = total + row
        pref = pref + jnp.where(w2 < wid, row, 0)
    bvec = plsc.cumsum(total) - total + pref
    cursor = [bvec[k] for k in range(K)]
    cp_cls.wait()
    for v in range(chunk // L):
        c = cls_v[pl.ds(v * L, L)]
        dvec = jnp.zeros((L,), jnp.int32)
        for k in range(K):
            eq = c == k
            cs = plsc.cumsum(eq.astype(jnp.int32))
            dvec = jnp.where(eq, cursor[k] + cs - 1, dvec)
            cursor[k] = cursor[k] + cs[L - 1]
        dest_v[v * L // half, pl.ds((v * L) % half, L)] = dvec
    pltpu.sync_copy(dest_v, dest_hbm.at[wid])
    for h in range(2):
        pltpu.sync_copy(feats_hbm.at[pl.ds(t0 + h * half, half)], rows_v)
        pltpu.async_copy(rows_v, xsorted_hbm.at[dest_v.at[h]], sem).wait()


def _sc_route(cls, counts_all, feats):
    n = cls.shape[0]
    chunk = n // NW
    half = chunk // 2
    f = pl.kernel(
        _sc_route_body,
        out_type=(
            jax.ShapeDtypeStruct((n, D), jnp.float32),
            jax.ShapeDtypeStruct((NW, 2, half), jnp.int32),
        ),
        mesh=_sc_mesh(),
        scratch_types=[
            pltpu.VMEM((chunk,), jnp.int32),
            pltpu.VMEM((NW, L), jnp.int32),
            pltpu.VMEM((2, half), jnp.int32),
            pltpu.VMEM((half, D), jnp.float32),
        ] + [pltpu.SemaphoreType.DMA] * 3,
        compiler_params=_SC_PARAMS,
    )
    return f(cls, counts_all, feats)



def _sc_unsort_body(ysorted_hbm, dest_hbm, y_hbm, dest_v, rows_v, sem):
    wid = _wid()
    half = dest_hbm.shape[2]
    chunk = 2 * half
    t0 = wid * chunk
    pltpu.sync_copy(dest_hbm.at[wid], dest_v)
    for h in range(2):
        pltpu.async_copy(ysorted_hbm.at[dest_v.at[h]], rows_v, sem).wait()
        pltpu.sync_copy(rows_v, y_hbm.at[pl.ds(t0 + h * half, half)])


def _sc_unsort(ysorted, dest):
    n = ysorted.shape[0]
    half = dest.shape[2]
    f = pl.kernel(
        _sc_unsort_body,
        out_type=jax.ShapeDtypeStruct((n, D), jnp.float32),
        mesh=_sc_mesh(),
        scratch_types=[
            pltpu.VMEM((2, half), jnp.int32),
            pltpu.VMEM((half, D), jnp.float32),
            pltpu.SemaphoreType.DMA,
        ],
        compiler_params=_SC_PARAMS,
    )
    return f(ysorted, dest)



def _pair_info(cnt_ref, g, nb):
    acc = jnp.int32(0)
    end = jnp.int32(0)
    bid = jnp.int32(nb - 1)
    cid = jnp.int32(0)
    row_s = jnp.int32(0)
    row_e = jnp.int32(0)
    for k in range(K):
        c = cnt_ref[k]
        s_k = end
        end = end + c
        fb = s_k // BLK
        lb = (end - 1) // BLK
        nbk = jnp.where(c > 0, lb - fb + 1, 0)
        hit = (g >= acc) & (g < acc + nbk)
        bid = jnp.where(hit, fb + (g - acc), bid)
        cid = jnp.where(hit, k, cid)
        row_s = jnp.where(hit, s_k, row_s)
        row_e = jnp.where(hit, end, row_e)
        acc = acc + nbk
    return bid, cid, row_s, row_e


def _gmm_body(bid_ref, cid_ref, gs_ref, ge_ref, x_ref, w_ref, b_ref, o_ref):
    g = pl.program_id(0)
    bid = bid_ref[g]
    start = gs_ref[g]
    end = ge_ref[g]
    rows = bid * BLK + lax.broadcasted_iota(jnp.int32, (BLK, 1), 0)
    m = (rows >= start) & (rows < end)
    xm = jnp.where(m, x_ref[...], 0.0).astype(jnp.bfloat16)
    y = lax.dot_general(xm, w_ref[0].astype(jnp.bfloat16),
                        (((1,), (1,)), ((), ())),
                        preferred_element_type=jnp.float32)
    y = y + jnp.where(m, b_ref[0], 0.0)
    prev = bid_ref[jnp.maximum(g - 1, 0)]
    first = (g == 0) | (bid != prev)

    @pl.when(first)
    def _():
        o_ref[...] = y

    @pl.when(jnp.logical_not(first))
    def _():
        o_ref[...] = o_ref[...] + y


def _pair_metadata(counts, nb):
    g_total = nb + K - 1
    ends = jnp.cumsum(counts)
    starts = ends - counts
    nonempty = counts > 0
    fb = starts // BLK
    lb = jnp.where(nonempty, (ends - 1) // BLK, 0)
    nbk = jnp.where(nonempty, lb - fb + 1, 0)
    pair_cls = jnp.repeat(jnp.arange(K, dtype=jnp.int32), nbk,
                          total_repeat_length=g_total)
    first_pair = jnp.cumsum(nbk) - nbk
    g_idx = jnp.arange(g_total, dtype=jnp.int32)
    valid = g_idx < jnp.sum(nbk)
    pair_blk = fb[pair_cls] + g_idx - first_pair[pair_cls]
    pair_blk = jnp.where(valid, pair_blk, nb - 1)
    gs = jnp.where(valid, starts[pair_cls], 0)
    ge = jnp.where(valid, ends[pair_cls], 0)
    return (pair_blk.astype(jnp.int32), pair_cls.astype(jnp.int32),
            gs.astype(jnp.int32), ge.astype(jnp.int32))


def _grouped_matmul(x_sorted, Ws, bs, counts, interpret=False):
    n = x_sorted.shape[0]
    nb = n // BLK
    g_total = nb + K - 1
    pair_blk, pair_cls, gs, ge = _pair_metadata(counts[:K], nb)
    grid_spec = pltpu.PrefetchScalarGridSpec(
        num_scalar_prefetch=4,
        grid=(g_total,),
        in_specs=[
            pl.BlockSpec((BLK, D), lambda g, bid, cid, s, e: (bid[g], 0)),
            pl.BlockSpec((1, D, D), lambda g, bid, cid, s, e: (cid[g], 0, 0)),
            pl.BlockSpec((1, 1, D), lambda g, bid, cid, s, e: (cid[g], 0, 0)),
        ],
        out_specs=pl.BlockSpec((BLK, D), lambda g, bid, cid, s, e: (bid[g], 0)),
    )
    return pl.pallas_call(
        _gmm_body,
        grid_spec=grid_spec,
        out_shape=jax.ShapeDtypeStruct((n, D), jnp.float32),
        compiler_params=pltpu.CompilerParams(
            dimension_semantics=("arbitrary",)),
        interpret=interpret,
    )(pair_blk, pair_cls, gs, ge, x_sorted, Ws, bs.reshape(K, 1, D))


def kernel(x, Ws, bs):
    cls = x[:, 0].astype(jnp.int32)
    feats = x[:, 1:]
    counts_all = _sc_counts(cls)
    x_sorted, dest = _sc_route(cls, counts_all, feats)
    counts = jnp.sum(counts_all, axis=0)
    y_sorted = _grouped_matmul(x_sorted, Ws, bs, counts)
    return _sc_unsort(y_sorted, dest)

# --- scband reference (transcript-rebuilt; emitter-appended) ---
"""Pipeline reference for scband-lin-conditioner-t-79697413144876 (READ-ONLY COPY).

The authoritative reference and input builder live on the scoring server;
editing this copy changes nothing except your own understanding.
"""

import jax, jax.numpy as jnp
import numpy as np

CLASSES = 8
D = 1024
N = 4096

def setup_inputs(seed: int = 0) -> dict:
    key = jax.random.key(seed)
    k1, k2, k3, k4 = jax.random.split(key, 4)
    # column 0: class variable in {0..CLASSES-1}; columns 1..D: features
    cls = jax.random.randint(k1, (N, 1), 0, CLASSES).astype(jnp.float32)
    feats = jax.random.normal(k2, (N, D), dtype=jnp.float32)
    x = jnp.concatenate([cls, feats], axis=1)
    # per-class Linear params, torch convention: weight [out, in], y = inp @ W.T + b
    Ws = jax.random.normal(k3, (CLASSES, D, D), dtype=jnp.float32) * (1.0 / np.sqrt(D))
    bs = jax.random.normal(k4, (CLASSES, D), dtype=jnp.float32) * (1.0 / np.sqrt(D))
    return {"x": x, "Ws": Ws, "bs": bs}

def reference(x, Ws, bs):
    # class-conditional linear: y[n] = stack[class(n)](x[n, 1:])
    cls_idx = jax.lax.stop_gradient(x[:, 0]).astype(jnp.int32)
    inputs = x[:, 1:]
    # compute every expert's output for every token (dense-MoE form), then
    # select the row matching the token's class via one-hot. Math-equivalent
    # to the torch loop of masked per-class Linear writes into a zeros buffer.
    y_all = jnp.einsum('nd,kfd->nkf', inputs, Ws) + bs[None, :, :]
    onehot = jax.nn.one_hot(cls_idx, CLASSES, dtype=inputs.dtype)
    y = jnp.einsum('nk,nkf->nf', onehot, y_all)
    return y

if __name__ == "__main__":
    import jax
    _d = setup_inputs()
    print(jax.jit(kernel)(*tuple(_d.values())))

</pallas_src>

<mosaic_0001>
#map = affine_map<(d0, d1) -> (0)>
#map1 = affine_map<(d0, d1) -> (0, 0)>
module attributes {stable_mosaic.version = 14 : i64} {
  func.func @_sc_counts_body(%arg0: i32, %arg1: i32, %arg2: memref<4096xi32, #tpu.memory_space<hbm>>, %arg3: memref<32x16xi32, #tpu.memory_space<hbm>>, %arg4: memref<128xi32, #tpu.memory_space<vmem>>, %arg5: memref<16xi32, #tpu.memory_space<vmem>>) attributes {dimension_semantics = [#tpu.dimension_semantics<core_parallel>, #tpu.dimension_semantics<subcore_parallel>], iteration_bounds = array<i64: 2, 16>, scalar_prefetch = 0 : i64, scratch_operands = 2 : i64, tpu.core_type = #tpu.core_type<sc_vector_subcore>, window_params = [{transform_indices = #map}, {transform_indices = #map1}]} {
    %mul3A = arith.constant 2 : i32
    %mul3A_0 = arith.muli %arg1, %mul3A : i32
    %add3A = arith.addi %mul3A_0, %arg0 : i32
    %mul3A_1 = arith.constant 128 : i32
    %mul3A_2 = arith.muli %add3A, %mul3A_1 : i32
    "tpu.region"() ({
      %run_scoped3A = tpu.sem_alloc : memref<!tpu.dma_semaphore, #tpu.memory_space<semaphore_mem>>
      %dma_start3A = tpu.memref_slice %arg2[%mul3A_2] : memref<4096xi32, #tpu.memory_space<hbm>> -> memref<128xi32, #tpu.memory_space<hbm>>
      %dma_start3A_1039 = tpu.memref_slice %arg2[%mul3A_2] : memref<4096xi32, #tpu.memory_space<hbm>> -> memref<128xi32, #tpu.memory_space<hbm>>
      tpu.enqueue_dma source(%dma_start3A_1039 : memref<128xi32, #tpu.memory_space<hbm>>) target(%arg4 : memref<128xi32, #tpu.memory_space<vmem>>) target_semaphore(%run_scoped3A : memref<!tpu.dma_semaphore, #tpu.memory_space<semaphore_mem>>)
      %dma_wait3A = tpu.memref_slice %arg2[%mul3A_2] : memref<4096xi32, #tpu.memory_space<hbm>> -> memref<128xi32, #tpu.memory_space<hbm>>
      %dma_wait3A_1040 = tpu.memref_slice %arg2[%mul3A_2] : memref<4096xi32, #tpu.memory_space<hbm>> -> memref<128xi32, #tpu.memory_space<hbm>>
      tpu.wait_dma2 semaphore(%run_scoped3A : memref<!tpu.dma_semaphore, #tpu.memory_space<semaphore_mem>>) src(%dma_wait3A_1040 : memref<128xi32, #tpu.memory_space<hbm>>) dst(%arg4 : memref<128xi32, #tpu.memory_space<vmem>>)
      tpu.yield
    }) : () -> ()
    %iota3A = tpu.iota {dimensions = array<i32: 0>} : vector<16xi32>
    %broadcast_in_dim3A = arith.constant 0 : i32
    %broadcast_in_dim3A_3 = vector.broadcast %broadcast_in_dim3A : i32 to vector<16xi32>
    %get3A = arith.constant 0 : index
    %get3A_4 = tpu.vector_load %arg4[%get3A] {strides = array<i32>} : memref<128xi32, #tpu.memory_space<vmem>>, vector<16xi32>,
    %eq3A = arith.constant 0 : i32
    %eq3A_5 = vector.broadcast %eq3A : i32 to vector<16xi32>
    %eq3A_6 = arith.cmpi eq, %get3A_4, %eq3A_5 : vector<16xi32>
    %convert_element_type3A = arith.extui %eq3A_6 : vector<16xi1> to vector<16xi32>
    %reduce_sum3A = arith.constant true
    %reduce_sum3A_7 = vector.broadcast %reduce_sum3A : i1 to vector<16xi1>
    %reduce_sum3A_8 = tpu.scan <sum>, %convert_element_type3A masked %reduce_sum3A_7 : vector<16xi32>, vector<16xi1> -> vector<16xi32>
    %reduce_sum3A_9 = vector.extract %reduce_sum3A_8[15] : i32 from vector<16xi32>
    %eq3A_10 = arith.constant 0 : i32
    %eq3A_11 = vector.broadcast %eq3A_10 : i32 to vector<16xi32>
    %eq3A_12 = arith.cmpi eq, %iota3A, %eq3A_11 : vector<16xi32>
    %jit3A = arith.constant 0 : i32
    %broadcast_in_dim3A_13 = vector.broadcast %reduce_sum3A_9 : i32 to vector<16xi32>
    %broadcast_in_dim3A_14 = vector.broadcast %jit3A : i32 to vector<16xi32>
    %select_n3A = arith.select %eq3A_12, %broadcast_in_dim3A_13, %broadcast_in_dim3A_14 : vector<16xi1>, vector<16xi32>
    %add3A_15 = arith.addi %broadcast_in_dim3A_3, %select_n3A : vector<16xi32>
    %eq3A_16 = arith.constant 1 : i32
    %eq3A_17 = vector.broadcast %eq3A_16 : i32 to vector<16xi32>
    %eq3A_18 = arith.cmpi eq, %get3A_4, %eq3A_17 : vector<16xi32>
    %convert_element_type3A_19 = arith.extui %eq3A_18 : vector<16xi1> to vector<16xi32>
    %reduce_sum3A_20 = arith.constant true
    %reduce_sum3A_21 = vector.broadcast %reduce_sum3A_20 : i1 to vector<16xi1>
    %reduce_sum3A_22 = tpu.scan <sum>, %convert_element_type3A_19 masked %reduce_sum3A_21 : vector<16xi32>, vector<16xi1> -> vector<16xi32>
    %reduce_sum3A_23 = vector.extract %reduce_sum3A_22[15] : i32 from vector<16xi32>
    %eq3A_24 = arith.constant 1 : i32
    %eq3A_25 = vector.broadcast %eq3A_24 : i32 to vector<16xi32>
    %eq3A_26 = arith.cmpi eq, %iota3A, %eq3A_25 : vector<16xi32>
    %jit3A_27 = arith.constant 0 : i32
    %broadcast_in_dim3A_28 = vector.broadcast %reduce_sum3A_23 : i32 to vector<16xi32>
    %broadcast_in_dim3A_29 = vector.broadcast %jit3A_27 : i32 to vector<16xi32>
    %select_n3A_30 = arith.select %eq3A_26, %broadcast_in_dim3A_28, %broadcast_in_dim3A_29 : vector<16xi1>, vector<16xi32>
    %add3A_31 = arith.addi %add3A_15, %select_n3A_30 : vector<16xi32>
    %eq3A_32 = arith.constant 2 : i32
    %eq3A_33 = vector.broadcast %eq3A_32 : i32 to vector<16xi32>
    %eq3A_34 = arith.cmpi eq, %get3A_4, %eq3A_33 : vector<16xi32>
    %convert_element_type3A_35 = arith.extui %eq3A_34 : vector<16xi1> to vector<16xi32>
    %reduce_sum3A_36 = arith.constant true
    %reduce_sum3A_37 = vector.broadcast %reduce_sum3A_36 : i1 to vector<16xi1>
    %reduce_sum3A_38 = tpu.scan <sum>, %convert_element_type3A_35 masked %reduce_sum3A_37 : vector<16xi32>, vector<16xi1> -> vector<16xi32>
    %reduce_sum3A_39 = vector.extract %reduce_sum3A_38[15] : i32 from vector<16xi32>
    %eq3A_40 = arith.constant 2 : i32
    %eq3A_41 = vector.broadcast %eq3A_40 : i32 to vector<16xi32>
    %eq3A_42 = arith.cmpi eq, %iota3A, %eq3A_41 : vector<16xi32>
    %jit3A_43 = arith.constant 0 : i32
    %broadcast_in_dim3A_44 = vector.broadcast %reduce_sum3A_39 : i32 to vector<16xi32>
    %broadcast_in_dim3A_45 = vector.broadcast %jit3A_43 : i32 to vector<16xi32>
    %select_n3A_46 = arith.select %eq3A_42, %broadcast_in_dim3A_44, %broadcast_in_dim3A_45 : vector<16xi1>, vector<16xi32>
    %add3A_47 = arith.addi %add3A_31, %select_n3A_46 : vector<16xi32>
    %eq3A_48 = arith.constant 3 : i32
    %eq3A_49 = vector.broadcast %eq3A_48 : i32 to vector<16xi32>
    %eq3A_50 = arith.cmpi eq, %get3A_4, %eq3A_49 : vector<16xi32>
    %convert_element_type3A_51 = arith.extui %eq3A_50 : vector<16xi1> to vector<16xi32>
    %reduce_sum3A_52 = arith.constant true
    %reduce_sum3A_53 = vector.broadcast %reduce_sum3A_52 : i1 to vector<16xi1>
    %reduce_sum3A_54 = tpu.scan <sum>, %convert_element_type3A_51 masked %reduce_sum3A_53 : vector<16xi32>, vector<16xi1> -> vector<16xi32>
    %reduce_sum3A_55 = vector.extract %reduce_sum3A_54[15] : i32 from vector<16xi32>
    %eq3A_56 = arith.constant 3 : i32
    %eq3A_57 = vector.broadcast %eq3A_56 : i32 to vector<16xi32>
    %eq3A_58 = arith.cmpi eq, %iota3A, %eq3A_57 : vector<16xi32>
    %jit3A_59 = arith.constant 0 : i32
    %broadcast_in_dim3A_60 = vector.broadcast %reduce_sum3A_55 : i32 to vector<16xi32>
    %broadcast_in_dim3A_61 = vector.broadcast %jit3A_59 : i32 to vector<16xi32>
    %select_n3A_62 = arith.select %eq3A_58, %broadcast_in_dim3A_60, %broadcast_in_dim3A_61 : vector<16xi1>, vector<16xi32>
    %add3A_63 = arith.addi %add3A_47, %select_n3A_62 : vector<16xi32>
    %eq3A_64 = arith.constant 4 : i32
    %eq3A_65 = vector.broadcast %eq3A_64 : i32 to vector<16xi32>
    %eq3A_66 = arith.cmpi eq, %get3A_4, %eq3A_65 : vector<16xi32>
    %convert_element_type3A_67 = arith.extui %eq3A_66 : vector<16xi1> to vector<16xi32>
    %reduce_sum3A_68 = arith.constant true
    %reduce_sum3A_69 = vector.broadcast %reduce_sum3A_68 : i1 to vector<16xi1>
    %reduce_sum3A_70 = tpu.scan <sum>, %convert_element_type3A_67 masked %reduce_sum3A_69 : vector<16xi32>, vector<16xi1> -> vector<16xi32>
    %reduce_sum3A_71 = vector.extract %reduce_sum3A_70[15] : i32 from vector<16xi32>
    %eq3A_72 = arith.constant 4 : i32
    %eq3A_73 = vector.broadcast %eq3A_72 : i32 to vector<16xi32>
    %eq3A_74 = arith.cmpi eq, %iota3A, %eq3A_73 : vector<16xi32>
    %jit3A_75 = arith.constant 0 : i32
    %broadcast_in_dim3A_76 = vector.broadcast %reduce_sum3A_71 : i32 to vector<16xi32>
    %broadcast_in_dim3A_77 = vector.broadcast %jit3A_75 : i32 to vector<16xi32>
    %select_n3A_78 = arith.select %eq3A_74, %broadcast_in_dim3A_76, %broadcast_in_dim3A_77 : vector<16xi1>, vector<16xi32>
    %add3A_79 = arith.addi %add3A_63, %select_n3A_78 : vector<16xi32>
    %eq3A_80 = arith.constant 5 : i32
    %eq3A_81 = vector.broadcast %eq3A_80 : i32 to vector<16xi32>
    %eq3A_82 = arith.cmpi eq, %get3A_4, %eq3A_81 : vector<16xi32>
    %convert_element_type3A_83 = arith.extui %eq3A_82 : vector<16xi1> to vector<16xi32>
    %reduce_sum3A_84 = arith.constant true
    %reduce_sum3A_85 = vector.broadcast %reduce_sum3A_84 : i1 to vector<16xi1>
    %reduce_sum3A_86 = tpu.scan <sum>, %convert_element_type3A_83 masked %reduce_sum3A_85 : vector<16xi32>, vector<16xi1> -> vector<16xi32>
    %reduce_sum3A_87 = vector.extract %reduce_sum3A_86[15] : i32 from vector<16xi32>
    %eq3A_88 = arith.constant 5 : i32
    %eq3A_89 = vector.broadcast %eq3A_88 : i32 to vector<16xi32>
    %eq3A_90 = arith.cmpi eq, %iota3A, %eq3A_89 : vector<16xi32>
    %jit3A_91 = arith.constant 0 : i32
    %broadcast_in_dim3A_92 = vector.broadcast %reduce_sum3A_87 : i32 to vector<16xi32>
    %broadcast_in_dim3A_93 = vector.broadcast %jit3A_91 : i32 to vector<16xi32>
    %select_n3A_94 = arith.select %eq3A_90, %broadcast_in_dim3A_92, %broadcast_in_dim3A_93 : vector<16xi1>, vector<16xi32>
    %add3A_95 = arith.addi %add3A_79, %select_n3A_94 : vector<16xi32>
    %eq3A_96 = arith.constant 6 : i32
    %eq3A_97 = vector.broadcast %eq3A_96 : i32 to vector<16xi32>
    %eq3A_98 = arith.cmpi eq, %get3A_4, %eq3A_97 : vector<16xi32>
    %convert_element_type3A_99 = arith.extui %eq3A_98 : vector<16xi1> to vector<16xi32>
    %reduce_sum3A_100 = arith.constant true
    %reduce_sum3A_101 = vector.broadcast %reduce_sum3A_100 : i1 to vector<16xi1>
    %reduce_sum3A_102 = tpu.scan <sum>, %convert_element_type3A_99 masked %reduce_sum3A_101 : vector<16xi32>, vector<16xi1> -> vector<16xi32>
    %reduce_sum3A_103 = vector.extract %reduce_sum3A_102[15] : i32 from vector<16xi32>
    %eq3A_104 = arith.constant 6 : i32
    %eq3A_105 = vector.broadcast %eq3A_104 : i32 to vector<16xi32>
    %eq3A_106 = arith.cmpi eq, %iota3A, %eq3A_105 : vector<16xi32>
    %jit3A_107 = arith.constant 0 : i32
    %broadcast_in_dim3A_108 = vector.broadcast %reduce_sum3A_103 : i32 to vector<16xi32>
    %broadcast_in_dim3A_109 = vector.broadcast %jit3A_107 : i32 to vector<16xi32>
    %select_n3A_110 = arith.select %eq3A_106, %broadcast_in_dim3A_108, %broadcast_in_dim3A_109 : vector<16xi1>, vector<16xi32>
    %add3A_111 = arith.addi %add3A_95, %select_n3A_110 : vector<16xi32>
    %eq3A_112 = arith.constant 7 : i32
    %eq3A_113 = vector.broadcast %eq3A_112 : i32 to vector<16xi32>
    %eq3A_114 = arith.cmpi eq, %get3A_4, %eq3A_113 : vector<16xi32>
    %convert_element_type3A_115 = arith.extui %eq3A_114 : vector<16xi1> to vector<16xi32>
    %reduce_sum3A_116 = arith.constant true
    %reduce_sum3A_117 = vector.broadcast %reduce_sum3A_116 : i1 to vector<16xi1>
    %reduce_sum3A_118 = tpu.scan <sum>, %convert_element_type3A_115 masked %reduce_sum3A_117 : vector<16xi32>, vector<16xi1> -> vector<16xi32>
    %reduce_sum3A_119 = vector.extract %reduce_sum3A_118[15] : i32 from vector<16xi32>
    %eq3A_120 = arith.constant 7 : i32
    %eq3A_121 = vector.broadcast %eq3A_120 : i32 to vector<16xi32>
    %eq3A_122 = arith.cmpi eq, %iota3A, %eq3A_121 : vector<16xi32>
    %jit3A_123 = arith.constant 0 : i32
    %broadcast_in_dim3A_124 = vector.broadcast %reduce_sum3A_119 : i32 to vector<16xi32>
    %broadcast_in_dim3A_125 = vector.broadcast %jit3A_123 : i32 to vector<16xi32>
    %select_n3A_126 = arith.select %eq3A_122, %broadcast_in_dim3A_124, %broadcast_in_dim3A_125 : vector<16xi1>, vector<16xi32>
    %add3A_127 = arith.addi %add3A_111, %select_n3A_126 : vector<16xi32>
    %get3A_128 = arith.constant 16 : index
    %get3A_129 = tpu.vector_load %arg4[%get3A_128] {strides = array<i32>} : memref<128xi32, #tpu.memory_space<vmem>>, vector<16xi32>,
    %eq3A_130 = arith.constant 0 : i32
    %eq3A_131 = vector.broadcast %eq3A_130 : i32 to vector<16xi32>
    %eq3A_132 = arith.cmpi eq, %get3A_129, %eq3A_131 : vector<16xi32>
    %convert_element_type3A_133 = arith.extui %eq3A_132 : vector<16xi1> to vector<16xi32>
    %reduce_sum3A_134 = arith.constant true
    %reduce_sum3A_135 = vector.broadcast %reduce_sum3A_134 : i1 to vector<16xi1>
    %reduce_sum3A_136 = tpu.scan <sum>, %convert_element_type3A_133 masked %reduce_sum3A_135 : vector<16xi32>, vector<16xi1> -> vector<16xi32>
    %reduce_sum3A_137 = vector.extract %reduce_sum3A_136[15] : i32 from vector<16xi32>
    %eq3A_138 = arith.constant 0 : i32
    %eq3A_139 = vector.broadcast %eq3A_138 : i32 to vector<16xi32>
    %eq3A_140 = arith.cmpi eq, %iota3A, %eq3A_139 : vector<16xi32>
    %jit3A_141 = arith.constant 0 : i32
    %broadcast_in_dim3A_142 = vector.broadcast %reduce_sum3A_137 : i32 to vector<16xi32>
    %broadcast_in_dim3A_143 = vector.broadcast %jit3A_141 : i32 to vector<16xi32>
    %select_n3A_144 = arith.select %eq3A_140, %broadcast_in_dim3A_142, %broadcast_in_dim3A_143 : vector<16xi1>, vector<16xi32>
    %add3A_145 = arith.addi %add3A_127, %select_n3A_144 : vector<16xi32>
    %eq3A_146 = arith.constant 1 : i32
    %eq3A_147 = vector.broadcast %eq3A_146 : i32 to vector<16xi32>
    %eq3A_148 = arith.cmpi eq, %get3A_129, %eq3A_147 : vector<16xi32>
    %convert_element_type3A_149 = arith.extui %eq3A_148 : vector<16xi1> to vector<16xi32>
    %reduce_sum3A_150 = arith.constant true
    %reduce_sum3A_151 = vector.broadcast %reduce_sum3A_150 : i1 to vector<16xi1>
    %reduce_sum3A_152 = tpu.scan <sum>, %convert_element_type3A_149 masked %reduce_sum3A_151 : vector<16xi32>, vector<16xi1> -> vector<16xi32>
    %reduce_sum3A_153 = vector.extract %reduce_sum3A_152[15] : i32 from vector<16xi32>
    %eq3A_154 = arith.constant 1 : i32
    %eq3A_155 = vector.broadcast %eq3A_154 : i32 to vector<16xi32>
    %eq3A_156 = arith.cmpi eq, %iota3A, %eq3A_155 : vector<16xi32>
    %jit3A_157 = arith.constant 0 : i32
    %broadcast_in_dim3A_158 = vector.broadcast %reduce_sum3A_153 : i32 to vector<16xi32>
    %broadcast_in_dim3A_159 = vector.broadcast %jit3A_157 : i32 to vector<16xi32>
    %select_n3A_160 = arith.select %eq3A_156, %broadcast_in_dim3A_158, %broadcast_in_dim3A_159 : vector<16xi1>, vector<16xi32>
    %add3A_161 = arith.addi %add3A_145, %select_n3A_160 : vector<16xi32>
    %eq3A_162 = arith.constant 2 : i32
    %eq3A_163 = vector.broadcast %eq3A_162 : i32 to vector<16xi32>
    %eq3A_164 = arith.cmpi eq, %get3A_129, %eq3A_163 : vector<16xi32>
    %convert_element_type3A_165 = arith.extui %eq3A_164 : vector<16xi1> to vector<16xi32>
    %reduce_sum3A_166 = arith.constant true
    %reduce_sum3A_167 = vector.broadcast %reduce_sum3A_166 : i1 to vector<16xi1>
    %reduce_sum3A_168 = tpu.scan <sum>, %convert_element_type3A_165 masked %reduce_sum3A_167 : vector<16xi32>, vector<16xi1> -> vector<16xi32>
    %reduce_sum3A_169 = vector.extract %reduce_sum3A_168[15] : i32 from vector<16xi32>
    %eq3A_170 = arith.constant 2 : i32
    %eq3A_171 = vector.broadcast %eq3A_170 : i32 to vector<16xi32>
    %eq3A_172 = arith.cmpi eq, %iota3A, %eq3A_171 : vector<16xi32>
    %jit3A_173 = arith.constant 0 : i32
    %broadcast_in_dim3A_174 = vector.broadcast %reduce_sum3A_169 : i32 to vector<16xi32>
    %broadcast_in_dim3A_175 = vector.broadcast %jit3A_173 : i32 to vector<16xi32>
    %select_n3A_176 = arith.select %eq3A_172, %broadcast_in_dim3A_174, %broadcast_in_dim3A_175 : vector<16xi1>, vector<16xi32>
    %add3A_177 = arith.addi %add3A_161, %select_n3A_176 : vector<16xi32>
    %eq3A_178 = arith.constant 3 : i32
    %eq3A_179 = vector.broadcast %eq3A_178 : i32 to vector<16xi32>
    %eq3A_180 = arith.cmpi eq, %get3A_129, %eq3A_179 : vector<16xi32>
    %convert_element_type3A_181 = arith.extui %eq3A_180 : vector<16xi1> to vector<16xi32>
    %reduce_sum3A_182 = arith.constant true
    %reduce_sum3A_183 = vector.broadcast %reduce_sum3A_182 : i1 to vector<16xi1>
    %reduce_sum3A_184 = tpu.scan <sum>, %convert_element_type3A_181 masked %reduce_sum3A_183 : vector<16xi32>, vector<16xi1> -> vector<16xi32>
    %reduce_sum3A_185 = vector.extract %reduce_sum3A_184[15] : i32 from vector<16xi32>
    %eq3A_186 = arith.constant 3 : i32
    %eq3A_187 = vector.broadcast %eq3A_186 : i32 to vector<16xi32>
    %eq3A_188 = arith.cmpi eq, %iota3A, %eq3A_187 : vector<16xi32>
    %jit3A_189 = arith.constant 0 : i32
    %broadcast_in_dim3A_190 = vector.broadcast %reduce_sum3A_185 : i32 to vector<16xi32>
    %broadcast_in_dim3A_191 = vector.broadcast %jit3A_189 : i32 to vector<16xi32>
    %select_n3A_192 = arith.select %eq3A_188, %broadcast_in_dim3A_190, %broadcast_in_dim3A_191 : vector<16xi1>, vector<16xi32>
    %add3A_193 = arith.addi %add3A_177, %select_n3A_192 : vector<16xi32>
    %eq3A_194 = arith.constant 4 : i32
    %eq3A_195 = vector.broadcast %eq3A_194 : i32 to vector<16xi32>
    %eq3A_196 = arith.cmpi eq, %get3A_129, %eq3A_195 : vector<16xi32>
    %convert_element_type3A_197 = arith.extui %eq3A_196 : vector<16xi1> to vector<16xi32>
    %reduce_sum3A_198 = arith.constant true
    %reduce_sum3A_199 = vector.broadcast %reduce_sum3A_198 : i1 to vector<16xi1>
    %reduce_sum3A_200 = tpu.scan <sum>, %convert_element_type3A_197 masked %reduce_sum3A_199 : vector<16xi32>, vector<16xi1> -> vector<16xi32>
    %reduce_sum3A_201 = vector.extract %reduce_sum3A_200[15] : i32 from vector<16xi32>
    %eq3A_202 = arith.constant 4 : i32
    %eq3A_203 = vector.broadcast %eq3A_202 : i32 to vector<16xi32>
    %eq3A_204 = arith.cmpi eq, %iota3A, %eq3A_203 : vector<16xi32>
    %jit3A_205 = arith.constant 0 : i32
    %broadcast_in_dim3A_206 = vector.broadcast %reduce_sum3A_201 : i32 to vector<16xi32>
    %broadcast_in_dim3A_207 = vector.broadcast %jit3A_205 : i32 to vector<16xi32>
    %select_n3A_208 = arith.select %eq3A_204, %broadcast_in_dim3A_206, %broadcast_in_dim3A_207 : vector<16xi1>, vector<16xi32>
    %add3A_209 = arith.addi %add3A_193, %select_n3A_208 : vector<16xi32>
    %eq3A_210 = arith.constant 5 : i32
    %eq3A_211 = vector.broadcast %eq3A_210 : i32 to vector<16xi32>
    %eq3A_212 = arith.cmpi eq, %get3A_129, %eq3A_211 : vector<16xi32>
    %convert_element_type3A_213 = arith.extui %eq3A_212 : vector<16xi1> to vector<16xi32>
    %reduce_sum3A_214 = arith.constant true
    %reduce_sum3A_215 = vector.broadcast %reduce_sum3A_214 : i1 to vector<16xi1>
    %reduce_sum3A_216 = tpu.scan <sum>, %convert_element_type3A_213 masked %reduce_sum3A_215 : vector<16xi32>, vector<16xi1> -> vector<16xi32>
    %reduce_sum3A_217 = vector.extract %reduce_sum3A_216[15] : i32 from vector<16xi32>
    %eq3A_218 = arith.constant 5 : i32
    %eq3A_219 = vector.broadcast %eq3A_218 : i32 to vector<16xi32>
    %eq3A_220 = arith.cmpi eq, %iota3A, %eq3A_219 : vector<16xi32>
    %jit3A_221 = arith.constant 0 : i32
    %broadcast_in_dim3A_222 = vector.broadcast %reduce_sum3A_217 : i32 to vector<16xi32>
    %broadcast_in_dim3A_223 = vector.broadcast %jit3A_221 : i32 to vector<16xi32>
    %select_n3A_224 = arith.select %eq3A_220, %broadcast_in_dim3A_222, %broadcast_in_dim3A_223 : vector<16xi1>, vector<16xi32>
    %add3A_225 = arith.addi %add3A_209, %select_n3A_224 : vector<16xi32>
    %eq3A_226 = arith.constant 6 : i32
    %eq3A_227 = vector.broadcast %eq3A_226 : i32 to vector<16xi32>
    %eq3A_228 = arith.cmpi eq, %get3A_129, %eq3A_227 : vector<16xi32>
    %convert_element_type3A_229 = arith.extui %eq3A_228 : vector<16xi1> to vector<16xi32>
    %reduce_sum3A_230 = arith.constant true
    %reduce_sum3A_231 = vector.broadcast %reduce_sum3A_230 : i1 to vector<16xi1>
    %reduce_sum3A_232 = tpu.scan <sum>, %convert_element_type3A_229 masked %reduce_sum3A_231 : vector<16xi32>, vector<16xi1> -> vector<16xi32>
    %reduce_sum3A_233 = vector.extract %reduce_sum3A_232[15] : i32 from vector<16xi32>
    %eq3A_234 = arith.constant 6 : i32
    %eq3A_235 = vector.broadcast %eq3A_234 : i32 to vector<16xi32>
    %eq3A_236 = arith.cmpi eq, %iota3A, %eq3A_235 : vector<16xi32>
    %jit3A_237 = arith.constant 0 : i32
    %broadcast_in_dim3A_238 = vector.broadcast %reduce_sum3A_233 : i32 to vector<16xi32>
    %broadcast_in_dim3A_239 = vector.broadcast %jit3A_237 : i32 to vector<16xi32>
    %select_n3A_240 = arith.select %eq3A_236, %broadcast_in_dim3A_238, %broadcast_in_dim3A_239 : vector<16xi1>, vector<16xi32>
    %add3A_241 = arith.addi %add3A_225, %select_n3A_240 : vector<16xi32>
    %eq3A_242 = arith.constant 7 : i32
    %eq3A_243 = vector.broadcast %eq3A_242 : i32 to vector<16xi32>
    %eq3A_244 = arith.cmpi eq, %get3A_129, %eq3A_243 : vector<16xi32>
    %convert_element_type3A_245 = arith.extui %eq3A_244 : vector<16xi1> to vector<16xi32>
    %reduce_sum3A_246 = arith.constant true
    %reduce_sum3A_247 = vector.broadcast %reduce_sum3A_246 : i1 to vector<16xi1>
    %reduce_sum3A_248 = tpu.scan <sum>, %convert_element_type3A_245 masked %reduce_sum3A_247 : vector<16xi32>, vector<16xi1> -> vector<16xi32>
    %reduce_sum3A_249 = vector.extract %reduce_sum3A_248[15] : i32 from vector<16xi32>
    %eq3A_250 = arith.constant 7 : i32
    %eq3A_251 = vector.broadcast %eq3A_250 : i32 to vector<16xi32>
    %eq3A_252 = arith.cmpi eq, %iota3A, %eq3A_251 : vector<16xi32>
    %jit3A_253 = arith.constant 0 : i32
    %broadcast_in_dim3A_254 = vector.broadcast %reduce_sum3A_249 : i32 to vector<16xi32>
    %broadcast_in_dim3A_255 = vector.broadcast %jit3A_253 : i32 to vector<16xi32>
    %select_n3A_256 = arith.select %eq3A_252, %broadcast_in_dim3A_254, %broadcast_in_dim3A_255 : vector<16xi1>, vector<16xi32>
    %add3A_257 = arith.addi %add3A_241, %select_n3A_256 : vector<16xi32>
    %get3A_258 = arith.constant 32 : index
    %get3A_259 = tpu.vector_load %arg4[%get3A_258] {strides = array<i32>} : memref<128xi32, #tpu.memory_space<vmem>>, vector<16xi32>,
    %eq3A_260 = arith.constant 0 : i32
    %eq3A_261 = vector.broadcast %eq3A_260 : i32 to vector<16xi32>
    %eq3A_262 = arith.cmpi eq, %get3A_259, %eq3A_261 : vector<16xi32>
    %convert_element_type3A_263 = arith.extui %eq3A_262 : vector<16xi1> to vector<16xi32>
    %reduce_sum3A_264 = arith.constant true
    %reduce_sum3A_265 = vector.broadcast %reduce_sum3A_264 : i1 to vector<16xi1>
    %reduce_sum3A_266 = tpu.scan <sum>, %convert_element_type3A_263 masked %reduce_sum3A_265 : vector<16xi32>, vector<16xi1> -> vector<16xi32>
    %reduce_sum3A_267 = vector.extract %reduce_sum3A_266[15] : i32 from vector<16xi32>
    %eq3A_268 = arith.constant 0 : i32
    %eq3A_269 = vector.broadcast %eq3A_268 : i32 to vector<16xi32>
    %eq3A_270 = arith.cmpi eq, %iota3A, %eq3A_269 : vector<16xi32>
    %jit3A_271 = arith.constant 0 : i32
    %broadcast_in_dim3A_272 = vector.broadcast %reduce_sum3A_267 : i32 to vector<16xi32>
    %broadcast_in_dim3A_273 = vector.broadcast %jit3A_271 : i32 to vector<16xi32>
    %select_n3A_274 = arith.select %eq3A_270, %broadcast_in_dim3A_272, %broadcast_in_dim3A_273 : vector<16xi1>, vector<16xi32>
    %add3A_275 = arith.addi %add3A_257, %select_n3A_274 : vector<16xi32>
    %eq3A_276 = arith.constant 1 : i32
    %eq3A_277 = vector.broadcast %eq3A_276 : i32 to vector<16xi32>
    %eq3A_278 = arith.cmpi eq, %get3A_259, %eq3A_277 : vector<16xi32>
    %convert_element_type3A_279 = arith.extui %eq3A_278 : vector<16xi1> to vector<16xi32>
    %reduce_sum3A_280 = arith.constant true
    %reduce_sum3A_281 = vector.broadcast %reduce_sum3A_280 : i1 to vector<16xi1>
    %reduce_sum3A_282 = tpu.scan <sum>, %convert_element_type3A_279 masked %reduce_sum3A_281 : vector<16xi32>, vector<16xi1> -> vector<16xi32>
    %reduce_sum3A_283 = vector.extract %reduce_sum3A_282[15] : i32 from vector<16xi32>
    %eq3A_284 = arith.constant 1 : i32
    %eq3A_285 = vector.broadcast %eq3A_284 : i32 to vector<16xi32>
    %eq3A_286 = arith.cmpi eq, %iota3A, %eq3A_285 : vector<16xi32>
    %jit3A_287 = arith.constant 0 : i32
    %broadcast_in_dim3A_288 = vector.broadcast %reduce_sum3A_283 : i32 to vector<16xi32>
    %broadcast_in_dim3A_289 = vector.broadcast %jit3A_287 : i32 to vector<16xi32>
    %select_n3A_290 = arith.select %eq3A_286, %broadcast_in_dim3A_288, %broadcast_in_dim3A_289 : vector<16xi1>, vector<16xi32>
    %add3A_291 = arith.addi %add3A_275, %select_n3A_290 : vector<16xi32>
    %eq3A_292 = arith.constant 2 : i32
    %eq3A_293 = vector.broadcast %eq3A_292 : i32 to vector<16xi32>
    %eq3A_294 = arith.cmpi eq, %get3A_259, %eq3A_293 : vector<16xi32>
    %convert_element_type3A_295 = arith.extui %eq3A_294 : vector<16xi1> to vector<16xi32>
    %reduce_sum3A_296 = arith.constant true
    %reduce_sum3A_297 = vector.broadcast %reduce_sum3A_296 : i1 to vector<16xi1>
    %reduce_sum3A_298 = tpu.scan <sum>, %convert_element_type3A_295 masked %reduce_sum3A_297 : vector<16xi32>, vector<16xi1> -> vector<16xi32>
    %reduce_sum3A_299 = vector.extract %reduce_sum3A_298[15] : i32 from vector<16xi32>
    %eq3A_300 = arith.constant 2 : i32
    %eq3A_301 = vector.broadcast %eq3A_300 : i32 to vector<16xi32>
    %eq3A_302 = arith.cmpi eq, %iota3A, %eq3A_301 : vector<16xi32>
    %jit3A_303 = arith.constant 0 : i32
    %broadcast_in_dim3A_304 = vector.broadcast %reduce_sum3A_299 : i32 to vector<16xi32>
    %broadcast_in_dim3A_305 = vector.broadcast %jit3A_303 : i32 to vector<16xi32>
    %select_n3A_306 = arith.select %eq3A_302, %broadcast_in_dim3A_304, %broadcast_in_dim3A_305 : vector<16xi1>, vector<16xi32>
    %add3A_307 = arith.addi %add3A_291, %select_n3A_306 : vector<16xi32>
    %eq3A_308 = arith.constant 3 : i32
    %eq3A_309 = vector.broadcast %eq3A_308 : i32 to vector<16xi32>
    %eq3A_310 = arith.cmpi eq, %get3A_259, %eq3A_309 : vector<16xi32>
    %convert_element_type3A_311 = arith.extui %eq3A_310 : vector<16xi1> to vector<16xi32>
    %reduce_sum3A_312 = arith.constant true
    %reduce_sum3A_313 = vector.broadcast %reduce_sum3A_312 : i1 to vector<16xi1>
    %reduce_sum3A_314 = tpu.scan <sum>, %convert_element_type3A_311 masked %reduce_sum3A_313 : vector<16xi32>, vector<16xi1> -> vector<16xi32>
    %reduce_sum3A_315 = vector.extract %reduce_sum3A_314[15] : i32 from vector<16xi32>
    %eq3A_316 = arith.constant 3 : i32
    %eq3A_317 = vector.broadcast %eq3A_316 : i32 to vector<16xi32>
    %eq3A_318 = arith.cmpi eq, %iota3A, %eq3A_317 : vector<16xi32>
    %jit3A_319 = arith.constant 0 : i32
    %broadcast_in_dim3A_320 = vector.broadcast %reduce_sum3A_315 : i32 to vector<16xi32>
    %broadcast_in_dim3A_321 = vector.broadcast %jit3A_319 : i32 to vector<16xi32>
    %select_n3A_322 = arith.select %eq3A_318, %broadcast_in_dim3A_320, %broadcast_in_dim3A_321 : vector<16xi1>, vector<16xi32>
    %add3A_323 = arith.addi %add3A_307, %select_n3A_322 : vector<16xi32>
    %eq3A_324 = arith.constant 4 : i32
    %eq3A_325 = vector.broadcast %eq3A_324 : i32 to vector<16xi32>
    %eq3A_326 = arith.cmpi eq, %get3A_259, %eq3A_325 : vector<16xi32>
    %convert_element_type3A_327 = arith.extui %eq3A_326 : vector<16xi1> to vector<16xi32>
    %reduce_sum3A_328 = arith.constant true
    %reduce_sum3A_329 = vector.broadcast %reduce_sum3A_328 : i1 to vector<16xi1>
    %reduce_sum3A_330 = tpu.scan <sum>, %convert_element_type3A_327 masked %reduce_sum3A_329 : vector<16xi32>, vector<16xi1> -> vector<16xi32>
    %reduce_sum3A_331 = vector.extract %reduce_sum3A_330[15] : i32 from vector<16xi32>
    %eq3A_332 = arith.constant 4 : i32
    %eq3A_333 = vector.broadcast %eq3A_332 : i32 to vector<16xi32>
    %eq3A_334 = arith.cmpi eq, %iota3A, %eq3A_333 : vector<16xi32>
    %jit3A_335 = arith.constant 0 : i32
    %broadcast_in_dim3A_336 = vector.broadcast %reduce_sum3A_331 : i32 to vector<16xi32>
    %broadcast_in_dim3A_337 = vector.broadcast %jit3A_335 : i32 to vector<16xi32>
    %select_n3A_338 = arith.select %eq3A_334, %broadcast_in_dim3A_336, %broadcast_in_dim3A_337 : vector<16xi1>, vector<16xi32>
    %add3A_339 = arith.addi %add3A_323, %select_n3A_338 : vector<16xi32>
    %eq3A_340 = arith.constant 5 : i32
    %eq3A_341 = vector.broadcast %eq3A_340 : i32 to vector<16xi32>
    %eq3A_342 = arith.cmpi eq, %get3A_259, %eq3A_341 : vector<16xi32>
    %convert_element_type3A_343 = arith.extui %eq3A_342 : vector<16xi1> to vector<16xi32>
    %reduce_sum3A_344 = arith.constant true
    %reduce_sum3A_345 = vector.broadcast %reduce_sum3A_344 : i1 to vector<16xi1>
    %reduce_sum3A_346 = tpu.scan <sum>, %convert_element_type3A_343 masked %reduce_sum3A_345 : vector<16xi32>, vector<16xi1> -> vector<16xi32>
    %reduce_sum3A_347 = vector.extract %reduce_sum3A_346[15] : i32 from vector<16xi32>
    %eq3A_348 = arith.constant 5 : i32
    %eq3A_349 = vector.broadcast %eq3A_348 : i32 to vector<16xi32>
    %eq3A_350 = arith.cmpi eq, %iota3A, %eq3A_349 : vector<16xi32>
    %jit3A_351 = arith.constant 0 : i32
    %broadcast_in_dim3A_352 = vector.broadcast %reduce_sum3A_347 : i32 to vector<16xi32>
    %broadcast_in_dim3A_353 = vector.broadcast %jit3A_351 : i32 to vector<16xi32>
    %select_n3A_354 = arith.select %eq3A_350, %broadcast_in_dim3A_352, %broadcast_in_dim3A_353 : vector<16xi1>, vector<16xi32>
    %add3A_355 = arith.addi %add3A_339, %select_n3A_354 : vector<16xi32>
    %eq3A_356 = arith.constant 6 : i32
    %eq3A_357 = vector.broadcast %eq3A_356 : i32 to vector<16xi32>
    %eq3A_358 = arith.cmpi eq, %get3A_259, %eq3A_357 : vector<16xi32>
    %convert_element_type3A_359 = arith.extui %eq3A_358 : vector<16xi1> to vector<16xi32>
    %reduce_sum3A_360 = arith.constant true
    %reduce_sum3A_361 = vector.broadcast %reduce_sum3A_360 : i1 to vector<16xi1>
    %reduce_sum3A_362 = tpu.scan <sum>, %convert_element_type3A_359 masked %reduce_sum3A_361 : vector<16xi32>, vector<16xi1> -> vector<16xi32>
    %reduce_sum3A_363 = vector.extract %reduce_sum3A_362[15] : i32 from vector<16xi32>
    %eq3A_364 = arith.constant 6 : i32
    %eq3A_365 = vector.broadcast %eq3A_364 : i32 to vector<16xi32>
    %eq3A_366 = arith.cmpi eq, %iota3A, %eq3A_365 : vector<16xi32>
    %jit3A_367 = arith.constant 0 : i32
    %broadcast_in_dim3A_368 = vector.broadcast %reduce_sum3A_363 : i32 to vector<16xi32>
    %broadcast_in_dim3A_369 = vector.broadcast %jit3A_367 : i32 to vector<16xi32>
    %select_n3A_370 = arith.select %eq3A_366, %broadcast_in_dim3A_368, %broadcast_in_dim3A_369 : vector<16xi1>, vector<16xi32>
    %add3A_371 = arith.addi %add3A_355, %select_n3A_370 : vector<16xi32>
    %eq3A_372 = arith.constant 7 : i32
    %eq3A_373 = vector.broadcast %eq3A_372 : i32 to vector<16xi32>
    %eq3A_374 = arith.cmpi eq, %get3A_259, %eq3A_373 : vector<16xi32>
    %convert_element_type3A_375 = arith.extui %eq3A_374 : vector<16xi1> to vector<16xi32>
    %reduce_sum3A_376 = arith.constant true
    %reduce_sum3A_377 = vector.broadcast %reduce_sum3A_376 : i1 to vector<16xi1>
    %reduce_sum3A_378 = tpu.scan <sum>, %convert_element_type3A_375 masked %reduce_sum3A_377 : vector<16xi32>, vector<16xi1> -> vector<16xi32>
    %reduce_sum3A_379 = vector.extract %reduce_sum3A_378[15] : i32 from vector<16xi32>
    %eq3A_380 = arith.constant 7 : i32
    %eq3A_381 = vector.broadcast %eq3A_380 : i32 to vector<16xi32>
    %eq3A_382 = arith.cmpi eq, %iota3A, %eq3A_381 : vector<16xi32>
    %jit3A_383 = arith.constant 0 : i32
    %broadcast_in_dim3A_384 = vector.broadcast %reduce_sum3A_379 : i32 to vector<16xi32>
    %broadcast_in_dim3A_385 = vector.broadcast %jit3A_383 : i32 to vector<16xi32>
    %select_n3A_386 = arith.select %eq3A_382, %broadcast_in_dim3A_384, %broadcast_in_dim3A_385 : vector<16xi1>, vector<16xi32>
    %add3A_387 = arith.addi %add3A_371, %select_n3A_386 : vector<16xi32>
    %get3A_388 = arith.constant 48 : index
    %get3A_389 = tpu.vector_load %arg4[%get3A_388] {strides = array<i32>} : memref<128xi32, #tpu.memory_space<vmem>>, vector<16xi32>,
    %eq3A_390 = arith.constant 0 : i32
    %eq3A_391 = vector.broadcast %eq3A_390 : i32 to vector<16xi32>
    %eq3A_392 = arith.cmpi eq, %get3A_389, %eq3A_391 : vector<16xi32>
    %convert_element_type3A_393 = arith.extui %eq3A_392 : vector<16xi1> to vector<16xi32>
    %reduce_sum3A_394 = arith.constant true
    %reduce_sum3A_395 = vector.broadcast %reduce_sum3A_394 : i1 to vector<16xi1>
    %reduce_sum3A_396 = tpu.scan <sum>, %convert_element_type3A_393 masked %reduce_sum3A_395 : vector<16xi32>, vector<16xi1> -> vector<16xi32>
    %reduce_sum3A_397 = vector.extract %reduce_sum3A_396[15] : i32 from vector<16xi32>
    %eq3A_398 = arith.constant 0 : i32
    %eq3A_399 = vector.broadcast %eq3A_398 : i32 to vector<16xi32>
    %eq3A_400 = arith.cmpi eq, %iota3A, %eq3A_399 : vector<16xi32>
    %jit3A_401 = arith.constant 0 : i32
    %broadcast_in_dim3A_402 = vector.broadcast %reduce_sum3A_397 : i32 to vector<16xi32>
    %broadcast_in_dim3A_403 = vector.broadcast %jit3A_401 : i32 to vector<16xi32>
    %select_n3A_404 = arith.select %eq3A_400, %broadcast_in_dim3A_402, %broadcast_in_dim3A_403 : vector<16xi1>, vector<16xi32>
    %add3A_405 = arith.addi %add3A_387, %select_n3A_404 : vector<16xi32>
    %eq3A_406 = arith.constant 1 : i32
    %eq3A_407 = vector.broadcast %eq3A_406 : i32 to vector<16xi32>
    %eq3A_408 = arith.cmpi eq, %get3A_389, %eq3A_407 : vector<16xi32>
    %convert_element_type3A_409 = arith.extui %eq3A_408 : vector<16xi1> to vector<16xi32>
    %reduce_sum3A_410 = arith.constant true
    %reduce_sum3A_411 = vector.broadcast %reduce_sum3A_410 : i1 to vector<16xi1>
    %reduce_sum3A_412 = tpu.scan <sum>, %convert_element_type3A_409 masked %reduce_sum3A_411 : vector<16xi32>, vector<16xi1> -> vector<16xi32>
    %reduce_sum3A_413 = vector.extract %reduce_sum3A_412[15] : i32 from vector<16xi32>
    %eq3A_414 = arith.constant 1 : i32
    %eq3A_415 = vector.broadcast %eq3A_414 : i32 to vector<16xi32>
    %eq3A_416 = arith.cmpi eq, %iota3A, %eq3A_415 : vector<16xi32>
    %jit3A_417 = arith.constant 0 : i32
    %broadcast_in_dim3A_418 = vector.broadcast %reduce_sum3A_413 : i32 to vector<16xi32>
    %broadcast_in_dim3A_419 = vector.broadcast %jit3A_417 : i32 to vector<16xi32>
    %select_n3A_420 = arith.select %eq3A_416, %broadcast_in_dim3A_418, %broadcast_in_dim3A_419 : vector<16xi1>, vector<16xi32>
    %add3A_421 = arith.addi %add3A_405, %select_n3A_420 : vector<16xi32>
    %eq3A_422 = arith.constant 2 : i32
    %eq3A_423 = vector.broadcast %eq3A_422 : i32 to vector<16xi32>
    %eq3A_424 = arith.cmpi eq, %get3A_389, %eq3A_423 : vector<16xi32>
    %convert_element_type3A_425 = arith.extui %eq3A_424 : vector<16xi1> to vector<16xi32>
    %reduce_sum3A_426 = arith.constant true
    %reduce_sum3A_427 = vector.broadcast %reduce_sum3A_426 : i1 to vector<16xi1>
    %reduce_sum3A_428 = tpu.scan <sum>, %convert_element_type3A_425 masked %reduce_sum3A_427 : vector<16xi32>, vector<16xi1> -> vector<16xi32>
    %reduce_sum3A_429 = vector.extract %reduce_sum3A_428[15] : i32 from vector<16xi32>
    %eq3A_430 = arith.constant 2 : i32
    %eq3A_431 = vector.broadcast %eq3A_430 : i32 to vector<16xi32>
    %eq3A_432 = arith.cmpi eq, %iota3A, %eq3A_431 : vector<16xi32>
    %jit3A_433 = arith.constant 0 : i32
    %broadcast_in_dim3A_434 = vector.broadcast %reduce_sum3A_429 : i32 to vector<16xi32>
    %broadcast_in_dim3A_435 = vector.broadcast %jit3A_433 : i32 to vector<16xi32>
    %select_n3A_436 = arith.select %eq3A_432, %broadcast_in_dim3A_434, %broadcast_in_dim3A_435 : vector<16xi1>, vector<16xi32>
    %add3A_437 = arith.addi %add3A_421, %select_n3A_436 : vector<16xi32>
    %eq3A_438 = arith.constant 3 : i32
    %eq3A_439 = vector.broadcast %eq3A_438 : i32 to vector<16xi32>
    %eq3A_440 = arith.cmpi eq, %get3A_389, %eq3A_439 : vector<16xi32>
    %convert_element_type3A_441 = arith.extui %eq3A_440 : vector<16xi1> to vector<16xi32>
    %reduce_sum3A_442 = arith.constant true
    %reduce_sum3A_443 = vector.broadcast %reduce_sum3A_442 : i1 to vector<16xi1>
    %reduce_sum3A_444 = tpu.scan <sum>, %convert_element_type3A_441 masked %reduce_sum3A_443 : vector<16xi32>, vector<16xi1> -> vector<16xi32>
    %reduce_sum3A_445 = vector.extract %reduce_sum3A_444[15] : i32 from vector<16xi32>
    %eq3A_446 = arith.constant 3 : i32
    %eq3A_447 = vector.broadcast %eq3A_446 : i32 to vector<16xi32>
    %eq3A_448 = arith.cmpi eq, %iota3A, %eq3A_447 : vector<16xi32>
    %jit3A_449 = arith.constant 0 : i32
    %broadcast_in_dim3A_450 = vector.broadcast %reduce_sum3A_445 : i32 to vector<16xi32>
    %broadcast_in_dim3A_451 = vector.broadcast %jit3A_449 : i32 to vector<16xi32>
    %select_n3A_452 = arith.select %eq3A_448, %broadcast_in_dim3A_450, %broadcast_in_dim3A_451 : vector<16xi1>, vector<16xi32>
    %add3A_453 = arith.addi %add3A_437, %select_n3A_452 : vector<16xi32>
    %eq3A_454 = arith.constant 4 : i32
    %eq3A_455 = vector.broadcast %eq3A_454 : i32 to vector<16xi32>
    %eq3A_456 = arith.cmpi eq, %get3A_389, %eq3A_455 : vector<16xi32>
    %convert_element_type3A_457 = arith.extui %eq3A_456 : vector<16xi1> to vector<16xi32>
    %reduce_sum3A_458 = arith.constant true
    %reduce_sum3A_459 = vector.broadcast %reduce_sum3A_458 : i1 to vector<16xi1>
    %reduce_sum3A_460 = tpu.scan <sum>, %convert_element_type3A_457 masked %reduce_sum3A_459 : vector<16xi32>, vector<16xi1> -> vector<16xi32>
    %reduce_sum3A_461 = vector.extract %reduce_sum3A_460[15] : i32 from vector<16xi32>
    %eq3A_462 = arith.constant 4 : i32
    %eq3A_463 = vector.broadcast %eq3A_462 : i32 to vector<16xi32>
    %eq3A_464 = arith.cmpi eq, %iota3A, %eq3A_463 : vector<16xi32>
    %jit3A_465 = arith.constant 0 : i32
    %broadcast_in_dim3A_466 = vector.broadcast %reduce_sum3A_461 : i32 to vector<16xi32>
    %broadcast_in_dim3A_467 = vector.broadcast %jit3A_465 : i32 to vector<16xi32>
    %select_n3A_468 = arith.select %eq3A_464, %broadcast_in_dim3A_466, %broadcast_in_dim3A_467 : vector<16xi1>, vector<16xi32>
    %add3A_469 = arith.addi %add3A_453, %select_n3A_468 : vector<16xi32>
    %eq3A_470 = arith.constant 5 : i32
    %eq3A_471 = vector.broadcast %eq3A_470 : i32 to vector<16xi32>
    %eq3A_472 = arith.cmpi eq, %get3A_389, %eq3A_471 : vector<16xi32>
    %convert_element_type3A_473 = arith.extui %eq3A_472 : vector<16xi1> to vector<16xi32>
    %reduce_sum3A_474 = arith.constant true
    %reduce_sum3A_475 = vector.broadcast %reduce_sum3A_474 : i1 to vector<16xi1>
    %reduce_sum3A_476 = tpu.scan <sum>, %convert_element_type3A_473 masked %reduce_sum3A_475 : vector<16xi32>, vector<16xi1> -> vector<16xi32>
    %reduce_sum3A_477 = vector.extract %reduce_sum3A_476[15] : i32 from vector<16xi32>
    %eq3A_478 = arith.constant 5 : i32
    %eq3A_479 = vector.broadcast %eq3A_478 : i32 to vector<16xi32>
    %eq3A_480 = arith.cmpi eq, %iota3A, %eq3A_479 : vector<16xi32>
    %jit3A_481 = arith.constant 0 : i32
    %broadcast_in_dim3A_482 = vector.broadcast %reduce_sum3A_477 : i32 to vector<16xi32>
    %broadcast_in_dim3A_483 = vector.broadcast %jit3A_481 : i32 to vector<16xi32>
    %select_n3A_484 = arith.select %eq3A_480, %broadcast_in_dim3A_482, %broadcast_in_dim3A_483 : vector<16xi1>, vector<16xi32>
    %add3A_485 = arith.addi %add3A_469, %select_n3A_484 : vector<16xi32>
    %eq3A_486 = arith.constant 6 : i32
    %eq3A_487 = vector.broadcast %eq3A_486 : i32 to vector<16xi32>
    %eq3A_488 = arith.cmpi eq, %get3A_389, %eq3A_487 : vector<16xi32>
    %convert_element_type3A_489 = arith.extui %eq3A_488 : vector<16xi1> to vector<16xi32>
    %reduce_sum3A_490 = arith.constant true
    %reduce_sum3A_491 = vector.broadcast %reduce_sum3A_490 : i1 to vector<16xi1>
    %reduce_sum3A_492 = tpu.scan <sum>, %convert_element_type3A_489 masked %reduce_sum3A_491 : vector<16xi32>, vector<16xi1> -> vector<16xi32>
    %reduce_sum3A_493 = vector.extract %reduce_sum3A_492[15] : i32 from vector<16xi32>
    %eq3A_494 = arith.constant 6 : i32
    %eq3A_495 = vector.broadcast %eq3A_494 : i32 to vector<16xi32>
    %eq3A_496 = arith.cmpi eq, %iota3A, %eq3A_495 : vector<16xi32>
    %jit3A_497 = arith.constant 0 : i32
    %broadcast_in_dim3A_498 = vector.broadcast %reduce_sum3A_493 : i32 to vector<16xi32>
    %broadcast_in_dim3A_499 = vector.broadcast %jit3A_497 : i32 to vector<16xi32>
    %select_n3A_500 = arith.select %eq3A_496, %broadcast_in_dim3A_498, %broadcast_in_dim3A_499 : vector<16xi1>, vector<16xi32>
    %add3A_501 = arith.addi %add3A_485, %select_n3A_500 : vector<16xi32>
    %eq3A_502 = arith.constant 7 : i32
    %eq3A_503 = vector.broadcast %eq3A_502 : i32 to vector<16xi32>
    %eq3A_504 = arith.cmpi eq, %get3A_389, %eq3A_503 : vector<16xi32>
    %convert_element_type3A_505 = arith.extui %eq3A_504 : vector<16xi1> to vector<16xi32>
    %reduce_sum3A_506 = arith.constant true
    %reduce_sum3A_507 = vector.broadcast %reduce_sum3A_506 : i1 to vector<16xi1>
    %reduce_sum3A_508 = tpu.scan <sum>, %convert_element_type3A_505 masked %reduce_sum3A_507 : vector<16xi32>, vector<16xi1> -> vector<16xi32>
    %reduce_sum3A_509 = vector.extract %reduce_sum3A_508[15] : i32 from vector<16xi32>
    %eq3A_510 = arith.constant 7 : i32
    %eq3A_511 = vector.broadcast %eq3A_510 : i32 to vector<16xi32>
    %eq3A_512 = arith.cmpi eq, %iota3A, %eq3A_511 : vector<16xi32>
    %jit3A_513 = arith.constant 0 : i32
    %broadcast_in_dim3A_514 = vector.broadcast %reduce_sum3A_509 : i32 to vector<16xi32>
    %broadcast_in_dim3A_515 = vector.broadcast %jit3A_513 : i32 to vector<16xi32>
    %select_n3A_516 = arith.select %eq3A_512, %broadcast_in_dim3A_514, %broadcast_in_dim3A_515 : vector<16xi1>, vector<16xi32>
    %add3A_517 = arith.addi %add3A_501, %select_n3A_516 : vector<16xi32>
    %get3A_518 = arith.constant 64 : index
    %get3A_519 = tpu.vector_load %arg4[%get3A_518] {strides = array<i32>} : memref<128xi32, #tpu.memory_space<vmem>>, vector<16xi32>,
    %eq3A_520 = arith.constant 0 : i32
    %eq3A_521 = vector.broadcast %eq3A_520 : i32 to vector<16xi32>
    %eq3A_522 = arith.cmpi eq, %get3A_519, %eq3A_521 : vector<16xi32>
    %convert_element_type3A_523 = arith.extui %eq3A_522 : vector<16xi1> to vector<16xi32>
    %reduce_sum3A_524 = arith.constant true
    %reduce_sum3A_525 = vector.broadcast %reduce_sum3A_524 : i1 to vector<16xi1>
    %reduce_sum3A_526 = tpu.scan <sum>, %convert_element_type3A_523 masked %reduce_sum3A_525 : vector<16xi32>, vector<16xi1> -> vector<16xi32>
    %reduce_sum3A_527 = vector.extract %reduce_sum3A_526[15] : i32 from vector<16xi32>
    %eq3A_528 = arith.constant 0 : i32
    %eq3A_529 = vector.broadcast %eq3A_528 : i32 to vector<16xi32>
    %eq3A_530 = arith.cmpi eq, %iota3A, %eq3A_529 : vector<16xi32>
    %jit3A_531 = arith.constant 0 : i32
    %broadcast_in_dim3A_532 = vector.broadcast %reduce_sum3A_527 : i32 to vector<16xi32>
    %broadcast_in_dim3A_533 = vector.broadcast %jit3A_531 : i32 to vector<16xi32>
    %select_n3A_534 = arith.select %eq3A_530, %broadcast_in_dim3A_532, %broadcast_in_dim3A_533 : vector<16xi1>, vector<16xi32>
    %add3A_535 = arith.addi %add3A_517, %select_n3A_534 : vector<16xi32>
    %eq3A_536 = arith.constant 1 : i32
    %eq3A_537 = vector.broadcast %eq3A_536 : i32 to vector<16xi32>
    %eq3A_538 = arith.cmpi eq, %get3A_519, %eq3A_537 : vector<16xi32>
    %convert_element_type3A_539 = arith.extui %eq3A_538 : vector<16xi1> to vector<16xi32>
    %reduce_sum3A_540 = arith.constant true
    %reduce_sum3A_541 = vector.broadcast %reduce_sum3A_540 : i1 to vector<16xi1>
    %reduce_sum3A_542 = tpu.scan <sum>, %convert_element_type3A_539 masked %reduce_sum3A_541 : vector<16xi32>, vector<16xi1> -> vector<16xi32>
    %reduce_sum3A_543 = vector.extract %reduce_sum3A_542[15] : i32 from vector<16xi32>
    %eq3A_544 = arith.constant 1 : i32
    %eq3A_545 = vector.broadcast %eq3A_544 : i32 to vector<16xi32>
    %eq3A_546 = arith.cmpi eq, %iota3A, %eq3A_545 : vector<16xi32>
    %jit3A_547 = arith.constant 0 : i32
    %broadcast_in_dim3A_548 = vector.broadcast %reduce_sum3A_543 : i32 to vector<16xi32>
    %broadcast_in_dim3A_549 = vector.broadcast %jit3A_547 : i32 to vector<16xi32>
    %select_n3A_550 = arith.select %eq3A_546, %broadcast_in_dim3A_548, %broadcast_in_dim3A_549 : vector<16xi1>, vector<16xi32>
    %add3A_551 = arith.addi %add3A_535, %select_n3A_550 : vector<16xi32>
    %eq3A_552 = arith.constant 2 : i32
    %eq3A_553 = vector.broadcast %eq3A_552 : i32 to vector<16xi32>
    %eq3A_554 = arith.cmpi eq, %get3A_519, %eq3A_553 : vector<16xi32>
    %convert_element_type3A_555 = arith.extui %eq3A_554 : vector<16xi1> to vector<16xi32>
    %reduce_sum3A_556 = arith.constant true
    %reduce_sum3A_557 = vector.broadcast %reduce_sum3A_556 : i1 to vector<16xi1>
    %reduce_sum3A_558 = tpu.scan <sum>, %convert_element_type3A_555 masked %reduce_sum3A_557 : vector<16xi32>, vector<16xi1> -> vector<16xi32>
    %reduce_sum3A_559 = vector.extract %reduce_sum3A_558[15] : i32 from vector<16xi32>
    %eq3A_560 = arith.constant 2 : i32
    %eq3A_561 = vector.broadcast %eq3A_560 : i32 to vector<16xi32>
    %eq3A_562 = arith.cmpi eq, %iota3A, %eq3A_561 : vector<16xi32>
    %jit3A_563 = arith.constant 0 : i32
    %broadcast_in_dim3A_564 = vector.broadcast %reduce_sum3A_559 : i32 to vector<16xi32>
    %broadcast_in_dim3A_565 = vector.broadcast %jit3A_563 : i32 to vector<16xi32>
    %select_n3A_566 = arith.select %eq3A_562, %broadcast_in_dim3A_564, %broadcast_in_dim3A_565 : vector<16xi1>, vector<16xi32>
    %add3A_567 = arith.addi %add3A_551, %select_n3A_566 : vector<16xi32>
    %eq3A_568 = arith.constant 3 : i32
    %eq3A_569 = vector.broadcast %eq3A_568 : i32 to vector<16xi32>
    %eq3A_570 = arith.cmpi eq, %get3A_519, %eq3A_569 : vector<16xi32>
    %convert_element_type3A_571 = arith.extui %eq3A_570 : vector<16xi1> to vector<16xi32>
    %reduce_sum3A_572 = arith.constant true
    %reduce_sum3A_573 = vector.broadcast %reduce_sum3A_572 : i1 to vector<16xi1>
    %reduce_sum3A_574 = tpu.scan <sum>, %convert_element_type3A_571 masked %reduce_sum3A_573 : vector<16xi32>, vector<16xi1> -> vector<16xi32>
    %reduce_sum3A_575 = vector.extract %reduce_sum3A_574[15] : i32 from vector<16xi32>
    %eq3A_576 = arith.constant 3 : i32
    %eq3A_577 = vector.broadcast %eq3A_576 : i32 to vector<16xi32>
    %eq3A_578 = arith.cmpi eq, %iota3A, %eq3A_577 : vector<16xi32>
    %jit3A_579 = arith.constant 0 : i32
    %broadcast_in_dim3A_580 = vector.broadcast %reduce_sum3A_575 : i32 to vector<16xi32>
    %broadcast_in_dim3A_581 = vector.broadcast %jit3A_579 : i32 to vector<16xi32>
    %select_n3A_582 = arith.select %eq3A_578, %broadcast_in_dim3A_580, %broadcast_in_dim3A_581 : vector<16xi1>, vector<16xi32>
    %add3A_583 = arith.addi %add3A_567, %select_n3A_582 : vector<16xi32>
    %eq3A_584 = arith.constant 4 : i32
    %eq3A_585 = vector.broadcast %eq3A_584 : i32 to vector<16xi32>
    %eq3A_586 = arith.cmpi eq, %get3A_519, %eq3A_585 : vector<16xi32>
    %convert_element_type3A_587 = arith.extui %eq3A_586 : vector<16xi1> to vector<16xi32>
    %reduce_sum3A_588 = arith.constant true
    %reduce_sum3A_589 = vector.broadcast %reduce_sum3A_588 : i1 to vector<16xi1>
    %reduce_sum3A_590 = tpu.scan <sum>, %convert_element_type3A_587 masked %reduce_sum3A_589 : vector<16xi32>, vector<16xi1> -> vector<16xi32>
    %reduce_sum3A_591 = vector.extract %reduce_sum3A_590[15] : i32 from vector<16xi32>
    %eq3A_592 = arith.constant 4 : i32
    %eq3A_593 = vector.broadcast %eq3A_592 : i32 to vector<16xi32>
    %eq3A_594 = arith.cmpi eq, %iota3A, %eq3A_593 : vector<16xi32>
    %jit3A_595 = arith.constant 0 : i32
    %broadcast_in_dim3A_596 = vector.broadcast %reduce_sum3A_591 : i32 to vector<16xi32>
    %broadcast_in_dim3A_597 = vector.broadcast %jit3A_595 : i32 to vector<16xi32>
    %select_n3A_598 = arith.select %eq3A_594, %broadcast_in_dim3A_596, %broadcast_in_dim3A_597 : vector<16xi1>, vector<16xi32>
    %add3A_599 = arith.addi %add3A_583, %select_n3A_598 : vector<16xi32>
    %eq3A_600 = arith.constant 5 : i32
    %eq3A_601 = vector.broadcast %eq3A_600 : i32 to vector<16xi32>
    %eq3A_602 = arith.cmpi eq, %get3A_519, %eq3A_601 : vector<16xi32>
    %convert_element_type3A_603 = arith.extui %eq3A_602 : vector<16xi1> to vector<16xi32>
    %reduce_sum3A_604 = arith.constant true
    %reduce_sum3A_605 = vector.broadcast %reduce_sum3A_604 : i1 to vector<16xi1>
    %reduce_sum3A_606 = tpu.scan <sum>, %convert_element_type3A_603 masked %reduce_sum3A_605 : vector<16xi32>, vector<16xi1> -> vector<16xi32>
    %reduce_sum3A_607 = vector.extract %reduce_sum3A_606[15] : i32 from vector<16xi32>
    %eq3A_608 = arith.constant 5 : i32
    %eq3A_609 = vector.broadcast %eq3A_608 : i32 to vector<16xi32>
    %eq3A_610 = arith.cmpi eq, %iota3A, %eq3A_609 : vector<16xi32>
    %jit3A_611 = arith.constant 0 : i32
    %broadcast_in_dim3A_612 = vector.broadcast %reduce_sum3A_607 : i32 to vector<16xi32>
    %broadcast_in_dim3A_613 = vector.broadcast %jit3A_611 : i32 to vector<16xi32>
    %select_n3A_614 = arith.select %eq3A_610, %broadcast_in_dim3A_612, %broadcast_in_dim3A_613 : vector<16xi1>, vector<16xi32>
    %add3A_615 = arith.addi %add3A_599, %select_n3A_614 : vector<16xi32>
    %eq3A_616 = arith.constant 6 : i32
    %eq3A_617 = vector.broadcast %eq3A_616 : i32 to vector<16xi32>
    %eq3A_618 = arith.cmpi eq, %get3A_519, %eq3A_617 : vector<16xi32>
    %convert_element_type3A_619 = arith.extui %eq3A_618 : vector<16xi1> to vector<16xi32>
    %reduce_sum3A_620 = arith.constant true
    %reduce_sum3A_621 = vector.broadcast %reduce_sum3A_620 : i1 to vector<16xi1>
    %reduce_sum3A_622 = tpu.scan <sum>, %convert_element_type3A_619 masked %reduce_sum3A_621 : vector<16xi32>, vector<16xi1> -> vector<16xi32>
    %reduce_sum3A_623 = vector.extract %reduce_sum3A_622[15] : i32 from vector<16xi32>
    %eq3A_624 = arith.constant 6 : i32
    %eq3A_625 = vector.broadcast %eq3A_624 : i32 to vector<16xi32>
    %eq3A_626 = arith.cmpi eq, %iota3A, %eq3A_625 : vector<16xi32>
    %jit3A_627 = arith.constant 0 : i32
    %broadcast_in_dim3A_628 = vector.broadcast %reduce_sum3A_623 : i32 to vector<16xi32>
    %broadcast_in_dim3A_629 = vector.broadcast %jit3A_627 : i32 to vector<16xi32>
    %select_n3A_630 = arith.select %eq3A_626, %broadcast_in_dim3A_628, %broadcast_in_dim3A_629 : vector<16xi1>, vector<16xi32>
    %add3A_631 = arith.addi %add3A_615, %select_n3A_630 : vector<16xi32>
    %eq3A_632 = arith.constant 7 : i32
    %eq3A_633 = vector.broadcast %eq3A_632 : i32 to vector<16xi32>
    %eq3A_634 = arith.cmpi eq, %get3A_519, %eq3A_633 : vector<16xi32>
    %convert_element_type3A_635 = arith.extui %eq3A_634 : vector<16xi1> to vector<16xi32>
    %reduce_sum3A_636 = arith.constant true
    %reduce_sum3A_637 = vector.broadcast %reduce_sum3A_636 : i1 to vector<16xi1>
    %reduce_sum3A_638 = tpu.scan <sum>, %convert_element_type3A_635 masked %reduce_sum3A_637 : vector<16xi32>, vector<16xi1> -> vector<16xi32>
    %reduce_sum3A_639 = vector.extract %reduce_sum3A_638[15] : i32 from vector<16xi32>
    %eq3A_640 = arith.constant 7 : i32
    %eq3A_641 = vector.broadcast %eq3A_640 : i32 to vector<16xi32>
    %eq3A_642 = arith.cmpi eq, %iota3A, %eq3A_641 : vector<16xi32>
    %jit3A_643 = arith.constant 0 : i32
    %broadcast_in_dim3A_644 = vector.broadcast %reduce_sum3A_639 : i32 to vector<16xi32>
    %broadcast_in_dim3A_645 = vector.broadcast %jit3A_643 : i32 to vector<16xi32>
    %select_n3A_646 = arith.select %eq3A_642, %broadcast_in_dim3A_644, %broadcast_in_dim3A_645 : vector<16xi1>, vector<16xi32>
    %add3A_647 = arith.addi %add3A_631, %select_n3A_646 : vector<16xi32>
    %get3A_648 = arith.constant 80 : index
    %get3A_649 = tpu.vector_load %arg4[%get3A_648] {strides = array<i32>} : memref<128xi32, #tpu.memory_space<vmem>>, vector<16xi32>,
    %eq3A_650 = arith.constant 0 : i32
    %eq3A_651 = vector.broadcast %eq3A_650 : i32 to vector<16xi32>
    %eq3A_652 = arith.cmpi eq, %get3A_649, %eq3A_651 : vector<16xi32>
    %convert_element_type3A_653 = arith.extui %eq3A_652 : vector<16xi1> to vector<16xi32>
    %reduce_sum3A_654 = arith.constant true
    %reduce_sum3A_655 = vector.broadcast %reduce_sum3A_654 : i1 to vector<16xi1>
    %reduce_sum3A_656 = tpu.scan <sum>, %convert_element_type3A_653 masked %reduce_sum3A_655 : vector<16xi32>, vector<16xi1> -> vector<16xi32>
    %reduce_sum3A_657 = vector.extract %reduce_sum3A_656[15] : i32 from vector<16xi32>
    %eq3A_658 = arith.constant 0 : i32
    %eq3A_659 = vector.broadcast %eq3A_658 : i32 to vector<16xi32>
    %eq3A_660 = arith.cmpi eq, %iota3A, %eq3A_659 : vector<16xi32>
    %jit3A_661 = arith.constant 0 : i32
    %broadcast_in_dim3A_662 = vector.broadcast %reduce_sum3A_657 : i32 to vector<16xi32>
    %broadcast_in_dim3A_663 = vector.broadcast %jit3A_661 : i32 to vector<16xi32>
    %select_n3A_664 = arith.select %eq3A_660, %broadcast_in_dim3A_662, %broadcast_in_dim3A_663 : vector<16xi1>, vector<16xi32>
    %add3A_665 = arith.addi %add3A_647, %select_n3A_664 : vector<16xi32>
    %eq3A_666 = arith.constant 1 : i32
    %eq3A_667 = vector.broadcast %eq3A_666 : i32 to vector<16xi32>
    %eq3A_668 = arith.cmpi eq, %get3A_649, %eq3A_667 : vector<16xi32>
    %convert_element_type3A_669 = arith.extui %eq3A_668 : vector<16xi1> to vector<16xi32>
    %reduce_sum3A_670 = arith.constant true
    %reduce_sum3A_671 = vector.broadcast %reduce_sum3A_670 : i1 to vector<16xi1>
    %reduce_sum3A_672 = tpu.scan <sum>, %convert_element_type3A_669 masked %reduce_sum3A_671 : vector<16xi32>, vector<16xi1> -> vector<16xi32>
    %reduce_sum3A_673 = vector.extract %reduce_sum3A_672[15] : i32 from vector<16xi32>
    %eq3A_674 = arith.constant 1 : i32
    %eq3A_675 = vector.broadcast %eq3A_674 : i32 to vector<16xi32>
    %eq3A_676 = arith.cmpi eq, %iota3A, %eq3A_675 : vector<16xi32>
    %jit3A_677 = arith.constant 0 : i32
    %broadcast_in_dim3A_678 = vector.broadcast %reduce_sum3A_673 : i32 to vector<16xi32>
    %broadcast_in_dim3A_679 = vector.broadcast %jit3A_677 : i32 to vector<16xi32>
    %select_n3A_680 = arith.select %eq3A_676, %broadcast_in_dim3A_678, %broadcast_in_dim3A_679 : vector<16xi1>, vector<16xi32>
    %add3A_681 = arith.addi %add3A_665, %select_n3A_680 : vector<16xi32>
    %eq3A_682 = arith.constant 2 : i32
    %eq3A_683 = vector.broadcast %eq3A_682 : i32 to vector<16xi32>
    %eq3A_684 = arith.cmpi eq, %get3A_649, %eq3A_683 : vector<16xi32>
    %convert_element_type3A_685 = arith.extui %eq3A_684 : vector<16xi1> to vector<16xi32>
    %reduce_sum3A_686 = arith.constant true
    %reduce_sum3A_687 = vector.broadcast %reduce_sum3A_686 : i1 to vector<16xi1>
    %reduce_sum3A_688 = tpu.scan <sum>, %convert_element_type3A_685 masked %reduce_sum3A_687 : vector<16xi32>, vector<16xi1> -> vector<16xi32>
    %reduce_sum3A_689 = vector.extract %reduce_sum3A_688[15] : i32 from vector<16xi32>
    %eq3A_690 = arith.constant 2 : i32
    %eq3A_691 = vector.broadcast %eq3A_690 : i32 to vector<16xi32>
    %eq3A_692 = arith.cmpi eq, %iota3A, %eq3A_691 : vector<16xi32>
    %jit3A_693 = arith.constant 0 : i32
    %broadcast_in_dim3A_694 = vector.broadcast %reduce_sum3A_689 : i32 to vector<16xi32>
    %broadcast_in_dim3A_695 = vector.broadcast %jit3A_693 : i32 to vector<16xi32>
    %select_n3A_696 = arith.select %eq3A_692, %broadcast_in_dim3A_694, %broadcast_in_dim3A_695 : vector<16xi1>, vector<16xi32>
    %add3A_697 = arith.addi %add3A_681, %select_n3A_696 : vector<16xi32>
    %eq3A_698 = arith.constant 3 : i32
    %eq3A_699 = vector.broadcast %eq3A_698 : i32 to vector<16xi32>
    %eq3A_700 = arith.cmpi eq, %get3A_649, %eq3A_699 : vector<16xi32>
    %convert_element_type3A_701 = arith.extui %eq3A_700 : vector<16xi1> to vector<16xi32>
    %reduce_sum3A_702 = arith.constant true
    %reduce_sum3A_703 = vector.broadcast %reduce_sum3A_702 : i1 to vector<16xi1>
    %reduce_sum3A_704 = tpu.scan <sum>, %convert_element_type3A_701 masked %reduce_sum3A_703 : vector<16xi32>, vector<16xi1> -> vector<16xi32>
    %reduce_sum3A_705 = vector.extract %reduce_sum3A_704[15] : i32 from vector<16xi32>
    %eq3A_706 = arith.constant 3 : i32
    %eq3A_707 = vector.broadcast %eq3A_706 : i32 to vector<16xi32>
    %eq3A_708 = arith.cmpi eq, %iota3A, %eq3A_707 : vector<16xi32>
    %jit3A_709 = arith.constant 0 : i32
    %broadcast_in_dim3A_710 = vector.broadcast %reduce_sum3A_705 : i32 to vector<16xi32>
    %broadcast_in_dim3A_711 = vector.broadcast %jit3A_709 : i32 to vector<16xi32>
    %select_n3A_712 = arith.select %eq3A_708, %broadcast_in_dim3A_710, %broadcast_in_dim3A_711 : vector<16xi1>, vector<16xi32>
    %add3A_713 = arith.addi %add3A_697, %select_n3A_712 : vector<16xi32>
    %eq3A_714 = arith.constant 4 : i32
    %eq3A_715 = vector.broadcast %eq3A_714 : i32 to vector<16xi32>
    %eq3A_716 = arith.cmpi eq, %get3A_649, %eq3A_715 : vector<16xi32>
    %convert_element_type3A_717 = arith.extui %eq3A_716 : vector<16xi1> to vector<16xi32>
    %reduce_sum3A_718 = arith.constant true
    %reduce_sum3A_719 = vector.broadcast %reduce_sum3A_718 : i1 to vector<16xi1>
    %reduce_sum3A_720 = tpu.scan <sum>, %convert_element_type3A_717 masked %reduce_sum3A_719 : vector<16xi32>, vector<16xi1> -> vector<16xi32>
    %reduce_sum3A_721 = vector.extract %reduce_sum3A_720[15] : i32 from vector<16xi32>
    %eq3A_722 = arith.constant 4 : i32
    %eq3A_723 = vector.broadcast %eq3A_722 : i32 to vector<16xi32>
    %eq3A_724 = arith.cmpi eq, %iota3A, %eq3A_723 : vector<16xi32>
    %jit3A_725 = arith.constant 0 : i32
    %broadcast_in_dim3A_726 = vector.broadcast %reduce_sum3A_721 : i32 to vector<16xi32>
    %broadcast_in_dim3A_727 = vector.broadcast %jit3A_725 : i32 to vector<16xi32>
    %select_n3A_728 = arith.select %eq3A_724, %broadcast_in_dim3A_726, %broadcast_in_dim3A_727 : vector<16xi1>, vector<16xi32>
    %add3A_729 = arith.addi %add3A_713, %select_n3A_728 : vector<16xi32>
    %eq3A_730 = arith.constant 5 : i32
    %eq3A_731 = vector.broadcast %eq3A_730 : i32 to vector<16xi32>
    %eq3A_732 = arith.cmpi eq, %get3A_649, %eq3A_731 : vector<16xi32>
    %convert_element_type3A_733 = arith.extui %eq3A_732 : vector<16xi1> to vector<16xi32>
    %reduce_sum3A_734 = arith.constant true
    %reduce_sum3A_735 = vector.broadcast %reduce_sum3A_734 : i1 to vector<16xi1>
    %reduce_sum3A_736 = tpu.scan <sum>, %convert_element_type3A_733 masked %reduce_sum3A_735 : vector<16xi32>, vector<16xi1> -> vector<16xi32>
    %reduce_sum3A_737 = vector.extract %reduce_sum3A_736[15] : i32 from vector<16xi32>
    %eq3A_738 = arith.constant 5 : i32
    %eq3A_739 = vector.broadcast %eq3A_738 : i32 to vector<16xi32>
    %eq3A_740 = arith.cmpi eq, %iota3A, %eq3A_739 : vector<16xi32>
    %jit3A_741 = arith.constant 0 : i32
    %broadcast_in_dim3A_742 = vector.broadcast %reduce_sum3A_737 : i32 to vector<16xi32>
    %broadcast_in_dim3A_743 = vector.broadcast %jit3A_741 : i32 to vector<16xi32>
    %select_n3A_744 = arith.select %eq3A_740, %broadcast_in_dim3A_742, %broadcast_in_dim3A_743 : vector<16xi1>, vector<16xi32>
    %add3A_745 = arith.addi %add3A_729, %select_n3A_744 : vector<16xi32>
    %eq3A_746 = arith.constant 6 : i32
    %eq3A_747 = vector.broadcast %eq3A_746 : i32 to vector<16xi32>
    %eq3A_748 = arith.cmpi eq, %get3A_649, %eq3A_747 : vector<16xi32>
    %convert_element_type3A_749 = arith.extui %eq3A_748 : vector<16xi1> to vector<16xi32>
    %reduce_sum3A_750 = arith.constant true
    %reduce_sum3A_751 = vector.broadcast %reduce_sum3A_750 : i1 to vector<16xi1>
    %reduce_sum3A_752 = tpu.scan <sum>, %convert_element_type3A_749 masked %reduce_sum3A_751 : vector<16xi32>, vector<16xi1> -> vector<16xi32>
    %reduce_sum3A_753 = vector.extract %reduce_sum3A_752[15] : i32 from vector<16xi32>
    %eq3A_754 = arith.constant 6 : i32
    %eq3A_755 = vector.broadcast %eq3A_754 : i32 to vector<16xi32>
    %eq3A_756 = arith.cmpi eq, %iota3A, %eq3A_755 : vector<16xi32>
    %jit3A_757 = arith.constant 0 : i32
    %broadcast_in_dim3A_758 = vector.broadcast %reduce_sum3A_753 : i32 to vector<16xi32>
    %broadcast_in_dim3A_759 = vector.broadcast %jit3A_757 : i32 to vector<16xi32>
    %select_n3A_760 = arith.select %eq3A_756, %broadcast_in_dim3A_758, %broadcast_in_dim3A_759 : vector<16xi1>, vector<16xi32>
    %add3A_761 = arith.addi %add3A_745, %select_n3A_760 : vector<16xi32>
    %eq3A_762 = arith.constant 7 : i32
    %eq3A_763 = vector.broadcast %eq3A_762 : i32 to vector<16xi32>
    %eq3A_764 = arith.cmpi eq, %get3A_649, %eq3A_763 : vector<16xi32>
    %convert_element_type3A_765 = arith.extui %eq3A_764 : vector<16xi1> to vector<16xi32>
    %reduce_sum3A_766 = arith.constant true
    %reduce_sum3A_767 = vector.broadcast %reduce_sum3A_766 : i1 to vector<16xi1>
    %reduce_sum3A_768 = tpu.scan <sum>, %convert_element_type3A_765 masked %reduce_sum3A_767 : vector<16xi32>, vector<16xi1> -> vector<16xi32>
    %reduce_sum3A_769 = vector.extract %reduce_sum3A_768[15] : i32 from vector<16xi32>
    %eq3A_770 = arith.constant 7 : i32
    %eq3A_771 = vector.broadcast %eq3A_770 : i32 to vector<16xi32>
    %eq3A_772 = arith.cmpi eq, %iota3A, %eq3A_771 : vector<16xi32>
    %jit3A_773 = arith.constant 0 : i32
    %broadcast_in_dim3A_774 = vector.broadcast %reduce_sum3A_769 : i32 to vector<16xi32>
    %broadcast_in_dim3A_775 = vector.broadcast %jit3A_773 : i32 to vector<16xi32>
    %select_n3A_776 = arith.select %eq3A_772, %broadcast_in_dim3A_774, %broadcast_in_dim3A_775 : vector<16xi1>, vector<16xi32>
    %add3A_777 = arith.addi %add3A_761, %select_n3A_776 : vector<16xi32>
    %get3A_778 = arith.constant 96 : index
    %get3A_779 = tpu.vector_load %arg4[%get3A_778] {strides = array<i32>} : memref<128xi32, #tpu.memory_space<vmem>>, vector<16xi32>,
    %eq3A_780 = arith.constant 0 : i32
    %eq3A_781 = vector.broadcast %eq3A_780 : i32 to vector<16xi32>
    %eq3A_782 = arith.cmpi eq, %get3A_779, %eq3A_781 : vector<16xi32>
    %convert_element_type3A_783 = arith.extui %eq3A_782 : vector<16xi1> to vector<16xi32>
    %reduce_sum3A_784 = arith.constant true
    %reduce_sum3A_785 = vector.broadcast %reduce_sum3A_784 : i1 to vector<16xi1>
    %reduce_sum3A_786 = tpu.scan <sum>, %convert_element_type3A_783 masked %reduce_sum3A_785 : vector<16xi32>, vector<16xi1> -> vector<16xi32>
    %reduce_sum3A_787 = vector.extract %reduce_sum3A_786[15] : i32 from vector<16xi32>
    %eq3A_788 = arith.constant 0 : i32
    %eq3A_789 = vector.broadcast %eq3A_788 : i32 to vector<16xi32>
    %eq3A_790 = arith.cmpi eq, %iota3A, %eq3A_789 : vector<16xi32>
    %jit3A_791 = arith.constant 0 : i32
    %broadcast_in_dim3A_792 = vector.broadcast %reduce_sum3A_787 : i32 to vector<16xi32>
    %broadcast_in_dim3A_793 = vector.broadcast %jit3A_791 : i32 to vector<16xi32>
    %select_n3A_794 = arith.select %eq3A_790, %broadcast_in_dim3A_792, %broadcast_in_dim3A_793 : vector<16xi1>, vector<16xi32>
    %add3A_795 = arith.addi %add3A_777, %select_n3A_794 : vector<16xi32>
    %eq3A_796 = arith.constant 1 : i32
    %eq3A_797 = vector.broadcast %eq3A_796 : i32 to vector<16xi32>
    %eq3A_798 = arith.cmpi eq, %get3A_779, %eq3A_797 : vector<16xi32>
    %convert_element_type3A_799 = arith.extui %eq3A_798 : vector<16xi1> to vector<16xi32>
    %reduce_sum3A_800 = arith.constant true
    %reduce_sum3A_801 = vector.broadcast %reduce_sum3A_800 : i1 to vector<16xi1>
    %reduce_sum3A_802 = tpu.scan <sum>, %convert_element_type3A_799 masked %reduce_sum3A_801 : vector<16xi32>, vector<16xi1> -> vector<16xi32>
    %reduce_sum3A_803 = vector.extract %reduce_sum3A_802[15] : i32 from vector<16xi32>
    %eq3A_804 = arith.constant 1 : i32
    %eq3A_805 = vector.broadcast %eq3A_804 : i32 to vector<16xi32>
    %eq3A_806 = arith.cmpi eq, %iota3A, %eq3A_805 : vector<16xi32>
    %jit3A_807 = arith.constant 0 : i32
    %broadcast_in_dim3A_808 = vector.broadcast %reduce_sum3A_803 : i32 to vector<16xi32>
    %broadcast_in_dim3A_809 = vector.broadcast %jit3A_807 : i32 to vector<16xi32>
    %select_n3A_810 = arith.select %eq3A_806, %broadcast_in_dim3A_808, %broadcast_in_dim3A_809 : vector<16xi1>, vector<16xi32>
    %add3A_811 = arith.addi %add3A_795, %select_n3A_810 : vector<16xi32>
    %eq3A_812 = arith.constant 2 : i32
    %eq3A_813 = vector.broadcast %eq3A_812 : i32 to vector<16xi32>
    %eq3A_814 = arith.cmpi eq, %get3A_779, %eq3A_813 : vector<16xi32>
    %convert_element_type3A_815 = arith.extui %eq3A_814 : vector<16xi1> to vector<16xi32>
    %reduce_sum3A_816 = arith.constant true
    %reduce_sum3A_817 = vector.broadcast %reduce_sum3A_816 : i1 to vector<16xi1>
    %reduce_sum3A_818 = tpu.scan <sum>, %convert_element_type3A_815 masked %reduce_sum3A_817 : vector<16xi32>, vector<16xi1> -> vector<16xi32>
    %reduce_sum3A_819 = vector.extract %reduce_sum3A_818[15] : i32 from vector<16xi32>
    %eq3A_820 = arith.constant 2 : i32
    %eq3A_821 = vector.broadcast %eq3A_820 : i32 to vector<16xi32>
    %eq3A_822 = arith.cmpi eq, %iota3A, %eq3A_821 : vector<16xi32>
    %jit3A_823 = arith.constant 0 : i32
    %broadcast_in_dim3A_824 = vector.broadcast %reduce_sum3A_819 : i32 to vector<16xi32>
    %broadcast_in_dim3A_825 = vector.broadcast %jit3A_823 : i32 to vector<16xi32>
    %select_n3A_826 = arith.select %eq3A_822, %broadcast_in_dim3A_824, %broadcast_in_dim3A_825 : vector<16xi1>, vector<16xi32>
    %add3A_827 = arith.addi %add3A_811, %select_n3A_826 : vector<16xi32>
    %eq3A_828 = arith.constant 3 : i32
    %eq3A_829 = vector.broadcast %eq3A_828 : i32 to vector<16xi32>
    %eq3A_830 = arith.cmpi eq, %get3A_779, %eq3A_829 : vector<16xi32>
    %convert_element_type3A_831 = arith.extui %eq3A_830 : vector<16xi1> to vector<16xi32>
    %reduce_sum3A_832 = arith.constant true
    %reduce_sum3A_833 = vector.broadcast %reduce_sum3A_832 : i1 to vector<16xi1>
    %reduce_sum3A_834 = tpu.scan <sum>, %convert_element_type3A_831 masked %reduce_sum3A_833 : vector<16xi32>, vector<16xi1> -> vector<16xi32>
    %reduce_sum3A_835 = vector.extract %reduce_sum3A_834[15] : i32 from vector<16xi32>
    %eq3A_836 = arith.constant 3 : i32
    %eq3A_837 = vector.broadcast %eq3A_836 : i32 to vector<16xi32>
    %eq3A_838 = arith.cmpi eq, %iota3A, %eq3A_837 : vector<16xi32>
    %jit3A_839 = arith.constant 0 : i32
    %broadcast_in_dim3A_840 = vector.broadcast %reduce_sum3A_835 : i32 to vector<16xi32>
    %broadcast_in_dim3A_841 = vector.broadcast %jit3A_839 : i32 to vector<16xi32>
    %select_n3A_842 = arith.select %eq3A_838, %broadcast_in_dim3A_840, %broadcast_in_dim3A_841 : vector<16xi1>, vector<16xi32>
    %add3A_843 = arith.addi %add3A_827, %select_n3A_842 : vector<16xi32>
    %eq3A_844 = arith.constant 4 : i32
    %eq3A_845 = vector.broadcast %eq3A_844 : i32 to vector<16xi32>
    %eq3A_846 = arith.cmpi eq, %get3A_779, %eq3A_845 : vector<16xi32>
    %convert_element_type3A_847 = arith.extui %eq3A_846 : vector<16xi1> to vector<16xi32>
    %reduce_sum3A_848 = arith.constant true
    %reduce_sum3A_849 = vector.broadcast %reduce_sum3A_848 : i1 to vector<16xi1>
    %reduce_sum3A_850 = tpu.scan <sum>, %convert_element_type3A_847 masked %reduce_sum3A_849 : vector<16xi32>, vector<16xi1> -> vector<16xi32>
    %reduce_sum3A_851 = vector.extract %reduce_sum3A_850[15] : i32 from vector<16xi32>
    %eq3A_852 = arith.constant 4 : i32
    %eq3A_853 = vector.broadcast %eq3A_852 : i32 to vector<16xi32>
    %eq3A_854 = arith.cmpi eq, %iota3A, %eq3A_853 : vector<16xi32>
    %jit3A_855 = arith.constant 0 : i32
    %broadcast_in_dim3A_856 = vector.broadcast %reduce_sum3A_851 : i32 to vector<16xi32>
    %broadcast_in_dim3A_857 = vector.broadcast %jit3A_855 : i32 to vector<16xi32>
    %select_n3A_858 = arith.select %eq3A_854, %broadcast_in_dim3A_856, %broadcast_in_dim3A_857 : vector<16xi1>, vector<16xi32>
    %add3A_859 = arith.addi %add3A_843, %select_n3A_858 : vector<16xi32>
    %eq3A_860 = arith.constant 5 : i32
    %eq3A_861 = vector.broadcast %eq3A_860 : i32 to vector<16xi32>
    %eq3A_862 = arith.cmpi eq, %get3A_779, %eq3A_861 : vector<16xi32>
    %convert_element_type3A_863 = arith.extui %eq3A_862 : vector<16xi1> to vector<16xi32>
    %reduce_sum3A_864 = arith.constant true
    %reduce_sum3A_865 = vector.broadcast %reduce_sum3A_864 : i1 to vector<16xi1>
    %reduce_sum3A_866 = tpu.scan <sum>, %convert_element_type3A_863 masked %reduce_sum3A_865 : vector<16xi32>, vector<16xi1> -> vector<16xi32>
    %reduce_sum3A_867 = vector.extract %reduce_sum3A_866[15] : i32 from vector<16xi32>
    %eq3A_868 = arith.constant 5 : i32
    %eq3A_869 = vector.broadcast %eq3A_868 : i32 to vector<16xi32>
    %eq3A_870 = arith.cmpi eq, %iota3A, %eq3A_869 : vector<16xi32>
    %jit3A_871 = arith.constant 0 : i32
    %broadcast_in_dim3A_872 = vector.broadcast %reduce_sum3A_867 : i32 to vector<16xi32>
    %broadcast_in_dim3A_873 = vector.broadcast %jit3A_871 : i32 to vector<16xi32>
    %select_n3A_874 = arith.select %eq3A_870, %broadcast_in_dim3A_872, %broadcast_in_dim3A_873 : vector<16xi1>, vector<16xi32>
    %add3A_875 = arith.addi %add3A_859, %select_n3A_874 : vector<16xi32>
    %eq3A_876 = arith.constant 6 : i32
    %eq3A_877 = vector.broadcast %eq3A_876 : i32 to vector<16xi32>
    %eq3A_878 = arith.cmpi eq, %get3A_779, %eq3A_877 : vector<16xi32>
    %convert_element_type3A_879 = arith.extui %eq3A_878 : vector<16xi1> to vector<16xi32>
    %reduce_sum3A_880 = arith.constant true
    %reduce_sum3A_881 = vector.broadcast %reduce_sum3A_880 : i1 to vector<16xi1>
    %reduce_sum3A_882 = tpu.scan <sum>, %convert_element_type3A_879 masked %reduce_sum3A_881 : vector<16xi32>, vector<16xi1> -> vector<16xi32>
    %reduce_sum3A_883 = vector.extract %reduce_sum3A_882[15] : i32 from vector<16xi32>
    %eq3A_884 = arith.constant 6 : i32
    %eq3A_885 = vector.broadcast %eq3A_884 : i32 to vector<16xi32>
    %eq3A_886 = arith.cmpi eq, %iota3A, %eq3A_885 : vector<16xi32>
    %jit3A_887 = arith.constant 0 : i32
    %broadcast_in_dim3A_888 = vector.broadcast %reduce_sum3A_883 : i32 to vector<16xi32>
    %broadcast_in_dim3A_889 = vector.broadcast %jit3A_887 : i32 to vector<16xi32>
    %select_n3A_890 = arith.select %eq3A_886, %broadcast_in_dim3A_888, %broadcast_in_dim3A_889 : vector<16xi1>, vector<16xi32>
    %add3A_891 = arith.addi %add3A_875, %select_n3A_890 : vector<16xi32>
    %eq3A_892 = arith.constant 7 : i32
    %eq3A_893 = vector.broadcast %eq3A_892 : i32 to vector<16xi32>
    %eq3A_894 = arith.cmpi eq, %get3A_779, %eq3A_893 : vector<16xi32>
    %convert_element_type3A_895 = arith.extui %eq3A_894 : vector<16xi1> to vector<16xi32>
    %reduce_sum3A_896 = arith.constant true
    %reduce_sum3A_897 = vector.broadcast %reduce_sum3A_896 : i1 to vector<16xi1>
    %reduce_sum3A_898 = tpu.scan <sum>, %convert_element_type3A_895 masked %reduce_sum3A_897 : vector<16xi32>, vector<16xi1> -> vector<16xi32>
    %reduce_sum3A_899 = vector.extract %reduce_sum3A_898[15] : i32 from vector<16xi32>
    %eq3A_900 = arith.constant 7 : i32
    %eq3A_901 = vector.broadcast %eq3A_900 : i32 to vector<16xi32>
    %eq3A_902 = arith.cmpi eq, %iota3A, %eq3A_901 : vector<16xi32>
    %jit3A_903 = arith.constant 0 : i32
    %broadcast_in_dim3A_904 = vector.broadcast %reduce_sum3A_899 : i32 to vector<16xi32>
    %broadcast_in_dim3A_905 = vector.broadcast %jit3A_903 : i32 to vector<16xi32>
    %select_n3A_906 = arith.select %eq3A_902, %broadcast_in_dim3A_904, %broadcast_in_dim3A_905 : vector<16xi1>, vector<16xi32>
    %add3A_907 = arith.addi %add3A_891, %select_n3A_906 : vector<16xi32>
    %get3A_908 = arith.constant 112 : index
    %get3A_909 = tpu.vector_load %arg4[%get3A_908] {strides = array<i32>} : memref<128xi32, #tpu.memory_space<vmem>>, vector<16xi32>,
    %eq3A_910 = arith.constant 0 : i32
    %eq3A_911 = vector.broadcast %eq3A_910 : i32 to vector<16xi32>
    %eq3A_912 = arith.cmpi eq, %get3A_909, %eq3A_911 : vector<16xi32>
    %convert_element_type3A_913 = arith.extui %eq3A_912 : vector<16xi1> to vector<16xi32>
    %reduce_sum3A_914 = arith.constant true
    %reduce_sum3A_915 = vector.broadcast %reduce_sum3A_914 : i1 to vector<16xi1>
    %reduce_sum3A_916 = tpu.scan <sum>, %convert_element_type3A_913 masked %reduce_sum3A_915 : vector<16xi32>, vector<16xi1> -> vector<16xi32>
    %reduce_sum3A_917 = vector.extract %reduce_sum3A_916[15] : i32 from vector<16xi32>
    %eq3A_918 = arith.constant 0 : i32
    %eq3A_919 = vector.broadcast %eq3A_918 : i32 to vector<16xi32>
    %eq3A_920 = arith.cmpi eq, %iota3A, %eq3A_919 : vector<16xi32>
    %jit3A_921 = arith.constant 0 : i32
    %broadcast_in_dim3A_922 = vector.broadcast %reduce_sum3A_917 : i32 to vector<16xi32>
    %broadcast_in_dim3A_923 = vector.broadcast %jit3A_921 : i32 to vector<16xi32>
    %select_n3A_924 = arith.select %eq3A_920, %broadcast_in_dim3A_922, %broadcast_in_dim3A_923 : vector<16xi1>, vector<16xi32>
    %add3A_925 = arith.addi %add3A_907, %select_n3A_924 : vector<16xi32>
    %eq3A_926 = arith.constant 1 : i32
    %eq3A_927 = vector.broadcast %eq3A_926 : i32 to vector<16xi32>
    %eq3A_928 = arith.cmpi eq, %get3A_909, %eq3A_927 : vector<16xi32>
    %convert_element_type3A_929 = arith.extui %eq3A_928 : vector<16xi1> to vector<16xi32>
    %reduce_sum3A_930 = arith.constant true
    %reduce_sum3A_931 = vector.broadcast %reduce_sum3A_930 : i1 to vector<16xi1>
    %reduce_sum3A_932 = tpu.scan <sum>, %convert_element_type3A_929 masked %reduce_sum3A_931 : vector<16xi32>, vector<16xi1> -> vector<16xi32>
    %reduce_sum3A_933 = vector.extract %reduce_sum3A_932[15] : i32 from vector<16xi32>
    %eq3A_934 = arith.constant 1 : i32
    %eq3A_935 = vector.broadcast %eq3A_934 : i32 to vector<16xi32>
    %eq3A_936 = arith.cmpi eq, %iota3A, %eq3A_935 : vector<16xi32>
    %jit3A_937 = arith.constant 0 : i32
    %broadcast_in_dim3A_938 = vector.broadcast %reduce_sum3A_933 : i32 to vector<16xi32>
    %broadcast_in_dim3A_939 = vector.broadcast %jit3A_937 : i32 to vector<16xi32>
    %select_n3A_940 = arith.select %eq3A_936, %broadcast_in_dim3A_938, %broadcast_in_dim3A_939 : vector<16xi1>, vector<16xi32>
    %add3A_941 = arith.addi %add3A_925, %select_n3A_940 : vector<16xi32>
    %eq3A_942 = arith.constant 2 : i32
    %eq3A_943 = vector.broadcast %eq3A_942 : i32 to vector<16xi32>
    %eq3A_944 = arith.cmpi eq, %get3A_909, %eq3A_943 : vector<16xi32>
    %convert_element_type3A_945 = arith.extui %eq3A_944 : vector<16xi1> to vector<16xi32>
    %reduce_sum3A_946 = arith.constant true
    %reduce_sum3A_947 = vector.broadcast %reduce_sum3A_946 : i1 to vector<16xi1>
    %reduce_sum3A_948 = tpu.scan <sum>, %convert_element_type3A_945 masked %reduce_sum3A_947 : vector<16xi32>, vector<16xi1> -> vector<16xi32>
    %reduce_sum3A_949 = vector.extract %reduce_sum3A_948[15] : i32 from vector<16xi32>
    %eq3A_950 = arith.constant 2 : i32
    %eq3A_951 = vector.broadcast %eq3A_950 : i32 to vector<16xi32>
    %eq3A_952 = arith.cmpi eq, %iota3A, %eq3A_951 : vector<16xi32>
    %jit3A_953 = arith.constant 0 : i32
    %broadcast_in_dim3A_954 = vector.broadcast %reduce_sum3A_949 : i32 to vector<16xi32>
    %broadcast_in_dim3A_955 = vector.broadcast %jit3A_953 : i32 to vector<16xi32>
    %select_n3A_956 = arith.select %eq3A_952, %broadcast_in_dim3A_954, %broadcast_in_dim3A_955 : vector<16xi1>, vector<16xi32>
    %add3A_957 = arith.addi %add3A_941, %select_n3A_956 : vector<16xi32>
    %eq3A_958 = arith.constant 3 : i32
    %eq3A_959 = vector.broadcast %eq3A_958 : i32 to vector<16xi32>
    %eq3A_960 = arith.cmpi eq, %get3A_909, %eq3A_959 : vector<16xi32>
    %convert_element_type3A_961 = arith.extui %eq3A_960 : vector<16xi1> to vector<16xi32>
    %reduce_sum3A_962 = arith.constant true
    %reduce_sum3A_963 = vector.broadcast %reduce_sum3A_962 : i1 to vector<16xi1>
    %reduce_sum3A_964 = tpu.scan <sum>, %convert_element_type3A_961 masked %reduce_sum3A_963 : vector<16xi32>, vector<16xi1> -> vector<16xi32>
    %reduce_sum3A_965 = vector.extract %reduce_sum3A_964[15] : i32 from vector<16xi32>
    %eq3A_966 = arith.constant 3 : i32
    %eq3A_967 = vector.broadcast %eq3A_966 : i32 to vector<16xi32>
    %eq3A_968 = arith.cmpi eq, %iota3A, %eq3A_967 : vector<16xi32>
    %jit3A_969 = arith.constant 0 : i32
    %broadcast_in_dim3A_970 = vector.broadcast %reduce_sum3A_965 : i32 to vector<16xi32>
    %broadcast_in_dim3A_971 = vector.broadcast %jit3A_969 : i32 to vector<16xi32>
    %select_n3A_972 = arith.select %eq3A_968, %broadcast_in_dim3A_970, %broadcast_in_dim3A_971 : vector<16xi1>, vector<16xi32>
    %add3A_973 = arith.addi %add3A_957, %select_n3A_972 : vector<16xi32>
    %eq3A_974 = arith.constant 4 : i32
    %eq3A_975 = vector.broadcast %eq3A_974 : i32 to vector<16xi32>
    %eq3A_976 = arith.cmpi eq, %get3A_909, %eq3A_975 : vector<16xi32>
    %convert_element_type3A_977 = arith.extui %eq3A_976 : vector<16xi1> to vector<16xi32>
    %reduce_sum3A_978 = arith.constant true
    %reduce_sum3A_979 = vector.broadcast %reduce_sum3A_978 : i1 to vector<16xi1>
    %reduce_sum3A_980 = tpu.scan <sum>, %convert_element_type3A_977 masked %reduce_sum3A_979 : vector<16xi32>, vector<16xi1> -> vector<16xi32>
    %reduce_sum3A_981 = vector.extract %reduce_sum3A_980[15] : i32 from vector<16xi32>
    %eq3A_982 = arith.constant 4 : i32
    %eq3A_983 = vector.broadcast %eq3A_982 : i32 to vector<16xi32>
    %eq3A_984 = arith.cmpi eq, %iota3A, %eq3A_983 : vector<16xi32>
    %jit3A_985 = arith.constant 0 : i32
    %broadcast_in_dim3A_986 = vector.broadcast %reduce_sum3A_981 : i32 to vector<16xi32>
    %broadcast_in_dim3A_987 = vector.broadcast %jit3A_985 : i32 to vector<16xi32>
    %select_n3A_988 = arith.select %eq3A_984, %broadcast_in_dim3A_986, %broadcast_in_dim3A_987 : vector<16xi1>, vector<16xi32>
    %add3A_989 = arith.addi %add3A_973, %select_n3A_988 : vector<16xi32>
    %eq3A_990 = arith.constant 5 : i32
    %eq3A_991 = vector.broadcast %eq3A_990 : i32 to vector<16xi32>
    %eq3A_992 = arith.cmpi eq, %get3A_909, %eq3A_991 : vector<16xi32>
    %convert_element_type3A_993 = arith.extui %eq3A_992 : vector<16xi1> to vector<16xi32>
    %reduce_sum3A_994 = arith.constant true
    %reduce_sum3A_995 = vector.broadcast %reduce_sum3A_994 : i1 to vector<16xi1>
    %reduce_sum3A_996 = tpu.scan <sum>, %convert_element_type3A_993 masked %reduce_sum3A_995 : vector<16xi32>, vector<16xi1> -> vector<16xi32>
    %reduce_sum3A_997 = vector.extract %reduce_sum3A_996[15] : i32 from vector<16xi32>
    %eq3A_998 = arith.constant 5 : i32
    %eq3A_999 = vector.broadcast %eq3A_998 : i32 to vector<16xi32>
    %eq3A_1000 = arith.cmpi eq, %iota3A, %eq3A_999 : vector<16xi32>
    %jit3A_1001 = arith.constant 0 : i32
    %broadcast_in_dim3A_1002 = vector.broadcast %reduce_sum3A_997 : i32 to vector<16xi32>
    %broadcast_in_dim3A_1003 = vector.broadcast %jit3A_1001 : i32 to vector<16xi32>
    %select_n3A_1004 = arith.select %eq3A_1000, %broadcast_in_dim3A_1002, %broadcast_in_dim3A_1003 : vector<16xi1>, vector<16xi32>
    %add3A_1005 = arith.addi %add3A_989, %select_n3A_1004 : vector<16xi32>
    %eq3A_1006 = arith.constant 6 : i32
    %eq3A_1007 = vector.broadcast %eq3A_1006 : i32 to vector<16xi32>
    %eq3A_1008 = arith.cmpi eq, %get3A_909, %eq3A_1007 : vector<16xi32>
    %convert_element_type3A_1009 = arith.extui %eq3A_1008 : vector<16xi1> to vector<16xi32>
    %reduce_sum3A_1010 = arith.constant true
    %reduce_sum3A_1011 = vector.broadcast %reduce_sum3A_1010 : i1 to vector<16xi1>
    %reduce_sum3A_1012 = tpu.scan <sum>, %convert_element_type3A_1009 masked %reduce_sum3A_1011 : vector<16xi32>, vector<16xi1> -> vector<16xi32>
    %reduce_sum3A_1013 = vector.extract %reduce_sum3A_1012[15] : i32 from vector<16xi32>
    %eq3A_1014 = arith.constant 6 : i32
    %eq3A_1015 = vector.broadcast %eq3A_1014 : i32 to vector<16xi32>
    %eq3A_1016 = arith.cmpi eq, %iota3A, %eq3A_1015 : vector<16xi32>
    %jit3A_1017 = arith.constant 0 : i32
    %broadcast_in_dim3A_1018 = vector.broadcast %reduce_sum3A_1013 : i32 to vector<16xi32>
    %broadcast_in_dim3A_1019 = vector.broadcast %jit3A_1017 : i32 to vector<16xi32>
    %select_n3A_1020 = arith.select %eq3A_1016, %broadcast_in_dim3A_1018, %broadcast_in_dim3A_1019 : vector<16xi1>, vector<16xi32>
    %add3A_1021 = arith.addi %add3A_1005, %select_n3A_1020 : vector<16xi32>
    %eq3A_1022 = arith.constant 7 : i32
    %eq3A_1023 = vector.broadcast %eq3A_1022 : i32 to vector<16xi32>
    %eq3A_1024 = arith.cmpi eq, %get3A_909, %eq3A_1023 : vector<16xi32>
    %convert_element_type3A_1025 = arith.extui %eq3A_1024 : vector<16xi1> to vector<16xi32>
    %reduce_sum3A_1026 = arith.constant true
    %reduce_sum3A_1027 = vector.broadcast %reduce_sum3A_1026 : i1 to vector<16xi1>
    %reduce_sum3A_1028 = tpu.scan <sum>, %convert_element_type3A_1025 masked %reduce_sum3A_1027 : vector<16xi32>, vector<16xi1> -> vector<16xi32>
    %reduce_sum3A_1029 = vector.extract %reduce_sum3A_1028[15] : i32 from vector<16xi32>
    %eq3A_1030 = arith.constant 7 : i32
    %eq3A_1031 = vector.broadcast %eq3A_1030 : i32 to vector<16xi32>
    %eq3A_1032 = arith.cmpi eq, %iota3A, %eq3A_1031 : vector<16xi32>
    %jit3A_1033 = arith.constant 0 : i32
    %broadcast_in_dim3A_1034 = vector.broadcast %reduce_sum3A_1029 : i32 to vector<16xi32>
    %broadcast_in_dim3A_1035 = vector.broadcast %jit3A_1033 : i32 to vector<16xi32>
    %select_n3A_1036 = arith.select %eq3A_1032, %broadcast_in_dim3A_1034, %broadcast_in_dim3A_1035 : vector<16xi1>, vector<16xi32>
    %add3A_1037 = arith.addi %add3A_1021, %select_n3A_1036 : vector<16xi32>
    %swap3A = arith.constant 0 : index
    %swap3A_1038 = tpu.vector_load %arg5[%swap3A] {strides = array<i32>} : memref<16xi32, #tpu.memory_space<vmem>>, vector<16xi32>,
    tpu.vector_store %arg5[%swap3A], %add3A_1037 {strides = array<i32>} : memref<16xi32, #tpu.memory_space<vmem>>, vector<16xi32>,
    "tpu.region"() ({
      %run_scoped3A = tpu.sem_alloc : memref<!tpu.dma_semaphore, #tpu.memory_space<semaphore_mem>>
      %dma_start3A = arith.constant 0 : i32
      %dma_start3A_1039 = tpu.memref_slice %arg3[%add3A, %dma_start3A] : memref<32x16xi32, #tpu.memory_space<hbm>> -> memref<1x16xi32, #tpu.memory_space<hbm>>
      %dma_start3A_1040 = tpu.memref_squeeze %dma_start3A_1039 : memref<1x16xi32, #tpu.memory_space<hbm>> -> memref<16xi32, #tpu.memory_space<hbm>>
      %dma_start3A_1041 = arith.constant 0 : i32
      %dma_start3A_1042 = tpu.memref_slice %arg3[%add3A, %dma_start3A_1041] : memref<32x16xi32, #tpu.memory_space<hbm>> -> memref<1x16xi32, #tpu.memory_space<hbm>>
      %dma_start3A_1043 = tpu.memref_squeeze %dma_start3A_1042 : memref<1x16xi32, #tpu.memory_space<hbm>> -> memref<16xi32, #tpu.memory_space<hbm>>
      tpu.enqueue_dma source(%arg5 : memref<16xi32, #tpu.memory_space<vmem>>) target(%dma_start3A_1043 : memref<16xi32, #tpu.memory_space<hbm>>) target_semaphore(%run_scoped3A : memref<!tpu.dma_semaphore, #tpu.memory_space<semaphore_mem>>)
      %dma_wait3A = arith.constant 0 : i32
      %dma_wait3A_1044 = tpu.memref_slice %arg3[%add3A, %dma_wait3A] : memref<32x16xi32, #tpu.memory_space<hbm>> -> memref<1x16xi32, #tpu.memory_space<hbm>>
      %dma_wait3A_1045 = tpu.memref_squeeze %dma_wait3A_1044 : memref<1x16xi32, #tpu.memory_space<hbm>> -> memref<16xi32, #tpu.memory_space<hbm>>
      %dma_wait3A_1046 = arith.constant 0 : i32
      %dma_wait3A_1047 = tpu.memref_slice %arg3[%add3A, %dma_wait3A_1046] : memref<32x16xi32, #tpu.memory_space<hbm>> -> memref<1x16xi32, #tpu.memory_space<hbm>>
      %dma_wait3A_1048 = tpu.memref_squeeze %dma_wait3A_1047 : memref<1x16xi32, #tpu.memory_space<hbm>> -> memref<16xi32, #tpu.memory_space<hbm>>
      tpu.wait_dma2 semaphore(%run_scoped3A : memref<!tpu.dma_semaphore, #tpu.memory_space<semaphore_mem>>) src(%arg5 : memref<16xi32, #tpu.memory_space<vmem>>) dst(%dma_wait3A_1048 : memref<16xi32, #tpu.memory_space<hbm>>)
      tpu.yield
    }) : () -> ()
    return
  }
}

#map = affine_map<(d0, d1) -> (0, 0)>
#map1 = affine_map<(d0, d1) -> (0, 0, 0)>
module attributes {stable_mosaic.version = 14 : i64} {
  func.func @_sc_unsort_body(%arg0: i32, %arg1: i32, %arg2: memref<4096x1024xf32, #tpu.memory_space<hbm>>, %arg3: memref<32x2x64xi32, #tpu.memory_space<hbm>>, %arg4: memref<4096x1024xf32, #tpu.memory_space<hbm>>, %arg5: memref<2x64xi32, #tpu.memory_space<vmem>>, %arg6: memref<64x1024xf32, #tpu.memory_space<vmem>>, %arg7: memref<!tpu.dma_semaphore, #tpu.memory_space<semaphore_mem>>) attributes {dimension_semantics = [#tpu.dimension_semantics<core_parallel>, #tpu.dimension_semantics<subcore_parallel>], iteration_bounds = array<i64: 2, 16>, scalar_prefetch = 0 : i64, scratch_operands = 3 : i64, tpu.core_type = #tpu.core_type<sc_vector_subcore>, window_params = [{transform_indices = #map}, {transform_indices = #map1}, {transform_indices = #map}]} {
    %mul3A = arith.constant 2 : i32
    %mul3A_0 = arith.muli %arg1, %mul3A : i32
    %add3A = arith.addi %mul3A_0, %arg0 : i32
    %mul3A_1 = arith.constant 128 : i32
    %mul3A_2 = arith.muli %add3A, %mul3A_1 : i32
    "tpu.region"() ({
      %run_scoped3A = tpu.sem_alloc : memref<!tpu.dma_semaphore, #tpu.memory_space<semaphore_mem>>
      %dma_start3A_33 = arith.constant 0 : i32
      %dma_start3A_34 = arith.constant 0 : i32
      %dma_start3A_35 = tpu.memref_slice %arg3[%add3A, %dma_start3A_33, %dma_start3A_34] : memref<32x2x64xi32, #tpu.memory_space<hbm>> -> memref<1x2x64xi32, #tpu.memory_space<hbm>>
      %dma_start3A_36 = tpu.memref_squeeze %dma_start3A_35 : memref<1x2x64xi32, #tpu.memory_space<hbm>> -> memref<2x64xi32, #tpu.memory_space<hbm>>
      %dma_start3A_37 = arith.constant 0 : i32
      %dma_start3A_38 = arith.constant 0 : i32
      %dma_start3A_39 = tpu.memref_slice %arg3[%add3A, %dma_start3A_37, %dma_start3A_38] : memref<32x2x64xi32, #tpu.memory_space<hbm>> -> memref<1x2x64xi32, #tpu.memory_space<hbm>>
      %dma_start3A_40 = tpu.memref_squeeze %dma_start3A_39 : memref<1x2x64xi32, #tpu.memory_space<hbm>> -> memref<2x64xi32, #tpu.memory_space<hbm>>
      tpu.enqueue_dma source(%dma_start3A_40 : memref<2x64xi32, #tpu.memory_space<hbm>>) target(%arg5 : memref<2x64xi32, #tpu.memory_space<vmem>>) target_semaphore(%run_scoped3A : memref<!tpu.dma_semaphore, #tpu.memory_space<semaphore_mem>>)
      %dma_wait3A_41 = arith.constant 0 : i32
      %dma_wait3A_42 = arith.constant 0 : i32
      %dma_wait3A_43 = tpu.memref_slice %arg3[%add3A, %dma_wait3A_41, %dma_wait3A_42] : memref<32x2x64xi32, #tpu.memory_space<hbm>> -> memref<1x2x64xi32, #tpu.memory_space<hbm>>
      %dma_wait3A_44 = tpu.memref_squeeze %dma_wait3A_43 : memref<1x2x64xi32, #tpu.memory_space<hbm>> -> memref<2x64xi32, #tpu.memory_space<hbm>>
      %dma_wait3A_45 = arith.constant 0 : i32
      %dma_wait3A_46 = arith.constant 0 : i32
      %dma_wait3A_47 = tpu.memref_slice %arg3[%add3A, %dma_wait3A_45, %dma_wait3A_46] : memref<32x2x64xi32, #tpu.memory_space<hbm>> -> memref<1x2x64xi32, #tpu.memory_space<hbm>>
      %dma_wait3A_48 = tpu.memref_squeeze %dma_wait3A_47 : memref<1x2x64xi32, #tpu.memory_space<hbm>> -> memref<2x64xi32, #tpu.memory_space<hbm>>
      tpu.wait_dma2 semaphore(%run_scoped3A : memref<!tpu.dma_semaphore, #tpu.memory_space<semaphore_mem>>) src(%dma_wait3A_48 : memref<2x64xi32, #tpu.memory_space<hbm>>) dst(%arg5 : memref<2x64xi32, #tpu.memory_space<vmem>>)
      tpu.yield
    }) : () -> ()
    %dma_start3A = arith.constant 0 : i32
    %dma_start3A_3 = arith.constant 0 : i32
    %dma_start3A_4 = tpu.memref_slice %arg5[%dma_start3A, %dma_start3A_3] : memref<2x64xi32, #tpu.memory_space<vmem>> -> memref<1x64xi32, #tpu.memory_space<vmem>>
    %dma_start3A_5 = tpu.memref_squeeze %dma_start3A_4 : memref<1x64xi32, #tpu.memory_space<vmem>> -> memref<64xi32, #tpu.memory_space<vmem>>
    %dma_start3A_6 = arith.constant 0 : i32
    %dma_start3A_7 = arith.constant 0 : i32
    %dma_start3A_8 = tpu.memref_slice %arg2[%dma_start3A_6, %dma_start3A_7] : memref<4096x1024xf32, #tpu.memory_space<hbm>> -> memref<4096x1024xf32, #tpu.memory_space<hbm>>
    tpu.enqueue_indirect_dma source(%dma_start3A_8 : memref<4096x1024xf32, #tpu.memory_space<hbm>>) target(%arg6 : memref<64x1024xf32, #tpu.memory_space<vmem>>) offsets(%dma_start3A_5 : memref<64xi32, #tpu.memory_space<vmem>>) semaphore(%arg7 : memref<!tpu.dma_semaphore, #tpu.memory_space<semaphore_mem>>)
    %dma_wait3A = arith.constant 0 : i32
    %dma_wait3A_9 = arith.constant 0 : i32
    %dma_wait3A_10 = tpu.memref_slice %arg5[%dma_wait3A, %dma_wait3A_9] : memref<2x64xi32, #tpu.memory_space<vmem>> -> memref<1x64xi32, #tpu.memory_space<vmem>>
    %dma_wait3A_11 = tpu.memref_squeeze %dma_wait3A_10 : memref<1x64xi32, #tpu.memory_space<vmem>> -> memref<64xi32, #tpu.memory_space<vmem>>
    %dma_wait3A_12 = arith.constant 0 : i32
    %dma_wait3A_13 = arith.constant 0 : i32
    %dma_wait3A_14 = tpu.memref_slice %arg2[%dma_wait3A_12, %dma_wait3A_13] : memref<4096x1024xf32, #tpu.memory_space<hbm>> -> memref<4096x1024xf32, #tpu.memory_space<hbm>>
    tpu.wait_indirect_dma semaphore(%arg7 : memref<!tpu.dma_semaphore, #tpu.memory_space<semaphore_mem>>) src(%dma_wait3A_14 : memref<4096x1024xf32, #tpu.memory_space<hbm>>) dst(%arg6 : memref<64x1024xf32, #tpu.memory_space<vmem>>)
    %add3A_15 = arith.constant 0 : i32
    %add3A_16 = arith.addi %mul3A_2, %add3A_15 : i32
    "tpu.region"() ({
      %run_scoped3A = tpu.sem_alloc : memref<!tpu.dma_semaphore, #tpu.memory_space<semaphore_mem>>
      %dma_start3A_33 = arith.constant 0 : i32
      %dma_start3A_34 = tpu.memref_slice %arg4[%add3A_16, %dma_start3A_33] : memref<4096x1024xf32, #tpu.memory_space<hbm>> -> memref<64x1024xf32, #tpu.memory_space<hbm>>
      %dma_start3A_35 = arith.constant 0 : i32
      %dma_start3A_36 = tpu.memref_slice %arg4[%add3A_16, %dma_start3A_35] : memref<4096x1024xf32, #tpu.memory_space<hbm>> -> memref<64x1024xf32, #tpu.memory_space<hbm>>
      tpu.enqueue_dma source(%arg6 : memref<64x1024xf32, #tpu.memory_space<vmem>>) target(%dma_start3A_36 : memref<64x1024xf32, #tpu.memory_space<hbm>>) target_semaphore(%run_scoped3A : memref<!tpu.dma_semaphore, #tpu.memory_space<semaphore_mem>>)
      %dma_wait3A_37 = arith.constant 0 : i32
      %dma_wait3A_38 = tpu.memref_slice %arg4[%add3A_16, %dma_wait3A_37] : memref<4096x1024xf32, #tpu.memory_space<hbm>> -> memref<64x1024xf32, #tpu.memory_space<hbm>>
      %dma_wait3A_39 = arith.constant 0 : i32
      %dma_wait3A_40 = tpu.memref_slice %arg4[%add3A_16, %dma_wait3A_39] : memref<4096x1024xf32, #tpu.memory_space<hbm>> -> memref<64x1024xf32, #tpu.memory_space<hbm>>
      tpu.wait_dma2 semaphore(%run_scoped3A : memref<!tpu.dma_semaphore, #tpu.memory_space<semaphore_mem>>) src(%arg6 : memref<64x1024xf32, #tpu.memory_space<vmem>>) dst(%dma_wait3A_40 : memref<64x1024xf32, #tpu.memory_space<hbm>>)
      tpu.yield
    }) : () -> ()
    %dma_start3A_17 = arith.constant 1 : i32
    %dma_start3A_18 = arith.constant 0 : i32
    %dma_start3A_19 = tpu.memref_slice %arg5[%dma_start3A_17, %dma_start3A_18] : memref<2x64xi32, #tpu.memory_space<vmem>> -> memref<1x64xi32, #tpu.memory_space<vmem>>
    %dma_start3A_20 = tpu.memref_squeeze %dma_start3A_19 : memref<1x64xi32, #tpu.memory_space<vmem>> -> memref<64xi32, #tpu.memory_space<vmem>>
    %dma_start3A_21 = arith.constant 0 : i32
    %dma_start3A_22 = arith.constant 0 : i32
    %dma_start3A_23 = tpu.memref_slice %arg2[%dma_start3A_21, %dma_start3A_22] : memref<4096x1024xf32, #tpu.memory_space<hbm>> -> memref<4096x1024xf32, #tpu.memory_space<hbm>>
    tpu.enqueue_indirect_dma source(%dma_start3A_23 : memref<4096x1024xf32, #tpu.memory_space<hbm>>) target(%arg6 : memref<64x1024xf32, #tpu.memory_space<vmem>>) offsets(%dma_start3A_20 : memref<64xi32, #tpu.memory_space<vmem>>) semaphore(%arg7 : memref<!tpu.dma_semaphore, #tpu.memory_space<semaphore_mem>>)
    %dma_wait3A_24 = arith.constant 1 : i32
    %dma_wait3A_25 = arith.constant 0 : i32
    %dma_wait3A_26 = tpu.memref_slice %arg5[%dma_wait3A_24, %dma_wait3A_25] : memref<2x64xi32, #tpu.memory_space<vmem>> -> memref<1x64xi32, #tpu.memory_space<vmem>>
    %dma_wait3A_27 = tpu.memref_squeeze %dma_wait3A_26 : memref<1x64xi32, #tpu.memory_space<vmem>> -> memref<64xi32, #tpu.memory_space<vmem>>
    %dma_wait3A_28 = arith.constant 0 : i32
    %dma_wait3A_29 = arith.constant 0 : i32
    %dma_wait3A_30 = tpu.memref_slice %arg2[%dma_wait3A_28, %dma_wait3A_29] : memref<4096x1024xf32, #tpu.memory_space<hbm>> -> memref<4096x1024xf32, #tpu.memory_space<hbm>>
    tpu.wait_indirect_dma semaphore(%arg7 : memref<!tpu.dma_semaphore, #tpu.memory_space<semaphore_mem>>) src(%dma_wait3A_30 : memref<4096x1024xf32, #tpu.memory_space<hbm>>) dst(%arg6 : memref<64x1024xf32, #tpu.memory_space<vmem>>)
    %add3A_31 = arith.constant 64 : i32
    %add3A_32 = arith.addi %mul3A_2, %add3A_31 : i32
    "tpu.region"() ({
      %run_scoped3A = tpu.sem_alloc : memref<!tpu.dma_semaphore, #tpu.memory_space<semaphore_mem>>
      %dma_start3A_33 = arith.constant 0 : i32
      %dma_start3A_34 = tpu.memref_slice %arg4[%add3A_32, %dma_start3A_33] : memref<4096x1024xf32, #tpu.memory_space<hbm>> -> memref<64x1024xf32, #tpu.memory_space<hbm>>
      %dma_start3A_35 = arith.constant 0 : i32
      %dma_start3A_36 = tpu.memref_slice %arg4[%add3A_32, %dma_start3A_35] : memref<4096x1024xf32, #tpu.memory_space<hbm>> -> memref<64x1024xf32, #tpu.memory_space<hbm>>
      tpu.enqueue_dma source(%arg6 : memref<64x1024xf32, #tpu.memory_space<vmem>>) target(%dma_start3A_36 : memref<64x1024xf32, #tpu.memory_space<hbm>>) target_semaphore(%run_scoped3A : memref<!tpu.dma_semaphore, #tpu.memory_space<semaphore_mem>>)
      %dma_wait3A_37 = arith.constant 0 : i32
      %dma_wait3A_38 = tpu.memref_slice %arg4[%add3A_32, %dma_wait3A_37] : memref<4096x1024xf32, #tpu.memory_space<hbm>> -> memref<64x1024xf32, #tpu.memory_space<hbm>>
      %dma_wait3A_39 = arith.constant 0 : i32
      %dma_wait3A_40 = tpu.memref_slice %arg4[%add3A_32, %dma_wait3A_39] : memref<4096x1024xf32, #tpu.memory_space<hbm>> -> memref<64x1024xf32, #tpu.memory_space<hbm>>
      tpu.wait_dma2 semaphore(%run_scoped3A : memref<!tpu.dma_semaphore, #tpu.memory_space<semaphore_mem>>) src(%arg6 : memref<64x1024xf32, #tpu.memory_space<vmem>>) dst(%dma_wait3A_40 : memref<64x1024xf32, #tpu.memory_space<hbm>>)
      tpu.yield
    }) : () -> ()
    return
  }
}

#map = affine_map<(d0, d1) -> (0)>
#map1 = affine_map<(d0, d1) -> (0, 0)>
#map2 = affine_map<(d0, d1) -> (0, 0, 0)>
module attributes {stable_mosaic.version = 14 : i64} {
  func.func @_sc_route_body(%arg0: i32, %arg1: i32, %arg2: memref<4096xi32, #tpu.memory_space<hbm>>, %arg3: memref<32x16xi32, #tpu.memory_space<hbm>>, %arg4: memref<4096x1024xf32, #tpu.memory_space<hbm>>, %arg5: memref<4096x1024xf32, #tpu.memory_space<hbm>>, %arg6: memref<32x2x64xi32, #tpu.memory_space<hbm>>, %arg7: memref<128xi32, #tpu.memory_space<vmem>>, %arg8: memref<32x16xi32, #tpu.memory_space<vmem>>, %arg9: memref<2x64xi32, #tpu.memory_space<vmem>>, %arg10: memref<64x1024xf32, #tpu.memory_space<vmem>>, %arg11: memref<!tpu.dma_semaphore, #tpu.memory_space<semaphore_mem>>, %arg12: memref<!tpu.dma_semaphore, #tpu.memory_space<semaphore_mem>>, %arg13: memref<!tpu.dma_semaphore, #tpu.memory_space<semaphore_mem>>) attributes {dimension_semantics = [#tpu.dimension_semantics<core_parallel>, #tpu.dimension_semantics<subcore_parallel>], iteration_bounds = array<i64: 2, 16>, scalar_prefetch = 0 : i64, scratch_operands = 7 : i64, tpu.core_type = #tpu.core_type<sc_vector_subcore>, window_params = [{transform_indices = #map}, {transform_indices = #map1}, {transform_indices = #map1}, {transform_indices = #map1}, {transform_indices = #map2}]} {
    %mul3A = arith.constant 2 : i32
    %mul3A_0 = arith.muli %arg1, %mul3A : i32
    %add3A = arith.addi %mul3A_0, %arg0 : i32
    %mul3A_1 = arith.constant 128 : i32
    %mul3A_2 = arith.muli %add3A, %mul3A_1 : i32
    %dma_start3A = tpu.memref_slice %arg2[%mul3A_2] : memref<4096xi32, #tpu.memory_space<hbm>> -> memref<128xi32, #tpu.memory_space<hbm>>
    %dma_start3A_3 = tpu.memref_slice %arg2[%mul3A_2] : memref<4096xi32, #tpu.memory_space<hbm>> -> memref<128xi32, #tpu.memory_space<hbm>>
    tpu.enqueue_dma source(%dma_start3A_3 : memref<128xi32, #tpu.memory_space<hbm>>) target(%arg7 : memref<128xi32, #tpu.memory_space<vmem>>) target_semaphore(%arg11 : memref<!tpu.dma_semaphore, #tpu.memory_space<semaphore_mem>>)
    tpu.enqueue_dma source(%arg3 : memref<32x16xi32, #tpu.memory_space<hbm>>) target(%arg8 : memref<32x16xi32, #tpu.memory_space<vmem>>) target_semaphore(%arg12 : memref<!tpu.dma_semaphore, #tpu.memory_space<semaphore_mem>>)
    tpu.wait_dma2 semaphore(%arg12 : memref<!tpu.dma_semaphore, #tpu.memory_space<semaphore_mem>>) src(%arg3 : memref<32x16xi32, #tpu.memory_space<hbm>>) dst(%arg8 : memref<32x16xi32, #tpu.memory_space<vmem>>)
    %broadcast_in_dim3A = arith.constant 0 : i32
    %broadcast_in_dim3A_4 = vector.broadcast %broadcast_in_dim3A : i32 to vector<16xi32>
    %broadcast_in_dim3A_5 = arith.constant 0 : i32
    %broadcast_in_dim3A_6 = vector.broadcast %broadcast_in_dim3A_5 : i32 to vector<16xi32>
    %get3A = arith.constant 0 : i32
    %get3A_7 = arith.index_cast %get3A : i32 to index
    %get3A_8 = arith.constant 0 : index
    %get3A_9 = tpu.vector_load %arg8[%get3A_7, %get3A_8] {strides = array<i32>} : memref<32x16xi32, #tpu.memory_space<vmem>>, vector<16xi32>,
    %add3A_10 = arith.addi %broadcast_in_dim3A_4, %get3A_9 : vector<16xi32>
    %gt3A = arith.constant 0 : i32
    %gt3A_11 = arith.cmpi sgt, %add3A, %gt3A : i32
    %jit3A = arith.constant 0 : i32
    %broadcast_in_dim3A_12 = vector.broadcast %jit3A : i32 to vector<16xi32>
    %select_n3A = arith.select %gt3A_11, %get3A_9, %broadcast_in_dim3A_12 : vector<16xi32>
    %add3A_13 = arith.addi %broadcast_in_dim3A_6, %select_n3A : vector<16xi32>
    %get3A_14 = arith.constant 1 : i32
    %get3A_15 = arith.index_cast %get3A_14 : i32 to index
    %get3A_16 = arith.constant 0 : index
    %get3A_17 = tpu.vector_load %arg8[%get3A_15, %get3A_16] {strides = array<i32>} : memref<32x16xi32, #tpu.memory_space<vmem>>, vector<16xi32>,
    %add3A_18 = arith.addi %add3A_10, %get3A_17 : vector<16xi32>
    %gt3A_19 = arith.constant 1 : i32
    %gt3A_20 = arith.cmpi sgt, %add3A, %gt3A_19 : i32
    %jit3A_21 = arith.constant 0 : i32
    %broadcast_in_dim3A_22 = vector.broadcast %jit3A_21 : i32 to vector<16xi32>
    %select_n3A_23 = arith.select %gt3A_20, %get3A_17, %broadcast_in_dim3A_22 : vector<16xi32>
    %add3A_24 = arith.addi %add3A_13, %select_n3A_23 : vector<16xi32>
    %get3A_25 = arith.constant 2 : i32
    %get3A_26 = arith.index_cast %get3A_25 : i32 to index
    %get3A_27 = arith.constant 0 : index
    %get3A_28 = tpu.vector_load %arg8[%get3A_26, %get3A_27] {strides = array<i32>} : memref<32x16xi32, #tpu.memory_space<vmem>>, vector<16xi32>,
    %add3A_29 = arith.addi %add3A_18, %get3A_28 : vector<16xi32>
    %gt3A_30 = arith.constant 2 : i32
    %gt3A_31 = arith.cmpi sgt, %add3A, %gt3A_30 : i32
    %jit3A_32 = arith.constant 0 : i32
    %broadcast_in_dim3A_33 = vector.broadcast %jit3A_32 : i32 to vector<16xi32>
    %select_n3A_34 = arith.select %gt3A_31, %get3A_28, %broadcast_in_dim3A_33 : vector<16xi32>
    %add3A_35 = arith.addi %add3A_24, %select_n3A_34 : vector<16xi32>
    %get3A_36 = arith.constant 3 : i32
    %get3A_37 = arith.index_cast %get3A_36 : i32 to index
    %get3A_38 = arith.constant 0 : index
    %get3A_39 = tpu.vector_load %arg8[%get3A_37, %get3A_38] {strides = array<i32>} : memref<32x16xi32, #tpu.memory_space<vmem>>, vector<16xi32>,
    %add3A_40 = arith.addi %add3A_29, %get3A_39 : vector<16xi32>
    %gt3A_41 = arith.constant 3 : i32
    %gt3A_42 = arith.cmpi sgt, %add3A, %gt3A_41 : i32
    %jit3A_43 = arith.constant 0 : i32
    %broadcast_in_dim3A_44 = vector.broadcast %jit3A_43 : i32 to vector<16xi32>
    %select_n3A_45 = arith.select %gt3A_42, %get3A_39, %broadcast_in_dim3A_44 : vector<16xi32>
    %add3A_46 = arith.addi %add3A_35, %select_n3A_45 : vector<16xi32>
    %get3A_47 = arith.constant 4 : i32
    %get3A_48 = arith.index_cast %get3A_47 : i32 to index
    %get3A_49 = arith.constant 0 : index
    %get3A_50 = tpu.vector_load %arg8[%get3A_48, %get3A_49] {strides = array<i32>} : memref<32x16xi32, #tpu.memory_space<vmem>>, vector<16xi32>,
    %add3A_51 = arith.addi %add3A_40, %get3A_50 : vector<16xi32>
    %gt3A_52 = arith.constant 4 : i32
    %gt3A_53 = arith.cmpi sgt, %add3A, %gt3A_52 : i32
    %jit3A_54 = arith.constant 0 : i32
    %broadcast_in_dim3A_55 = vector.broadcast %jit3A_54 : i32 to vector<16xi32>
    %select_n3A_56 = arith.select %gt3A_53, %get3A_50, %broadcast_in_dim3A_55 : vector<16xi32>
    %add3A_57 = arith.addi %add3A_46, %select_n3A_56 : vector<16xi32>
    %get3A_58 = arith.constant 5 : i32
    %get3A_59 = arith.index_cast %get3A_58 : i32 to index
    %get3A_60 = arith.constant 0 : index
    %get3A_61 = tpu.vector_load %arg8[%get3A_59, %get3A_60] {strides = array<i32>} : memref<32x16xi32, #tpu.memory_space<vmem>>, vector<16xi32>,
    %add3A_62 = arith.addi %add3A_51, %get3A_61 : vector<16xi32>
    %gt3A_63 = arith.constant 5 : i32
    %gt3A_64 = arith.cmpi sgt, %add3A, %gt3A_63 : i32
    %jit3A_65 = arith.constant 0 : i32
    %broadcast_in_dim3A_66 = vector.broadcast %jit3A_65 : i32 to vector<16xi32>
    %select_n3A_67 = arith.select %gt3A_64, %get3A_61, %broadcast_in_dim3A_66 : vector<16xi32>
    %add3A_68 = arith.addi %add3A_57, %select_n3A_67 : vector<16xi32>
    %get3A_69 = arith.constant 6 : i32
    %get3A_70 = arith.index_cast %get3A_69 : i32 to index
    %get3A_71 = arith.constant 0 : index
    %get3A_72 = tpu.vector_load %arg8[%get3A_70, %get3A_71] {strides = array<i32>} : memref<32x16xi32, #tpu.memory_space<vmem>>, vector<16xi32>,
    %add3A_73 = arith.addi %add3A_62, %get3A_72 : vector<16xi32>
    %gt3A_74 = arith.constant 6 : i32
    %gt3A_75 = arith.cmpi sgt, %add3A, %gt3A_74 : i32
    %jit3A_76 = arith.constant 0 : i32
    %broadcast_in_dim3A_77 = vector.broadcast %jit3A_76 : i32 to vector<16xi32>
    %select_n3A_78 = arith.select %gt3A_75, %get3A_72, %broadcast_in_dim3A_77 : vector<16xi32>
    %add3A_79 = arith.addi %add3A_68, %select_n3A_78 : vector<16xi32>
    %get3A_80 = arith.constant 7 : i32
    %get3A_81 = arith.index_cast %get3A_80 : i32 to index
    %get3A_82 = arith.constant 0 : index
    %get3A_83 = tpu.vector_load %arg8[%get3A_81, %get3A_82] {strides = array<i32>} : memref<32x16xi32, #tpu.memory_space<vmem>>, vector<16xi32>,
    %add3A_84 = arith.addi %add3A_73, %get3A_83 : vector<16xi32>
    %gt3A_85 = arith.constant 7 : i32
    %gt3A_86 = arith.cmpi sgt, %add3A, %gt3A_85 : i32
    %jit3A_87 = arith.constant 0 : i32
    %broadcast_in_dim3A_88 = vector.broadcast %jit3A_87 : i32 to vector<16xi32>
    %select_n3A_89 = arith.select %gt3A_86, %get3A_83, %broadcast_in_dim3A_88 : vector<16xi32>
    %add3A_90 = arith.addi %add3A_79, %select_n3A_89 : vector<16xi32>
    %get3A_91 = arith.constant 8 : i32
    %get3A_92 = arith.index_cast %get3A_91 : i32 to index
    %get3A_93 = arith.constant 0 : index
    %get3A_94 = tpu.vector_load %arg8[%get3A_92, %get3A_93] {strides = array<i32>} : memref<32x16xi32, #tpu.memory_space<vmem>>, vector<16xi32>,
    %add3A_95 = arith.addi %add3A_84, %get3A_94 : vector<16xi32>
    %gt3A_96 = arith.constant 8 : i32
    %gt3A_97 = arith.cmpi sgt, %add3A, %gt3A_96 : i32
    %jit3A_98 = arith.constant 0 : i32
    %broadcast_in_dim3A_99 = vector.broadcast %jit3A_98 : i32 to vector<16xi32>
    %select_n3A_100 = arith.select %gt3A_97, %get3A_94, %broadcast_in_dim3A_99 : vector<16xi32>
    %add3A_101 = arith.addi %add3A_90, %select_n3A_100 : vector<16xi32>
    %get3A_102 = arith.constant 9 : i32
    %get3A_103 = arith.index_cast %get3A_102 : i32 to index
    %get3A_104 = arith.constant 0 : index
    %get3A_105 = tpu.vector_load %arg8[%get3A_103, %get3A_104] {strides = array<i32>} : memref<32x16xi32, #tpu.memory_space<vmem>>, vector<16xi32>,
    %add3A_106 = arith.addi %add3A_95, %get3A_105 : vector<16xi32>
    %gt3A_107 = arith.constant 9 : i32
    %gt3A_108 = arith.cmpi sgt, %add3A, %gt3A_107 : i32
    %jit3A_109 = arith.constant 0 : i32
    %broadcast_in_dim3A_110 = vector.broadcast %jit3A_109 : i32 to vector<16xi32>
    %select_n3A_111 = arith.select %gt3A_108, %get3A_105, %broadcast_in_dim3A_110 : vector<16xi32>
    %add3A_112 = arith.addi %add3A_101, %select_n3A_111 : vector<16xi32>
    %get3A_113 = arith.constant 10 : i32
    %get3A_114 = arith.index_cast %get3A_113 : i32 to index
    %get3A_115 = arith.constant 0 : index
    %get3A_116 = tpu.vector_load %arg8[%get3A_114, %get3A_115] {strides = array<i32>} : memref<32x16xi32, #tpu.memory_space<vmem>>, vector<16xi32>,
    %add3A_117 = arith.addi %add3A_106, %get3A_116 : vector<16xi32>
    %gt3A_118 = arith.constant 10 : i32
    %gt3A_119 = arith.cmpi sgt, %add3A, %gt3A_118 : i32
    %jit3A_120 = arith.constant 0 : i32
    %broadcast_in_dim3A_121 = vector.broadcast %jit3A_120 : i32 to vector<16xi32>
    %select_n3A_122 = arith.select %gt3A_119, %get3A_116, %broadcast_in_dim3A_121 : vector<16xi32>
    %add3A_123 = arith.addi %add3A_112, %select_n3A_122 : vector<16xi32>
    %get3A_124 = arith.constant 11 : i32
    %get3A_125 = arith.index_cast %get3A_124 : i32 to index
    %get3A_126 = arith.constant 0 : index
    %get3A_127 = tpu.vector_load %arg8[%get3A_125, %get3A_126] {strides = array<i32>} : memref<32x16xi32, #tpu.memory_space<vmem>>, vector<16xi32>,
    %add3A_128 = arith.addi %add3A_117, %get3A_127 : vector<16xi32>
    %gt3A_129 = arith.constant 11 : i32
    %gt3A_130 = arith.cmpi sgt, %add3A, %gt3A_129 : i32
    %jit3A_131 = arith.constant 0 : i32
    %broadcast_in_dim3A_132 = vector.broadcast %jit3A_131 : i32 to vector<16xi32>
    %select_n3A_133 = arith.select %gt3A_130, %get3A_127, %broadcast_in_dim3A_132 : vector<16xi32>
    %add3A_134 = arith.addi %add3A_123, %select_n3A_133 : vector<16xi32>
    %get3A_135 = arith.constant 12 : i32
    %get3A_136 = arith.index_cast %get3A_135 : i32 to index
    %get3A_137 = arith.constant 0 : index
    %get3A_138 = tpu.vector_load %arg8[%get3A_136, %get3A_137] {strides = array<i32>} : memref<32x16xi32, #tpu.memory_space<vmem>>, vector<16xi32>,
    %add3A_139 = arith.addi %add3A_128, %get3A_138 : vector<16xi32>
    %gt3A_140 = arith.constant 12 : i32
    %gt3A_141 = arith.cmpi sgt, %add3A, %gt3A_140 : i32
    %jit3A_142 = arith.constant 0 : i32
    %broadcast_in_dim3A_143 = vector.broadcast %jit3A_142 : i32 to vector<16xi32>
    %select_n3A_144 = arith.select %gt3A_141, %get3A_138, %broadcast_in_dim3A_143 : vector<16xi32>
    %add3A_145 = arith.addi %add3A_134, %select_n3A_144 : vector<16xi32>
    %get3A_146 = arith.constant 13 : i32
    %get3A_147 = arith.index_cast %get3A_146 : i32 to index
    %get3A_148 = arith.constant 0 : index
    %get3A_149 = tpu.vector_load %arg8[%get3A_147, %get3A_148] {strides = array<i32>} : memref<32x16xi32, #tpu.memory_space<vmem>>, vector<16xi32>,
    %add3A_150 = arith.addi %add3A_139, %get3A_149 : vector<16xi32>
    %gt3A_151 = arith.constant 13 : i32
    %gt3A_152 = arith.cmpi sgt, %add3A, %gt3A_151 : i32
    %jit3A_153 = arith.constant 0 : i32
    %broadcast_in_dim3A_154 = vector.broadcast %jit3A_153 : i32 to vector<16xi32>
    %select_n3A_155 = arith.select %gt3A_152, %get3A_149, %broadcast_in_dim3A_154 : vector<16xi32>
    %add3A_156 = arith.addi %add3A_145, %select_n3A_155 : vector<16xi32>
    %get3A_157 = arith.constant 14 : i32
    %get3A_158 = arith.index_cast %get3A_157 : i32 to index
    %get3A_159 = arith.constant 0 : index
    %get3A_160 = tpu.vector_load %arg8[%get3A_158, %get3A_159] {strides = array<i32>} : memref<32x16xi32, #tpu.memory_space<vmem>>, vector<16xi32>,
    %add3A_161 = arith.addi %add3A_150, %get3A_160 : vector<16xi32>
    %gt3A_162 = arith.constant 14 : i32
    %gt3A_163 = arith.cmpi sgt, %add3A, %gt3A_162 : i32
    %jit3A_164 = arith.constant 0 : i32
    %broadcast_in_dim3A_165 = vector.broadcast %jit3A_164 : i32 to vector<16xi32>
    %select_n3A_166 = arith.select %gt3A_163, %get3A_160, %broadcast_in_dim3A_165 : vector<16xi32>
    %add3A_167 = arith.addi %add3A_156, %select_n3A_166 : vector<16xi32>
    %get3A_168 = arith.constant 15 : i32
    %get3A_169 = arith.index_cast %get3A_168 : i32 to index
    %get3A_170 = arith.constant 0 : index
    %get3A_171 = tpu.vector_load %arg8[%get3A_169, %get3A_170] {strides = array<i32>} : memref<32x16xi32, #tpu.memory_space<vmem>>, vector<16xi32>,
    %add3A_172 = arith.addi %add3A_161, %get3A_171 : vector<16xi32>
    %gt3A_173 = arith.constant 15 : i32
    %gt3A_174 = arith.cmpi sgt, %add3A, %gt3A_173 : i32
    %jit3A_175 = arith.constant 0 : i32
    %broadcast_in_dim3A_176 = vector.broadcast %jit3A_175 : i32 to vector<16xi32>
    %select_n3A_177 = arith.select %gt3A_174, %get3A_171, %broadcast_in_dim3A_176 : vector<16xi32>
    %add3A_178 = arith.addi %add3A_167, %select_n3A_177 : vector<16xi32>
    %get3A_179 = arith.constant 16 : i32
    %get3A_180 = arith.index_cast %get3A_179 : i32 to index
    %get3A_181 = arith.constant 0 : index
    %get3A_182 = tpu.vector_load %arg8[%get3A_180, %get3A_181] {strides = array<i32>} : memref<32x16xi32, #tpu.memory_space<vmem>>, vector<16xi32>,
    %add3A_183 = arith.addi %add3A_172, %get3A_182 : vector<16xi32>
    %gt3A_184 = arith.constant 16 : i32
    %gt3A_185 = arith.cmpi sgt, %add3A, %gt3A_184 : i32
    %jit3A_186 = arith.constant 0 : i32
    %broadcast_in_dim3A_187 = vector.broadcast %jit3A_186 : i32 to vector<16xi32>
    %select_n3A_188 = arith.select %gt3A_185, %get3A_182, %broadcast_in_dim3A_187 : vector<16xi32>
    %add3A_189 = arith.addi %add3A_178, %select_n3A_188 : vector<16xi32>
    %get3A_190 = arith.constant 17 : i32
    %get3A_191 = arith.index_cast %get3A_190 : i32 to index
    %get3A_192 = arith.constant 0 : index
    %get3A_193 = tpu.vector_load %arg8[%get3A_191, %get3A_192] {strides = array<i32>} : memref<32x16xi32, #tpu.memory_space<vmem>>, vector<16xi32>,
    %add3A_194 = arith.addi %add3A_183, %get3A_193 : vector<16xi32>
    %gt3A_195 = arith.constant 17 : i32
    %gt3A_196 = arith.cmpi sgt, %add3A, %gt3A_195 : i32
    %jit3A_197 = arith.constant 0 : i32
    %broadcast_in_dim3A_198 = vector.broadcast %jit3A_197 : i32 to vector<16xi32>
    %select_n3A_199 = arith.select %gt3A_196, %get3A_193, %broadcast_in_dim3A_198 : vector<16xi32>
    %add3A_200 = arith.addi %add3A_189, %select_n3A_199 : vector<16xi32>
    %get3A_201 = arith.constant 18 : i32
    %get3A_202 = arith.index_cast %get3A_201 : i32 to index
    %get3A_203 = arith.constant 0 : index
    %get3A_204 = tpu.vector_load %arg8[%get3A_202, %get3A_203] {strides = array<i32>} : memref<32x16xi32, #tpu.memory_space<vmem>>, vector<16xi32>,
    %add3A_205 = arith.addi %add3A_194, %get3A_204 : vector<16xi32>
    %gt3A_206 = arith.constant 18 : i32
    %gt3A_207 = arith.cmpi sgt, %add3A, %gt3A_206 : i32
    %jit3A_208 = arith.constant 0 : i32
    %broadcast_in_dim3A_209 = vector.broadcast %jit3A_208 : i32 to vector<16xi32>
    %select_n3A_210 = arith.select %gt3A_207, %get3A_204, %broadcast_in_dim3A_209 : vector<16xi32>
    %add3A_211 = arith.addi %add3A_200, %select_n3A_210 : vector<16xi32>
    %get3A_212 = arith.constant 19 : i32
    %get3A_213 = arith.index_cast %get3A_212 : i32 to index
    %get3A_214 = arith.constant 0 : index
    %get3A_215 = tpu.vector_load %arg8[%get3A_213, %get3A_214] {strides = array<i32>} : memref<32x16xi32, #tpu.memory_space<vmem>>, vector<16xi32>,
    %add3A_216 = arith.addi %add3A_205, %get3A_215 : vector<16xi32>
    %gt3A_217 = arith.constant 19 : i32
    %gt3A_218 = arith.cmpi sgt, %add3A, %gt3A_217 : i32
    %jit3A_219 = arith.constant 0 : i32
    %broadcast_in_dim3A_220 = vector.broadcast %jit3A_219 : i32 to vector<16xi32>
    %select_n3A_221 = arith.select %gt3A_218, %get3A_215, %broadcast_in_dim3A_220 : vector<16xi32>
    %add3A_222 = arith.addi %add3A_211, %select_n3A_221 : vector<16xi32>
    %get3A_223 = arith.constant 20 : i32
    %get3A_224 = arith.index_cast %get3A_223 : i32 to index
    %get3A_225 = arith.constant 0 : index
    %get3A_226 = tpu.vector_load %arg8[%get3A_224, %get3A_225] {strides = array<i32>} : memref<32x16xi32, #tpu.memory_space<vmem>>, vector<16xi32>,
    %add3A_227 = arith.addi %add3A_216, %get3A_226 : vector<16xi32>
    %gt3A_228 = arith.constant 20 : i32
    %gt3A_229 = arith.cmpi sgt, %add3A, %gt3A_228 : i32
    %jit3A_230 = arith.constant 0 : i32
    %broadcast_in_dim3A_231 = vector.broadcast %jit3A_230 : i32 to vector<16xi32>
    %select_n3A_232 = arith.select %gt3A_229, %get3A_226, %broadcast_in_dim3A_231 : vector<16xi32>
    %add3A_233 = arith.addi %add3A_222, %select_n3A_232 : vector<16xi32>
    %get3A_234 = arith.constant 21 : i32
    %get3A_235 = arith.index_cast %get3A_234 : i32 to index
    %get3A_236 = arith.constant 0 : index
    %get3A_237 = tpu.vector_load %arg8[%get3A_235, %get3A_236] {strides = array<i32>} : memref<32x16xi32, #tpu.memory_space<vmem>>, vector<16xi32>,
    %add3A_238 = arith.addi %add3A_227, %get3A_237 : vector<16xi32>
    %gt3A_239 = arith.constant 21 : i32
    %gt3A_240 = arith.cmpi sgt, %add3A, %gt3A_239 : i32
    %jit3A_241 = arith.constant 0 : i32
    %broadcast_in_dim3A_242 = vector.broadcast %jit3A_241 : i32 to vector<16xi32>
    %select_n3A_243 = arith.select %gt3A_240, %get3A_237, %broadcast_in_dim3A_242 : vector<16xi32>
    %add3A_244 = arith.addi %add3A_233, %select_n3A_243 : vector<16xi32>
    %get3A_245 = arith.constant 22 : i32
    %get3A_246 = arith.index_cast %get3A_245 : i32 to index
    %get3A_247 = arith.constant 0 : index
    %get3A_248 = tpu.vector_load %arg8[%get3A_246, %get3A_247] {strides = array<i32>} : memref<32x16xi32, #tpu.memory_space<vmem>>, vector<16xi32>,
    %add3A_249 = arith.addi %add3A_238, %get3A_248 : vector<16xi32>
    %gt3A_250 = arith.constant 22 : i32
    %gt3A_251 = arith.cmpi sgt, %add3A, %gt3A_250 : i32
    %jit3A_252 = arith.constant 0 : i32
    %broadcast_in_dim3A_253 = vector.broadcast %jit3A_252 : i32 to vector<16xi32>
    %select_n3A_254 = arith.select %gt3A_251, %get3A_248, %broadcast_in_dim3A_253 : vector<16xi32>
    %add3A_255 = arith.addi %add3A_244, %select_n3A_254 : vector<16xi32>
    %get3A_256 = arith.constant 23 : i32
    %get3A_257 = arith.index_cast %get3A_256 : i32 to index
    %get3A_258 = arith.constant 0 : index
    %get3A_259 = tpu.vector_load %arg8[%get3A_257, %get3A_258] {strides = array<i32>} : memref<32x16xi32, #tpu.memory_space<vmem>>, vector<16xi32>,
    %add3A_260 = arith.addi %add3A_249, %get3A_259 : vector<16xi32>
    %gt3A_261 = arith.constant 23 : i32
    %gt3A_262 = arith.cmpi sgt, %add3A, %gt3A_261 : i32
    %jit3A_263 = arith.constant 0 : i32
    %broadcast_in_dim3A_264 = vector.broadcast %jit3A_263 : i32 to vector<16xi32>
    %select_n3A_265 = arith.select %gt3A_262, %get3A_259, %broadcast_in_dim3A_264 : vector<16xi32>
    %add3A_266 = arith.addi %add3A_255, %select_n3A_265 : vector<16xi32>
    %get3A_267 = arith.constant 24 : i32
    %get3A_268 = arith.index_cast %get3A_267 : i32 to index
    %get3A_269 = arith.constant 0 : index
    %get3A_270 = tpu.vector_load %arg8[%get3A_268, %get3A_269] {strides = array<i32>} : memref<32x16xi32, #tpu.memory_space<vmem>>, vector<16xi32>,
    %add3A_271 = arith.addi %add3A_260, %get3A_270 : vector<16xi32>
    %gt3A_272 = arith.constant 24 : i32
    %gt3A_273 = arith.cmpi sgt, %add3A, %gt3A_272 : i32
    %jit3A_274 = arith.constant 0 : i32
    %broadcast_in_dim3A_275 = vector.broadcast %jit3A_274 : i32 to vector<16xi32>
    %select_n3A_276 = arith.select %gt3A_273, %get3A_270, %broadcast_in_dim3A_275 : vector<16xi32>
    %add3A_277 = arith.addi %add3A_266, %select_n3A_276 : vector<16xi32>
    %get3A_278 = arith.constant 25 : i32
    %get3A_279 = arith.index_cast %get3A_278 : i32 to index
    %get3A_280 = arith.constant 0 : index
    %get3A_281 = tpu.vector_load %arg8[%get3A_279, %get3A_280] {strides = array<i32>} : memref<32x16xi32, #tpu.memory_space<vmem>>, vector<16xi32>,
    %add3A_282 = arith.addi %add3A_271, %get3A_281 : vector<16xi32>
    %gt3A_283 = arith.constant 25 : i32
    %gt3A_284 = arith.cmpi sgt, %add3A, %gt3A_283 : i32
    %jit3A_285 = arith.constant 0 : i32
    %broadcast_in_dim3A_286 = vector.broadcast %jit3A_285 : i32 to vector<16xi32>
    %select_n3A_287 = arith.select %gt3A_284, %get3A_281, %broadcast_in_dim3A_286 : vector<16xi32>
    %add3A_288 = arith.addi %add3A_277, %select_n3A_287 : vector<16xi32>
    %get3A_289 = arith.constant 26 : i32
    %get3A_290 = arith.index_cast %get3A_289 : i32 to index
    %get3A_291 = arith.constant 0 : index
    %get3A_292 = tpu.vector_load %arg8[%get3A_290, %get3A_291] {strides = array<i32>} : memref<32x16xi32, #tpu.memory_space<vmem>>, vector<16xi32>,
    %add3A_293 = arith.addi %add3A_282, %get3A_292 : vector<16xi32>
    %gt3A_294 = arith.constant 26 : i32
    %gt3A_295 = arith.cmpi sgt, %add3A, %gt3A_294 : i32
    %jit3A_296 = arith.constant 0 : i32
    %broadcast_in_dim3A_297 = vector.broadcast %jit3A_296 : i32 to vector<16xi32>
    %select_n3A_298 = arith.select %gt3A_295, %get3A_292, %broadcast_in_dim3A_297 : vector<16xi32>
    %add3A_299 = arith.addi %add3A_288, %select_n3A_298 : vector<16xi32>
    %get3A_300 = arith.constant 27 : i32
    %get3A_301 = arith.index_cast %get3A_300 : i32 to index
    %get3A_302 = arith.constant 0 : index
    %get3A_303 = tpu.vector_load %arg8[%get3A_301, %get3A_302] {strides = array<i32>} : memref<32x16xi32, #tpu.memory_space<vmem>>, vector<16xi32>,
    %add3A_304 = arith.addi %add3A_293, %get3A_303 : vector<16xi32>
    %gt3A_305 = arith.constant 27 : i32
    %gt3A_306 = arith.cmpi sgt, %add3A, %gt3A_305 : i32
    %jit3A_307 = arith.constant 0 : i32
    %broadcast_in_dim3A_308 = vector.broadcast %jit3A_307 : i32 to vector<16xi32>
    %select_n3A_309 = arith.select %gt3A_306, %get3A_303, %broadcast_in_dim3A_308 : vector<16xi32>
    %add3A_310 = arith.addi %add3A_299, %select_n3A_309 : vector<16xi32>
    %get3A_311 = arith.constant 28 : i32
    %get3A_312 = arith.index_cast %get3A_311 : i32 to index
    %get3A_313 = arith.constant 0 : index
    %get3A_314 = tpu.vector_load %arg8[%get3A_312, %get3A_313] {strides = array<i32>} : memref<32x16xi32, #tpu.memory_space<vmem>>, vector<16xi32>,
    %add3A_315 = arith.addi %add3A_304, %get3A_314 : vector<16xi32>
    %gt3A_316 = arith.constant 28 : i32
    %gt3A_317 = arith.cmpi sgt, %add3A, %gt3A_316 : i32
    %jit3A_318 = arith.constant 0 : i32
    %broadcast_in_dim3A_319 = vector.broadcast %jit3A_318 : i32 to vector<16xi32>
    %select_n3A_320 = arith.select %gt3A_317, %get3A_314, %broadcast_in_dim3A_319 : vector<16xi32>
    %add3A_321 = arith.addi %add3A_310, %select_n3A_320 : vector<16xi32>
    %get3A_322 = arith.constant 29 : i32
    %get3A_323 = arith.index_cast %get3A_322 : i32 to index
    %get3A_324 = arith.constant 0 : index
    %get3A_325 = tpu.vector_load %arg8[%get3A_323, %get3A_324] {strides = array<i32>} : memref<32x16xi32, #tpu.memory_space<vmem>>, vector<16xi32>,
    %add3A_326 = arith.addi %add3A_315, %get3A_325 : vector<16xi32>
    %gt3A_327 = arith.constant 29 : i32
    %gt3A_328 = arith.cmpi sgt, %add3A, %gt3A_327 : i32
    %jit3A_329 = arith.constant 0 : i32
    %broadcast_in_dim3A_330 = vector.broadcast %jit3A_329 : i32 to vector<16xi32>
    %select_n3A_331 = arith.select %gt3A_328, %get3A_325, %broadcast_in_dim3A_330 : vector<16xi32>
    %add3A_332 = arith.addi %add3A_321, %select_n3A_331 : vector<16xi32>
    %get3A_333 = arith.constant 30 : i32
    %get3A_334 = arith.index_cast %get3A_333 : i32 to index
    %get3A_335 = arith.constant 0 : index
    %get3A_336 = tpu.vector_load %arg8[%get3A_334, %get3A_335] {strides = array<i32>} : memref<32x16xi32, #tpu.memory_space<vmem>>, vector<16xi32>,
    %add3A_337 = arith.addi %add3A_326, %get3A_336 : vector<16xi32>
    %gt3A_338 = arith.constant 30 : i32
    %gt3A_339 = arith.cmpi sgt, %add3A, %gt3A_338 : i32
    %jit3A_340 = arith.constant 0 : i32
    %broadcast_in_dim3A_341 = vector.broadcast %jit3A_340 : i32 to vector<16xi32>
    %select_n3A_342 = arith.select %gt3A_339, %get3A_336, %broadcast_in_dim3A_341 : vector<16xi32>
    %add3A_343 = arith.addi %add3A_332, %select_n3A_342 : vector<16xi32>
    %get3A_344 = arith.constant 31 : i32
    %get3A_345 = arith.index_cast %get3A_344 : i32 to index
    %get3A_346 = arith.constant 0 : index
    %get3A_347 = tpu.vector_load %arg8[%get3A_345, %get3A_346] {strides = array<i32>} : memref<32x16xi32, #tpu.memory_space<vmem>>, vector<16xi32>,
    %add3A_348 = arith.addi %add3A_337, %get3A_347 : vector<16xi32>
    %gt3A_349 = arith.constant 31 : i32
    %gt3A_350 = arith.cmpi sgt, %add3A, %gt3A_349 : i32
    %jit3A_351 = arith.constant 0 : i32
    %broadcast_in_dim3A_352 = vector.broadcast %jit3A_351 : i32 to vector<16xi32>
    %select_n3A_353 = arith.select %gt3A_350, %get3A_347, %broadcast_in_dim3A_352 : vector<16xi32>
    %add3A_354 = arith.addi %add3A_343, %select_n3A_353 : vector<16xi32>
    %broadcast_in_dim3A_355 = arith.constant true
    %broadcast_in_dim3A_356 = vector.broadcast %broadcast_in_dim3A_355 : i1 to vector<16xi1>
    %masked_cumsum3A = tpu.scan <sum>, %add3A_348 masked %broadcast_in_dim3A_356 : vector<16xi32>, vector<16xi1> -> vector<16xi32>
    %sub3A = arith.subi %masked_cumsum3A, %add3A_348 : vector<16xi32>
    %add3A_357 = arith.addi %sub3A, %add3A_354 : vector<16xi32>
    %slice3A = vector.extract_strided_slice %add3A_357 {offsets = [0], sizes = [1], strides = [1]} : vector<16xi32> to vector<1xi32>
    %squeeze3A = vector.extract %slice3A[0] : i32 from vector<1xi32>
    %slice3A_358 = vector.extract_strided_slice %add3A_357 {offsets = [1], sizes = [1], strides = [1]} : vector<16xi32> to vector<1xi32>
    %squeeze3A_359 = vector.extract %slice3A_358[0] : i32 from vector<1xi32>
    %slice3A_360 = vector.extract_strided_slice %add3A_357 {offsets = [2], sizes = [1], strides = [1]} : vector<16xi32> to vector<1xi32>
    %squeeze3A_361 = vector.extract %slice3A_360[0] : i32 from vector<1xi32>
    %slice3A_362 = vector.extract_strided_slice %add3A_357 {offsets = [3], sizes = [1], strides = [1]} : vector<16xi32> to vector<1xi32>
    %squeeze3A_363 = vector.extract %slice3A_362[0] : i32 from vector<1xi32>
    %slice3A_364 = vector.extract_strided_slice %add3A_357 {offsets = [4], sizes = [1], strides = [1]} : vector<16xi32> to vector<1xi32>
    %squeeze3A_365 = vector.extract %slice3A_364[0] : i32 from vector<1xi32>
    %slice3A_366 = vector.extract_strided_slice %add3A_357 {offsets = [5], sizes = [1], strides = [1]} : vector<16xi32> to vector<1xi32>
    %squeeze3A_367 = vector.extract %slice3A_366[0] : i32 from vector<1xi32>
    %slice3A_368 = vector.extract_strided_slice %add3A_357 {offsets = [6], sizes = [1], strides = [1]} : vector<16xi32> to vector<1xi32>
    %squeeze3A_369 = vector.extract %slice3A_368[0] : i32 from vector<1xi32>
    %slice3A_370 = vector.extract_strided_slice %add3A_357 {offsets = [7], sizes = [1], strides = [1]} : vector<16xi32> to vector<1xi32>
    %squeeze3A_371 = vector.extract %slice3A_370[0] : i32 from vector<1xi32>
    %dma_wait3A = tpu.memref_slice %arg2[%mul3A_2] : memref<4096xi32, #tpu.memory_space<hbm>> -> memref<128xi32, #tpu.memory_space<hbm>>
    %dma_wait3A_372 = tpu.memref_slice %arg2[%mul3A_2] : memref<4096xi32, #tpu.memory_space<hbm>> -> memref<128xi32, #tpu.memory_space<hbm>>
    tpu.wait_dma2 semaphore(%arg11 : memref<!tpu.dma_semaphore, #tpu.memory_space<semaphore_mem>>) src(%dma_wait3A_372 : memref<128xi32, #tpu.memory_space<hbm>>) dst(%arg7 : memref<128xi32, #tpu.memory_space<vmem>>)
    %get3A_373 = arith.constant 0 : index
    %get3A_374 = tpu.vector_load %arg7[%get3A_373] {strides = array<i32>} : memref<128xi32, #tpu.memory_space<vmem>>, vector<16xi32>,
    %broadcast_in_dim3A_375 = arith.constant 0 : i32
    %broadcast_in_dim3A_376 = vector.broadcast %broadcast_in_dim3A_375 : i32 to vector<16xi32>
    %eq3A = arith.constant 0 : i32
    %eq3A_377 = vector.broadcast %eq3A : i32 to vector<16xi32>
    %eq3A_378 = arith.cmpi eq, %get3A_374, %eq3A_377 : vector<16xi32>
    %convert_element_type3A = arith.extui %eq3A_378 : vector<16xi1> to vector<16xi32>
    %broadcast_in_dim3A_379 = arith.constant true
    %broadcast_in_dim3A_380 = vector.broadcast %broadcast_in_dim3A_379 : i1 to vector<16xi1>
    %masked_cumsum3A_381 = tpu.scan <sum>, %convert_element_type3A masked %broadcast_in_dim3A_380 : vector<16xi32>, vector<16xi1> -> vector<16xi32>
    %add3A_382 = vector.broadcast %squeeze3A : i32 to vector<16xi32>
    %add3A_383 = arith.addi %add3A_382, %masked_cumsum3A_381 : vector<16xi32>
    %sub3A_384 = arith.constant 1 : i32
    %sub3A_385 = vector.broadcast %sub3A_384 : i32 to vector<16xi32>
    %sub3A_386 = arith.subi %add3A_383, %sub3A_385 : vector<16xi32>
    %select_n3A_387 = arith.select %eq3A_378, %sub3A_386, %broadcast_in_dim3A_376 : vector<16xi1>, vector<16xi32>
    %slice3A_388 = vector.extract_strided_slice %masked_cumsum3A_381 {offsets = [15], sizes = [1], strides = [1]} : vector<16xi32> to vector<1xi32>
    %squeeze3A_389 = vector.extract %slice3A_388[0] : i32 from vector<1xi32>
    %add3A_390 = arith.addi %squeeze3A, %squeeze3A_389 : i32
    %eq3A_391 = arith.constant 1 : i32
    %eq3A_392 = vector.broadcast %eq3A_391 : i32 to vector<16xi32>
    %eq3A_393 = arith.cmpi eq, %get3A_374, %eq3A_392 : vector<16xi32>
    %convert_element_type3A_394 = arith.extui %eq3A_393 : vector<16xi1> to vector<16xi32>
    %broadcast_in_dim3A_395 = arith.constant true
    %broadcast_in_dim3A_396 = vector.broadcast %broadcast_in_dim3A_395 : i1 to vector<16xi1>
    %masked_cumsum3A_397 = tpu.scan <sum>, %convert_element_type3A_394 masked %broadcast_in_dim3A_396 : vector<16xi32>, vector<16xi1> -> vector<16xi32>
    %add3A_398 = vector.broadcast %squeeze3A_359 : i32 to vector<16xi32>
    %add3A_399 = arith.addi %add3A_398, %masked_cumsum3A_397 : vector<16xi32>
    %sub3A_400 = arith.constant 1 : i32
    %sub3A_401 = vector.broadcast %sub3A_400 : i32 to vector<16xi32>
    %sub3A_402 = arith.subi %add3A_399, %sub3A_401 : vector<16xi32>
    %select_n3A_403 = arith.select %eq3A_393, %sub3A_402, %select_n3A_387 : vector<16xi1>, vector<16xi32>
    %slice3A_404 = vector.extract_strided_slice %masked_cumsum3A_397 {offsets = [15], sizes = [1], strides = [1]} : vector<16xi32> to vector<1xi32>
    %squeeze3A_405 = vector.extract %slice3A_404[0] : i32 from vector<1xi32>
    %add3A_406 = arith.addi %squeeze3A_359, %squeeze3A_405 : i32
    %eq3A_407 = arith.constant 2 : i32
    %eq3A_408 = vector.broadcast %eq3A_407 : i32 to vector<16xi32>
    %eq3A_409 = arith.cmpi eq, %get3A_374, %eq3A_408 : vector<16xi32>
    %convert_element_type3A_410 = arith.extui %eq3A_409 : vector<16xi1> to vector<16xi32>
    %broadcast_in_dim3A_411 = arith.constant true
    %broadcast_in_dim3A_412 = vector.broadcast %broadcast_in_dim3A_411 : i1 to vector<16xi1>
    %masked_cumsum3A_413 = tpu.scan <sum>, %convert_element_type3A_410 masked %broadcast_in_dim3A_412 : vector<16xi32>, vector<16xi1> -> vector<16xi32>
    %add3A_414 = vector.broadcast %squeeze3A_361 : i32 to vector<16xi32>
    %add3A_415 = arith.addi %add3A_414, %masked_cumsum3A_413 : vector<16xi32>
    %sub3A_416 = arith.constant 1 : i32
    %sub3A_417 = vector.broadcast %sub3A_416 : i32 to vector<16xi32>
    %sub3A_418 = arith.subi %add3A_415, %sub3A_417 : vector<16xi32>
    %select_n3A_419 = arith.select %eq3A_409, %sub3A_418, %select_n3A_403 : vector<16xi1>, vector<16xi32>
    %slice3A_420 = vector.extract_strided_slice %masked_cumsum3A_413 {offsets = [15], sizes = [1], strides = [1]} : vector<16xi32> to vector<1xi32>
    %squeeze3A_421 = vector.extract %slice3A_420[0] : i32 from vector<1xi32>
    %add3A_422 = arith.addi %squeeze3A_361, %squeeze3A_421 : i32
    %eq3A_423 = arith.constant 3 : i32
    %eq3A_424 = vector.broadcast %eq3A_423 : i32 to vector<16xi32>
    %eq3A_425 = arith.cmpi eq, %get3A_374, %eq3A_424 : vector<16xi32>
    %convert_element_type3A_426 = arith.extui %eq3A_425 : vector<16xi1> to vector<16xi32>
    %broadcast_in_dim3A_427 = arith.constant true
    %broadcast_in_dim3A_428 = vector.broadcast %broadcast_in_dim3A_427 : i1 to vector<16xi1>
    %masked_cumsum3A_429 = tpu.scan <sum>, %convert_element_type3A_426 masked %broadcast_in_dim3A_428 : vector<16xi32>, vector<16xi1> -> vector<16xi32>
    %add3A_430 = vector.broadcast %squeeze3A_363 : i32 to vector<16xi32>
    %add3A_431 = arith.addi %add3A_430, %masked_cumsum3A_429 : vector<16xi32>
    %sub3A_432 = arith.constant 1 : i32
    %sub3A_433 = vector.broadcast %sub3A_432 : i32 to vector<16xi32>
    %sub3A_434 = arith.subi %add3A_431, %sub3A_433 : vector<16xi32>
    %select_n3A_435 = arith.select %eq3A_425, %sub3A_434, %select_n3A_419 : vector<16xi1>, vector<16xi32>
    %slice3A_436 = vector.extract_strided_slice %masked_cumsum3A_429 {offsets = [15], sizes = [1], strides = [1]} : vector<16xi32> to vector<1xi32>
    %squeeze3A_437 = vector.extract %slice3A_436[0] : i32 from vector<1xi32>
    %add3A_438 = arith.addi %squeeze3A_363, %squeeze3A_437 : i32
    %eq3A_439 = arith.constant 4 : i32
    %eq3A_440 = vector.broadcast %eq3A_439 : i32 to vector<16xi32>
    %eq3A_441 = arith.cmpi eq, %get3A_374, %eq3A_440 : vector<16xi32>
    %convert_element_type3A_442 = arith.extui %eq3A_441 : vector<16xi1> to vector<16xi32>
    %broadcast_in_dim3A_443 = arith.constant true
    %broadcast_in_dim3A_444 = vector.broadcast %broadcast_in_dim3A_443 : i1 to vector<16xi1>
    %masked_cumsum3A_445 = tpu.scan <sum>, %convert_element_type3A_442 masked %broadcast_in_dim3A_444 : vector<16xi32>, vector<16xi1> -> vector<16xi32>
    %add3A_446 = vector.broadcast %squeeze3A_365 : i32 to vector<16xi32>
    %add3A_447 = arith.addi %add3A_446, %masked_cumsum3A_445 : vector<16xi32>
    %sub3A_448 = arith.constant 1 : i32
    %sub3A_449 = vector.broadcast %sub3A_448 : i32 to vector<16xi32>
    %sub3A_450 = arith.subi %add3A_447, %sub3A_449 : vector<16xi32>
    %select_n3A_451 = arith.select %eq3A_441, %sub3A_450, %select_n3A_435 : vector<16xi1>, vector<16xi32>
    %slice3A_452 = vector.extract_strided_slice %masked_cumsum3A_445 {offsets = [15], sizes = [1], strides = [1]} : vector<16xi32> to vector<1xi32>
    %squeeze3A_453 = vector.extract %slice3A_452[0] : i32 from vector<1xi32>
    %add3A_454 = arith.addi %squeeze3A_365, %squeeze3A_453 : i32
    %eq3A_455 = arith.constant 5 : i32
    %eq3A_456 = vector.broadcast %eq3A_455 : i32 to vector<16xi32>
    %eq3A_457 = arith.cmpi eq, %get3A_374, %eq3A_456 : vector<16xi32>
    %convert_element_type3A_458 = arith.extui %eq3A_457 : vector<16xi1> to vector<16xi32>
    %broadcast_in_dim3A_459 = arith.constant true
    %broadcast_in_dim3A_460 = vector.broadcast %broadcast_in_dim3A_459 : i1 to vector<16xi1>
    %masked_cumsum3A_461 = tpu.scan <sum>, %convert_element_type3A_458 masked %broadcast_in_dim3A_460 : vector<16xi32>, vector<16xi1> -> vector<16xi32>
    %add3A_462 = vector.broadcast %squeeze3A_367 : i32 to vector<16xi32>
    %add3A_463 = arith.addi %add3A_462, %masked_cumsum3A_461 : vector<16xi32>
    %sub3A_464 = arith.constant 1 : i32
    %sub3A_465 = vector.broadcast %sub3A_464 : i32 to vector<16xi32>
    %sub3A_466 = arith.subi %add3A_463, %sub3A_465 : vector<16xi32>
    %select_n3A_467 = arith.select %eq3A_457, %sub3A_466, %select_n3A_451 : vector<16xi1>, vector<16xi32>
    %slice3A_468 = vector.extract_strided_slice %masked_cumsum3A_461 {offsets = [15], sizes = [1], strides = [1]} : vector<16xi32> to vector<1xi32>
    %squeeze3A_469 = vector.extract %slice3A_468[0] : i32 from vector<1xi32>
    %add3A_470 = arith.addi %squeeze3A_367, %squeeze3A_469 : i32
    %eq3A_471 = arith.constant 6 : i32
    %eq3A_472 = vector.broadcast %eq3A_471 : i32 to vector<16xi32>
    %eq3A_473 = arith.cmpi eq, %get3A_374, %eq3A_472 : vector<16xi32>
    %convert_element_type3A_474 = arith.extui %eq3A_473 : vector<16xi1> to vector<16xi32>
    %broadcast_in_dim3A_475 = arith.constant true
    %broadcast_in_dim3A_476 = vector.broadcast %broadcast_in_dim3A_475 : i1 to vector<16xi1>
    %masked_cumsum3A_477 = tpu.scan <sum>, %convert_element_type3A_474 masked %broadcast_in_dim3A_476 : vector<16xi32>, vector<16xi1> -> vector<16xi32>
    %add3A_478 = vector.broadcast %squeeze3A_369 : i32 to vector<16xi32>
    %add3A_479 = arith.addi %add3A_478, %masked_cumsum3A_477 : vector<16xi32>
    %sub3A_480 = arith.constant 1 : i32
    %sub3A_481 = vector.broadcast %sub3A_480 : i32 to vector<16xi32>
    %sub3A_482 = arith.subi %add3A_479, %sub3A_481 : vector<16xi32>
    %select_n3A_483 = arith.select %eq3A_473, %sub3A_482, %select_n3A_467 : vector<16xi1>, vector<16xi32>
    %slice3A_484 = vector.extract_strided_slice %masked_cumsum3A_477 {offsets = [15], sizes = [1], strides = [1]} : vector<16xi32> to vector<1xi32>
    %squeeze3A_485 = vector.extract %slice3A_484[0] : i32 from vector<1xi32>
    %add3A_486 = arith.addi %squeeze3A_369, %squeeze3A_485 : i32
    %eq3A_487 = arith.constant 7 : i32
    %eq3A_488 = vector.broadcast %eq3A_487 : i32 to vector<16xi32>
    %eq3A_489 = arith.cmpi eq, %get3A_374, %eq3A_488 : vector<16xi32>
    %convert_element_type3A_490 = arith.extui %eq3A_489 : vector<16xi1> to vector<16xi32>
    %broadcast_in_dim3A_491 = arith.constant true
    %broadcast_in_dim3A_492 = vector.broadcast %broadcast_in_dim3A_491 : i1 to vector<16xi1>
    %masked_cumsum3A_493 = tpu.scan <sum>, %convert_element_type3A_490 masked %broadcast_in_dim3A_492 : vector<16xi32>, vector<16xi1> -> vector<16xi32>
    %add3A_494 = vector.broadcast %squeeze3A_371 : i32 to vector<16xi32>
    %add3A_495 = arith.addi %add3A_494, %masked_cumsum3A_493 : vector<16xi32>
    %sub3A_496 = arith.constant 1 : i32
    %sub3A_497 = vector.broadcast %sub3A_496 : i32 to vector<16xi32>
    %sub3A_498 = arith.subi %add3A_495, %sub3A_497 : vector<16xi32>
    %select_n3A_499 = arith.select %eq3A_489, %sub3A_498, %select_n3A_483 : vector<16xi1>, vector<16xi32>
    %slice3A_500 = vector.extract_strided_slice %masked_cumsum3A_493 {offsets = [15], sizes = [1], strides = [1]} : vector<16xi32> to vector<1xi32>
    %squeeze3A_501 = vector.extract %slice3A_500[0] : i32 from vector<1xi32>
    %add3A_502 = arith.addi %squeeze3A_371, %squeeze3A_501 : i32
    %swap3A = arith.constant 0 : i32
    %swap3A_503 = arith.index_cast %swap3A : i32 to index
    %swap3A_504 = arith.constant 0 : index
    %swap3A_505 = tpu.vector_load %arg9[%swap3A_503, %swap3A_504] {strides = array<i32>} : memref<2x64xi32, #tpu.memory_space<vmem>>, vector<16xi32>,
    tpu.vector_store %arg9[%swap3A_503, %swap3A_504], %select_n3A_499 {strides = array<i32>} : memref<2x64xi32, #tpu.memory_space<vmem>>, vector<16xi32>,
    %get3A_506 = arith.constant 16 : index
    %get3A_507 = tpu.vector_load %arg7[%get3A_506] {strides = array<i32>} : memref<128xi32, #tpu.memory_space<vmem>>, vector<16xi32>,
    %broadcast_in_dim3A_508 = arith.constant 0 : i32
    %broadcast_in_dim3A_509 = vector.broadcast %broadcast_in_dim3A_508 : i32 to vector<16xi32>
    %eq3A_510 = arith.constant 0 : i32
    %eq3A_511 = vector.broadcast %eq3A_510 : i32 to vector<16xi32>
    %eq3A_512 = arith.cmpi eq, %get3A_507, %eq3A_511 : vector<16xi32>
    %convert_element_type3A_513 = arith.extui %eq3A_512 : vector<16xi1> to vector<16xi32>
    %broadcast_in_dim3A_514 = arith.constant true
    %broadcast_in_dim3A_515 = vector.broadcast %broadcast_in_dim3A_514 : i1 to vector<16xi1>
    %masked_cumsum3A_516 = tpu.scan <sum>, %convert_element_type3A_513 masked %broadcast_in_dim3A_515 : vector<16xi32>, vector<16xi1> -> vector<16xi32>
    %add3A_517 = vector.broadcast %add3A_390 : i32 to vector<16xi32>
    %add3A_518 = arith.addi %add3A_517, %masked_cumsum3A_516 : vector<16xi32>
    %sub3A_519 = arith.constant 1 : i32
    %sub3A_520 = vector.broadcast %sub3A_519 : i32 to vector<16xi32>
    %sub3A_521 = arith.subi %add3A_518, %sub3A_520 : vector<16xi32>
    %select_n3A_522 = arith.select %eq3A_512, %sub3A_521, %broadcast_in_dim3A_509 : vector<16xi1>, vector<16xi32>
    %slice3A_523 = vector.extract_strided_slice %masked_cumsum3A_516 {offsets = [15], sizes = [1], strides = [1]} : vector<16xi32> to vector<1xi32>
    %squeeze3A_524 = vector.extract %slice3A_523[0] : i32 from vector<1xi32>
    %add3A_525 = arith.addi %add3A_390, %squeeze3A_524 : i32
    %eq3A_526 = arith.constant 1 : i32
    %eq3A_527 = vector.broadcast %eq3A_526 : i32 to vector<16xi32>
    %eq3A_528 = arith.cmpi eq, %get3A_507, %eq3A_527 : vector<16xi32>
    %convert_element_type3A_529 = arith.extui %eq3A_528 : vector<16xi1> to vector<16xi32>
    %broadcast_in_dim3A_530 = arith.constant true
    %broadcast_in_dim3A_531 = vector.broadcast %broadcast_in_dim3A_530 : i1 to vector<16xi1>
    %masked_cumsum3A_532 = tpu.scan <sum>, %convert_element_type3A_529 masked %broadcast_in_dim3A_531 : vector<16xi32>, vector<16xi1> -> vector<16xi32>
    %add3A_533 = vector.broadcast %add3A_406 : i32 to vector<16xi32>
    %add3A_534 = arith.addi %add3A_533, %masked_cumsum3A_532 : vector<16xi32>
    %sub3A_535 = arith.constant 1 : i32
    %sub3A_536 = vector.broadcast %sub3A_535 : i32 to vector<16xi32>
    %sub3A_537 = arith.subi %add3A_534, %sub3A_536 : vector<16xi32>
    %select_n3A_538 = arith.select %eq3A_528, %sub3A_537, %select_n3A_522 : vector<16xi1>, vector<16xi32>
    %slice3A_539 = vector.extract_strided_slice %masked_cumsum3A_532 {offsets = [15], sizes = [1], strides = [1]} : vector<16xi32> to vector<1xi32>
    %squeeze3A_540 = vector.extract %slice3A_539[0] : i32 from vector<1xi32>
    %add3A_541 = arith.addi %add3A_406, %squeeze3A_540 : i32
    %eq3A_542 = arith.constant 2 : i32
    %eq3A_543 = vector.broadcast %eq3A_542 : i32 to vector<16xi32>
    %eq3A_544 = arith.cmpi eq, %get3A_507, %eq3A_543 : vector<16xi32>
    %convert_element_type3A_545 = arith.extui %eq3A_544 : vector<16xi1> to vector<16xi32>
    %broadcast_in_dim3A_546 = arith.constant true
    %broadcast_in_dim3A_547 = vector.broadcast %broadcast_in_dim3A_546 : i1 to vector<16xi1>
    %masked_cumsum3A_548 = tpu.scan <sum>, %convert_element_type3A_545 masked %broadcast_in_dim3A_547 : vector<16xi32>, vector<16xi1> -> vector<16xi32>
    %add3A_549 = vector.broadcast %add3A_422 : i32 to vector<16xi32>
    %add3A_550 = arith.addi %add3A_549, %masked_cumsum3A_548 : vector<16xi32>
    %sub3A_551 = arith.constant 1 : i32
    %sub3A_552 = vector.broadcast %sub3A_551 : i32 to vector<16xi32>
    %sub3A_553 = arith.subi %add3A_550, %sub3A_552 : vector<16xi32>
    %select_n3A_554 = arith.select %eq3A_544, %sub3A_553, %select_n3A_538 : vector<16xi1>, vector<16xi32>
    %slice3A_555 = vector.extract_strided_slice %masked_cumsum3A_548 {offsets = [15], sizes = [1], strides = [1]} : vector<16xi32> to vector<1xi32>
    %squeeze3A_556 = vector.extract %slice3A_555[0] : i32 from vector<1xi32>
    %add3A_557 = arith.addi %add3A_422, %squeeze3A_556 : i32
    %eq3A_558 = arith.constant 3 : i32
    %eq3A_559 = vector.broadcast %eq3A_558 : i32 to vector<16xi32>
    %eq3A_560 = arith.cmpi eq, %get3A_507, %eq3A_559 : vector<16xi32>
    %convert_element_type3A_561 = arith.extui %eq3A_560 : vector<16xi1> to vector<16xi32>
    %broadcast_in_dim3A_562 = arith.constant true
    %broadcast_in_dim3A_563 = vector.broadcast %broadcast_in_dim3A_562 : i1 to vector<16xi1>
    %masked_cumsum3A_564 = tpu.scan <sum>, %convert_element_type3A_561 masked %broadcast_in_dim3A_563 : vector<16xi32>, vector<16xi1> -> vector<16xi32>
    %add3A_565 = vector.broadcast %add3A_438 : i32 to vector<16xi32>
    %add3A_566 = arith.addi %add3A_565, %masked_cumsum3A_564 : vector<16xi32>
    %sub3A_567 = arith.constant 1 : i32
    %sub3A_568 = vector.broadcast %sub3A_567 : i32 to vector<16xi32>
    %sub3A_569 = arith.subi %add3A_566, %sub3A_568 : vector<16xi32>
    %select_n3A_570 = arith.select %eq3A_560, %sub3A_569, %select_n3A_554 : vector<16xi1>, vector<16xi32>
    %slice3A_571 = vector.extract_strided_slice %masked_cumsum3A_564 {offsets = [15], sizes = [1], strides = [1]} : vector<16xi32> to vector<1xi32>
    %squeeze3A_572 = vector.extract %slice3A_571[0] : i32 from vector<1xi32>
    %add3A_573 = arith.addi %add3A_438, %squeeze3A_572 : i32
    %eq3A_574 = arith.constant 4 : i32
    %eq3A_575 = vector.broadcast %eq3A_574 : i32 to vector<16xi32>
    %eq3A_576 = arith.cmpi eq, %get3A_507, %eq3A_575 : vector<16xi32>
    %convert_element_type3A_577 = arith.extui %eq3A_576 : vector<16xi1> to vector<16xi32>
    %broadcast_in_dim3A_578 = arith.constant true
    %broadcast_in_dim3A_579 = vector.broadcast %broadcast_in_dim3A_578 : i1 to vector<16xi1>
    %masked_cumsum3A_580 = tpu.scan <sum>, %convert_element_type3A_577 masked %broadcast_in_dim3A_579 : vector<16xi32>, vector<16xi1> -> vector<16xi32>
    %add3A_581 = vector.broadcast %add3A_454 : i32 to vector<16xi32>
    %add3A_582 = arith.addi %add3A_581, %masked_cumsum3A_580 : vector<16xi32>
    %sub3A_583 = arith.constant 1 : i32
    %sub3A_584 = vector.broadcast %sub3A_583 : i32 to vector<16xi32>
    %sub3A_585 = arith.subi %add3A_582, %sub3A_584 : vector<16xi32>
    %select_n3A_586 = arith.select %eq3A_576, %sub3A_585, %select_n3A_570 : vector<16xi1>, vector<16xi32>
    %slice3A_587 = vector.extract_strided_slice %masked_cumsum3A_580 {offsets = [15], sizes = [1], strides = [1]} : vector<16xi32> to vector<1xi32>
    %squeeze3A_588 = vector.extract %slice3A_587[0] : i32 from vector<1xi32>
    %add3A_589 = arith.addi %add3A_454, %squeeze3A_588 : i32
    %eq3A_590 = arith.constant 5 : i32
    %eq3A_591 = vector.broadcast %eq3A_590 : i32 to vector<16xi32>
    %eq3A_592 = arith.cmpi eq, %get3A_507, %eq3A_591 : vector<16xi32>
    %convert_element_type3A_593 = arith.extui %eq3A_592 : vector<16xi1> to vector<16xi32>
    %broadcast_in_dim3A_594 = arith.constant true
    %broadcast_in_dim3A_595 = vector.broadcast %broadcast_in_dim3A_594 : i1 to vector<16xi1>
    %masked_cumsum3A_596 = tpu.scan <sum>, %convert_element_type3A_593 masked %broadcast_in_dim3A_595 : vector<16xi32>, vector<16xi1> -> vector<16xi32>
    %add3A_597 = vector.broadcast %add3A_470 : i32 to vector<16xi32>
    %add3A_598 = arith.addi %add3A_597, %masked_cumsum3A_596 : vector<16xi32>
    %sub3A_599 = arith.constant 1 : i32
    %sub3A_600 = vector.broadcast %sub3A_599 : i32 to vector<16xi32>
    %sub3A_601 = arith.subi %add3A_598, %sub3A_600 : vector<16xi32>
    %select_n3A_602 = arith.select %eq3A_592, %sub3A_601, %select_n3A_586 : vector<16xi1>, vector<16xi32>
    %slice3A_603 = vector.extract_strided_slice %masked_cumsum3A_596 {offsets = [15], sizes = [1], strides = [1]} : vector<16xi32> to vector<1xi32>
    %squeeze3A_604 = vector.extract %slice3A_603[0] : i32 from vector<1xi32>
    %add3A_605 = arith.addi %add3A_470, %squeeze3A_604 : i32
    %eq3A_606 = arith.constant 6 : i32
    %eq3A_607 = vector.broadcast %eq3A_606 : i32 to vector<16xi32>
    %eq3A_608 = arith.cmpi eq, %get3A_507, %eq3A_607 : vector<16xi32>
    %convert_element_type3A_609 = arith.extui %eq3A_608 : vector<16xi1> to vector<16xi32>
    %broadcast_in_dim3A_610 = arith.constant true
    %broadcast_in_dim3A_611 = vector.broadcast %broadcast_in_dim3A_610 : i1 to vector<16xi1>
    %masked_cumsum3A_612 = tpu.scan <sum>, %convert_element_type3A_609 masked %broadcast_in_dim3A_611 : vector<16xi32>, vector<16xi1> -> vector<16xi32>
    %add3A_613 = vector.broadcast %add3A_486 : i32 to vector<16xi32>
    %add3A_614 = arith.addi %add3A_613, %masked_cumsum3A_612 : vector<16xi32>
    %sub3A_615 = arith.constant 1 : i32
    %sub3A_616 = vector.broadcast %sub3A_615 : i32 to vector<16xi32>
    %sub3A_617 = arith.subi %add3A_614, %sub3A_616 : vector<16xi32>
    %select_n3A_618 = arith.select %eq3A_608, %sub3A_617, %select_n3A_602 : vector<16xi1>, vector<16xi32>
    %slice3A_619 = vector.extract_strided_slice %masked_cumsum3A_612 {offsets = [15], sizes = [1], strides = [1]} : vector<16xi32> to vector<1xi32>
    %squeeze3A_620 = vector.extract %slice3A_619[0] : i32 from vector<1xi32>
    %add3A_621 = arith.addi %add3A_486, %squeeze3A_620 : i32
    %eq3A_622 = arith.constant 7 : i32
    %eq3A_623 = vector.broadcast %eq3A_622 : i32 to vector<16xi32>
    %eq3A_624 = arith.cmpi eq, %get3A_507, %eq3A_623 : vector<16xi32>
    %convert_element_type3A_625 = arith.extui %eq3A_624 : vector<16xi1> to vector<16xi32>
    %broadcast_in_dim3A_626 = arith.constant true
    %broadcast_in_dim3A_627 = vector.broadcast %broadcast_in_dim3A_626 : i1 to vector<16xi1>
    %masked_cumsum3A_628 = tpu.scan <sum>, %convert_element_type3A_625 masked %broadcast_in_dim3A_627 : vector<16xi32>, vector<16xi1> -> vector<16xi32>
    %add3A_629 = vector.broadcast %add3A_502 : i32 to vector<16xi32>
    %add3A_630 = arith.addi %add3A_629, %masked_cumsum3A_628 : vector<16xi32>
    %sub3A_631 = arith.constant 1 : i32
    %sub3A_632 = vector.broadcast %sub3A_631 : i32 to vector<16xi32>
    %sub3A_633 = arith.subi %add3A_630, %sub3A_632 : vector<16xi32>
    %select_n3A_634 = arith.select %eq3A_624, %sub3A_633, %select_n3A_618 : vector<16xi1>, vector<16xi32>
    %slice3A_635 = vector.extract_strided_slice %masked_cumsum3A_628 {offsets = [15], sizes = [1], strides = [1]} : vector<16xi32> to vector<1xi32>
    %squeeze3A_636 = vector.extract %slice3A_635[0] : i32 from vector<1xi32>
    %add3A_637 = arith.addi %add3A_502, %squeeze3A_636 : i32
    %swap3A_638 = arith.constant 0 : i32
    %swap3A_639 = arith.index_cast %swap3A_638 : i32 to index
    %swap3A_640 = arith.constant 16 : index
    %swap3A_641 = tpu.vector_load %arg9[%swap3A_639, %swap3A_640] {strides = array<i32>} : memref<2x64xi32, #tpu.memory_space<vmem>>, vector<16xi32>,
    tpu.vector_store %arg9[%swap3A_639, %swap3A_640], %select_n3A_634 {strides = array<i32>} : memref<2x64xi32, #tpu.memory_space<vmem>>, vector<16xi32>,
    %get3A_642 = arith.constant 32 : index
    %get3A_643 = tpu.vector_load %arg7[%get3A_642] {strides = array<i32>} : memref<128xi32, #tpu.memory_space<vmem>>, vector<16xi32>,
    %broadcast_in_dim3A_644 = arith.constant 0 : i32
    %broadcast_in_dim3A_645 = vector.broadcast %broadcast_in_dim3A_644 : i32 to vector<16xi32>
    %eq3A_646 = arith.constant 0 : i32
    %eq3A_647 = vector.broadcast %eq3A_646 : i32 to vector<16xi32>
    %eq3A_648 = arith.cmpi eq, %get3A_643, %eq3A_647 : vector<16xi32>
    %convert_element_type3A_649 = arith.extui %eq3A_648 : vector<16xi1> to vector<16xi32>
    %broadcast_in_dim3A_650 = arith.constant true
    %broadcast_in_dim3A_651 = vector.broadcast %broadcast_in_dim3A_650 : i1 to vector<16xi1>
    %masked_cumsum3A_652 = tpu.scan <sum>, %convert_element_type3A_649 masked %broadcast_in_dim3A_651 : vector<16xi32>, vector<16xi1> -> vector<16xi32>
    %add3A_653 = vector.broadcast %add3A_525 : i32 to vector<16xi32>
    %add3A_654 = arith.addi %add3A_653, %masked_cumsum3A_652 : vector<16xi32>
    %sub3A_655 = arith.constant 1 : i32
    %sub3A_656 = vector.broadcast %sub3A_655 : i32 to vector<16xi32>
    %sub3A_657 = arith.subi %add3A_654, %sub3A_656 : vector<16xi32>
    %select_n3A_658 = arith.select %eq3A_648, %sub3A_657, %broadcast_in_dim3A_645 : vector<16xi1>, vector<16xi32>
    %slice3A_659 = vector.extract_strided_slice %masked_cumsum3A_652 {offsets = [15], sizes = [1], strides = [1]} : vector<16xi32> to vector<1xi32>
    %squeeze3A_660 = vector.extract %slice3A_659[0] : i32 from vector<1xi32>
    %add3A_661 = arith.addi %add3A_525, %squeeze3A_660 : i32
    %eq3A_662 = arith.constant 1 : i32
    %eq3A_663 = vector.broadcast %eq3A_662 : i32 to vector<16xi32>
    %eq3A_664 = arith.cmpi eq, %get3A_643, %eq3A_663 : vector<16xi32>
    %convert_element_type3A_665 = arith.extui %eq3A_664 : vector<16xi1> to vector<16xi32>
    %broadcast_in_dim3A_666 = arith.constant true
    %broadcast_in_dim3A_667 = vector.broadcast %broadcast_in_dim3A_666 : i1 to vector<16xi1>
    %masked_cumsum3A_668 = tpu.scan <sum>, %convert_element_type3A_665 masked %broadcast_in_dim3A_667 : vector<16xi32>, vector<16xi1> -> vector<16xi32>
    %add3A_669 = vector.broadcast %add3A_541 : i32 to vector<16xi32>
    %add3A_670 = arith.addi %add3A_669, %masked_cumsum3A_668 : vector<16xi32>
    %sub3A_671 = arith.constant 1 : i32
    %sub3A_672 = vector.broadcast %sub3A_671 : i32 to vector<16xi32>
    %sub3A_673 = arith.subi %add3A_670, %sub3A_672 : vector<16xi32>
    %select_n3A_674 = arith.select %eq3A_664, %sub3A_673, %select_n3A_658 : vector<16xi1>, vector<16xi32>
    %slice3A_675 = vector.extract_strided_slice %masked_cumsum3A_668 {offsets = [15], sizes = [1], strides = [1]} : vector<16xi32> to vector<1xi32>
    %squeeze3A_676 = vector.extract %slice3A_675[0] : i32 from vector<1xi32>
    %add3A_677 = arith.addi %add3A_541, %squeeze3A_676 : i32
    %eq3A_678 = arith.constant 2 : i32
    %eq3A_679 = vector.broadcast %eq3A_678 : i32 to vector<16xi32>
    %eq3A_680 = arith.cmpi eq, %get3A_643, %eq3A_679 : vector<16xi32>
    %convert_element_type3A_681 = arith.extui %eq3A_680 : vector<16xi1> to vector<16xi32>
    %broadcast_in_dim3A_682 = arith.constant true
    %broadcast_in_dim3A_683 = vector.broadcast %broadcast_in_dim3A_682 : i1 to vector<16xi1>
    %masked_cumsum3A_684 = tpu.scan <sum>, %convert_element_type3A_681 masked %broadcast_in_dim3A_683 : vector<16xi32>, vector<16xi1> -> vector<16xi32>
    %add3A_685 = vector.broadcast %add3A_557 : i32 to vector<16xi32>
    %add3A_686 = arith.addi %add3A_685, %masked_cumsum3A_684 : vector<16xi32>
    %sub3A_687 = arith.constant 1 : i32
    %sub3A_688 = vector.broadcast %sub3A_687 : i32 to vector<16xi32>
    %sub3A_689 = arith.subi %add3A_686, %sub3A_688 : vector<16xi32>
    %select_n3A_690 = arith.select %eq3A_680, %sub3A_689, %select_n3A_674 : vector<16xi1>, vector<16xi32>
    %slice3A_691 = vector.extract_strided_slice %masked_cumsum3A_684 {offsets = [15], sizes = [1], strides = [1]} : vector<16xi32> to vector<1xi32>
    %squeeze3A_692 = vector.extract %slice3A_691[0] : i32 from vector<1xi32>
    %add3A_693 = arith.addi %add3A_557, %squeeze3A_692 : i32
    %eq3A_694 = arith.constant 3 : i32
    %eq3A_695 = vector.broadcast %eq3A_694 : i32 to vector<16xi32>
    %eq3A_696 = arith.cmpi eq, %get3A_643, %eq3A_695 : vector<16xi32>
    %convert_element_type3A_697 = arith.extui %eq3A_696 : vector<16xi1> to vector<16xi32>
    %broadcast_in_dim3A_698 = arith.constant true
    %broadcast_in_dim3A_699 = vector.broadcast %broadcast_in_dim3A_698 : i1 to vector<16xi1>
    %masked_cumsum3A_700 = tpu.scan <sum>, %convert_element_type3A_697 masked %broadcast_in_dim3A_699 : vector<16xi32>, vector<16xi1> -> vector<16xi32>
    %add3A_701 = vector.broadcast %add3A_573 : i32 to vector<16xi32>
    %add3A_702 = arith.addi %add3A_701, %masked_cumsum3A_700 : vector<16xi32>
    %sub3A_703 = arith.constant 1 : i32
    %sub3A_704 = vector.broadcast %sub3A_703 : i32 to vector<16xi32>
    %sub3A_705 = arith.subi %add3A_702, %sub3A_704 : vector<16xi32>
    %select_n3A_706 = arith.select %eq3A_696, %sub3A_705, %select_n3A_690 : vector<16xi1>, vector<16xi32>
    %slice3A_707 = vector.extract_strided_slice %masked_cumsum3A_700 {offsets = [15], sizes = [1], strides = [1]} : vector<16xi32> to vector<1xi32>
    %squeeze3A_708 = vector.extract %slice3A_707[0] : i32 from vector<1xi32>
    %add3A_709 = arith.addi %add3A_573, %squeeze3A_708 : i32
    %eq3A_710 = arith.constant 4 : i32
    %eq3A_711 = vector.broadcast %eq3A_710 : i32 to vector<16xi32>
    %eq3A_712 = arith.cmpi eq, %get3A_643, %eq3A_711 : vector<16xi32>
    %convert_element_type3A_713 = arith.extui %eq3A_712 : vector<16xi1> to vector<16xi32>
    %broadcast_in_dim3A_714 = arith.constant true
    %broadcast_in_dim3A_715 = vector.broadcast %broadcast_in_dim3A_714 : i1 to vector<16xi1>
    %masked_cumsum3A_716 = tpu.scan <sum>, %convert_element_type3A_713 masked %broadcast_in_dim3A_715 : vector<16xi32>, vector<16xi1> -> vector<16xi32>
    %add3A_717 = vector.broadcast %add3A_589 : i32 to vector<16xi32>
    %add3A_718 = arith.addi %add3A_717, %masked_cumsum3A_716 : vector<16xi32>
    %sub3A_719 = arith.constant 1 : i32
    %sub3A_720 = vector.broadcast %sub3A_719 : i32 to vector<16xi32>
    %sub3A_721 = arith.subi %add3A_718, %sub3A_720 : vector<16xi32>
    %select_n3A_722 = arith.select %eq3A_712, %sub3A_721, %select_n3A_706 : vector<16xi1>, vector<16xi32>
    %slice3A_723 = vector.extract_strided_slice %masked_cumsum3A_716 {offsets = [15], sizes = [1], strides = [1]} : vector<16xi32> to vector<1xi32>
    %squeeze3A_724 = vector.extract %slice3A_723[0] : i32 from vector<1xi32>
    %add3A_725 = arith.addi %add3A_589, %squeeze3A_724 : i32
    %eq3A_726 = arith.constant 5 : i32
    %eq3A_727 = vector.broadcast %eq3A_726 : i32 to vector<16xi32>
    %eq3A_728 = arith.cmpi eq, %get3A_643, %eq3A_727 : vector<16xi32>
    %convert_element_type3A_729 = arith.extui %eq3A_728 : vector<16xi1> to vector<16xi32>
    %broadcast_in_dim3A_730 = arith.constant true
    %broadcast_in_dim3A_731 = vector.broadcast %broadcast_in_dim3A_730 : i1 to vector<16xi1>
    %masked_cumsum3A_732 = tpu.scan <sum>, %convert_element_type3A_729 masked %broadcast_in_dim3A_731 : vector<16xi32>, vector<16xi1> -> vector<16xi32>
    %add3A_733 = vector.broadcast %add3A_605 : i32 to vector<16xi32>
    %add3A_734 = arith.addi %add3A_733, %masked_cumsum3A_732 : vector<16xi32>
    %sub3A_735 = arith.constant 1 : i32
    %sub3A_736 = vector.broadcast %sub3A_735 : i32 to vector<16xi32>
    %sub3A_737 = arith.subi %add3A_734, %sub3A_736 : vector<16xi32>
    %select_n3A_738 = arith.select %eq3A_728, %sub3A_737, %select_n3A_722 : vector<16xi1>, vector<16xi32>
    %slice3A_739 = vector.extract_strided_slice %masked_cumsum3A_732 {offsets = [15], sizes = [1], strides = [1]} : vector<16xi32> to vector<1xi32>
    %squeeze3A_740 = vector.extract %slice3A_739[0] : i32 from vector<1xi32>
    %add3A_741 = arith.addi %add3A_605, %squeeze3A_740 : i32
    %eq3A_742 = arith.constant 6 : i32
    %eq3A_743 = vector.broadcast %eq3A_742 : i32 to vector<16xi32>
    %eq3A_744 = arith.cmpi eq, %get3A_643, %eq3A_743 : vector<16xi32>
    %convert_element_type3A_745 = arith.extui %eq3A_744 : vector<16xi1> to vector<16xi32>
    %broadcast_in_dim3A_746 = arith.constant true
    %broadcast_in_dim3A_747 = vector.broadcast %broadcast_in_dim3A_746 : i1 to vector<16xi1>
    %masked_cumsum3A_748 = tpu.scan <sum>, %convert_element_type3A_745 masked %broadcast_in_dim3A_747 : vector<16xi32>, vector<16xi1> -> vector<16xi32>
    %add3A_749 = vector.broadcast %add3A_621 : i32 to vector<16xi32>
    %add3A_750 = arith.addi %add3A_749, %masked_cumsum3A_748 : vector<16xi32>
    %sub3A_751 = arith.constant 1 : i32
    %sub3A_752 = vector.broadcast %sub3A_751 : i32 to vector<16xi32>
    %sub3A_753 = arith.subi %add3A_750, %sub3A_752 : vector<16xi32>
    %select_n3A_754 = arith.select %eq3A_744, %sub3A_753, %select_n3A_738 : vector<16xi1>, vector<16xi32>
    %slice3A_755 = vector.extract_strided_slice %masked_cumsum3A_748 {offsets = [15], sizes = [1], strides = [1]} : vector<16xi32> to vector<1xi32>
    %squeeze3A_756 = vector.extract %slice3A_755[0] : i32 from vector<1xi32>
    %add3A_757 = arith.addi %add3A_621, %squeeze3A_756 : i32
    %eq3A_758 = arith.constant 7 : i32
    %eq3A_759 = vector.broadcast %eq3A_758 : i32 to vector<16xi32>
    %eq3A_760 = arith.cmpi eq, %get3A_643, %eq3A_759 : vector<16xi32>
    %convert_element_type3A_761 = arith.extui %eq3A_760 : vector<16xi1> to vector<16xi32>
    %broadcast_in_dim3A_762 = arith.constant true
    %broadcast_in_dim3A_763 = vector.broadcast %broadcast_in_dim3A_762 : i1 to vector<16xi1>
    %masked_cumsum3A_764 = tpu.scan <sum>, %convert_element_type3A_761 masked %broadcast_in_dim3A_763 : vector<16xi32>, vector<16xi1> -> vector<16xi32>
    %add3A_765 = vector.broadcast %add3A_637 : i32 to vector<16xi32>
    %add3A_766 = arith.addi %add3A_765, %masked_cumsum3A_764 : vector<16xi32>
    %sub3A_767 = arith.constant 1 : i32
    %sub3A_768 = vector.broadcast %sub3A_767 : i32 to vector<16xi32>
    %sub3A_769 = arith.subi %add3A_766, %sub3A_768 : vector<16xi32>
    %select_n3A_770 = arith.select %eq3A_760, %sub3A_769, %select_n3A_754 : vector<16xi1>, vector<16xi32>
    %slice3A_771 = vector.extract_strided_slice %masked_cumsum3A_764 {offsets = [15], sizes = [1], strides = [1]} : vector<16xi32> to vector<1xi32>
    %squeeze3A_772 = vector.extract %slice3A_771[0] : i32 from vector<1xi32>
    %add3A_773 = arith.addi %add3A_637, %squeeze3A_772 : i32
    %swap3A_774 = arith.constant 0 : i32
    %swap3A_775 = arith.index_cast %swap3A_774 : i32 to index
    %swap3A_776 = arith.constant 32 : index
    %swap3A_777 = tpu.vector_load %arg9[%swap3A_775, %swap3A_776] {strides = array<i32>} : memref<2x64xi32, #tpu.memory_space<vmem>>, vector<16xi32>,
    tpu.vector_store %arg9[%swap3A_775, %swap3A_776], %select_n3A_770 {strides = array<i32>} : memref<2x64xi32, #tpu.memory_space<vmem>>, vector<16xi32>,
    %get3A_778 = arith.constant 48 : index
    %get3A_779 = tpu.vector_load %arg7[%get3A_778] {strides = array<i32>} : memref<128xi32, #tpu.memory_space<vmem>>, vector<16xi32>,
    %broadcast_in_dim3A_780 = arith.constant 0 : i32
    %broadcast_in_dim3A_781 = vector.broadcast %broadcast_in_dim3A_780 : i32 to vector<16xi32>
    %eq3A_782 = arith.constant 0 : i32
    %eq3A_783 = vector.broadcast %eq3A_782 : i32 to vector<16xi32>
    %eq3A_784 = arith.cmpi eq, %get3A_779, %eq3A_783 : vector<16xi32>
    %convert_element_type3A_785 = arith.extui %eq3A_784 : vector<16xi1> to vector<16xi32>
    %broadcast_in_dim3A_786 = arith.constant true
    %broadcast_in_dim3A_787 = vector.broadcast %broadcast_in_dim3A_786 : i1 to vector<16xi1>
    %masked_cumsum3A_788 = tpu.scan <sum>, %convert_element_type3A_785 masked %broadcast_in_dim3A_787 : vector<16xi32>, vector<16xi1> -> vector<16xi32>
    %add3A_789 = vector.broadcast %add3A_661 : i32 to vector<16xi32>
    %add3A_790 = arith.addi %add3A_789, %masked_cumsum3A_788 : vector<16xi32>
    %sub3A_791 = arith.constant 1 : i32
    %sub3A_792 = vector.broadcast %sub3A_791 : i32 to vector<16xi32>
    %sub3A_793 = arith.subi %add3A_790, %sub3A_792 : vector<16xi32>
    %select_n3A_794 = arith.select %eq3A_784, %sub3A_793, %broadcast_in_dim3A_781 : vector<16xi1>, vector<16xi32>
    %slice3A_795 = vector.extract_strided_slice %masked_cumsum3A_788 {offsets = [15], sizes = [1], strides = [1]} : vector<16xi32> to vector<1xi32>
    %squeeze3A_796 = vector.extract %slice3A_795[0] : i32 from vector<1xi32>
    %add3A_797 = arith.addi %add3A_661, %squeeze3A_796 : i32
    %eq3A_798 = arith.constant 1 : i32
    %eq3A_799 = vector.broadcast %eq3A_798 : i32 to vector<16xi32>
    %eq3A_800 = arith.cmpi eq, %get3A_779, %eq3A_799 : vector<16xi32>
    %convert_element_type3A_801 = arith.extui %eq3A_800 : vector<16xi1> to vector<16xi32>
    %broadcast_in_dim3A_802 = arith.constant true
    %broadcast_in_dim3A_803 = vector.broadcast %broadcast_in_dim3A_802 : i1 to vector<16xi1>
    %masked_cumsum3A_804 = tpu.scan <sum>, %convert_element_type3A_801 masked %broadcast_in_dim3A_803 : vector<16xi32>, vector<16xi1> -> vector<16xi32>
    %add3A_805 = vector.broadcast %add3A_677 : i32 to vector<16xi32>
    %add3A_806 = arith.addi %add3A_805, %masked_cumsum3A_804 : vector<16xi32>
    %sub3A_807 = arith.constant 1 : i32
    %sub3A_808 = vector.broadcast %sub3A_807 : i32 to vector<16xi32>
    %sub3A_809 = arith.subi %add3A_806, %sub3A_808 : vector<16xi32>
    %select_n3A_810 = arith.select %eq3A_800, %sub3A_809, %select_n3A_794 : vector<16xi1>, vector<16xi32>
    %slice3A_811 = vector.extract_strided_slice %masked_cumsum3A_804 {offsets = [15], sizes = [1], strides = [1]} : vector<16xi32> to vector<1xi32>
    %squeeze3A_812 = vector.extract %slice3A_811[0] : i32 from vector<1xi32>
    %add3A_813 = arith.addi %add3A_677, %squeeze3A_812 : i32
    %eq3A_814 = arith.constant 2 : i32
    %eq3A_815 = vector.broadcast %eq3A_814 : i32 to vector<16xi32>
    %eq3A_816 = arith.cmpi eq, %get3A_779, %eq3A_815 : vector<16xi32>
    %convert_element_type3A_817 = arith.extui %eq3A_816 : vector<16xi1> to vector<16xi32>
    %broadcast_in_dim3A_818 = arith.constant true
    %broadcast_in_dim3A_819 = vector.broadcast %broadcast_in_dim3A_818 : i1 to vector<16xi1>
    %masked_cumsum3A_820 = tpu.scan <sum>, %convert_element_type3A_817 masked %broadcast_in_dim3A_819 : vector<16xi32>, vector<16xi1> -> vector<16xi32>
    %add3A_821 = vector.broadcast %add3A_693 : i32 to vector<16xi32>
    %add3A_822 = arith.addi %add3A_821, %masked_cumsum3A_820 : vector<16xi32>
    %sub3A_823 = arith.constant 1 : i32
    %sub3A_824 = vector.broadcast %sub3A_823 : i32 to vector<16xi32>
    %sub3A_825 = arith.subi %add3A_822, %sub3A_824 : vector<16xi32>
    %select_n3A_826 = arith.select %eq3A_816, %sub3A_825, %select_n3A_810 : vector<16xi1>, vector<16xi32>
    %slice3A_827 = vector.extract_strided_slice %masked_cumsum3A_820 {offsets = [15], sizes = [1], strides = [1]} : vector<16xi32> to vector<1xi32>
    %squeeze3A_828 = vector.extract %slice3A_827[0] : i32 from vector<1xi32>
    %add3A_829 = arith.addi %add3A_693, %squeeze3A_828 : i32
    %eq3A_830 = arith.constant 3 : i32
    %eq3A_831 = vector.broadcast %eq3A_830 : i32 to vector<16xi32>
    %eq3A_832 = arith.cmpi eq, %get3A_779, %eq3A_831 : vector<16xi32>
    %convert_element_type3A_833 = arith.extui %eq3A_832 : vector<16xi1> to vector<16xi32>
    %broadcast_in_dim3A_834 = arith.constant true
    %broadcast_in_dim3A_835 = vector.broadcast %broadcast_in_dim3A_834 : i1 to vector<16xi1>
    %masked_cumsum3A_836 = tpu.scan <sum>, %convert_element_type3A_833 masked %broadcast_in_dim3A_835 : vector<16xi32>, vector<16xi1> -> vector<16xi32>
    %add3A_837 = vector.broadcast %add3A_709 : i32 to vector<16xi32>
    %add3A_838 = arith.addi %add3A_837, %masked_cumsum3A_836 : vector<16xi32>
    %sub3A_839 = arith.constant 1 : i32
    %sub3A_840 = vector.broadcast %sub3A_839 : i32 to vector<16xi32>
    %sub3A_841 = arith.subi %add3A_838, %sub3A_840 : vector<16xi32>
    %select_n3A_842 = arith.select %eq3A_832, %sub3A_841, %select_n3A_826 : vector<16xi1>, vector<16xi32>
    %slice3A_843 = vector.extract_strided_slice %masked_cumsum3A_836 {offsets = [15], sizes = [1], strides = [1]} : vector<16xi32> to vector<1xi32>
    %squeeze3A_844 = vector.extract %slice3A_843[0] : i32 from vector<1xi32>
    %add3A_845 = arith.addi %add3A_709, %squeeze3A_844 : i32
    %eq3A_846 = arith.constant 4 : i32
    %eq3A_847 = vector.broadcast %eq3A_846 : i32 to vector<16xi32>
    %eq3A_848 = arith.cmpi eq, %get3A_779, %eq3A_847 : vector<16xi32>
    %convert_element_type3A_849 = arith.extui %eq3A_848 : vector<16xi1> to vector<16xi32>
    %broadcast_in_dim3A_850 = arith.constant true
    %broadcast_in_dim3A_851 = vector.broadcast %broadcast_in_dim3A_850 : i1 to vector<16xi1>
    %masked_cumsum3A_852 = tpu.scan <sum>, %convert_element_type3A_849 masked %broadcast_in_dim3A_851 : vector<16xi32>, vector<16xi1> -> vector<16xi32>
    %add3A_853 = vector.broadcast %add3A_725 : i32 to vector<16xi32>
    %add3A_854 = arith.addi %add3A_853, %masked_cumsum3A_852 : vector<16xi32>
    %sub3A_855 = arith.constant 1 : i32
    %sub3A_856 = vector.broadcast %sub3A_855 : i32 to vector<16xi32>
    %sub3A_857 = arith.subi %add3A_854, %sub3A_856 : vector<16xi32>
    %select_n3A_858 = arith.select %eq3A_848, %sub3A_857, %select_n3A_842 : vector<16xi1>, vector<16xi32>
    %slice3A_859 = vector.extract_strided_slice %masked_cumsum3A_852 {offsets = [15], sizes = [1], strides = [1]} : vector<16xi32> to vector<1xi32>
    %squeeze3A_860 = vector.extract %slice3A_859[0] : i32 from vector<1xi32>
    %add3A_861 = arith.addi %add3A_725, %squeeze3A_860 : i32
    %eq3A_862 = arith.constant 5 : i32
    %eq3A_863 = vector.broadcast %eq3A_862 : i32 to vector<16xi32>
    %eq3A_864 = arith.cmpi eq, %get3A_779, %eq3A_863 : vector<16xi32>
    %convert_element_type3A_865 = arith.extui %eq3A_864 : vector<16xi1> to vector<16xi32>
    %broadcast_in_dim3A_866 = arith.constant true
    %broadcast_in_dim3A_867 = vector.broadcast %broadcast_in_dim3A_866 : i1 to vector<16xi1>
    %masked_cumsum3A_868 = tpu.scan <sum>, %convert_element_type3A_865 masked %broadcast_in_dim3A_867 : vector<16xi32>, vector<16xi1> -> vector<16xi32>
    %add3A_869 = vector.broadcast %add3A_741 : i32 to vector<16xi32>
    %add3A_870 = arith.addi %add3A_869, %masked_cumsum3A_868 : vector<16xi32>
    %sub3A_871 = arith.constant 1 : i32
    %sub3A_872 = vector.broadcast %sub3A_871 : i32 to vector<16xi32>
    %sub3A_873 = arith.subi %add3A_870, %sub3A_872 : vector<16xi32>
    %select_n3A_874 = arith.select %eq3A_864, %sub3A_873, %select_n3A_858 : vector<16xi1>, vector<16xi32>
    %slice3A_875 = vector.extract_strided_slice %masked_cumsum3A_868 {offsets = [15], sizes = [1], strides = [1]} : vector<16xi32> to vector<1xi32>
    %squeeze3A_876 = vector.extract %slice3A_875[0] : i32 from vector<1xi32>
    %add3A_877 = arith.addi %add3A_741, %squeeze3A_876 : i32
    %eq3A_878 = arith.constant 6 : i32
    %eq3A_879 = vector.broadcast %eq3A_878 : i32 to vector<16xi32>
    %eq3A_880 = arith.cmpi eq, %get3A_779, %eq3A_879 : vector<16xi32>
    %convert_element_type3A_881 = arith.extui %eq3A_880 : vector<16xi1> to vector<16xi32>
    %broadcast_in_dim3A_882 = arith.constant true
    %broadcast_in_dim3A_883 = vector.broadcast %broadcast_in_dim3A_882 : i1 to vector<16xi1>
    %masked_cumsum3A_884 = tpu.scan <sum>, %convert_element_type3A_881 masked %broadcast_in_dim3A_883 : vector<16xi32>, vector<16xi1> -> vector<16xi32>
    %add3A_885 = vector.broadcast %add3A_757 : i32 to vector<16xi32>
    %add3A_886 = arith.addi %add3A_885, %masked_cumsum3A_884 : vector<16xi32>
    %sub3A_887 = arith.constant 1 : i32
    %sub3A_888 = vector.broadcast %sub3A_887 : i32 to vector<16xi32>
    %sub3A_889 = arith.subi %add3A_886, %sub3A_888 : vector<16xi32>
    %select_n3A_890 = arith.select %eq3A_880, %sub3A_889, %select_n3A_874 : vector<16xi1>, vector<16xi32>
    %slice3A_891 = vector.extract_strided_slice %masked_cumsum3A_884 {offsets = [15], sizes = [1], strides = [1]} : vector<16xi32> to vector<1xi32>
    %squeeze3A_892 = vector.extract %slice3A_891[0] : i32 from vector<1xi32>
    %add3A_893 = arith.addi %add3A_757, %squeeze3A_892 : i32
    %eq3A_894 = arith.constant 7 : i32
    %eq3A_895 = vector.broadcast %eq3A_894 : i32 to vector<16xi32>
    %eq3A_896 = arith.cmpi eq, %get3A_779, %eq3A_895 : vector<16xi32>
    %convert_element_type3A_897 = arith.extui %eq3A_896 : vector<16xi1> to vector<16xi32>
    %broadcast_in_dim3A_898 = arith.constant true
    %broadcast_in_dim3A_899 = vector.broadcast %broadcast_in_dim3A_898 : i1 to vector<16xi1>
    %masked_cumsum3A_900 = tpu.scan <sum>, %convert_element_type3A_897 masked %broadcast_in_dim3A_899 : vector<16xi32>, vector<16xi1> -> vector<16xi32>
    %add3A_901 = vector.broadcast %add3A_773 : i32 to vector<16xi32>
    %add3A_902 = arith.addi %add3A_901, %masked_cumsum3A_900 : vector<16xi32>
    %sub3A_903 = arith.constant 1 : i32
    %sub3A_904 = vector.broadcast %sub3A_903 : i32 to vector<16xi32>
    %sub3A_905 = arith.subi %add3A_902, %sub3A_904 : vector<16xi32>
    %select_n3A_906 = arith.select %eq3A_896, %sub3A_905, %select_n3A_890 : vector<16xi1>, vector<16xi32>
    %slice3A_907 = vector.extract_strided_slice %masked_cumsum3A_900 {offsets = [15], sizes = [1], strides = [1]} : vector<16xi32> to vector<1xi32>
    %squeeze3A_908 = vector.extract %slice3A_907[0] : i32 from vector<1xi32>
    %add3A_909 = arith.addi %add3A_773, %squeeze3A_908 : i32
    %swap3A_910 = arith.constant 0 : i32
    %swap3A_911 = arith.index_cast %swap3A_910 : i32 to index
    %swap3A_912 = arith.constant 48 : index
    %swap3A_913 = tpu.vector_load %arg9[%swap3A_911, %swap3A_912] {strides = array<i32>} : memref<2x64xi32, #tpu.memory_space<vmem>>, vector<16xi32>,
    tpu.vector_store %arg9[%swap3A_911, %swap3A_912], %select_n3A_906 {strides = array<i32>} : memref<2x64xi32, #tpu.memory_space<vmem>>, vector<16xi32>,
    %get3A_914 = arith.constant 64 : index
    %get3A_915 = tpu.vector_load %arg7[%get3A_914] {strides = array<i32>} : memref<128xi32, #tpu.memory_space<vmem>>, vector<16xi32>,
    %broadcast_in_dim3A_916 = arith.constant 0 : i32
    %broadcast_in_dim3A_917 = vector.broadcast %broadcast_in_dim3A_916 : i32 to vector<16xi32>
    %eq3A_918 = arith.constant 0 : i32
    %eq3A_919 = vector.broadcast %eq3A_918 : i32 to vector<16xi32>
    %eq3A_920 = arith.cmpi eq, %get3A_915, %eq3A_919 : vector<16xi32>
    %convert_element_type3A_921 = arith.extui %eq3A_920 : vector<16xi1> to vector<16xi32>
    %broadcast_in_dim3A_922 = arith.constant true
    %broadcast_in_dim3A_923 = vector.broadcast %broadcast_in_dim3A_922 : i1 to vector<16xi1>
    %masked_cumsum3A_924 = tpu.scan <sum>, %convert_element_type3A_921 masked %broadcast_in_dim3A_923 : vector<16xi32>, vector<16xi1> -> vector<16xi32>
    %add3A_925 = vector.broadcast %add3A_797 : i32 to vector<16xi32>
    %add3A_926 = arith.addi %add3A_925, %masked_cumsum3A_924 : vector<16xi32>
    %sub3A_927 = arith.constant 1 : i32
    %sub3A_928 = vector.broadcast %sub3A_927 : i32 to vector<16xi32>
    %sub3A_929 = arith.subi %add3A_926, %sub3A_928 : vector<16xi32>
    %select_n3A_930 = arith.select %eq3A_920, %sub3A_929, %broadcast_in_dim3A_917 : vector<16xi1>, vector<16xi32>
    %slice3A_931 = vector.extract_strided_slice %masked_cumsum3A_924 {offsets = [15], sizes = [1], strides = [1]} : vector<16xi32> to vector<1xi32>
    %squeeze3A_932 = vector.extract %slice3A_931[0] : i32 from vector<1xi32>
    %add3A_933 = arith.addi %add3A_797, %squeeze3A_932 : i32
    %eq3A_934 = arith.constant 1 : i32
    %eq3A_935 = vector.broadcast %eq3A_934 : i32 to vector<16xi32>
    %eq3A_936 = arith.cmpi eq, %get3A_915, %eq3A_935 : vector<16xi32>
    %convert_element_type3A_937 = arith.extui %eq3A_936 : vector<16xi1> to vector<16xi32>
    %broadcast_in_dim3A_938 = arith.constant true
    %broadcast_in_dim3A_939 = vector.broadcast %broadcast_in_dim3A_938 : i1 to vector<16xi1>
    %masked_cumsum3A_940 = tpu.scan <sum>, %convert_element_type3A_937 masked %broadcast_in_dim3A_939 : vector<16xi32>, vector<16xi1> -> vector<16xi32>
    %add3A_941 = vector.broadcast %add3A_813 : i32 to vector<16xi32>
    %add3A_942 = arith.addi %add3A_941, %masked_cumsum3A_940 : vector<16xi32>
    %sub3A_943 = arith.constant 1 : i32
    %sub3A_944 = vector.broadcast %sub3A_943 : i32 to vector<16xi32>
    %sub3A_945 = arith.subi %add3A_942, %sub3A_944 : vector<16xi32>
    %select_n3A_946 = arith.select %eq3A_936, %sub3A_945, %select_n3A_930 : vector<16xi1>, vector<16xi32>
    %slice3A_947 = vector.extract_strided_slice %masked_cumsum3A_940 {offsets = [15], sizes = [1], strides = [1]} : vector<16xi32> to vector<1xi32>
    %squeeze3A_948 = vector.extract %slice3A_947[0] : i32 from vector<1xi32>
    %add3A_949 = arith.addi %add3A_813, %squeeze3A_948 : i32
    %eq3A_950 = arith.constant 2 : i32
    %eq3A_951 = vector.broadcast %eq3A_950 : i32 to vector<16xi32>
    %eq3A_952 = arith.cmpi eq, %get3A_915, %eq3A_951 : vector<16xi32>
    %convert_element_type3A_953 = arith.extui %eq3A_952 : vector<16xi1> to vector<16xi32>
    %broadcast_in_dim3A_954 = arith.constant true
    %broadcast_in_dim3A_955 = vector.broadcast %broadcast_in_dim3A_954 : i1 to vector<16xi1>
    %masked_cumsum3A_956 = tpu.scan <sum>, %convert_element_type3A_953 masked %broadcast_in_dim3A_955 : vector<16xi32>, vector<16xi1> -> vector<16xi32>
    %add3A_957 = vector.broadcast %add3A_829 : i32 to vector<16xi32>
    %add3A_958 = arith.addi %add3A_957, %masked_cumsum3A_956 : vector<16xi32>
    %sub3A_959 = arith.constant 1 : i32
    %sub3A_960 = vector.broadcast %sub3A_959 : i32 to vector<16xi32>
    %sub3A_961 = arith.subi %add3A_958, %sub3A_960 : vector<16xi32>
    %select_n3A_962 = arith.select %eq3A_952, %sub3A_961, %select_n3A_946 : vector<16xi1>, vector<16xi32>
    %slice3A_963 = vector.extract_strided_slice %masked_cumsum3A_956 {offsets = [15], sizes = [1], strides = [1]} : vector<16xi32> to vector<1xi32>
    %squeeze3A_964 = vector.extract %slice3A_963[0] : i32 from vector<1xi32>
    %add3A_965 = arith.addi %add3A_829, %squeeze3A_964 : i32
    %eq3A_966 = arith.constant 3 : i32
    %eq3A_967 = vector.broadcast %eq3A_966 : i32 to vector<16xi32>
    %eq3A_968 = arith.cmpi eq, %get3A_915, %eq3A_967 : vector<16xi32>
    %convert_element_type3A_969 = arith.extui %eq3A_968 : vector<16xi1> to vector<16xi32>
    %broadcast_in_dim3A_970 = arith.constant true
    %broadcast_in_dim3A_971 = vector.broadcast %broadcast_in_dim3A_970 : i1 to vector<16xi1>
    %masked_cumsum3A_972 = tpu.scan <sum>, %convert_element_type3A_969 masked %broadcast_in_dim3A_971 : vector<16xi32>, vector<16xi1> -> vector<16xi32>
    %add3A_973 = vector.broadcast %add3A_845 : i32 to vector<16xi32>
    %add3A_974 = arith.addi %add3A_973, %masked_cumsum3A_972 : vector<16xi32>
    %sub3A_975 = arith.constant 1 : i32
    %sub3A_976 = vector.broadcast %sub3A_975 : i32 to vector<16xi32>
    %sub3A_977 = arith.subi %add3A_974, %sub3A_976 : vector<16xi32>
    %select_n3A_978 = arith.select %eq3A_968, %sub3A_977, %select_n3A_962 : vector<16xi1>, vector<16xi32>
    %slice3A_979 = vector.extract_strided_slice %masked_cumsum3A_972 {offsets = [15], sizes = [1], strides = [1]} : vector<16xi32> to vector<1xi32>
    %squeeze3A_980 = vector.extract %slice3A_979[0] : i32 from vector<1xi32>
    %add3A_981 = arith.addi %add3A_845, %squeeze3A_980 : i32
    %eq3A_982 = arith.constant 4 : i32
    %eq3A_983 = vector.broadcast %eq3A_982 : i32 to vector<16xi32>
    %eq3A_984 = arith.cmpi eq, %get3A_915, %eq3A_983 : vector<16xi32>
    %convert_element_type3A_985 = arith.extui %eq3A_984 : vector<16xi1> to vector<16xi32>
    %broadcast_in_dim3A_986 = arith.constant true
    %broadcast_in_dim3A_987 = vector.broadcast %broadcast_in_dim3A_986 : i1 to vector<16xi1>
    %masked_cumsum3A_988 = tpu.scan <sum>, %convert_element_type3A_985 masked %broadcast_in_dim3A_987 : vector<16xi32>, vector<16xi1> -> vector<16xi32>
    %add3A_989 = vector.broadcast %add3A_861 : i32 to vector<16xi32>
    %add3A_990 = arith.addi %add3A_989, %masked_cumsum3A_988 : vector<16xi32>
    %sub3A_991 = arith.constant 1 : i32
    %sub3A_992 = vector.broadcast %sub3A_991 : i32 to vector<16xi32>
    %sub3A_993 = arith.subi %add3A_990, %sub3A_992 : vector<16xi32>
    %select_n3A_994 = arith.select %eq3A_984, %sub3A_993, %select_n3A_978 : vector<16xi1>, vector<16xi32>
    %slice3A_995 = vector.extract_strided_slice %masked_cumsum3A_988 {offsets = [15], sizes = [1], strides = [1]} : vector<16xi32> to vector<1xi32>
    %squeeze3A_996 = vector.extract %slice3A_995[0] : i32 from vector<1xi32>
    %add3A_997 = arith.addi %add3A_861, %squeeze3A_996 : i32
    %eq3A_998 = arith.constant 5 : i32
    %eq3A_999 = vector.broadcast %eq3A_998 : i32 to vector<16xi32>
    %eq3A_1000 = arith.cmpi eq, %get3A_915, %eq3A_999 : vector<16xi32>
    %convert_element_type3A_1001 = arith.extui %eq3A_1000 : vector<16xi1> to vector<16xi32>
    %broadcast_in_dim3A_1002 = arith.constant true
    %broadcast_in_dim3A_1003 = vector.broadcast %broadcast_in_dim3A_1002 : i1 to vector<16xi1>
    %masked_cumsum3A_1004 = tpu.scan <sum>, %convert_element_type3A_1001 masked %broadcast_in_dim3A_1003 : vector<16xi32>, vector<16xi1> -> vector<16xi32>
    %add3A_1005 = vector.broadcast %add3A_877 : i32 to vector<16xi32>
    %add3A_1006 = arith.addi %add3A_1005, %masked_cumsum3A_1004 : vector<16xi32>
    %sub3A_1007 = arith.constant 1 : i32
    %sub3A_1008 = vector.broadcast %sub3A_1007 : i32 to vector<16xi32>
    %sub3A_1009 = arith.subi %add3A_1006, %sub3A_1008 : vector<16xi32>
    %select_n3A_1010 = arith.select %eq3A_1000, %sub3A_1009, %select_n3A_994 : vector<16xi1>, vector<16xi32>
    %slice3A_1011 = vector.extract_strided_slice %masked_cumsum3A_1004 {offsets = [15], sizes = [1], strides = [1]} : vector<16xi32> to vector<1xi32>
    %squeeze3A_1012 = vector.extract %slice3A_1011[0] : i32 from vector<1xi32>
    %add3A_1013 = arith.addi %add3A_877, %squeeze3A_1012 : i32
    %eq3A_1014 = arith.constant 6 : i32
    %eq3A_1015 = vector.broadcast %eq3A_1014 : i32 to vector<16xi32>
    %eq3A_1016 = arith.cmpi eq, %get3A_915, %eq3A_1015 : vector<16xi32>
    %convert_element_type3A_1017 = arith.extui %eq3A_1016 : vector<16xi1> to vector<16xi32>
    %broadcast_in_dim3A_1018 = arith.constant true
    %broadcast_in_dim3A_1019 = vector.broadcast %broadcast_in_dim3A_1018 : i1 to vector<16xi1>
    %masked_cumsum3A_1020 = tpu.scan <sum>, %convert_element_type3A_1017 masked %broadcast_in_dim3A_1019 : vector<16xi32>, vector<16xi1> -> vector<16xi32>
    %add3A_1021 = vector.broadcast %add3A_893 : i32 to vector<16xi32>
    %add3A_1022 = arith.addi %add3A_1021, %masked_cumsum3A_1020 : vector<16xi32>
    %sub3A_1023 = arith.constant 1 : i32
    %sub3A_1024 = vector.broadcast %sub3A_1023 : i32 to vector<16xi32>
    %sub3A_1025 = arith.subi %add3A_1022, %sub3A_1024 : vector<16xi32>
    %select_n3A_1026 = arith.select %eq3A_1016, %sub3A_1025, %select_n3A_1010 : vector<16xi1>, vector<16xi32>
    %slice3A_1027 = vector.extract_strided_slice %masked_cumsum3A_1020 {offsets = [15], sizes = [1], strides = [1]} : vector<16xi32> to vector<1xi32>
    %squeeze3A_1028 = vector.extract %slice3A_1027[0] : i32 from vector<1xi32>
    %add3A_1029 = arith.addi %add3A_893, %squeeze3A_1028 : i32
    %eq3A_1030 = arith.constant 7 : i32
    %eq3A_1031 = vector.broadcast %eq3A_1030 : i32 to vector<16xi32>
    %eq3A_1032 = arith.cmpi eq, %get3A_915, %eq3A_1031 : vector<16xi32>
    %convert_element_type3A_1033 = arith.extui %eq3A_1032 : vector<16xi1> to vector<16xi32>
    %broadcast_in_dim3A_1034 = arith.constant true
    %broadcast_in_dim3A_1035 = vector.broadcast %broadcast_in_dim3A_1034 : i1 to vector<16xi1>
    %masked_cumsum3A_1036 = tpu.scan <sum>, %convert_element_type3A_1033 masked %broadcast_in_dim3A_1035 : vector<16xi32>, vector<16xi1> -> vector<16xi32>
    %add3A_1037 = vector.broadcast %add3A_909 : i32 to vector<16xi32>
    %add3A_1038 = arith.addi %add3A_1037, %masked_cumsum3A_1036 : vector<16xi32>
    %sub3A_1039 = arith.constant 1 : i32
    %sub3A_1040 = vector.broadcast %sub3A_1039 : i32 to vector<16xi32>
    %sub3A_1041 = arith.subi %add3A_1038, %sub3A_1040 : vector<16xi32>
    %select_n3A_1042 = arith.select %eq3A_1032, %sub3A_1041, %select_n3A_1026 : vector<16xi1>, vector<16xi32>
    %slice3A_1043 = vector.extract_strided_slice %masked_cumsum3A_1036 {offsets = [15], sizes = [1], strides = [1]} : vector<16xi32> to vector<1xi32>
    %squeeze3A_1044 = vector.extract %slice3A_1043[0] : i32 from vector<1xi32>
    %add3A_1045 = arith.addi %add3A_909, %squeeze3A_1044 : i32
    %swap3A_1046 = arith.constant 1 : i32
    %swap3A_1047 = arith.index_cast %swap3A_1046 : i32 to index
    %swap3A_1048 = arith.constant 0 : index
    %swap3A_1049 = tpu.vector_load %arg9[%swap3A_1047, %swap3A_1048] {strides = array<i32>} : memref<2x64xi32, #tpu.memory_space<vmem>>, vector<16xi32>,
    tpu.vector_store %arg9[%swap3A_1047, %swap3A_1048], %select_n3A_1042 {strides = array<i32>} : memref<2x64xi32, #tpu.memory_space<vmem>>, vector<16xi32>,
    %get3A_1050 = arith.constant 80 : index
    %get3A_1051 = tpu.vector_load %arg7[%get3A_1050] {strides = array<i32>} : memref<128xi32, #tpu.memory_space<vmem>>, vector<16xi32>,
    %broadcast_in_dim3A_1052 = arith.constant 0 : i32
    %broadcast_in_dim3A_1053 = vector.broadcast %broadcast_in_dim3A_1052 : i32 to vector<16xi32>
    %eq3A_1054 = arith.constant 0 : i32
    %eq3A_1055 = vector.broadcast %eq3A_1054 : i32 to vector<16xi32>
    %eq3A_1056 = arith.cmpi eq, %get3A_1051, %eq3A_1055 : vector<16xi32>
    %convert_element_type3A_1057 = arith.extui %eq3A_1056 : vector<16xi1> to vector<16xi32>
    %broadcast_in_dim3A_1058 = arith.constant true
    %broadcast_in_dim3A_1059 = vector.broadcast %broadcast_in_dim3A_1058 : i1 to vector<16xi1>
    %masked_cumsum3A_1060 = tpu.scan <sum>, %convert_element_type3A_1057 masked %broadcast_in_dim3A_1059 : vector<16xi32>, vector<16xi1> -> vector<16xi32>
    %add3A_1061 = vector.broadcast %add3A_933 : i32 to vector<16xi32>
    %add3A_1062 = arith.addi %add3A_1061, %masked_cumsum3A_1060 : vector<16xi32>
    %sub3A_1063 = arith.constant 1 : i32
    %sub3A_1064 = vector.broadcast %sub3A_1063 : i32 to vector<16xi32>
    %sub3A_1065 = arith.subi %add3A_1062, %sub3A_1064 : vector<16xi32>
    %select_n3A_1066 = arith.select %eq3A_1056, %sub3A_1065, %broadcast_in_dim3A_1053 : vector<16xi1>, vector<16xi32>
    %slice3A_1067 = vector.extract_strided_slice %masked_cumsum3A_1060 {offsets = [15], sizes = [1], strides = [1]} : vector<16xi32> to vector<1xi32>
    %squeeze3A_1068 = vector.extract %slice3A_1067[0] : i32 from vector<1xi32>
    %add3A_1069 = arith.addi %add3A_933, %squeeze3A_1068 : i32
    %eq3A_1070 = arith.constant 1 : i32
    %eq3A_1071 = vector.broadcast %eq3A_1070 : i32 to vector<16xi32>
    %eq3A_1072 = arith.cmpi eq, %get3A_1051, %eq3A_1071 : vector<16xi32>
    %convert_element_type3A_1073 = arith.extui %eq3A_1072 : vector<16xi1> to vector<16xi32>
    %broadcast_in_dim3A_1074 = arith.constant true
    %broadcast_in_dim3A_1075 = vector.broadcast %broadcast_in_dim3A_1074 : i1 to vector<16xi1>
    %masked_cumsum3A_1076 = tpu.scan <sum>, %convert_element_type3A_1073 masked %broadcast_in_dim3A_1075 : vector<16xi32>, vector<16xi1> -> vector<16xi32>
    %add3A_1077 = vector.broadcast %add3A_949 : i32 to vector<16xi32>
    %add3A_1078 = arith.addi %add3A_1077, %masked_cumsum3A_1076 : vector<16xi32>
    %sub3A_1079 = arith.constant 1 : i32
    %sub3A_1080 = vector.broadcast %sub3A_1079 : i32 to vector<16xi32>
    %sub3A_1081 = arith.subi %add3A_1078, %sub3A_1080 : vector<16xi32>
    %select_n3A_1082 = arith.select %eq3A_1072, %sub3A_1081, %select_n3A_1066 : vector<16xi1>, vector<16xi32>
    %slice3A_1083 = vector.extract_strided_slice %masked_cumsum3A_1076 {offsets = [15], sizes = [1], strides = [1]} : vector<16xi32> to vector<1xi32>
    %squeeze3A_1084 = vector.extract %slice3A_1083[0] : i32 from vector<1xi32>
    %add3A_1085 = arith.addi %add3A_949, %squeeze3A_1084 : i32
    %eq3A_1086 = arith.constant 2 : i32
    %eq3A_1087 = vector.broadcast %eq3A_1086 : i32 to vector<16xi32>
    %eq3A_1088 = arith.cmpi eq, %get3A_1051, %eq3A_1087 : vector<16xi32>
    %convert_element_type3A_1089 = arith.extui %eq3A_1088 : vector<16xi1> to vector<16xi32>
    %broadcast_in_dim3A_1090 = arith.constant true
    %broadcast_in_dim3A_1091 = vector.broadcast %broadcast_in_dim3A_1090 : i1 to vector<16xi1>
    %masked_cumsum3A_1092 = tpu.scan <sum>, %convert_element_type3A_1089 masked %broadcast_in_dim3A_1091 : vector<16xi32>, vector<16xi1> -> vector<16xi32>
    %add3A_1093 = vector.broadcast %add3A_965 : i32 to vector<16xi32>
    %add3A_1094 = arith.addi %add3A_1093, %masked_cumsum3A_1092 : vector<16xi32>
    %sub3A_1095 = arith.constant 1 : i32
    %sub3A_1096 = vector.broadcast %sub3A_1095 : i32 to vector<16xi32>
    %sub3A_1097 = arith.subi %add3A_1094, %sub3A_1096 : vector<16xi32>
    %select_n3A_1098 = arith.select %eq3A_1088, %sub3A_1097, %select_n3A_1082 : vector<16xi1>, vector<16xi32>
    %slice3A_1099 = vector.extract_strided_slice %masked_cumsum3A_1092 {offsets = [15], sizes = [1], strides = [1]} : vector<16xi32> to vector<1xi32>
    %squeeze3A_1100 = vector.extract %slice3A_1099[0] : i32 from vector<1xi32>
    %add3A_1101 = arith.addi %add3A_965, %squeeze3A_1100 : i32
    %eq3A_1102 = arith.constant 3 : i32
    %eq3A_1103 = vector.broadcast %eq3A_1102 : i32 to vector<16xi32>
    %eq3A_1104 = arith.cmpi eq, %get3A_1051, %eq3A_1103 : vector<16xi32>
    %convert_element_type3A_1105 = arith.extui %eq3A_1104 : vector<16xi1> to vector<16xi32>
    %broadcast_in_dim3A_1106 = arith.constant true
    %broadcast_in_dim3A_1107 = vector.broadcast %broadcast_in_dim3A_1106 : i1 to vector<16xi1>
    %masked_cumsum3A_1108 = tpu.scan <sum>, %convert_element_type3A_1105 masked %broadcast_in_dim3A_1107 : vector<16xi32>, vector<16xi1> -> vector<16xi32>
    %add3A_1109 = vector.broadcast %add3A_981 : i32 to vector<16xi32>
    %add3A_1110 = arith.addi %add3A_1109, %masked_cumsum3A_1108 : vector<16xi32>
    %sub3A_1111 = arith.constant 1 : i32
    %sub3A_1112 = vector.broadcast %sub3A_1111 : i32 to vector<16xi32>
    %sub3A_1113 = arith.subi %add3A_1110, %sub3A_1112 : vector<16xi32>
    %select_n3A_1114 = arith.select %eq3A_1104, %sub3A_1113, %select_n3A_1098 : vector<16xi1>, vector<16xi32>
    %slice3A_1115 = vector.extract_strided_slice %masked_cumsum3A_1108 {offsets = [15], sizes = [1], strides = [1]} : vector<16xi32> to vector<1xi32>
    %squeeze3A_1116 = vector.extract %slice3A_1115[0] : i32 from vector<1xi32>
    %add3A_1117 = arith.addi %add3A_981, %squeeze3A_1116 : i32
    %eq3A_1118 = arith.constant 4 : i32
    %eq3A_1119 = vector.broadcast %eq3A_1118 : i32 to vector<16xi32>
    %eq3A_1120 = arith.cmpi eq, %get3A_1051, %eq3A_1119 : vector<16xi32>
    %convert_element_type3A_1121 = arith.extui %eq3A_1120 : vector<16xi1> to vector<16xi32>
    %broadcast_in_dim3A_1122 = arith.constant true
    %broadcast_in_dim3A_1123 = vector.broadcast %broadcast_in_dim3A_1122 : i1 to vector<16xi1>
    %masked_cumsum3A_1124 = tpu.scan <sum>, %convert_element_type3A_1121 masked %broadcast_in_dim3A_1123 : vector<16xi32>, vector<16xi1> -> vector<16xi32>
    %add3A_1125 = vector.broadcast %add3A_997 : i32 to vector<16xi32>
    %add3A_1126 = arith.addi %add3A_1125, %masked_cumsum3A_1124 : vector<16xi32>
    %sub3A_1127 = arith.constant 1 : i32
    %sub3A_1128 = vector.broadcast %sub3A_1127 : i32 to vector<16xi32>
    %sub3A_1129 = arith.subi %add3A_1126, %sub3A_1128 : vector<16xi32>
    %select_n3A_1130 = arith.select %eq3A_1120, %sub3A_1129, %select_n3A_1114 : vector<16xi1>, vector<16xi32>
    %slice3A_1131 = vector.extract_strided_slice %masked_cumsum3A_1124 {offsets = [15], sizes = [1], strides = [1]} : vector<16xi32> to vector<1xi32>
    %squeeze3A_1132 = vector.extract %slice3A_1131[0] : i32 from vector<1xi32>
    %add3A_1133 = arith.addi %add3A_997, %squeeze3A_1132 : i32
    %eq3A_1134 = arith.constant 5 : i32
    %eq3A_1135 = vector.broadcast %eq3A_1134 : i32 to vector<16xi32>
    %eq3A_1136 = arith.cmpi eq, %get3A_1051, %eq3A_1135 : vector<16xi32>
    %convert_element_type3A_1137 = arith.extui %eq3A_1136 : vector<16xi1> to vector<16xi32>
    %broadcast_in_dim3A_1138 = arith.constant true
    %broadcast_in_dim3A_1139 = vector.broadcast %broadcast_in_dim3A_1138 : i1 to vector<16xi1>
    %masked_cumsum3A_1140 = tpu.scan <sum>, %convert_element_type3A_1137 masked %broadcast_in_dim3A_1139 : vector<16xi32>, vector<16xi1> -> vector<16xi32>
    %add3A_1141 = vector.broadcast %add3A_1013 : i32 to vector<16xi32>
    %add3A_1142 = arith.addi %add3A_1141, %masked_cumsum3A_1140 : vector<16xi32>
    %sub3A_1143 = arith.constant 1 : i32
    %sub3A_1144 = vector.broadcast %sub3A_1143 : i32 to vector<16xi32>
    %sub3A_1145 = arith.subi %add3A_1142, %sub3A_1144 : vector<16xi32>
    %select_n3A_1146 = arith.select %eq3A_1136, %sub3A_1145, %select_n3A_1130 : vector<16xi1>, vector<16xi32>
    %slice3A_1147 = vector.extract_strided_slice %masked_cumsum3A_1140 {offsets = [15], sizes = [1], strides = [1]} : vector<16xi32> to vector<1xi32>
    %squeeze3A_1148 = vector.extract %slice3A_1147[0] : i32 from vector<1xi32>
    %add3A_1149 = arith.addi %add3A_1013, %squeeze3A_1148 : i32
    %eq3A_1150 = arith.constant 6 : i32
    %eq3A_1151 = vector.broadcast %eq3A_1150 : i32 to vector<16xi32>
    %eq3A_1152 = arith.cmpi eq, %get3A_1051, %eq3A_1151 : vector<16xi32>
    %convert_element_type3A_1153 = arith.extui %eq3A_1152 : vector<16xi1> to vector<16xi32>
    %broadcast_in_dim3A_1154 = arith.constant true
    %broadcast_in_dim3A_1155 = vector.broadcast %broadcast_in_dim3A_1154 : i1 to vector<16xi1>
    %masked_cumsum3A_1156 = tpu.scan <sum>, %convert_element_type3A_1153 masked %broadcast_in_dim3A_1155 : vector<16xi32>, vector<16xi1> -> vector<16xi32>
    %add3A_1157 = vector.broadcast %add3A_1029 : i32 to vector<16xi32>
    %add3A_1158 = arith.addi %add3A_1157, %masked_cumsum3A_1156 : vector<16xi32>
    %sub3A_1159 = arith.constant 1 : i32
    %sub3A_1160 = vector.broadcast %sub3A_1159 : i32 to vector<16xi32>
    %sub3A_1161 = arith.subi %add3A_1158, %sub3A_1160 : vector<16xi32>
    %select_n3A_1162 = arith.select %eq3A_1152, %sub3A_1161, %select_n3A_1146 : vector<16xi1>, vector<16xi32>
    %slice3A_1163 = vector.extract_strided_slice %masked_cumsum3A_1156 {offsets = [15], sizes = [1], strides = [1]} : vector<16xi32> to vector<1xi32>
    %squeeze3A_1164 = vector.extract %slice3A_1163[0] : i32 from vector<1xi32>
    %add3A_1165 = arith.addi %add3A_1029, %squeeze3A_1164 : i32
    %eq3A_1166 = arith.constant 7 : i32
    %eq3A_1167 = vector.broadcast %eq3A_1166 : i32 to vector<16xi32>
    %eq3A_1168 = arith.cmpi eq, %get3A_1051, %eq3A_1167 : vector<16xi32>
    %convert_element_type3A_1169 = arith.extui %eq3A_1168 : vector<16xi1> to vector<16xi32>
    %broadcast_in_dim3A_1170 = arith.constant true
    %broadcast_in_dim3A_1171 = vector.broadcast %broadcast_in_dim3A_1170 : i1 to vector<16xi1>
    %masked_cumsum3A_1172 = tpu.scan <sum>, %convert_element_type3A_1169 masked %broadcast_in_dim3A_1171 : vector<16xi32>, vector<16xi1> -> vector<16xi32>
    %add3A_1173 = vector.broadcast %add3A_1045 : i32 to vector<16xi32>
    %add3A_1174 = arith.addi %add3A_1173, %masked_cumsum3A_1172 : vector<16xi32>
    %sub3A_1175 = arith.constant 1 : i32
    %sub3A_1176 = vector.broadcast %sub3A_1175 : i32 to vector<16xi32>
    %sub3A_1177 = arith.subi %add3A_1174, %sub3A_1176 : vector<16xi32>
    %select_n3A_1178 = arith.select %eq3A_1168, %sub3A_1177, %select_n3A_1162 : vector<16xi1>, vector<16xi32>
    %slice3A_1179 = vector.extract_strided_slice %masked_cumsum3A_1172 {offsets = [15], sizes = [1], strides = [1]} : vector<16xi32> to vector<1xi32>
    %squeeze3A_1180 = vector.extract %slice3A_1179[0] : i32 from vector<1xi32>
    %add3A_1181 = arith.addi %add3A_1045, %squeeze3A_1180 : i32
    %swap3A_1182 = arith.constant 1 : i32
    %swap3A_1183 = arith.index_cast %swap3A_1182 : i32 to index
    %swap3A_1184 = arith.constant 16 : index
    %swap3A_1185 = tpu.vector_load %arg9[%swap3A_1183, %swap3A_1184] {strides = array<i32>} : memref<2x64xi32, #tpu.memory_space<vmem>>, vector<16xi32>,
    tpu.vector_store %arg9[%swap3A_1183, %swap3A_1184], %select_n3A_1178 {strides = array<i32>} : memref<2x64xi32, #tpu.memory_space<vmem>>, vector<16xi32>,
    %get3A_1186 = arith.constant 96 : index
    %get3A_1187 = tpu.vector_load %arg7[%get3A_1186] {strides = array<i32>} : memref<128xi32, #tpu.memory_space<vmem>>, vector<16xi32>,
    %broadcast_in_dim3A_1188 = arith.constant 0 : i32
    %broadcast_in_dim3A_1189 = vector.broadcast %broadcast_in_dim3A_1188 : i32 to vector<16xi32>
    %eq3A_1190 = arith.constant 0 : i32
    %eq3A_1191 = vector.broadcast %eq3A_1190 : i32 to vector<16xi32>
    %eq3A_1192 = arith.cmpi eq, %get3A_1187, %eq3A_1191 : vector<16xi32>
    %convert_element_type3A_1193 = arith.extui %eq3A_1192 : vector<16xi1> to vector<16xi32>
    %broadcast_in_dim3A_1194 = arith.constant true
    %broadcast_in_dim3A_1195 = vector.broadcast %broadcast_in_dim3A_1194 : i1 to vector<16xi1>
    %masked_cumsum3A_1196 = tpu.scan <sum>, %convert_element_type3A_1193 masked %broadcast_in_dim3A_1195 : vector<16xi32>, vector<16xi1> -> vector<16xi32>
    %add3A_1197 = vector.broadcast %add3A_1069 : i32 to vector<16xi32>
    %add3A_1198 = arith.addi %add3A_1197, %masked_cumsum3A_1196 : vector<16xi32>
    %sub3A_1199 = arith.constant 1 : i32
    %sub3A_1200 = vector.broadcast %sub3A_1199 : i32 to vector<16xi32>
    %sub3A_1201 = arith.subi %add3A_1198, %sub3A_1200 : vector<16xi32>
    %select_n3A_1202 = arith.select %eq3A_1192, %sub3A_1201, %broadcast_in_dim3A_1189 : vector<16xi1>, vector<16xi32>
    %slice3A_1203 = vector.extract_strided_slice %masked_cumsum3A_1196 {offsets = [15], sizes = [1], strides = [1]} : vector<16xi32> to vector<1xi32>
    %squeeze3A_1204 = vector.extract %slice3A_1203[0] : i32 from vector<1xi32>
    %add3A_1205 = arith.addi %add3A_1069, %squeeze3A_1204 : i32
    %eq3A_1206 = arith.constant 1 : i32
    %eq3A_1207 = vector.broadcast %eq3A_1206 : i32 to vector<16xi32>
    %eq3A_1208 = arith.cmpi eq, %get3A_1187, %eq3A_1207 : vector<16xi32>
    %convert_element_type3A_1209 = arith.extui %eq3A_1208 : vector<16xi1> to vector<16xi32>
    %broadcast_in_dim3A_1210 = arith.constant true
    %broadcast_in_dim3A_1211 = vector.broadcast %broadcast_in_dim3A_1210 : i1 to vector<16xi1>
    %masked_cumsum3A_1212 = tpu.scan <sum>, %convert_element_type3A_1209 masked %broadcast_in_dim3A_1211 : vector<16xi32>, vector<16xi1> -> vector<16xi32>
    %add3A_1213 = vector.broadcast %add3A_1085 : i32 to vector<16xi32>
    %add3A_1214 = arith.addi %add3A_1213, %masked_cumsum3A_1212 : vector<16xi32>
    %sub3A_1215 = arith.constant 1 : i32
    %sub3A_1216 = vector.broadcast %sub3A_1215 : i32 to vector<16xi32>
    %sub3A_1217 = arith.subi %add3A_1214, %sub3A_1216 : vector<16xi32>
    %select_n3A_1218 = arith.select %eq3A_1208, %sub3A_1217, %select_n3A_1202 : vector<16xi1>, vector<16xi32>
    %slice3A_1219 = vector.extract_strided_slice %masked_cumsum3A_1212 {offsets = [15], sizes = [1], strides = [1]} : vector<16xi32> to vector<1xi32>
    %squeeze3A_1220 = vector.extract %slice3A_1219[0] : i32 from vector<1xi32>
    %add3A_1221 = arith.addi %add3A_1085, %squeeze3A_1220 : i32
    %eq3A_1222 = arith.constant 2 : i32
    %eq3A_1223 = vector.broadcast %eq3A_1222 : i32 to vector<16xi32>
    %eq3A_1224 = arith.cmpi eq, %get3A_1187, %eq3A_1223 : vector<16xi32>
    %convert_element_type3A_1225 = arith.extui %eq3A_1224 : vector<16xi1> to vector<16xi32>
    %broadcast_in_dim3A_1226 = arith.constant true
    %broadcast_in_dim3A_1227 = vector.broadcast %broadcast_in_dim3A_1226 : i1 to vector<16xi1>
    %masked_cumsum3A_1228 = tpu.scan <sum>, %convert_element_type3A_1225 masked %broadcast_in_dim3A_1227 : vector<16xi32>, vector<16xi1> -> vector<16xi32>
    %add3A_1229 = vector.broadcast %add3A_1101 : i32 to vector<16xi32>
    %add3A_1230 = arith.addi %add3A_1229, %masked_cumsum3A_1228 : vector<16xi32>
    %sub3A_1231 = arith.constant 1 : i32
    %sub3A_1232 = vector.broadcast %sub3A_1231 : i32 to vector<16xi32>
    %sub3A_1233 = arith.subi %add3A_1230, %sub3A_1232 : vector<16xi32>
    %select_n3A_1234 = arith.select %eq3A_1224, %sub3A_1233, %select_n3A_1218 : vector<16xi1>, vector<16xi32>
    %slice3A_1235 = vector.extract_strided_slice %masked_cumsum3A_1228 {offsets = [15], sizes = [1], strides = [1]} : vector<16xi32> to vector<1xi32>
    %squeeze3A_1236 = vector.extract %slice3A_1235[0] : i32 from vector<1xi32>
    %add3A_1237 = arith.addi %add3A_1101, %squeeze3A_1236 : i32
    %eq3A_1238 = arith.constant 3 : i32
    %eq3A_1239 = vector.broadcast %eq3A_1238 : i32 to vector<16xi32>
    %eq3A_1240 = arith.cmpi eq, %get3A_1187, %eq3A_1239 : vector<16xi32>
    %convert_element_type3A_1241 = arith.extui %eq3A_1240 : vector<16xi1> to vector<16xi32>
    %broadcast_in_dim3A_1242 = arith.constant true
    %broadcast_in_dim3A_1243 = vector.broadcast %broadcast_in_dim3A_1242 : i1 to vector<16xi1>
    %masked_cumsum3A_1244 = tpu.scan <sum>, %convert_element_type3A_1241 masked %broadcast_in_dim3A_1243 : vector<16xi32>, vector<16xi1> -> vector<16xi32>
    %add3A_1245 = vector.broadcast %add3A_1117 : i32 to vector<16xi32>
    %add3A_1246 = arith.addi %add3A_1245, %masked_cumsum3A_1244 : vector<16xi32>
    %sub3A_1247 = arith.constant 1 : i32
    %sub3A_1248 = vector.broadcast %sub3A_1247 : i32 to vector<16xi32>
    %sub3A_1249 = arith.subi %add3A_1246, %sub3A_1248 : vector<16xi32>
    %select_n3A_1250 = arith.select %eq3A_1240, %sub3A_1249, %select_n3A_1234 : vector<16xi1>, vector<16xi32>
    %slice3A_1251 = vector.extract_strided_slice %masked_cumsum3A_1244 {offsets = [15], sizes = [1], strides = [1]} : vector<16xi32> to vector<1xi32>
    %squeeze3A_1252 = vector.extract %slice3A_1251[0] : i32 from vector<1xi32>
    %add3A_1253 = arith.addi %add3A_1117, %squeeze3A_1252 : i32
    %eq3A_1254 = arith.constant 4 : i32
    %eq3A_1255 = vector.broadcast %eq3A_1254 : i32 to vector<16xi32>
    %eq3A_1256 = arith.cmpi eq, %get3A_1187, %eq3A_1255 : vector<16xi32>
    %convert_element_type3A_1257 = arith.extui %eq3A_1256 : vector<16xi1> to vector<16xi32>
    %broadcast_in_dim3A_1258 = arith.constant true
    %broadcast_in_dim3A_1259 = vector.broadcast %broadcast_in_dim3A_1258 : i1 to vector<16xi1>
    %masked_cumsum3A_1260 = tpu.scan <sum>, %convert_element_type3A_1257 masked %broadcast_in_dim3A_1259 : vector<16xi32>, vector<16xi1> -> vector<16xi32>
    %add3A_1261 = vector.broadcast %add3A_1133 : i32 to vector<16xi32>
    %add3A_1262 = arith.addi %add3A_1261, %masked_cumsum3A_1260 : vector<16xi32>
    %sub3A_1263 = arith.constant 1 : i32
    %sub3A_1264 = vector.broadcast %sub3A_1263 : i32 to vector<16xi32>
    %sub3A_1265 = arith.subi %add3A_1262, %sub3A_1264 : vector<16xi32>
    %select_n3A_1266 = arith.select %eq3A_1256, %sub3A_1265, %select_n3A_1250 : vector<16xi1>, vector<16xi32>
    %slice3A_1267 = vector.extract_strided_slice %masked_cumsum3A_1260 {offsets = [15], sizes = [1], strides = [1]} : vector<16xi32> to vector<1xi32>
    %squeeze3A_1268 = vector.extract %slice3A_1267[0] : i32 from vector<1xi32>
    %add3A_1269 = arith.addi %add3A_1133, %squeeze3A_1268 : i32
    %eq3A_1270 = arith.constant 5 : i32
    %eq3A_1271 = vector.broadcast %eq3A_1270 : i32 to vector<16xi32>
    %eq3A_1272 = arith.cmpi eq, %get3A_1187, %eq3A_1271 : vector<16xi32>
    %convert_element_type3A_1273 = arith.extui %eq3A_1272 : vector<16xi1> to vector<16xi32>
    %broadcast_in_dim3A_1274 = arith.constant true
    %broadcast_in_dim3A_1275 = vector.broadcast %broadcast_in_dim3A_1274 : i1 to vector<16xi1>
    %masked_cumsum3A_1276 = tpu.scan <sum>, %convert_element_type3A_1273 masked %broadcast_in_dim3A_1275 : vector<16xi32>, vector<16xi1> -> vector<16xi32>
    %add3A_1277 = vector.broadcast %add3A_1149 : i32 to vector<16xi32>
    %add3A_1278 = arith.addi %add3A_1277, %masked_cumsum3A_1276 : vector<16xi32>
    %sub3A_1279 = arith.constant 1 : i32
    %sub3A_1280 = vector.broadcast %sub3A_1279 : i32 to vector<16xi32>
    %sub3A_1281 = arith.subi %add3A_1278, %sub3A_1280 : vector<16xi32>
    %select_n3A_1282 = arith.select %eq3A_1272, %sub3A_1281, %select_n3A_1266 : vector<16xi1>, vector<16xi32>
    %slice3A_1283 = vector.extract_strided_slice %masked_cumsum3A_1276 {offsets = [15], sizes = [1], strides = [1]} : vector<16xi32> to vector<1xi32>
    %squeeze3A_1284 = vector.extract %slice3A_1283[0] : i32 from vector<1xi32>
    %add3A_1285 = arith.addi %add3A_1149, %squeeze3A_1284 : i32
    %eq3A_1286 = arith.constant 6 : i32
    %eq3A_1287 = vector.broadcast %eq3A_1286 : i32 to vector<16xi32>
    %eq3A_1288 = arith.cmpi eq, %get3A_1187, %eq3A_1287 : vector<16xi32>
    %convert_element_type3A_1289 = arith.extui %eq3A_1288 : vector<16xi1> to vector<16xi32>
    %broadcast_in_dim3A_1290 = arith.constant true
    %broadcast_in_dim3A_1291 = vector.broadcast %broadcast_in_dim3A_1290 : i1 to vector<16xi1>
    %masked_cumsum3A_1292 = tpu.scan <sum>, %convert_element_type3A_1289 masked %broadcast_in_dim3A_1291 : vector<16xi32>, vector<16xi1> -> vector<16xi32>
    %add3A_1293 = vector.broadcast %add3A_1165 : i32 to vector<16xi32>
    %add3A_1294 = arith.addi %add3A_1293, %masked_cumsum3A_1292 : vector<16xi32>
    %sub3A_1295 = arith.constant 1 : i32
    %sub3A_1296 = vector.broadcast %sub3A_1295 : i32 to vector<16xi32>
    %sub3A_1297 = arith.subi %add3A_1294, %sub3A_1296 : vector<16xi32>
    %select_n3A_1298 = arith.select %eq3A_1288, %sub3A_1297, %select_n3A_1282 : vector<16xi1>, vector<16xi32>
    %slice3A_1299 = vector.extract_strided_slice %masked_cumsum3A_1292 {offsets = [15], sizes = [1], strides = [1]} : vector<16xi32> to vector<1xi32>
    %squeeze3A_1300 = vector.extract %slice3A_1299[0] : i32 from vector<1xi32>
    %add3A_1301 = arith.addi %add3A_1165, %squeeze3A_1300 : i32
    %eq3A_1302 = arith.constant 7 : i32
    %eq3A_1303 = vector.broadcast %eq3A_1302 : i32 to vector<16xi32>
    %eq3A_1304 = arith.cmpi eq, %get3A_1187, %eq3A_1303 : vector<16xi32>
    %convert_element_type3A_1305 = arith.extui %eq3A_1304 : vector<16xi1> to vector<16xi32>
    %broadcast_in_dim3A_1306 = arith.constant true
    %broadcast_in_dim3A_1307 = vector.broadcast %broadcast_in_dim3A_1306 : i1 to vector<16xi1>
    %masked_cumsum3A_1308 = tpu.scan <sum>, %convert_element_type3A_1305 masked %broadcast_in_dim3A_1307 : vector<16xi32>, vector<16xi1> -> vector<16xi32>
    %add3A_1309 = vector.broadcast %add3A_1181 : i32 to vector<16xi32>
    %add3A_1310 = arith.addi %add3A_1309, %masked_cumsum3A_1308 : vector<16xi32>
    %sub3A_1311 = arith.constant 1 : i32
    %sub3A_1312 = vector.broadcast %sub3A_1311 : i32 to vector<16xi32>
    %sub3A_1313 = arith.subi %add3A_1310, %sub3A_1312 : vector<16xi32>
    %select_n3A_1314 = arith.select %eq3A_1304, %sub3A_1313, %select_n3A_1298 : vector<16xi1>, vector<16xi32>
    %slice3A_1315 = vector.extract_strided_slice %masked_cumsum3A_1308 {offsets = [15], sizes = [1], strides = [1]} : vector<16xi32> to vector<1xi32>
    %squeeze3A_1316 = vector.extract %slice3A_1315[0] : i32 from vector<1xi32>
    %add3A_1317 = arith.addi %add3A_1181, %squeeze3A_1316 : i32
    %swap3A_1318 = arith.constant 1 : i32
    %swap3A_1319 = arith.index_cast %swap3A_1318 : i32 to index
    %swap3A_1320 = arith.constant 32 : index
    %swap3A_1321 = tpu.vector_load %arg9[%swap3A_1319, %swap3A_1320] {strides = array<i32>} : memref<2x64xi32, #tpu.memory_space<vmem>>, vector<16xi32>,
    tpu.vector_store %arg9[%swap3A_1319, %swap3A_1320], %select_n3A_1314 {strides = array<i32>} : memref<2x64xi32, #tpu.memory_space<vmem>>, vector<16xi32>,
    %get3A_1322 = arith.constant 112 : index
    %get3A_1323 = tpu.vector_load %arg7[%get3A_1322] {strides = array<i32>} : memref<128xi32, #tpu.memory_space<vmem>>, vector<16xi32>,
    %broadcast_in_dim3A_1324 = arith.constant 0 : i32
    %broadcast_in_dim3A_1325 = vector.broadcast %broadcast_in_dim3A_1324 : i32 to vector<16xi32>
    %eq3A_1326 = arith.constant 0 : i32
    %eq3A_1327 = vector.broadcast %eq3A_1326 : i32 to vector<16xi32>
    %eq3A_1328 = arith.cmpi eq, %get3A_1323, %eq3A_1327 : vector<16xi32>
    %convert_element_type3A_1329 = arith.extui %eq3A_1328 : vector<16xi1> to vector<16xi32>
    %broadcast_in_dim3A_1330 = arith.constant true
    %broadcast_in_dim3A_1331 = vector.broadcast %broadcast_in_dim3A_1330 : i1 to vector<16xi1>
    %masked_cumsum3A_1332 = tpu.scan <sum>, %convert_element_type3A_1329 masked %broadcast_in_dim3A_1331 : vector<16xi32>, vector<16xi1> -> vector<16xi32>
    %add3A_1333 = vector.broadcast %add3A_1205 : i32 to vector<16xi32>
    %add3A_1334 = arith.addi %add3A_1333, %masked_cumsum3A_1332 : vector<16xi32>
    %sub3A_1335 = arith.constant 1 : i32
    %sub3A_1336 = vector.broadcast %sub3A_1335 : i32 to vector<16xi32>
    %sub3A_1337 = arith.subi %add3A_1334, %sub3A_1336 : vector<16xi32>
    %select_n3A_1338 = arith.select %eq3A_1328, %sub3A_1337, %broadcast_in_dim3A_1325 : vector<16xi1>, vector<16xi32>
    %slice3A_1339 = vector.extract_strided_slice %masked_cumsum3A_1332 {offsets = [15], sizes = [1], strides = [1]} : vector<16xi32> to vector<1xi32>
    %squeeze3A_1340 = vector.extract %slice3A_1339[0] : i32 from vector<1xi32>
    %add3A_1341 = arith.addi %add3A_1205, %squeeze3A_1340 : i32
    %eq3A_1342 = arith.constant 1 : i32
    %eq3A_1343 = vector.broadcast %eq3A_1342 : i32 to vector<16xi32>
    %eq3A_1344 = arith.cmpi eq, %get3A_1323, %eq3A_1343 : vector<16xi32>
    %convert_element_type3A_1345 = arith.extui %eq3A_1344 : vector<16xi1> to vector<16xi32>
    %broadcast_in_dim3A_1346 = arith.constant true
    %broadcast_in_dim3A_1347 = vector.broadcast %broadcast_in_dim3A_1346 : i1 to vector<16xi1>
    %masked_cumsum3A_1348 = tpu.scan <sum>, %convert_element_type3A_1345 masked %broadcast_in_dim3A_1347 : vector<16xi32>, vector<16xi1> -> vector<16xi32>
    %add3A_1349 = vector.broadcast %add3A_1221 : i32 to vector<16xi32>
    %add3A_1350 = arith.addi %add3A_1349, %masked_cumsum3A_1348 : vector<16xi32>
    %sub3A_1351 = arith.constant 1 : i32
    %sub3A_1352 = vector.broadcast %sub3A_1351 : i32 to vector<16xi32>
    %sub3A_1353 = arith.subi %add3A_1350, %sub3A_1352 : vector<16xi32>
    %select_n3A_1354 = arith.select %eq3A_1344, %sub3A_1353, %select_n3A_1338 : vector<16xi1>, vector<16xi32>
    %slice3A_1355 = vector.extract_strided_slice %masked_cumsum3A_1348 {offsets = [15], sizes = [1], strides = [1]} : vector<16xi32> to vector<1xi32>
    %squeeze3A_1356 = vector.extract %slice3A_1355[0] : i32 from vector<1xi32>
    %add3A_1357 = arith.addi %add3A_1221, %squeeze3A_1356 : i32
    %eq3A_1358 = arith.constant 2 : i32
    %eq3A_1359 = vector.broadcast %eq3A_1358 : i32 to vector<16xi32>
    %eq3A_1360 = arith.cmpi eq, %get3A_1323, %eq3A_1359 : vector<16xi32>
    %convert_element_type3A_1361 = arith.extui %eq3A_1360 : vector<16xi1> to vector<16xi32>
    %broadcast_in_dim3A_1362 = arith.constant true
    %broadcast_in_dim3A_1363 = vector.broadcast %broadcast_in_dim3A_1362 : i1 to vector<16xi1>
    %masked_cumsum3A_1364 = tpu.scan <sum>, %convert_element_type3A_1361 masked %broadcast_in_dim3A_1363 : vector<16xi32>, vector<16xi1> -> vector<16xi32>
    %add3A_1365 = vector.broadcast %add3A_1237 : i32 to vector<16xi32>
    %add3A_1366 = arith.addi %add3A_1365, %masked_cumsum3A_1364 : vector<16xi32>
    %sub3A_1367 = arith.constant 1 : i32
    %sub3A_1368 = vector.broadcast %sub3A_1367 : i32 to vector<16xi32>
    %sub3A_1369 = arith.subi %add3A_1366, %sub3A_1368 : vector<16xi32>
    %select_n3A_1370 = arith.select %eq3A_1360, %sub3A_1369, %select_n3A_1354 : vector<16xi1>, vector<16xi32>
    %slice3A_1371 = vector.extract_strided_slice %masked_cumsum3A_1364 {offsets = [15], sizes = [1], strides = [1]} : vector<16xi32> to vector<1xi32>
    %squeeze3A_1372 = vector.extract %slice3A_1371[0] : i32 from vector<1xi32>
    %add3A_1373 = arith.addi %add3A_1237, %squeeze3A_1372 : i32
    %eq3A_1374 = arith.constant 3 : i32
    %eq3A_1375 = vector.broadcast %eq3A_1374 : i32 to vector<16xi32>
    %eq3A_1376 = arith.cmpi eq, %get3A_1323, %eq3A_1375 : vector<16xi32>
    %convert_element_type3A_1377 = arith.extui %eq3A_1376 : vector<16xi1> to vector<16xi32>
    %broadcast_in_dim3A_1378 = arith.constant true
    %broadcast_in_dim3A_1379 = vector.broadcast %broadcast_in_dim3A_1378 : i1 to vector<16xi1>
    %masked_cumsum3A_1380 = tpu.scan <sum>, %convert_element_type3A_1377 masked %broadcast_in_dim3A_1379 : vector<16xi32>, vector<16xi1> -> vector<16xi32>
    %add3A_1381 = vector.broadcast %add3A_1253 : i32 to vector<16xi32>
    %add3A_1382 = arith.addi %add3A_1381, %masked_cumsum3A_1380 : vector<16xi32>
    %sub3A_1383 = arith.constant 1 : i32
    %sub3A_1384 = vector.broadcast %sub3A_1383 : i32 to vector<16xi32>
    %sub3A_1385 = arith.subi %add3A_1382, %sub3A_1384 : vector<16xi32>
    %select_n3A_1386 = arith.select %eq3A_1376, %sub3A_1385, %select_n3A_1370 : vector<16xi1>, vector<16xi32>
    %slice3A_1387 = vector.extract_strided_slice %masked_cumsum3A_1380 {offsets = [15], sizes = [1], strides = [1]} : vector<16xi32> to vector<1xi32>
    %squeeze3A_1388 = vector.extract %slice3A_1387[0] : i32 from vector<1xi32>
    %add3A_1389 = arith.addi %add3A_1253, %squeeze3A_1388 : i32
    %eq3A_1390 = arith.constant 4 : i32
    %eq3A_1391 = vector.broadcast %eq3A_1390 : i32 to vector<16xi32>
    %eq3A_1392 = arith.cmpi eq, %get3A_1323, %eq3A_1391 : vector<16xi32>
    %convert_element_type3A_1393 = arith.extui %eq3A_1392 : vector<16xi1> to vector<16xi32>
    %broadcast_in_dim3A_1394 = arith.constant true
    %broadcast_in_dim3A_1395 = vector.broadcast %broadcast_in_dim3A_1394 : i1 to vector<16xi1>
    %masked_cumsum3A_1396 = tpu.scan <sum>, %convert_element_type3A_1393 masked %broadcast_in_dim3A_1395 : vector<16xi32>, vector<16xi1> -> vector<16xi32>
    %add3A_1397 = vector.broadcast %add3A_1269 : i32 to vector<16xi32>
    %add3A_1398 = arith.addi %add3A_1397, %masked_cumsum3A_1396 : vector<16xi32>
    %sub3A_1399 = arith.constant 1 : i32
    %sub3A_1400 = vector.broadcast %sub3A_1399 : i32 to vector<16xi32>
    %sub3A_1401 = arith.subi %add3A_1398, %sub3A_1400 : vector<16xi32>
    %select_n3A_1402 = arith.select %eq3A_1392, %sub3A_1401, %select_n3A_1386 : vector<16xi1>, vector<16xi32>
    %slice3A_1403 = vector.extract_strided_slice %masked_cumsum3A_1396 {offsets = [15], sizes = [1], strides = [1]} : vector<16xi32> to vector<1xi32>
    %squeeze3A_1404 = vector.extract %slice3A_1403[0] : i32 from vector<1xi32>
    %add3A_1405 = arith.addi %add3A_1269, %squeeze3A_1404 : i32
    %eq3A_1406 = arith.constant 5 : i32
    %eq3A_1407 = vector.broadcast %eq3A_1406 : i32 to vector<16xi32>
    %eq3A_1408 = arith.cmpi eq, %get3A_1323, %eq3A_1407 : vector<16xi32>
    %convert_element_type3A_1409 = arith.extui %eq3A_1408 : vector<16xi1> to vector<16xi32>
    %broadcast_in_dim3A_1410 = arith.constant true
    %broadcast_in_dim3A_1411 = vector.broadcast %broadcast_in_dim3A_1410 : i1 to vector<16xi1>
    %masked_cumsum3A_1412 = tpu.scan <sum>, %convert_element_type3A_1409 masked %broadcast_in_dim3A_1411 : vector<16xi32>, vector<16xi1> -> vector<16xi32>
    %add3A_1413 = vector.broadcast %add3A_1285 : i32 to vector<16xi32>
    %add3A_1414 = arith.addi %add3A_1413, %masked_cumsum3A_1412 : vector<16xi32>
    %sub3A_1415 = arith.constant 1 : i32
    %sub3A_1416 = vector.broadcast %sub3A_1415 : i32 to vector<16xi32>
    %sub3A_1417 = arith.subi %add3A_1414, %sub3A_1416 : vector<16xi32>
    %select_n3A_1418 = arith.select %eq3A_1408, %sub3A_1417, %select_n3A_1402 : vector<16xi1>, vector<16xi32>
    %slice3A_1419 = vector.extract_strided_slice %masked_cumsum3A_1412 {offsets = [15], sizes = [1], strides = [1]} : vector<16xi32> to vector<1xi32>
    %squeeze3A_1420 = vector.extract %slice3A_1419[0] : i32 from vector<1xi32>
    %add3A_1421 = arith.addi %add3A_1285, %squeeze3A_1420 : i32
    %eq3A_1422 = arith.constant 6 : i32
    %eq3A_1423 = vector.broadcast %eq3A_1422 : i32 to vector<16xi32>
    %eq3A_1424 = arith.cmpi eq, %get3A_1323, %eq3A_1423 : vector<16xi32>
    %convert_element_type3A_1425 = arith.extui %eq3A_1424 : vector<16xi1> to vector<16xi32>
    %broadcast_in_dim3A_1426 = arith.constant true
    %broadcast_in_dim3A_1427 = vector.broadcast %broadcast_in_dim3A_1426 : i1 to vector<16xi1>
    %masked_cumsum3A_1428 = tpu.scan <sum>, %convert_element_type3A_1425 masked %broadcast_in_dim3A_1427 : vector<16xi32>, vector<16xi1> -> vector<16xi32>
    %add3A_1429 = vector.broadcast %add3A_1301 : i32 to vector<16xi32>
    %add3A_1430 = arith.addi %add3A_1429, %masked_cumsum3A_1428 : vector<16xi32>
    %sub3A_1431 = arith.constant 1 : i32
    %sub3A_1432 = vector.broadcast %sub3A_1431 : i32 to vector<16xi32>
    %sub3A_1433 = arith.subi %add3A_1430, %sub3A_1432 : vector<16xi32>
    %select_n3A_1434 = arith.select %eq3A_1424, %sub3A_1433, %select_n3A_1418 : vector<16xi1>, vector<16xi32>
    %slice3A_1435 = vector.extract_strided_slice %masked_cumsum3A_1428 {offsets = [15], sizes = [1], strides = [1]} : vector<16xi32> to vector<1xi32>
    %squeeze3A_1436 = vector.extract %slice3A_1435[0] : i32 from vector<1xi32>
    %add3A_1437 = arith.addi %add3A_1301, %squeeze3A_1436 : i32
    %eq3A_1438 = arith.constant 7 : i32
    %eq3A_1439 = vector.broadcast %eq3A_1438 : i32 to vector<16xi32>
    %eq3A_1440 = arith.cmpi eq, %get3A_1323, %eq3A_1439 : vector<16xi32>
    %convert_element_type3A_1441 = arith.extui %eq3A_1440 : vector<16xi1> to vector<16xi32>
    %broadcast_in_dim3A_1442 = arith.constant true
    %broadcast_in_dim3A_1443 = vector.broadcast %broadcast_in_dim3A_1442 : i1 to vector<16xi1>
    %masked_cumsum3A_1444 = tpu.scan <sum>, %convert_element_type3A_1441 masked %broadcast_in_dim3A_1443 : vector<16xi32>, vector<16xi1> -> vector<16xi32>
    %add3A_1445 = vector.broadcast %add3A_1317 : i32 to vector<16xi32>
    %add3A_1446 = arith.addi %add3A_1445, %masked_cumsum3A_1444 : vector<16xi32>
    %sub3A_1447 = arith.constant 1 : i32
    %sub3A_1448 = vector.broadcast %sub3A_1447 : i32 to vector<16xi32>
    %sub3A_1449 = arith.subi %add3A_1446, %sub3A_1448 : vector<16xi32>
    %select_n3A_1450 = arith.select %eq3A_1440, %sub3A_1449, %select_n3A_1434 : vector<16xi1>, vector<16xi32>
    %slice3A_1451 = vector.extract_strided_slice %masked_cumsum3A_1444 {offsets = [15], sizes = [1], strides = [1]} : vector<16xi32> to vector<1xi32>
    %squeeze3A_1452 = vector.extract %slice3A_1451[0] : i32 from vector<1xi32>
    %add3A_1453 = arith.addi %add3A_1317, %squeeze3A_1452 : i32
    %swap3A_1454 = arith.constant 1 : i32
    %swap3A_1455 = arith.index_cast %swap3A_1454 : i32 to index
    %swap3A_1456 = arith.constant 48 : index
    %swap3A_1457 = tpu.vector_load %arg9[%swap3A_1455, %swap3A_1456] {strides = array<i32>} : memref<2x64xi32, #tpu.memory_space<vmem>>, vector<16xi32>,
    tpu.vector_store %arg9[%swap3A_1455, %swap3A_1456], %select_n3A_1450 {strides = array<i32>} : memref<2x64xi32, #tpu.memory_space<vmem>>, vector<16xi32>,
    "tpu.region"() ({
      %run_scoped3A = tpu.sem_alloc : memref<!tpu.dma_semaphore, #tpu.memory_space<semaphore_mem>>
      %dma_start3A_1490 = arith.constant 0 : i32
      %dma_start3A_1491 = arith.constant 0 : i32
      %dma_start3A_1492 = tpu.memref_slice %arg6[%add3A, %dma_start3A_1490, %dma_start3A_1491] : memref<32x2x64xi32, #tpu.memory_space<hbm>> -> memref<1x2x64xi32, #tpu.memory_space<hbm>>
      %dma_start3A_1493 = tpu.memref_squeeze %dma_start3A_1492 : memref<1x2x64xi32, #tpu.memory_space<hbm>> -> memref<2x64xi32, #tpu.memory_space<hbm>>
      %dma_start3A_1494 = arith.constant 0 : i32
      %dma_start3A_1495 = arith.constant 0 : i32
      %dma_start3A_1496 = tpu.memref_slice %arg6[%add3A, %dma_start3A_1494, %dma_start3A_1495] : memref<32x2x64xi32, #tpu.memory_space<hbm>> -> memref<1x2x64xi32, #tpu.memory_space<hbm>>
      %dma_start3A_1497 = tpu.memref_squeeze %dma_start3A_1496 : memref<1x2x64xi32, #tpu.memory_space<hbm>> -> memref<2x64xi32, #tpu.memory_space<hbm>>
      tpu.enqueue_dma source(%arg9 : memref<2x64xi32, #tpu.memory_space<vmem>>) target(%dma_start3A_1497 : memref<2x64xi32, #tpu.memory_space<hbm>>) target_semaphore(%run_scoped3A : memref<!tpu.dma_semaphore, #tpu.memory_space<semaphore_mem>>)
      %dma_wait3A_1498 = arith.constant 0 : i32
      %dma_wait3A_1499 = arith.constant 0 : i32
      %dma_wait3A_1500 = tpu.memref_slice %arg6[%add3A, %dma_wait3A_1498, %dma_wait3A_1499] : memref<32x2x64xi32, #tpu.memory_space<hbm>> -> memref<1x2x64xi32, #tpu.memory_space<hbm>>
      %dma_wait3A_1501 = tpu.memref_squeeze %dma_wait3A_1500 : memref<1x2x64xi32, #tpu.memory_space<hbm>> -> memref<2x64xi32, #tpu.memory_space<hbm>>
      %dma_wait3A_1502 = arith.constant 0 : i32
      %dma_wait3A_1503 = arith.constant 0 : i32
      %dma_wait3A_1504 = tpu.memref_slice %arg6[%add3A, %dma_wait3A_1502, %dma_wait3A_1503] : memref<32x2x64xi32, #tpu.memory_space<hbm>> -> memref<1x2x64xi32, #tpu.memory_space<hbm>>
      %dma_wait3A_1505 = tpu.memref_squeeze %dma_wait3A_1504 : memref<1x2x64xi32, #tpu.memory_space<hbm>> -> memref<2x64xi32, #tpu.memory_space<hbm>>
      tpu.wait_dma2 semaphore(%run_scoped3A : memref<!tpu.dma_semaphore, #tpu.memory_space<semaphore_mem>>) src(%arg9 : memref<2x64xi32, #tpu.memory_space<vmem>>) dst(%dma_wait3A_1505 : memref<2x64xi32, #tpu.memory_space<hbm>>)
      tpu.yield
    }) : () -> ()
    %add3A_1458 = arith.constant 0 : i32
    %add3A_1459 = arith.addi %mul3A_2, %add3A_1458 : i32
    "tpu.region"() ({
      %run_scoped3A = tpu.sem_alloc : memref<!tpu.dma_semaphore, #tpu.memory_space<semaphore_mem>>
      %dma_start3A_1490 = arith.constant 0 : i32
      %dma_start3A_1491 = tpu.memref_slice %arg4[%add3A_1459, %dma_start3A_1490] : memref<4096x1024xf32, #tpu.memory_space<hbm>> -> memref<64x1024xf32, #tpu.memory_space<hbm>>
      %dma_start3A_1492 = arith.constant 0 : i32
      %dma_start3A_1493 = tpu.memref_slice %arg4[%add3A_1459, %dma_start3A_1492] : memref<4096x1024xf32, #tpu.memory_space<hbm>> -> memref<64x1024xf32, #tpu.memory_space<hbm>>
      tpu.enqueue_dma source(%dma_start3A_1493 : memref<64x1024xf32, #tpu.memory_space<hbm>>) target(%arg10 : memref<64x1024xf32, #tpu.memory_space<vmem>>) target_semaphore(%run_scoped3A : memref<!tpu.dma_semaphore, #tpu.memory_space<semaphore_mem>>)
      %dma_wait3A_1494 = arith.constant 0 : i32
      %dma_wait3A_1495 = tpu.memref_slice %arg4[%add3A_1459, %dma_wait3A_1494] : memref<4096x1024xf32, #tpu.memory_space<hbm>> -> memref<64x1024xf32, #tpu.memory_space<hbm>>
      %dma_wait3A_1496 = arith.constant 0 : i32
      %dma_wait3A_1497 = tpu.memref_slice %arg4[%add3A_1459, %dma_wait3A_1496] : memref<4096x1024xf32, #tpu.memory_space<hbm>> -> memref<64x1024xf32, #tpu.memory_space<hbm>>
      tpu.wait_dma2 semaphore(%run_scoped3A : memref<!tpu.dma_semaphore, #tpu.memory_space<semaphore_mem>>) src(%dma_wait3A_1497 : memref<64x1024xf32, #tpu.memory_space<hbm>>) dst(%arg10 : memref<64x1024xf32, #tpu.memory_space<vmem>>)
      tpu.yield
    }) : () -> ()
    %dma_start3A_1460 = arith.constant 0 : i32
    %dma_start3A_1461 = arith.constant 0 : i32
    %dma_start3A_1462 = tpu.memref_slice %arg9[%dma_start3A_1460, %dma_start3A_1461] : memref<2x64xi32, #tpu.memory_space<vmem>> -> memref<1x64xi32, #tpu.memory_space<vmem>>
    %dma_start3A_1463 = tpu.memref_squeeze %dma_start3A_1462 : memref<1x64xi32, #tpu.memory_space<vmem>> -> memref<64xi32, #tpu.memory_space<vmem>>
    %dma_start3A_1464 = arith.constant 0 : i32
    %dma_start3A_1465 = arith.constant 0 : i32
    %dma_start3A_1466 = tpu.memref_slice %arg5[%dma_start3A_1464, %dma_start3A_1465] : memref<4096x1024xf32, #tpu.memory_space<hbm>> -> memref<4096x1024xf32, #tpu.memory_space<hbm>>
    tpu.enqueue_indirect_dma source(%arg10 : memref<64x1024xf32, #tpu.memory_space<vmem>>) target(%dma_start3A_1466 : memref<4096x1024xf32, #tpu.memory_space<hbm>>) offsets(%dma_start3A_1463 : memref<64xi32, #tpu.memory_space<vmem>>) semaphore(%arg13 : memref<!tpu.dma_semaphore, #tpu.memory_space<semaphore_mem>>)
    %dma_wait3A_1467 = arith.constant 0 : i32
    %dma_wait3A_1468 = arith.constant 0 : i32
    %dma_wait3A_1469 = tpu.memref_slice %arg9[%dma_wait3A_1467, %dma_wait3A_1468] : memref<2x64xi32, #tpu.memory_space<vmem>> -> memref<1x64xi32, #tpu.memory_space<vmem>>
    %dma_wait3A_1470 = tpu.memref_squeeze %dma_wait3A_1469 : memref<1x64xi32, #tpu.memory_space<vmem>> -> memref<64xi32, #tpu.memory_space<vmem>>
    %dma_wait3A_1471 = arith.constant 0 : i32
    %dma_wait3A_1472 = arith.constant 0 : i32
    %dma_wait3A_1473 = tpu.memref_slice %arg5[%dma_wait3A_1471, %dma_wait3A_1472] : memref<4096x1024xf32, #tpu.memory_space<hbm>> -> memref<4096x1024xf32, #tpu.memory_space<hbm>>
    tpu.wait_indirect_dma semaphore(%arg13 : memref<!tpu.dma_semaphore, #tpu.memory_space<semaphore_mem>>) src(%arg10 : memref<64x1024xf32, #tpu.memory_space<vmem>>) dst(%dma_wait3A_1473 : memref<4096x1024xf32, #tpu.memory_space<hbm>>)
    %add3A_1474 = arith.constant 64 : i32
    %add3A_1475 = arith.addi %mul3A_2, %add3A_1474 : i32
    "tpu.region"() ({
      %run_scoped3A = tpu.sem_alloc : memref<!tpu.dma_semaphore, #tpu.memory_space<semaphore_mem>>
      %dma_start3A_1490 = arith.constant 0 : i32
      %dma_start3A_1491 = tpu.memref_slice %arg4[%add3A_1475, %dma_start3A_1490] : memref<4096x1024xf32, #tpu.memory_space<hbm>> -> memref<64x1024xf32, #tpu.memory_space<hbm>>
      %dma_start3A_1492 = arith.constant 0 : i32
      %dma_start3A_1493 = tpu.memref_slice %arg4[%add3A_1475, %dma_start3A_1492] : memref<4096x1024xf32, #tpu.memory_space<hbm>> -> memref<64x1024xf32, #tpu.memory_space<hbm>>
      tpu.enqueue_dma source(%dma_start3A_1493 : memref<64x1024xf32, #tpu.memory_space<hbm>>) target(%arg10 : memref<64x1024xf32, #tpu.memory_space<vmem>>) target_semaphore(%run_scoped3A : memref<!tpu.dma_semaphore, #tpu.memory_space<semaphore_mem>>)
      %dma_wait3A_1494 = arith.constant 0 : i32
      %dma_wait3A_1495 = tpu.memref_slice %arg4[%add3A_1475, %dma_wait3A_1494] : memref<4096x1024xf32, #tpu.memory_space<hbm>> -> memref<64x1024xf32, #tpu.memory_space<hbm>>
      %dma_wait3A_1496 = arith.constant 0 : i32
      %dma_wait3A_1497 = tpu.memref_slice %arg4[%add3A_1475, %dma_wait3A_1496] : memref<4096x1024xf32, #tpu.memory_space<hbm>> -> memref<64x1024xf32, #tpu.memory_space<hbm>>
      tpu.wait_dma2 semaphore(%run_scoped3A : memref<!tpu.dma_semaphore, #tpu.memory_space<semaphore_mem>>) src(%dma_wait3A_1497 : memref<64x1024xf32, #tpu.memory_space<hbm>>) dst(%arg10 : memref<64x1024xf32, #tpu.memory_space<vmem>>)
      tpu.yield
    }) : () -> ()
    %dma_start3A_1476 = arith.constant 1 : i32
    %dma_start3A_1477 = arith.constant 0 : i32
    %dma_start3A_1478 = tpu.memref_slice %arg9[%dma_start3A_1476, %dma_start3A_1477] : memref<2x64xi32, #tpu.memory_space<vmem>> -> memref<1x64xi32, #tpu.memory_space<vmem>>
    %dma_start3A_1479 = tpu.memref_squeeze %dma_start3A_1478 : memref<1x64xi32, #tpu.memory_space<vmem>> -> memref<64xi32, #tpu.memory_space<vmem>>
    %dma_start3A_1480 = arith.constant 0 : i32
    %dma_start3A_1481 = arith.constant 0 : i32
    %dma_start3A_1482 = tpu.memref_slice %arg5[%dma_start3A_1480, %dma_start3A_1481] : memref<4096x1024xf32, #tpu.memory_space<hbm>> -> memref<4096x1024xf32, #tpu.memory_space<hbm>>
    tpu.enqueue_indirect_dma source(%arg10 : memref<64x1024xf32, #tpu.memory_space<vmem>>) target(%dma_start3A_1482 : memref<4096x1024xf32, #tpu.memory_space<hbm>>) offsets(%dma_start3A_1479 : memref<64xi32, #tpu.memory_space<vmem>>) semaphore(%arg13 : memref<!tpu.dma_semaphore, #tpu.memory_space<semaphore_mem>>)
    %dma_wait3A_1483 = arith.constant 1 : i32
    %dma_wait3A_1484 = arith.constant 0 : i32
    %dma_wait3A_1485 = tpu.memref_slice %arg9[%dma_wait3A_1483, %dma_wait3A_1484] : memref<2x64xi32, #tpu.memory_space<vmem>> -> memref<1x64xi32, #tpu.memory_space<vmem>>
    %dma_wait3A_1486 = tpu.memref_squeeze %dma_wait3A_1485 : memref<1x64xi32, #tpu.memory_space<vmem>> -> memref<64xi32, #tpu.memory_space<vmem>>
    %dma_wait3A_1487 = arith.constant 0 : i32
    %dma_wait3A_1488 = arith.constant 0 : i32
    %dma_wait3A_1489 = tpu.memref_slice %arg5[%dma_wait3A_1487, %dma_wait3A_1488] : memref<4096x1024xf32, #tpu.memory_space<hbm>> -> memref<4096x1024xf32, #tpu.memory_space<hbm>>
    tpu.wait_indirect_dma semaphore(%arg13 : memref<!tpu.dma_semaphore, #tpu.memory_space<semaphore_mem>>) src(%arg10 : memref<64x1024xf32, #tpu.memory_space<vmem>>) dst(%dma_wait3A_1489 : memref<4096x1024xf32, #tpu.memory_space<hbm>>)
    return
  }
}

module attributes {stable_mosaic.version = 14 : i64} {
  func.func @_gmm_body(%arg0: i32, %arg1: memref<15xi32, #tpu.memory_space<smem>>, %arg2: memref<15xi32, #tpu.memory_space<smem>>, %arg3: memref<15xi32, #tpu.memory_space<smem>>, %arg4: memref<15xi32, #tpu.memory_space<smem>>, %arg5: memref<512x1024xf32, #tpu.memory_space<vmem>>, %arg6: memref<1x1024x1024xf32, #tpu.memory_space<vmem>>, %arg7: memref<1x1x1024xf32, #tpu.memory_space<vmem>>, %arg8: memref<512x1024xf32, #tpu.memory_space<vmem>>) attributes {dimension_semantics = [#tpu.dimension_semantics<arbitrary>], iteration_bounds = array<i64: 15>, scalar_prefetch = 4 : i64, scratch_operands = 0 : i64, tpu.core_type = #tpu.core_type<tc>, window_params = [{transform_indices = @transform_0, window_bounds = array<i64: 512, 1024>}, {transform_indices = @transform_1, window_bounds = array<i64: 1, 1024, 1024>}, {transform_indices = @transform_2, window_bounds = array<i64: 1, 1, 1024>}, {transform_indices = @transform_3, window_bounds = array<i64: 512, 1024>}]} {
    %get3A = arith.index_cast %arg0 : i32 to index
    %get3A_0 = memref.load %arg1[%get3A] : memref<15xi32, #tpu.memory_space<smem>>
    %get3A_1 = arith.index_cast %arg0 : i32 to index
    %get3A_2 = memref.load %arg3[%get3A_1] : memref<15xi32, #tpu.memory_space<smem>>
    %get3A_3 = arith.index_cast %arg0 : i32 to index
    %get3A_4 = memref.load %arg4[%get3A_3] : memref<15xi32, #tpu.memory_space<smem>>
    %mul3A = arith.constant 512 : i32
    %mul3A_5 = arith.muli %get3A_0, %mul3A : i32
    %iota3A = tpu.iota {dimensions = array<i32: 0>} : vector<512x1xi32>
    %add3A = vector.broadcast %mul3A_5 : i32 to vector<512x1xi32>
    %add3A_6 = arith.addi %add3A, %iota3A : vector<512x1xi32>
    %ge3A = vector.broadcast %get3A_2 : i32 to vector<512x1xi32>
    %ge3A_7 = arith.cmpi sge, %add3A_6, %ge3A : vector<512x1xi32>
    %lt3A = vector.broadcast %get3A_4 : i32 to vector<512x1xi32>
    %lt3A_8 = arith.cmpi slt, %add3A_6, %lt3A : vector<512x1xi32>
    %and3A = arith.andi %ge3A_7, %lt3A_8 : vector<512x1xi1>
    %get3A_9 = arith.constant 0 : index
    %get3A_10 = arith.constant 0 : index
    %get3A_11 = vector.load %arg5[%get3A_9, %get3A_10] : memref<512x1024xf32, #tpu.memory_space<vmem>>, vector<512x1024xf32>
    %jit3A = arith.constant 0.000000e+00 : f32
    %broadcast_in_dim3A = vector.shape_cast %and3A : vector<512x1xi1> to vector<512x1xi1>
    %broadcast_in_dim3A_12 = vector.broadcast %broadcast_in_dim3A : vector<512x1xi1> to vector<512x1024xi1>
    %broadcast_in_dim3A_13 = vector.broadcast %jit3A : f32 to vector<512x1024xf32>
    %select_n3A = arith.select %broadcast_in_dim3A_12, %get3A_11, %broadcast_in_dim3A_13 : vector<512x1024xi1>, vector<512x1024xf32>
    %convert_element_type3A = arith.truncf %select_n3A : vector<512x1024xf32> to vector<512x1024xbf16>
    %get3A_14 = arith.constant 0 : index
    %get3A_15 = arith.constant 0 : index
    %get3A_16 = arith.constant 0 : index
    %get3A_17 = vector.load %arg6[%get3A_14, %get3A_15, %get3A_16] : memref<1x1024x1024xf32, #tpu.memory_space<vmem>>, vector<1x1024x1024xf32>
    %get3A_18 = vector.shape_cast %get3A_17 : vector<1x1024x1024xf32> to vector<1024x1024xf32>
    %convert_element_type3A_19 = arith.truncf %get3A_18 : vector<1024x1024xf32> to vector<1024x1024xbf16>
    %dot_general3A = arith.constant dense<0.000000e+00> : vector<512x1024xf32>
    %dot_general3A_20 = tpu.matmul %convert_element_type3A, %convert_element_type3A_19, %dot_general3A {dimension_numbers = #tpu.dot_dimension_numbers<[1], [1], [0], [0], [0, 0, 1, 0], [], []>, transpose_lhs_hint = false} : vector<512x1024xbf16>, vector<1024x1024xbf16>, vector<512x1024xf32> -> vector<512x1024xf32>
    %get3A_21 = arith.constant 0 : index
    %get3A_22 = arith.constant 0 : index
    %get3A_23 = arith.constant 0 : index
    %get3A_24 = vector.load %arg7[%get3A_21, %get3A_22, %get3A_23] : memref<1x1x1024xf32, #tpu.memory_space<vmem>>, vector<1x1x1024xf32>
    %get3A_25 = vector.shape_cast %get3A_24 : vector<1x1x1024xf32> to vector<1x1024xf32>
    %jit3A_26 = arith.constant 0.000000e+00 : f32
    %broadcast_in_dim3A_27 = vector.shape_cast %and3A : vector<512x1xi1> to vector<512x1xi1>
    %broadcast_in_dim3A_28 = vector.broadcast %broadcast_in_dim3A_27 : vector<512x1xi1> to vector<512x1024xi1>
    %broadcast_in_dim3A_29 = vector.shape_cast %get3A_25 : vector<1x1024xf32> to vector<1x1024xf32>
    %broadcast_in_dim3A_30 = vector.broadcast %broadcast_in_dim3A_29 : vector<1x1024xf32> to vector<512x1024xf32>
    %broadcast_in_dim3A_31 = vector.broadcast %jit3A_26 : f32 to vector<512x1024xf32>
    %select_n3A_32 = arith.select %broadcast_in_dim3A_28, %broadcast_in_dim3A_30, %broadcast_in_dim3A_31 : vector<512x1024xi1>, vector<512x1024xf32>
    %add3A_33 = arith.addf %dot_general3A_20, %select_n3A_32 : vector<512x1024xf32>
    %sub3A = arith.constant 1 : i32
    %sub3A_34 = arith.subi %arg0, %sub3A : i32
    %max3A = arith.constant 0 : i32
    %max3A_35 = arith.maxsi %sub3A_34, %max3A : i32
    %get3A_36 = arith.index_cast %max3A_35 : i32 to index
    %get3A_37 = memref.load %arg1[%get3A_36] : memref<15xi32, #tpu.memory_space<smem>>
    %eq3A = arith.constant 0 : i32
    %eq3A_38 = arith.cmpi eq, %arg0, %eq3A : i32
    %ne3A = arith.cmpi ne, %get3A_0, %get3A_37 : i32
    %or3A = arith.ori %eq3A_38, %ne3A : i1
    %convert_element_type3A_39 = arith.extui %or3A : i1 to i32
    %cond3A = arith.constant 0 : i32
    %cond3A_40 = arith.cmpi ne, %convert_element_type3A_39, %cond3A : i32
    scf.if %cond3A_40 {
      %swap3A = arith.constant 0 : index
      %swap3A_45 = arith.constant 0 : index
      %swap3A_46 = vector.load %arg8[%swap3A, %swap3A_45] : memref<512x1024xf32, #tpu.memory_space<vmem>>, vector<512x1024xf32>
      tpu.vector_store %arg8[%swap3A, %swap3A_45], %add3A_33 {strides = array<i32>} : memref<512x1024xf32, #tpu.memory_space<vmem>>, vector<512x1024xf32>,
    } else {
    }
    %not3A = arith.constant true
    %not3A_41 = arith.xori %or3A, %not3A : i1
    %convert_element_type3A_42 = arith.extui %not3A_41 : i1 to i32
    %cond3A_43 = arith.constant 0 : i32
    %cond3A_44 = arith.cmpi ne, %convert_element_type3A_42, %cond3A_43 : i32
    scf.if %cond3A_44 {
      %get3A_45 = arith.constant 0 : index
      %get3A_46 = arith.constant 0 : index
      %get3A_47 = vector.load %arg8[%get3A_45, %get3A_46] : memref<512x1024xf32, #tpu.memory_space<vmem>>, vector<512x1024xf32>
      %add3A_48 = arith.addf %get3A_47, %add3A_33 : vector<512x1024xf32>
      %swap3A = arith.constant 0 : index
      %swap3A_49 = arith.constant 0 : index
      %swap3A_50 = vector.load %arg8[%swap3A, %swap3A_49] : memref<512x1024xf32, #tpu.memory_space<vmem>>, vector<512x1024xf32>
      tpu.vector_store %arg8[%swap3A, %swap3A_49], %add3A_48 {strides = array<i32>} : memref<512x1024xf32, #tpu.memory_space<vmem>>, vector<512x1024xf32>,
    } else {
    }
    return
  }
  func.func @transform_0(%arg0: i32, %arg1: memref<15xi32, #tpu.memory_space<smem>>, %arg2: memref<15xi32, #tpu.memory_space<smem>>, %arg3: memref<15xi32, #tpu.memory_space<smem>>, %arg4: memref<15xi32, #tpu.memory_space<smem>>) -> (i32, i32) {
    %get3A = arith.index_cast %arg0 : i32 to index
    %get3A_0 = memref.load %arg1[%get3A] : memref<15xi32, #tpu.memory_space<smem>>
    %c0_i32 = arith.constant 0 : i32
    %c0_i32_1 = arith.constant 0 : i32
    return %get3A_0, %c0_i32 : i32, i32
  }
  func.func @transform_1(%arg0: i32, %arg1: memref<15xi32, #tpu.memory_space<smem>>, %arg2: memref<15xi32, #tpu.memory_space<smem>>, %arg3: memref<15xi32, #tpu.memory_space<smem>>, %arg4: memref<15xi32, #tpu.memory_space<smem>>) -> (i32, i32, i32) {
    %get3A = arith.index_cast %arg0 : i32 to index
    %get3A_0 = memref.load %arg2[%get3A] : memref<15xi32, #tpu.memory_space<smem>>
    %c0_i32 = arith.constant 0 : i32
    %c0_i32_1 = arith.constant 0 : i32
    %c0_i32_2 = arith.constant 0 : i32
    return %get3A_0, %c0_i32, %c0_i32_1 : i32, i32, i32
  }
  func.func @transform_2(%arg0: i32, %arg1: memref<15xi32, #tpu.memory_space<smem>>, %arg2: memref<15xi32, #tpu.memory_space<smem>>, %arg3: memref<15xi32, #tpu.memory_space<smem>>, %arg4: memref<15xi32, #tpu.memory_space<smem>>) -> (i32, i32, i32) {
    %get3A = arith.index_cast %arg0 : i32 to index
    %get3A_0 = memref.load %arg2[%get3A] : memref<15xi32, #tpu.memory_space<smem>>
    %c0_i32 = arith.constant 0 : i32
    %c0_i32_1 = arith.constant 0 : i32
    %c0_i32_2 = arith.constant 0 : i32
    return %get3A_0, %c0_i32, %c0_i32_1 : i32, i32, i32
  }
  func.func @transform_3(%arg0: i32, %arg1: memref<15xi32, #tpu.memory_space<smem>>, %arg2: memref<15xi32, #tpu.memory_space<smem>>, %arg3: memref<15xi32, #tpu.memory_space<smem>>, %arg4: memref<15xi32, #tpu.memory_space<smem>>) -> (i32, i32) {
    %get3A = arith.index_cast %arg0 : i32 to index
    %get3A_0 = memref.load %arg1[%get3A] : memref<15xi32, #tpu.memory_space<smem>>
    %c0_i32 = arith.constant 0 : i32
    %c0_i32_1 = arith.constant 0 : i32
    return %get3A_0, %c0_i32 : i32, i32
  }
}

</mosaic_0001>

<sc_bundles>
// kernel: kernel.12.cloned.1.call-start
scs
__scs_entry_jumppad:
0x0: {  	(pc) =	sbr.rel $0x88, $3  }
0x1: {  	(tag) =	ssettag $0x0;
	lr =	simm.s32 $0x1  }
0x2: {  	[smem:$0x3F9E] =	sst lr;
	_ =	strace $0xD0000000  }
0x3: {  	_ = 	snop  }
0x4: {  	_ = 	snop  }
0x5: {  	_ = 	snop  }
0x6: {  	_ = 	snop  }
0x7: {  	_ = 	snop  }
__scs_overlays_trampoline_lowered:
0x8: {  	[smem:$0x3FAD] =	sst s0  }
0x9: {  	[smem:$0x3FAE] =	sst s1  }
0xa: {  	[smem:$0x3FAF] =	sst s2  }
0xb: {  	[smem:$0x3FB0] =	sst s3  }
0xc: {  	[smem:$0x3FB1] =	sst s4  }
0xd: {  	[smem:$0x3FB2] =	sst s5  }
0xe: {  	[smem:$0x3FB3] =	sst s6  }
0xf: {  	[smem:$0x3FB4] =	sst s7  }
0x10: {  	[smem:$0x3FB5] =	sst s8  }
0x11: {  	[smem:$0x3FB6] =	sst s9;
	s0 =	simm.s32 @!p0 $0x0  }
0x12: {  	s1 =	sld [smem:$0x3F9C];
	s0 =	simm.s32 @p0 $0x1  }
0x13: {  	[smem:$0x3FB7] =	sst s0;
	s0 =	simm.s32 @!p1 $0x0  }
0x14: {  	s2 =	sld [smem:$0x3F9B];
	s0 =	simm.s32 @p1 $0x1  }
0x15: {  	[smem:$0x3FB8] =	sst s0;
	s0 =	simm.s32 @!p2 $0x0  }
0x16: {  	s3 =	sld [smem:$0x3FDB];
	s0 =	simm.s32 @p2 $0x1  }
0x17: {  	s4 =	simm.s32 $0x1BF5;
	[smem:$0x3FBA] =	sst s0  }
0x18: {  	s0 =	sld [smem:$0x3F9D];
	_ =	swait.ge [sflag:s4], $0x0  }
0x19: {  	s7 =	sld [smem:$0x3F9E]  }
0x1a: {  	s8 =	sadd.s32 $0xFFFFE003, lr  }
0x1b: {  	s9 =	sadd.s32 $0xFFFFFEF7, lr;
	s5 =	simm.s32 $0xFFFFFFFF;
	p2 =	slt.u32 s8, $0xFFFFF086  }
0x1c: {  	p1 =	slt.u32 s9, $0xF7A;
	s5 =	simm.s32 @!p2 $0x0  }
0x1d: {  	s5 =	simm.s32 @p1 $0x1;
	p0 =	seq.s32 s7, s2  }
0x1e: {  	s7 =	smul.u32 @!p0 $0xF7A, s2;
	p2 =	seq.s32 @!p0 s5, $0x0  }
0x1f: {  	s9 =	smul.u32 $0xF7A, s1;
	s8 =	simm.s32 @!p0 $0x1BF5;
	p2 =	por !p2, p0  }
0x20: {  	[sflag:s8] =	ssyncset.s32 @!p0 $0xFFFFF086;
	s6 =	sadd.s32 @!p0 s3, s7;
	s7 =	simm.s32 @!p0 $0x108  }
0x21: {  	s3 =	sadd.s32 s3, s9;
	s6 =	sadd.s32 @!p0 $0x88, s6;
	s7 =	simm.s32 @p2 $0x1082  }
0x22: {  	[simem:s7], [sflag:s8] =	dma.local @!p0 [hbm:s6], $0xF7A  }
0x23: {  	s9 =	sor.u32 $0xD0000000, s2;
	s6 =	simm.s32 $0x108;
	_ =	swait.ge @!p0 [sflag:s8], $0x0  }
0x24: {  	s3 =	sadd.s32 $0x88, s3;
	s6 =	simm.s32 @!p1 $0x1082;
	[sflag:s4] =	ssyncset.s32 $0xFFFFF086  }
0x25: {  	[simem:s6], [sflag:s4] =	dma.local [hbm:s3], $0xF7A  }
0x26: {  	[smem:$0x3F9E] =	sst s1;
	(tag) =	ssettag s2;
	_ =	strace s9  }
0x27: {  	s1 =	sld [smem:$0x3FAE]  }
0x28: {  	s2 =	sld [smem:$0x3FAF]  }
0x29: {  	s4 =	sld [smem:$0x3FB1]  }
0x2a: {  	p0 =	seq.s32 s5, $0x0;
	s5 =	sld [smem:$0x3FB2]  }
0x2b: {  	s6 =	sld [smem:$0x3FB3]  }
0x2c: {  	s7 =	sld [smem:$0x3FB4]  }
0x2d: {  	s3 =	simm.s32 $0x108;
	s8 =	sld [smem:$0x3FB5]  }
0x2e: {  	s3 =	simm.s32 @!p0 $0x1082;
	s9 =	sld [smem:$0x3FB6]  }
0x2f: {  	lr =	sadd.s32 s0, s3;
	s0 =	sld [smem:$0x3FAD]  }
0x30: {  	s3 =	sld [smem:$0x3FB0]  }
0x31: {  	[smem:$0x3FB9] =	sst s10  }
0x32: {  	s10 =	sld [smem:$0x3FB7];
	_ =	sdelay $0x3  }
0x33: {  	p0 =	seq.s32 s10, $0x1;
	s10 =	sld [smem:$0x3FB9];
	_ =	sdelay $0x3  }
0x34: {  	[smem:$0x3FB9] =	sst s10  }
0x35: {  	s10 =	sld [smem:$0x3FB8];
	_ =	sdelay $0x3  }
0x36: {  	p1 =	seq.s32 s10, $0x1;
	s10 =	sld [smem:$0x3FB9];
	_ =	sdelay $0x3  }
0x37: {  	[smem:$0x3FB9] =	sst s10  }
0x38: {  	s10 =	sld [smem:$0x3FBA]  }
0x39: {  	_ = 	snop;
	(pc) =	sbr.ind lr, $3  }
0x3a: {  	_ = 	snop  }
0x3b: {  	_ = 	snop  }
0x3c: {  	p2 =	seq.s32 s10, $0x1;
	s10 =	sld [smem:$0x3FB9]  }
0x3d: {  	_ =	shalt  }
0x3e: {  	_ =	shalt  }
0x3f: {  	_ =	shalt  }
0x40: {  	_ =	shalt  }
0x41: {  	_ =	shalt  }
0x42: {  	_ =	shalt  }
0x43: {  	_ =	shalt  }
0x44: {  	_ =	shalt  }
0x45: {  	_ =	shalt  }
0x46: {  	_ =	shalt  }
0x47: {  	_ =	shalt  }
0x48: {  	_ =	shalt  }
0x49: {  	_ =	shalt  }
0x4a: {  	_ =	shalt  }
0x4b: {  	_ =	shalt  }
0x4c: {  	_ =	shalt  }
0x4d: {  	_ =	shalt  }
0x4e: {  	_ =	shalt  }
0x4f: {  	_ =	shalt  }
0x50: {  	_ =	shalt  }
0x51: {  	_ =	shalt  }
0x52: {  	_ =	shalt  }
0x53: {  	_ =	shalt  }
0x54: {  	_ =	shalt  }
0x55: {  	_ =	shalt  }
0x56: {  	_ =	shalt  }
0x57: {  	_ =	shalt  }
0x58: {  	_ =	shalt  }
0x59: {  	_ =	shalt  }
0x5a: {  	_ =	shalt  }
0x5b: {  	_ =	shalt  }
0x5c: {  	_ =	shalt  }
0x5d: {  	_ =	shalt  }
0x5e: {  	_ =	shalt  }
0x5f: {  	_ =	shalt  }
0x60: {  	_ =	shalt  }
0x61: {  	_ =	shalt  }
0x62: {  	_ =	shalt  }
0x63: {  	_ =	shalt  }
0x64: {  	_ =	shalt  }
0x65: {  	_ =	shalt  }
0x66: {  	_ =	shalt  }
0x67: {  	_ =	shalt  }
0x68: {  	_ =	shalt  }
0x69: {  	_ =	shalt  }
0x6a: {  	_ =	shalt  }
0x6b: {  	_ =	shalt  }
0x6c: {  	_ =	shalt  }
0x6d: {  	_ =	shalt  }
0x6e: {  	_ =	shalt  }
0x6f: {  	_ =	shalt  }
0x70: {  	_ =	shalt  }
0x71: {  	_ =	shalt  }
0x72: {  	_ =	shalt  }
0x73: {  	_ =	shalt  }
0x74: {  	_ =	shalt  }
0x75: {  	_ =	shalt  }
0x76: {  	_ =	shalt  }
0x77: {  	_ =	shalt  }
0x78: {  	_ =	shalt  }
0x79: {  	_ =	shalt  }
0x7a: {  	_ =	shalt  }
0x7b: {  	_ =	shalt  }
0x7c: {  	_ =	shalt  }
0x7d: {  	_ =	shalt  }
0x7e: {  	_ =	shalt  }
0x7f: {  	_ =	shalt  }
0x80: {  	_ =	shalt  }
0x81: {  	_ =	shalt  }
0x82: {  	_ =	shalt  }
0x83: {  	_ =	shalt  }
0x84: {  	_ =	shalt  }
0x85: {  	_ =	shalt  }
0x86: {  	_ =	shalt  }
0x87: {  	_ =	shalt  }
.Lfunc_end0:
.L_simem_size_0:
called_computation.2_lowered:
.L_overlay_start_0:
0x88: {  	s2 =	sld [smem:$0x3FD9]  }
0x89: {  	s3 =	sld [smem:$0x3FFE];
	_ =	sdelay $0x1  }
0x8a: {  	s1 =	srdreg.scid  }
0x8b: {  	s0 =	sand.u32 $0x1, s1  }
0x8c: {  	s17 =	sshll.u32 s0, $0xA;
	s2 =	sadd.s32 s3, s2  }
0x8d: {  	s2 =	sadd.s32 s2, s17  }
0x8e: {  	[smem:$0x3FC5] =	sst s2  }
0x8f: {  	_ = 	snop  }
0x90: {  	s2 =	sld [smem:$0x3FD0];
	(tm) =	ssettm $0x1  }
0x91: {  	s18 =	sld [smem:$0x3FFB];
	_ =	sdelay $0x3  }
0x92: {  	_ =	strace s18  }
0x93: {  	s3 =	sld [smem:$0x3FFC];
	_ =	sdelay $0x3  }
0x94: {  	_ =	strace s3  }
0x95: {  	s3 =	sld [smem:$0x3FFD];
	_ =	sdelay $0x3  }
0x96: {  	_ =	strace s3  }
0x97: {  	_ =	strace $0x8FFFFFFF  }
0x98: {  	s19 =	sld [smem:$0x3FDB];
	_ =	sdelay $0x1  }
0x99: {  	s4 =	simm.s32 $_scs_section_size  }
0x9a: {  	s5 =	simm.s32 $_size__tile_overlayer_lowered;
	s6 =	simm.s32 $_tile_overlayer_lowered  }
0x9b: {  	s22 =	simm.s32 $0x1BFF;
	s21 =	sshll.u32 s6, $0x1;
	s3 =	sadd.s32 s4, s19  }
0x9c: {  	s7 =	simm.s32 $0x0;
	s20 =	sshll.u32 s5, $0x1;
	s5 =	sadd.s32 s21, s3  }
0x9d: {  	[timem:s7], [sflag:s22] =	dma.local [hbm:s5], s20  }
0x9e: {  	_ =	swait.ge [sflag:s22], s20  }
0x9f: {  	s4 =	ssub.s32 $0x0, s20;
	[sflag:s22] =	ssyncset.done $0x0  }
0xa0: {  	[sflag:s22] =	ssyncadd.s32 s4;
	_ =	sdelay $0x1  }
0xa1: {  	s23 =	simm.s32 $0x1B8B  }
0xa2: {  	_ =	swait.ge [sflag:s23], $0x1  }
0xa3: {  	[sflag:s23] =	ssyncset.done $0x0  }
0xa4: {  	s25 =	simm.s32 $0x1B8E;
	s24 =	sld [smem:$0x3FFE];
	[sflag:s23] =	ssyncadd.s32 $0xFFFFFFFF  }
0xa5: {  	s26 =	simm.s32 $execute0_lowered;
	[smem:$0x3FD2] =	sst s25  }
0xa6: {  	s5 =	sshll.u32 s26, $0x1;
	_ =	strace $0x8000004C;
	[dreg:$0x1] =	wrdreg $0xFFFFFFFF  }
0xa7: {  	s28 =	simm.s32 $_size_execute0_lowered;
	s3 =	sadd.s32 s3, s5;
	[dreg:$0x0] =	wrdreg $0x0  }
0xa8: {  	s5 =	sshll.u32 s28, $0x1;
	[dreg:$0x2] =	wrdreg s3  }
0xa9: {  	[dreg:$0x3] =	wrdreg s5  }
0xaa: {  	[dreg:$0x4] =	wrdreg $0xC0  }
0xab: {  	_ =	task [dreg:s7], $0x5FFFF  }
0xac: {  	[dreg:$0x1] =	wrdreg $0xFFFFFFFF  }
0xad: {  	[dreg:$0x0] =	wrdreg $0x60  }
0xae: {  	[dreg:$0x2] =	wrdreg s24  }
0xaf: {  	[dreg:$0x3] =	wrdreg s2  }
0xb0: {  	[dreg:$0x4] =	wrdreg $0x9  }
0xb1: {  	_ =	task.clear_ibuf [dreg:s7], $0x5FFFF;
	_ =	strace $0x9000004C  }
0xb2: {  	s29 =	simm.s32 $0x9;
	_ =	strace $0x8000004E  }
0xb3: {  	_ =	swait.ge [sflag:s29], $0x1  }
0xb4: {  	[sflag:s29] =	ssyncadd.s32 $0xFFFFFFFF  }
0xb5: {  	_ =	strace $0x9000004E  }
0xb6: {  	_ =	sfence  }
0xb7: {  	s30 =	sld [smem:$0x0];
	_ =	sdelay $0x2  }
0xb8: {  	s31 =	sshll.u32 s1, $0xD;
	s1 =	sshrl.u32 s1, $0x2  }
0xb9: {  	s3 =	sand.u32 $0x4000, s31;
	s1 =	sadd.s32 s1, s30  }
0xba: {  	s0 =	sor.u32 s3, s0;
	s1 =	sshll.u32 s1, $0x11  }
0xbb: {  	s0 =	sor.u32 s1, s0  }
0xbc: {  	s0 =	sadd.s32 $0x8F2B, s0  }
0xbd: {  	[sflag:s0] =	ssyncadd.remote.s32 $0x1  }
0xbe: {  	_ =	sfence.sel $0xFFFF  }
0xbf: {  	[dreg:$0x0] =	wrdreg $0xFFFFFFFF;
	(pc) =	sbr.abs _section_cstart, $3  }
0xc0: {  	[dreg:$0x1] =	wrdreg $0xFFFFFFFF  }
0xc1: {  	_ =	task.clear_ibuf [dreg:s7], $0x2FFFF;
	_ =	strace $0x9FFFFFFF  }
0xc2: {  	(tm) =	ssettm $0x7FFFFFFF  }
0xc3: {  	_ =	shalt  }
tec
execute0_lowered:
.L_overlay_start_1:
0x0: {  	(tag) =	ssettag $0x1  }
0x1: {  	s2 =	rddreg [dreg:$0x0]  }
0x2: {  	s0 =	srdreg.scid;
	s3 =	stileid.u32  }
0x3: {  	s1 =	rddreg [dreg:$0x1];
	s9 =	simm.s32 $0x2;
	s19 =	simm.s32 $0x1  }
0x4: {  	s21 =	simm.s32 $0x900;
	s22 =	simm.s32 $0x1100;
	s23 =	simm.s32 $0x1900  }
0x5: {  	s24 =	simm.s32 $0x2100;
	s25 =	simm.s32 $0x2900;
	s28 =	simm.s32 $0x3900  }
0x6: {  	s29 =	simm.s32 $0x4100;
	s30 =	simm.s32 $0x4900;
	s31 =	simm.s32 $0x5100  }
0x7: {  	s11 =	simm.s32 $0x6900;
	s12 =	simm.s32 $0x7100;
	s13 =	simm.s32 $0x7900  }
0x8: {  	s14 =	simm.s32 $0x8900;
	s15 =	simm.s32 $0x9100;
	s16 =	simm.s32 $0x9900  }
0x9: {  	s17 =	simm.s32 $0xA100;
	s18 =	simm.s32 $0xA900;
	s10 =	simm.s32 $0xB100  }
0xa: {  	s0 =	sand.u32 $0x1, s0;
	s4 =	sshll.u32 s3, $0x1;
	s3 =	simm.s32 $0x0  }
0xb: {  	s7 =	sadd.s32 $0x300, s2;
	s4 =	sor.u32 s0, s4;
	[smem:$0x7FF] =	sst s3  }
0xc: {  	s0 =	ssub.s32 $0x2, s0;
	s5 =	sshll.u32 s4, $0x5;
	_ =	strace $0x8000004D  }
0xd: {  	s6 =	sshrl.u32 s0, $0x1;
	s26 =	sshll.u32 s4, $0xE;
	s4 =	sadd.s32 $0x100, s2  }
0xe: {  	s5 =	sadd.s32 s5, s2;
	s0 =	ssub.s32 s0, s6;
	s1 =	sadd.s32 s1, s26  }
0xf: {  	v2 =	vlaneseq.u32;
	s6 =	sadd.s32 $0x200, s2;
	s5 =	sadd.s32 $0x80400, s5;
	[dreg:$0x5] =	wrdreg s1  }
0x10: {  	vm0 =	vmmov $0xffff;
	v1 =	vshrl.u32 v2, $0x3;
	s26 =	simm.s32 $0x3100;
	s1 =	sadd.s32 $0x2000, s1;
	[dreg:$0x3] =	wrdreg s5  }
0x11: {  	v0 =	vand.u32 $0x7, v2;
	v2 =	vor.u32 $0x8, v2;
	v1 =	vmul.u32 $0x8, v1;
	s8 =	smax.u32 s0, $0x1;
	s0 =	simm.s32 $0x100;
	[dreg:$0x4] =	wrdreg s1  }
.LBB2_1:
0x12: {  	s20 =	rddreg [dreg:$0x3]  }
0x13: {  	[tilespmem:s3], [sflag:$0x2] =	stream.linear.gather [hbm4b:s20+s3], $0x100, $0x38;
	[tilespmem:$0x10100] =	vst v63  }
0x14: {  	_ =	swait.ge [sflag:s9], $0x100  }
0x15: {  	[sflag:s9] =	ssyncset.done $0x0  }
0x16: {  	[sflag:s9] =	ssyncadd.s32 $0xFFFFFF00  }
0x17: {  	v3 =	vld [tilespmem:$0x0];
	_ =	sdelay $0x4  }
0x18: {  	v4 =	vshll.u32 v3, $0x3  }
0x19: {  	v3 =	vand.u32 $0x7, v3;
	v4 =	vand.u32 $0xFFFFFFC0, v4  }
0x1a: {  	v3 =	vor.u32 v3, v4  }
0x1b: {  	v4 =	vperm.xlane v3, v0;
	_ =	sdelay $0x1  }
0x1c: {  	v4 =	vadd.s32 v1, v4;
	_ =	sdelay $0x4  }
0x1d: {  	[tilespmem:s0], [sflag:$0x1] =	stream.indirect_vreg.gather [hbm4b:s2+s3], $0x80, v4, vm0, $0xb8;
	[tilespmem:$0x10100] =	vst v63  }
0x1e: {  	v3 =	vperm.xlane v3, v2  }
0x1f: {  	[tilespmem:s21], [sflag:$0x1] =	stream.indirect_vreg.gather [hbm4b:s4+s3], $0x80, v4, vm0, $0xb8;
	[tilespmem:$0x10100] =	vst v63  }
0x20: {  	v3 =	vadd.s32 v1, v3  }
0x21: {  	[tilespmem:s22], [sflag:$0x1] =	stream.indirect_vreg.gather [hbm4b:s6+s3], $0x80, v4, vm0, $0xb8;
	[tilespmem:$0x10100] =	vst v63  }
0x22: {  	_ = 	snop  }
0x23: {  	[tilespmem:s23], [sflag:$0x1] =	stream.indirect_vreg.gather [hbm4b:s7+s3], $0x80, v4, vm0, $0xb8;
	[tilespmem:$0x10100] =	vst v63  }
0x24: {  	_ = 	snop  }
0x25: {  	[tilespmem:s24], [sflag:$0x1] =	stream.indirect_vreg.gather [hbm4b:s2+s3], $0x80, v3, vm0, $0xb8;
	[tilespmem:$0x10100] =	vst v63  }
0x26: {  	_ = 	snop  }
0x27: {  	[tilespmem:s25], [sflag:$0x1] =	stream.indirect_vreg.gather [hbm4b:s4+s3], $0x80, v3, vm0, $0xb8;
	[tilespmem:$0x10100] =	vst v63  }
0x28: {  	_ = 	snop  }
0x29: {  	[tilespmem:s26], [sflag:$0x1] =	stream.indirect_vreg.gather [hbm4b:s6+s3], $0x80, v3, vm0, $0xb8;
	[tilespmem:$0x10100] =	vst v63  }
0x2a: {  	_ = 	snop  }
0x2b: {  	[tilespmem:s28], [sflag:$0x1] =	stream.indirect_vreg.gather [hbm4b:s7+s3], $0x80, v3, vm0, $0xb8;
	[tilespmem:$0x10100] =	vst v63  }
0x2c: {  	v3 =	vld [tilespmem:$0x10];
	_ =	sdelay $0x4  }
0x2d: {  	v57 =	vshll.u32 v3, $0x3  }
0x2e: {  	v3 =	vand.u32 $0x7, v3;
	v4 =	vand.u32 $0xFFFFFFC0, v57  }
0x2f: {  	v3 =	vor.u32 v3, v4  }
0x30: {  	v4 =	vperm.xlane v3, v0;
	_ =	sdelay $0x1  }
0x31: {  	v4 =	vadd.s32 v1, v4;
	_ =	sdelay $0x4  }
0x32: {  	[tilespmem:s29], [sflag:$0x1] =	stream.indirect_vreg.gather [hbm4b:s2+s3], $0x80, v4, vm0, $0xb8;
	[tilespmem:$0x10100] =	vst v63  }
0x33: {  	v3 =	vperm.xlane v3, v2  }
0x34: {  	[tilespmem:s30], [sflag:$0x1] =	stream.indirect_vreg.gather [hbm4b:s4+s3], $0x80, v4, vm0, $0xb8;
	[tilespmem:$0x10100] =	vst v63  }
0x35: {  	v3 =	vadd.s32 v1, v3  }
0x36: {  	[tilespmem:s31], [sflag:$0x1] =	stream.indirect_vreg.gather [hbm4b:s6+s3], $0x80, v4, vm0, $0xb8;
	[tilespmem:$0x10100] =	vst v63  }
0x37: {  	s1 =	simm.s32 $0x5900  }
0x38: {  	[tilespmem:s1], [sflag:$0x1] =	stream.indirect_vreg.gather [hbm4b:s7+s3], $0x80, v4, vm0, $0xb8;
	[tilespmem:$0x10100] =	vst v63  }
0x39: {  	s5 =	simm.s32 $0x6100  }
0x3a: {  	[tilespmem:s5], [sflag:$0x1] =	stream.indirect_vreg.gather [hbm4b:s2+s3], $0x80, v3, vm0, $0xb8;
	[tilespmem:$0x10100] =	vst v63  }
0x3b: {  	_ = 	snop  }
0x3c: {  	[tilespmem:s11], [sflag:$0x1] =	stream.indirect_vreg.gather [hbm4b:s4+s3], $0x80, v3, vm0, $0xb8;
	[tilespmem:$0x10100] =	vst v63  }
0x3d: {  	_ = 	snop  }
0x3e: {  	[tilespmem:s12], [sflag:$0x1] =	stream.indirect_vreg.gather [hbm4b:s6+s3], $0x80, v3, vm0, $0xb8;
	[tilespmem:$0x10100] =	vst v63  }
0x3f: {  	_ = 	snop  }
0x40: {  	[tilespmem:s13], [sflag:$0x1] =	stream.indirect_vreg.gather [hbm4b:s7+s3], $0x80, v3, vm0, $0xb8;
	[tilespmem:$0x10100] =	vst v63  }
0x41: {  	v3 =	vld [tilespmem:$0x20];
	_ =	sdelay $0x4  }
0x42: {  	v58 =	vshll.u32 v3, $0x3  }
0x43: {  	v3 =	vand.u32 $0x7, v3;
	v4 =	vand.u32 $0xFFFFFFC0, v58  }
0x44: {  	v3 =	vor.u32 v3, v4  }
0x45: {  	v4 =	vperm.xlane v3, v0;
	_ =	sdelay $0x1  }
0x46: {  	v4 =	vadd.s32 v1, v4;
	_ =	sdelay $0x3  }
0x47: {  	s5 =	simm.s32 $0x8100  }
0x48: {  	[tilespmem:s5], [sflag:$0x1] =	stream.indirect_vreg.gather [hbm4b:s2+s3], $0x80, v4, vm0, $0xb8;
	[tilespmem:$0x10100] =	vst v63  }
0x49: {  	v3 =	vperm.xlane v3, v2  }
0x4a: {  	[tilespmem:s14], [sflag:$0x1] =	stream.indirect_vreg.gather [hbm4b:s4+s3], $0x80, v4, vm0, $0xb8;
	[tilespmem:$0x10100] =	vst v63  }
0x4b: {  	v3 =	vadd.s32 v1, v3  }
0x4c: {  	[tilespmem:s15], [sflag:$0x1] =	stream.indirect_vreg.gather [hbm4b:s6+s3], $0x80, v4, vm0, $0xb8;
	[tilespmem:$0x10100] =	vst v63  }
0x4d: {  	_ = 	snop  }
0x4e: {  	[tilespmem:s16], [sflag:$0x1] =	stream.indirect_vreg.gather [hbm4b:s7+s3], $0x80, v4, vm0, $0xb8;
	[tilespmem:$0x10100] =	vst v63  }
0x4f: {  	_ = 	snop  }
0x50: {  	[tilespmem:s17], [sflag:$0x1] =	stream.indirect_vreg.gather [hbm4b:s2+s3], $0x80, v3, vm0, $0xb8;
	[tilespmem:$0x10100] =	vst v63  }
0x51: {  	_ = 	snop  }
0x52: {  	[tilespmem:s18], [sflag:$0x1] =	stream.indirect_vreg.gather [hbm4b:s4+s3], $0x80, v3, vm0, $0xb8;
	[tilespmem:$0x10100] =	vst v63  }
0x53: {  	_ = 	snop  }
0x54: {  	[tilespmem:s10], [sflag:$0x1] =	stream.indirect_vreg.gather [hbm4b:s6+s3], $0x80, v3, vm0, $0xb8;
	[tilespmem:$0x10100] =	vst v63  }
0x55: {  	s20 =	simm.s32 $0xB900  }
0x56: {  	[tilespmem:s20], [sflag:$0x1] =	stream.indirect_vreg.gather [hbm4b:s7+s3], $0x80, v3, vm0, $0xb8;
	[tilespmem:$0x10100] =	vst v63  }
0x57: {  	v3 =	vld [tilespmem:$0x30];
	_ =	sdelay $0x4  }
0x58: {  	v59 =	vshll.u32 v3, $0x3  }
0x59: {  	v3 =	vand.u32 $0x7, v3;
	v4 =	vand.u32 $0xFFFFFFC0, v59  }
0x5a: {  	v3 =	vor.u32 v3, v4  }
0x5b: {  	v4 =	vperm.xlane v3, v0;
	_ =	sdelay $0x1  }
0x5c: {  	v4 =	vadd.s32 v1, v4;
	_ =	sdelay $0x3  }
0x5d: {  	s20 =	simm.s32 $0xC100  }
0x5e: {  	[tilespmem:s20], [sflag:$0x1] =	stream.indirect_vreg.gather [hbm4b:s2+s3], $0x80, v4, vm0, $0xb8;
	[tilespmem:$0x10100] =	vst v63  }
0x5f: {  	v3 =	vperm.xlane v3, v2;
	s20 =	simm.s32 $0xC900  }
0x60: {  	[tilespmem:s20], [sflag:$0x1] =	stream.indirect_vreg.gather [hbm4b:s4+s3], $0x80, v4, vm0, $0xb8;
	[tilespmem:$0x10100] =	vst v63  }
0x61: {  	v3 =	vadd.s32 v1, v3;
	s20 =	simm.s32 $0xD100  }
0x62: {  	[tilespmem:s20], [sflag:$0x1] =	stream.indirect_vreg.gather [hbm4b:s6+s3], $0x80, v4, vm0, $0xb8;
	[tilespmem:$0x10100] =	vst v63  }
0x63: {  	s20 =	simm.s32 $0xD900  }
0x64: {  	[tilespmem:s20], [sflag:$0x1] =	stream.indirect_vreg.gather [hbm4b:s7+s3], $0x80, v4, vm0, $0xb8;
	[tilespmem:$0x10100] =	vst v63  }
0x65: {  	s20 =	simm.s32 $0xE100  }
0x66: {  	[tilespmem:s20], [sflag:$0x1] =	stream.indirect_vreg.gather [hbm4b:s2+s3], $0x80, v3, vm0, $0xb8;
	[tilespmem:$0x10100] =	vst v63  }
0x67: {  	s20 =	simm.s32 $0xE900  }
0x68: {  	[tilespmem:s20], [sflag:$0x1] =	stream.indirect_vreg.gather [hbm4b:s4+s3], $0x80, v3, vm0, $0xb8;
	[tilespmem:$0x10100] =	vst v63  }
0x69: {  	s20 =	simm.s32 $0xF100  }
0x6a: {  	[tilespmem:s20], [sflag:$0x1] =	stream.indirect_vreg.gather [hbm4b:s6+s3], $0x80, v3, vm0, $0xb8;
	[tilespmem:$0x10100] =	vst v63  }
0x6b: {  	s20 =	simm.s32 $0xF900  }
0x6c: {  	[tilespmem:s20], [sflag:$0x1] =	stream.indirect_vreg.gather [hbm4b:s7+s3], $0x80, v3, vm0, $0xb8;
	[tilespmem:$0x10100] =	vst v63  }
0x6d: {  	_ =	swait.ge [sflag:s19], $0x10000  }
0x6e: {  	[sflag:s19] =	ssyncset.done $0x0  }
0x6f: {  	s20 =	rddreg [dreg:$0x5];
	[sflag:s19] =	ssyncadd.s32 $0xFFFF0000  }
0x70: {  	[hbm4b:s20+s3] =	stream.linear.scatter [tilespmem:s0], [sflag:$0x2], $0x10000, $0x38;
	[tilespmem:$0x10100] =	vst v63  }
0x71: {  	_ =	swait.ge [sflag:s9], $0x10000  }
0x72: {  	[sflag:s9] =	ssyncset.done $0x0  }
0x73: {  	[sflag:s9] =	ssyncadd.s32 $0xFFFF0000  }
0x74: {  	v3 =	vld [tilespmem:$0x80];
	_ =	sdelay $0x4  }
0x75: {  	v60 =	vshll.u32 v3, $0x3  }
0x76: {  	v3 =	vand.u32 $0x7, v3;
	v4 =	vand.u32 $0xFFFFFFC0, v60  }
0x77: {  	v3 =	vor.u32 v3, v4  }
0x78: {  	v4 =	vperm.xlane v3, v0;
	_ =	sdelay $0x1  }
0x79: {  	v4 =	vadd.s32 v1, v4;
	_ =	sdelay $0x4  }
0x7a: {  	[tilespmem:s0], [sflag:$0x1] =	stream.indirect_vreg.gather [hbm4b:s2+s3], $0x80, v4, vm0, $0xb8;
	[tilespmem:$0x10100] =	vst v63  }
0x7b: {  	v3 =	vperm.xlane v3, v2  }
0x7c: {  	[tilespmem:s21], [sflag:$0x1] =	stream.indirect_vreg.gather [hbm4b:s4+s3], $0x80, v4, vm0, $0xb8;
	[tilespmem:$0x10100] =	vst v63  }
0x7d: {  	v3 =	vadd.s32 v1, v3  }
0x7e: {  	[tilespmem:s22], [sflag:$0x1] =	stream.indirect_vreg.gather [hbm4b:s6+s3], $0x80, v4, vm0, $0xb8;
	[tilespmem:$0x10100] =	vst v63  }
0x7f: {  	_ = 	snop  }
0x80: {  	[tilespmem:s23], [sflag:$0x1] =	stream.indirect_vreg.gather [hbm4b:s7+s3], $0x80, v4, vm0, $0xb8;
	[tilespmem:$0x10100] =	vst v63  }
0x81: {  	_ = 	snop  }
0x82: {  	[tilespmem:s24], [sflag:$0x1] =	stream.indirect_vreg.gather [hbm4b:s2+s3], $0x80, v3, vm0, $0xb8;
	[tilespmem:$0x10100] =	vst v63  }
0x83: {  	_ = 	snop  }
0x84: {  	[tilespmem:s25], [sflag:$0x1] =	stream.indirect_vreg.gather [hbm4b:s4+s3], $0x80, v3, vm0, $0xb8;
	[tilespmem:$0x10100] =	vst v63  }
0x85: {  	_ = 	snop  }
0x86: {  	[tilespmem:s26], [sflag:$0x1] =	stream.indirect_vreg.gather [hbm4b:s6+s3], $0x80, v3, vm0, $0xb8;
	[tilespmem:$0x10100] =	vst v63  }
0x87: {  	_ = 	snop  }
0x88: {  	[tilespmem:s28], [sflag:$0x1] =	stream.indirect_vreg.gather [hbm4b:s7+s3], $0x80, v3, vm0, $0xb8;
	[tilespmem:$0x10100] =	vst v63  }
0x89: {  	v3 =	vld [tilespmem:$0x90];
	_ =	sdelay $0x4  }
0x8a: {  	v61 =	vshll.u32 v3, $0x3  }
0x8b: {  	v3 =	vand.u32 $0x7, v3;
	v4 =	vand.u32 $0xFFFFFFC0, v61  }
0x8c: {  	v3 =	vor.u32 v3, v4  }
0x8d: {  	v4 =	vperm.xlane v3, v0;
	_ =	sdelay $0x1  }
0x8e: {  	v4 =	vadd.s32 v1, v4;
	_ =	sdelay $0x4  }
0x8f: {  	[tilespmem:s29], [sflag:$0x1] =	stream.indirect_vreg.gather [hbm4b:s2+s3], $0x80, v4, vm0, $0xb8;
	[tilespmem:$0x10100] =	vst v63  }
0x90: {  	v3 =	vperm.xlane v3, v2  }
0x91: {  	[tilespmem:s30], [sflag:$0x1] =	stream.indirect_vreg.gather [hbm4b:s4+s3], $0x80, v4, vm0, $0xb8;
	[tilespmem:$0x10100] =	vst v63  }
0x92: {  	v3 =	vadd.s32 v1, v3  }
0x93: {  	[tilespmem:s31], [sflag:$0x1] =	stream.indirect_vreg.gather [hbm4b:s6+s3], $0x80, v4, vm0, $0xb8;
	[tilespmem:$0x10100] =	vst v63  }
0x94: {  	_ = 	snop  }
0x95: {  	[tilespmem:s1], [sflag:$0x1] =	stream.indirect_vreg.gather [hbm4b:s7+s3], $0x80, v4, vm0, $0xb8;
	[tilespmem:$0x10100] =	vst v63  }
0x96: {  	s20 =	simm.s32 $0x6100  }
0x97: {  	[tilespmem:s20], [sflag:$0x1] =	stream.indirect_vreg.gather [hbm4b:s2+s3], $0x80, v3, vm0, $0xb8;
	[tilespmem:$0x10100] =	vst v63  }
0x98: {  	_ = 	snop  }
0x99: {  	[tilespmem:s11], [sflag:$0x1] =	stream.indirect_vreg.gather [hbm4b:s4+s3], $0x80, v3, vm0, $0xb8;
	[tilespmem:$0x10100] =	vst v63  }
0x9a: {  	_ = 	snop  }
0x9b: {  	[tilespmem:s12], [sflag:$0x1] =	stream.indirect_vreg.gather [hbm4b:s6+s3], $0x80, v3, vm0, $0xb8;
	[tilespmem:$0x10100] =	vst v63  }
0x9c: {  	_ = 	snop  }
0x9d: {  	[tilespmem:s13], [sflag:$0x1] =	stream.indirect_vreg.gather [hbm4b:s7+s3], $0x80, v3, vm0, $0xb8;
	[tilespmem:$0x10100] =	vst v63  }
0x9e: {  	v3 =	vld [tilespmem:$0xA0];
	_ =	sdelay $0x4  }
0x9f: {  	v62 =	vshll.u32 v3, $0x3  }
0xa0: {  	v3 =	vand.u32 $0x7, v3;
	v4 =	vand.u32 $0xFFFFFFC0, v62  }
0xa1: {  	v3 =	vor.u32 v3, v4  }
0xa2: {  	v4 =	vperm.xlane v3, v0;
	_ =	sdelay $0x1  }
0xa3: {  	v4 =	vadd.s32 v1, v4;
	_ =	sdelay $0x4  }
0xa4: {  	[tilespmem:s5], [sflag:$0x1] =	stream.indirect_vreg.gather [hbm4b:s2+s3], $0x80, v4, vm0, $0xb8;
	[tilespmem:$0x10100] =	vst v63  }
0xa5: {  	v3 =	vperm.xlane v3, v2  }
0xa6: {  	[tilespmem:s14], [sflag:$0x1] =	stream.indirect_vreg.gather [hbm4b:s4+s3], $0x80, v4, vm0, $0xb8;
	[tilespmem:$0x10100] =	vst v63  }
0xa7: {  	v3 =	vadd.s32 v1, v3  }
0xa8: {  	[tilespmem:s15], [sflag:$0x1] =	stream.indirect_vreg.gather [hbm4b:s6+s3], $0x80, v4, vm0, $0xb8;
	[tilespmem:$0x10100] =	vst v63  }
0xa9: {  	_ = 	snop  }
0xaa: {  	[tilespmem:s16], [sflag:$0x1] =	stream.indirect_vreg.gather [hbm4b:s7+s3], $0x80, v4, vm0, $0xb8;
	[tilespmem:$0x10100] =	vst v63  }
0xab: {  	_ = 	snop  }
0xac: {  	[tilespmem:s17], [sflag:$0x1] =	stream.indirect_vreg.gather [hbm4b:s2+s3], $0x80, v3, vm0, $0xb8;
	[tilespmem:$0x10100] =	vst v63  }
0xad: {  	_ = 	snop  }
0xae: {  	[tilespmem:s18], [sflag:$0x1] =	stream.indirect_vreg.gather [hbm4b:s4+s3], $0x80, v3, vm0, $0xb8;
	[tilespmem:$0x10100] =	vst v63  }
0xaf: {  	_ = 	snop  }
0xb0: {  	[tilespmem:s10], [sflag:$0x1] =	stream.indirect_vreg.gather [hbm4b:s6+s3], $0x80, v3, vm0, $0xb8;
	[tilespmem:$0x10100] =	vst v63  }
0xb1: {  	s20 =	simm.s32 $0xB900  }
0xb2: {  	[tilespmem:s20], [sflag:$0x1] =	stream.indirect_vreg.gather [hbm4b:s7+s3], $0x80, v3, vm0, $0xb8;
	[tilespmem:$0x10100] =	vst v63  }
0xb3: {  	v3 =	vld [tilespmem:$0xB0];
	_ =	sdelay $0x4  }
0xb4: {  	v63 =	vshll.u32 v3, $0x3  }
0xb5: {  	v3 =	vand.u32 $0x7, v3;
	v4 =	vand.u32 $0xFFFFFFC0, v63  }
0xb6: {  	v3 =	vor.u32 v3, v4  }
0xb7: {  	v4 =	vperm.xlane v3, v0;
	_ =	sdelay $0x1  }
0xb8: {  	v4 =	vadd.s32 v1, v4;
	_ =	sdelay $0x3  }
0xb9: {  	s5 =	simm.s32 $0xC100  }
0xba: {  	[tilespmem:s5], [sflag:$0x1] =	stream.indirect_vreg.gather [hbm4b:s2+s3], $0x80, v4, vm0, $0xb8;
	[tilespmem:$0x10100] =	vst v63  }
0xbb: {  	s20 =	simm.s32 $0xC900;
	v3 =	vperm.xlane v3, v2  }
0xbc: {  	[tilespmem:s20], [sflag:$0x1] =	stream.indirect_vreg.gather [hbm4b:s4+s3], $0x80, v4, vm0, $0xb8;
	[tilespmem:$0x10100] =	vst v63  }
0xbd: {  	v3 =	vadd.s32 v1, v3;
	s5 =	simm.s32 $0xD100  }
0xbe: {  	[tilespmem:s5], [sflag:$0x1] =	stream.indirect_vreg.gather [hbm4b:s6+s3], $0x80, v4, vm0, $0xb8;
	[tilespmem:$0x10100] =	vst v63  }
0xbf: {  	s20 =	simm.s32 $0xD900  }
0xc0: {  	[tilespmem:s20], [sflag:$0x1] =	stream.indirect_vreg.gather [hbm4b:s7+s3], $0x80, v4, vm0, $0xb8;
	[tilespmem:$0x10100] =	vst v63  }
0xc1: {  	s5 =	simm.s32 $0xE100  }
0xc2: {  	[tilespmem:s5], [sflag:$0x1] =	stream.indirect_vreg.gather [hbm4b:s2+s3], $0x80, v3, vm0, $0xb8;
	[tilespmem:$0x10100] =	vst v63  }
0xc3: {  	s20 =	simm.s32 $0xE900  }
0xc4: {  	[tilespmem:s20], [sflag:$0x1] =	stream.indirect_vreg.gather [hbm4b:s4+s3], $0x80, v3, vm0, $0xb8;
	[tilespmem:$0x10100] =	vst v63  }
0xc5: {  	s5 =	simm.s32 $0xF100  }
0xc6: {  	[tilespmem:s5], [sflag:$0x1] =	stream.indirect_vreg.gather [hbm4b:s6+s3], $0x80, v3, vm0, $0xb8;
	[tilespmem:$0x10100] =	vst v63  }
0xc7: {  	s20 =	simm.s32 $0xF900  }
0xc8: {  	[tilespmem:s20], [sflag:$0x1] =	stream.indirect_vreg.gather [hbm4b:s7+s3], $0x80, v3, vm0, $0xb8;
	[tilespmem:$0x10100] =	vst v63  }
0xc9: {  	_ =	swait.ge [sflag:s19], $0x10000  }
0xca: {  	p0 =	sne.s32 s8, $0x1;
	[sflag:s19] =	ssyncset.done $0x0  }
.Ltmp0:
0xcb: {  	s5 =	rddreg [dreg:$0x4];
	[sflag:s19] =	ssyncadd.s32 $0xFFFF0000;
	(pc) =	sbr.rel @p0 .LBB2_1-.Ltmp0, $4  }
0xcc: {  	[hbm4b:s5+s3] =	stream.linear.scatter [tilespmem:s0], [sflag:$0x2], $0x10000, $0x38;
	[tilespmem:$0x10100] =	vst v63  }
0xcd: {  	_ =	swait.ge [sflag:s9], $0x10000  }
0xce: {  	[sflag:s9] =	ssyncset.done $0x0  }
0xcf: {  	s8 =	sadd.s32 $0xFFFFFFFF, s8;
	[sflag:s9] =	ssyncadd.s32 $0xFFFF0000  }
0xd0: {  	_ =	sfence.sel $0x180000  }
0xd1: {  	[bflag:$0x0] =	sbarrier.arrive $0xFFFF  }
0xd2: {  	_ =	strace $0x9000004D  }
0xd3: {  	s0 =	stileid.u32;
	[bflag:$0x2] =	sbarrier.arrive $0xFFFF  }
0xd4: {  	p0 =	sne.s32 s0, $0x0;
	s0 =	rddreg [dreg:$0x2]  }
0xd5: {  	s0 =	sadd.s32 @!p0 $0x100000, s0  }
0xd6: {  	[sflag:s0] =	ssyncadd.tile.s32 @!p0 $0x1;
	_ =	shalt  }
.Lfunc_end2:
_tile_overlayer_lowered:
.L_overlay_start_2:
0xd7: {  	(tag) =	ssettag $0x2  }
0xd8: {  	s0 =	rddreg [dreg:$0x0];
	s2 =	stileid.u32  }
0xd9: {  	s1 =	rddreg [dreg:$0x1];
	p0 =	sne.s32 s2, $0x0  }
0xda: {  	s3 =	rddreg [dreg:$0x2];
	[bflag:$0x3] =	sbarrier.arrive $0xFFFF;
	s2 =	simm.s32 @!p0 $0x1C02  }
0xdb: {  	[timem:s3], [sflag:s2] =	dma.local @!p0 [hbm:s0], s1  }
0xdc: {  	s0 =	simm.s32 @!p0 $0x2  }
0xdd: {  	_ =	swait.ge @!p0 [sflag:s0], s1  }
0xde: {  	s1 =	ssub.s32 @!p0 $0x0, s1;
	[sflag:s0] =	ssyncset.done @!p0 $0x0  }
0xdf: {  	[sflag:s0] =	ssyncadd.s32 @!p0 s1  }
0xe0: {  	[bflag:$0x3] =	sbarrier.arrive $0xFFFF  }
0xe1: {  	_ =	shalt  }

// kernel: kernel.6.cloned.1.call-start
scs
__scs_entry_jumppad:
0x0: {  	(pc) =	sbr.rel $0x88, $3  }
0x1: {  	(tag) =	ssettag $0x0;
	lr =	simm.s32 $0x1  }
0x2: {  	[smem:$0x3F9E] =	sst lr;
	_ =	strace $0xD0000000  }
0x3: {  	_ = 	snop  }
0x4: {  	_ = 	snop  }
0x5: {  	_ = 	snop  }
0x6: {  	_ = 	snop  }
0x7: {  	_ = 	snop  }
__scs_overlays_trampoline_lowered:
0x8: {  	[smem:$0x3FAD] =	sst s0  }
0x9: {  	[smem:$0x3FAE] =	sst s1  }
0xa: {  	[smem:$0x3FAF] =	sst s2  }
0xb: {  	[smem:$0x3FB0] =	sst s3  }
0xc: {  	[smem:$0x3FB1] =	sst s4  }
0xd: {  	[smem:$0x3FB2] =	sst s5  }
0xe: {  	[smem:$0x3FB3] =	sst s6  }
0xf: {  	[smem:$0x3FB4] =	sst s7  }
0x10: {  	[smem:$0x3FB5] =	sst s8  }
0x11: {  	[smem:$0x3FB6] =	sst s9;
	s0 =	simm.s32 @!p0 $0x0  }
0x12: {  	s1 =	sld [smem:$0x3F9C];
	s0 =	simm.s32 @p0 $0x1  }
0x13: {  	[smem:$0x3FB7] =	sst s0;
	s0 =	simm.s32 @!p1 $0x0  }
0x14: {  	s2 =	sld [smem:$0x3F9B];
	s0 =	simm.s32 @p1 $0x1  }
0x15: {  	[smem:$0x3FB8] =	sst s0;
	s0 =	simm.s32 @!p2 $0x0  }
0x16: {  	s3 =	sld [smem:$0x3FDB];
	s0 =	simm.s32 @p2 $0x1  }
0x17: {  	s4 =	simm.s32 $0x1BF5;
	[smem:$0x3FBA] =	sst s0  }
0x18: {  	s0 =	sld [smem:$0x3F9D];
	_ =	swait.ge [sflag:s4], $0x0  }
0x19: {  	s7 =	sld [smem:$0x3F9E]  }
0x1a: {  	s8 =	sadd.s32 $0xFFFFE003, lr  }
0x1b: {  	s9 =	sadd.s32 $0xFFFFFEF7, lr;
	s5 =	simm.s32 $0xFFFFFFFF;
	p2 =	slt.u32 s8, $0xFFFFF086  }
0x1c: {  	p1 =	slt.u32 s9, $0xF7A;
	s5 =	simm.s32 @!p2 $0x0  }
0x1d: {  	s5 =	simm.s32 @p1 $0x1;
	p0 =	seq.s32 s7, s2  }
0x1e: {  	s7 =	smul.u32 @!p0 $0xF7A, s2;
	p2 =	seq.s32 @!p0 s5, $0x0  }
0x1f: {  	s9 =	smul.u32 $0xF7A, s1;
	s8 =	simm.s32 @!p0 $0x1BF5;
	p2 =	por !p2, p0  }
0x20: {  	[sflag:s8] =	ssyncset.s32 @!p0 $0xFFFFF086;
	s6 =	sadd.s32 @!p0 s3, s7;
	s7 =	simm.s32 @!p0 $0x108  }
0x21: {  	s3 =	sadd.s32 s3, s9;
	s6 =	sadd.s32 @!p0 $0x88, s6;
	s7 =	simm.s32 @p2 $0x1082  }
0x22: {  	[simem:s7], [sflag:s8] =	dma.local @!p0 [hbm:s6], $0xF7A  }
0x23: {  	s9 =	sor.u32 $0xD0000000, s2;
	s6 =	simm.s32 $0x108;
	_ =	swait.ge @!p0 [sflag:s8], $0x0  }
0x24: {  	s3 =	sadd.s32 $0x88, s3;
	s6 =	simm.s32 @!p1 $0x1082;
	[sflag:s4] =	ssyncset.s32 $0xFFFFF086  }
0x25: {  	[simem:s6], [sflag:s4] =	dma.local [hbm:s3], $0xF7A  }
0x26: {  	[smem:$0x3F9E] =	sst s1;
	(tag) =	ssettag s2;
	_ =	strace s9  }
0x27: {  	s1 =	sld [smem:$0x3FAE]  }
0x28: {  	s2 =	sld [smem:$0x3FAF]  }
0x29: {  	s4 =	sld [smem:$0x3FB1]  }
0x2a: {  	p0 =	seq.s32 s5, $0x0;
	s5 =	sld [smem:$0x3FB2]  }
0x2b: {  	s6 =	sld [smem:$0x3FB3]  }
0x2c: {  	s7 =	sld [smem:$0x3FB4]  }
0x2d: {  	s3 =	simm.s32 $0x108;
	s8 =	sld [smem:$0x3FB5]  }
0x2e: {  	s3 =	simm.s32 @!p0 $0x1082;
	s9 =	sld [smem:$0x3FB6]  }
0x2f: {  	lr =	sadd.s32 s0, s3;
	s0 =	sld [smem:$0x3FAD]  }
0x30: {  	s3 =	sld [smem:$0x3FB0]  }
0x31: {  	[smem:$0x3FB9] =	sst s10  }
0x32: {  	s10 =	sld [smem:$0x3FB7];
	_ =	sdelay $0x3  }
0x33: {  	p0 =	seq.s32 s10, $0x1;
	s10 =	sld [smem:$0x3FB9];
	_ =	sdelay $0x3  }
0x34: {  	[smem:$0x3FB9] =	sst s10  }
0x35: {  	s10 =	sld [smem:$0x3FB8];
	_ =	sdelay $0x3  }
0x36: {  	p1 =	seq.s32 s10, $0x1;
	s10 =	sld [smem:$0x3FB9];
	_ =	sdelay $0x3  }
0x37: {  	[smem:$0x3FB9] =	sst s10  }
0x38: {  	s10 =	sld [smem:$0x3FBA]  }
0x39: {  	_ = 	snop;
	(pc) =	sbr.ind lr, $3  }
0x3a: {  	_ = 	snop  }
0x3b: {  	_ = 	snop  }
0x3c: {  	p2 =	seq.s32 s10, $0x1;
	s10 =	sld [smem:$0x3FB9]  }
0x3d: {  	_ =	shalt  }
0x3e: {  	_ =	shalt  }
0x3f: {  	_ =	shalt  }
0x40: {  	_ =	shalt  }
0x41: {  	_ =	shalt  }
0x42: {  	_ =	shalt  }
0x43: {  	_ =	shalt  }
0x44: {  	_ =	shalt  }
0x45: {  	_ =	shalt  }
0x46: {  	_ =	shalt  }
0x47: {  	_ =	shalt  }
0x48: {  	_ =	shalt  }
0x49: {  	_ =	shalt  }
0x4a: {  	_ =	shalt  }
0x4b: {  	_ =	shalt  }
0x4c: {  	_ =	shalt  }
0x4d: {  	_ =	shalt  }
0x4e: {  	_ =	shalt  }
0x4f: {  	_ =	shalt  }
0x50: {  	_ =	shalt  }
0x51: {  	_ =	shalt  }
0x52: {  	_ =	shalt  }
0x53: {  	_ =	shalt  }
0x54: {  	_ =	shalt  }
0x55: {  	_ =	shalt  }
0x56: {  	_ =	shalt  }
0x57: {  	_ =	shalt  }
0x58: {  	_ =	shalt  }
0x59: {  	_ =	shalt  }
0x5a: {  	_ =	shalt  }
0x5b: {  	_ =	shalt  }
0x5c: {  	_ =	shalt  }
0x5d: {  	_ =	shalt  }
0x5e: {  	_ =	shalt  }
0x5f: {  	_ =	shalt  }
0x60: {  	_ =	shalt  }
0x61: {  	_ =	shalt  }
0x62: {  	_ =	shalt  }
0x63: {  	_ =	shalt  }
0x64: {  	_ =	shalt  }
0x65: {  	_ =	shalt  }
0x66: {  	_ =	shalt  }
0x67: {  	_ =	shalt  }
0x68: {  	_ =	shalt  }
0x69: {  	_ =	shalt  }
0x6a: {  	_ =	shalt  }
0x6b: {  	_ =	shalt  }
0x6c: {  	_ =	shalt  }
0x6d: {  	_ =	shalt  }
0x6e: {  	_ =	shalt  }
0x6f: {  	_ =	shalt  }
0x70: {  	_ =	shalt  }
0x71: {  	_ =	shalt  }
0x72: {  	_ =	shalt  }
0x73: {  	_ =	shalt  }
0x74: {  	_ =	shalt  }
0x75: {  	_ =	shalt  }
0x76: {  	_ =	shalt  }
0x77: {  	_ =	shalt  }
0x78: {  	_ =	shalt  }
0x79: {  	_ =	shalt  }
0x7a: {  	_ =	shalt  }
0x7b: {  	_ =	shalt  }
0x7c: {  	_ =	shalt  }
0x7d: {  	_ =	shalt  }
0x7e: {  	_ =	shalt  }
0x7f: {  	_ =	shalt  }
0x80: {  	_ =	shalt  }
0x81: {  	_ =	shalt  }
0x82: {  	_ =	shalt  }
0x83: {  	_ =	shalt  }
0x84: {  	_ =	shalt  }
0x85: {  	_ =	shalt  }
0x86: {  	_ =	shalt  }
0x87: {  	_ =	shalt  }
.Lfunc_end0:
.L_simem_size_0:
called_computation_lowered:
.L_overlay_start_0:
0x88: {  	s2 =	sld [smem:$0x3FD9]  }
0x89: {  	s3 =	sld [smem:$0x3FFE];
	_ =	sdelay $0x1  }
0x8a: {  	s1 =	srdreg.scid  }
0x8b: {  	s0 =	sand.u32 $0x1, s1  }
0x8c: {  	s16 =	sshll.u32 s0, $0xA;
	s2 =	sadd.s32 s3, s2  }
0x8d: {  	s2 =	sadd.s32 s2, s16  }
0x8e: {  	[smem:$0x3FC5] =	sst s2  }
0x8f: {  	_ = 	snop  }
0x90: {  	(tm) =	ssettm $0x1  }
0x91: {  	s17 =	sld [smem:$0x3FFB];
	_ =	sdelay $0x3  }
0x92: {  	_ =	strace s17  }
0x93: {  	s2 =	sld [smem:$0x3FFC];
	_ =	sdelay $0x3  }
0x94: {  	_ =	strace s2  }
0x95: {  	s2 =	sld [smem:$0x3FFD];
	_ =	sdelay $0x3  }
0x96: {  	_ =	strace s2  }
0x97: {  	_ =	strace $0x8FFFFFFF  }
0x98: {  	s18 =	sld [smem:$0x3FDB];
	_ =	sdelay $0x1  }
0x99: {  	s19 =	simm.s32 $_scs_section_size  }
0x9a: {  	s4 =	simm.s32 $_size__tile_overlayer_lowered;
	s5 =	simm.s32 $_tile_overlayer_lowered  }
0x9b: {  	s22 =	simm.s32 $0x1BFF;
	s21 =	sshll.u32 s5, $0x1;
	s2 =	sadd.s32 s19, s18  }
0x9c: {  	s6 =	simm.s32 $0x0;
	s20 =	sshll.u32 s4, $0x1;
	s4 =	sadd.s32 s21, s2  }
0x9d: {  	[timem:s6], [sflag:s22] =	dma.local [hbm:s4], s20  }
0x9e: {  	_ =	swait.ge [sflag:s22], s20  }
0x9f: {  	s3 =	ssub.s32 $0x0, s20;
	[sflag:s22] =	ssyncset.done $0x0  }
0xa0: {  	[sflag:s22] =	ssyncadd.s32 s3;
	_ =	sdelay $0x1  }
0xa1: {  	s23 =	simm.s32 $0x1B8B  }
0xa2: {  	_ =	swait.ge [sflag:s23], $0x1  }
0xa3: {  	[sflag:s23] =	ssyncset.done $0x0  }
0xa4: {  	s25 =	simm.s32 $0x1B8E;
	s24 =	sld [smem:$0x3FFE];
	[sflag:s23] =	ssyncadd.s32 $0xFFFFFFFF  }
0xa5: {  	s26 =	simm.s32 $execute0_lowered;
	[smem:$0x3FD2] =	sst s25  }
0xa6: {  	s4 =	sshll.u32 s26, $0x1;
	_ =	strace $0x80000046;
	[dreg:$0x1] =	wrdreg $0xFFFFFFFF  }
0xa7: {  	s28 =	simm.s32 $_size_execute0_lowered;
	s2 =	sadd.s32 s2, s4;
	[dreg:$0x0] =	wrdreg $0x0  }
0xa8: {  	s4 =	sshll.u32 s28, $0x1;
	[dreg:$0x2] =	wrdreg s2  }
0xa9: {  	[dreg:$0x3] =	wrdreg s4  }
0xaa: {  	[dreg:$0x4] =	wrdreg $0xC0  }
0xab: {  	_ =	task [dreg:s6], $0x5FFFF  }
0xac: {  	[dreg:$0x1] =	wrdreg $0xFFFFFFFF  }
0xad: {  	[dreg:$0x0] =	wrdreg $0x60  }
0xae: {  	[dreg:$0x2] =	wrdreg s24  }
0xaf: {  	[dreg:$0x3] =	wrdreg $0x9  }
0xb0: {  	_ =	task.clear_ibuf [dreg:s6], $0x4FFFF;
	_ =	strace $0x90000046  }
0xb1: {  	s29 =	simm.s32 $0x9;
	_ =	strace $0x80000048  }
0xb2: {  	_ =	swait.ge [sflag:s29], $0x1  }
0xb3: {  	[sflag:s29] =	ssyncadd.s32 $0xFFFFFFFF  }
0xb4: {  	_ =	strace $0x90000048  }
0xb5: {  	_ =	sfence  }
0xb6: {  	s30 =	sld [smem:$0x0];
	_ =	sdelay $0x2  }
0xb7: {  	s31 =	sshll.u32 s1, $0xD;
	s1 =	sshrl.u32 s1, $0x2  }
0xb8: {  	s3 =	sand.u32 $0x4000, s31;
	s1 =	sadd.s32 s1, s30  }
0xb9: {  	s0 =	sor.u32 s3, s0;
	s1 =	sshll.u32 s1, $0x11  }
0xba: {  	s0 =	sor.u32 s1, s0  }
0xbb: {  	s0 =	sadd.s32 $0x8F2B, s0  }
0xbc: {  	[sflag:s0] =	ssyncadd.remote.s32 $0x1  }
0xbd: {  	_ =	sfence.sel $0xFFFF  }
0xbe: {  	[dreg:$0x0] =	wrdreg $0xFFFFFFFF;
	(pc) =	sbr.abs _section_cstart, $3  }
0xbf: {  	[dreg:$0x1] =	wrdreg $0xFFFFFFFF  }
0xc0: {  	_ =	task.clear_ibuf [dreg:s6], $0x2FFFF;
	_ =	strace $0x9FFFFFFF  }
0xc1: {  	(tm) =	ssettm $0x7FFFFFFF  }
tec
execute0_lowered:
.L_overlay_start_1:
0x0: {  	(tag) =	ssettag $0x1  }
0x1: {  	s0 =	srdreg.scid  }
0x2: {  	s3 =	rddreg [dreg:$0x0];
	s1 =	stileid.u32;
	s2 =	simm.s32 $0x0  }
0x3: {  	s7 =	simm.s32 $0x80;
	s4 =	sand.u32 $0x1, s0;
	s0 =	rddreg [dreg:$0x1]  }
0x4: {  	s5 =	sshll.u32 s1, $0x5;
	s6 =	sshll.u32 s4, $0x4;
	s4 =	ssub.s32 $0x2, s4  }
0x5: {  	v0 =	vimm.s32 $0x0;
	vm0 =	vmmov $0x1;
	vm1 =	vcmask $0x704;
	[smem:$0x7FF] =	sst s2;
	s5 =	sor.u32 s6, s5;
	s30 =	sshrl.u32 s4, $0x1  }
0x6: {  	vm2 =	vcmask $0xB08;
	vm3 =	vcmask $0xF0C;
	vm4 =	vcmask $0x1310;
	_ =	strace $0x80000047;
	s3 =	sadd.s32 s3, s5;
	s31 =	ssub.s32 s4, s30  }
0x7: {  	vm5 =	vcmask $0x1714;
	vm6 =	vcmask $0x1B18;
	vm7 =	vcmask $0x1F1C;
	s6 =	simm.s32 $0x1;
	s4 =	sadd.s32 $0x200, s3;
	s5 =	smax.u32 s31, $0x1  }
.LBB2_1:
0x8: {  	[tilespmem:s2], [sflag:$0x1] =	stream.linear.gather [hbm4b:s3+s2], $0x80, $0x38;
	[tilespmem:$0x100] =	vst v63  }
0x9: {  	_ =	swait.ge [sflag:s6], $0x80  }
0xa: {  	[sflag:s6] =	ssyncset.done $0x0  }
0xb: {  	[sflag:s6] =	ssyncadd.s32 $0xFFFFFF80  }
0xc: {  	v1 =	vld [tilespmem:$0x0];
	_ =	sdelay $0x4  }
0xd: {  	vm8 =	veq.s32 v1, $0x0  }
0xe: {  	v2 =	vsel vm8, $0x1, v0;
	vm8 =	veq.s32 v1, $0x1  }
0xf: {  	(xrf0) =	vadd.scan.msk.s32 $0xffff, v2;
	v2 =	vsel vm8, $0x1, v0;
	vm8 =	veq.s32 v1, $0x2  }
0x10: {  	(xrf0) =	vadd.scan.msk.s32 $0xffff, v2;
	v2 =	vsel vm8, $0x1, v0;
	vm8 =	veq.s32 v1, $0x3  }
0x11: {  	(xrf0) =	vadd.scan.msk.s32 $0xffff, v2;
	v2 =	vsel vm8, $0x1, v0;
	vm8 =	veq.s32 v1, $0x4  }
0x12: {  	(xrf0) =	vadd.scan.msk.s32 $0xffff, v2;
	v2 =	vsel vm8, $0x1, v0;
	_ =	sdelay $0x2  }
0x13: {  	(xrf0) =	vadd.scan.msk.s32 $0xffff, v2;
	v2, _, _ =	vpop (xrf0)  }
0x14: {  	v3, _, _ =	vpop (xrf0)  }
0x15: {  	v3 =	vbroadcast v3, $0xF;
	_ =	sdelay $0x1  }
0x16: {  	vm8 =	veq.s32 v1, $0x5;
	v2 =	vbroadcast v2, $0xF;
	v3 =	vnsel vm1, $0x0, v3  }
0x17: {  	v4 =	vsel vm8, $0x1, v0;
	v32, _, _ =	vpop (xrf0)  }
0x18: {  	vm8 =	veq.s32 v1, $0x6;
	(xrf0) =	vadd.scan.msk.s32 $0xffff, v4;
	v2 =	vnsel vm0, $0x0, v2;
	v7, _, _ =	vpop (xrf0)  }
0x19: {  	v6 =	vsel vm8, $0x1, v0;
	vm8 =	veq.s32 v1, $0x7;
	v1 =	vadd.s32 v3, v2;
	v3, _, _ =	vpop (xrf0)  }
0x1a: {  	v4 =	vbroadcast v32, $0xF;
	v3 =	vbroadcast v3, $0xF  }
0x1b: {  	v5 =	vld [tilespmem:$0x10];
	v2 =	vbroadcast v7, $0xF  }
0x1c: {  	(xrf0) =	vadd.scan.msk.s32 $0xffff, v6;
	v4 =	vnsel vm2, $0x0, v4  }
0x1d: {  	v33 =	vsel vm8, $0x1, v0;
	v1 =	vadd.s32 v4, v1;
	v2 =	vnsel vm3, $0x0, v2  }
0x1e: {  	(xrf0) =	vadd.scan.msk.s32 $0xffff, v33;
	v1 =	vadd.s32 v2, v1;
	v2 =	vnsel vm4, $0x0, v3;
	v3, _, _ =	vpop (xrf0)  }
0x1f: {  	v3 =	vbroadcast v3, $0xF  }
0x20: {  	vm8 =	veq.s32 v5, $0x0  }
0x21: {  	v34 =	vsel vm8, $0x1, v0;
	v3 =	vnsel vm5, $0x0, v3  }
0x22: {  	vm8 =	veq.s32 v5, $0x1;
	(xrf0) =	vadd.scan.msk.s32 $0xffff, v34;
	v1 =	vadd.s32 v2, v1;
	v2, _, _ =	vpop (xrf0)  }
0x23: {  	v35 =	vsel vm8, $0x1, v0;
	vm8 =	veq.s32 v5, $0x2;
	v2 =	vbroadcast v2, $0xF  }
0x24: {  	v36 =	vsel vm8, $0x1, v0;
	vm8 =	veq.s32 v5, $0x3;
	(xrf0) =	vadd.scan.msk.s32 $0xffff, v35;
	v1 =	vadd.s32 v3, v1;
	v3, _, _ =	vpop (xrf0)  }
0x25: {  	v37 =	vsel vm8, $0x1, v0;
	(xrf0) =	vadd.scan.msk.s32 $0xffff, v36;
	v2 =	vnsel vm6, $0x0, v2;
	v3 =	vbroadcast v3, $0xF  }
0x26: {  	vm8 =	veq.s32 v5, $0x4;
	(xrf0) =	vadd.scan.msk.s32 $0xffff, v37  }
0x27: {  	v38 =	vsel vm8, $0x1, v0;
	v3 =	vnsel vm7, $0x0, v3  }
0x28: {  	v1 =	vadd.s32 v2, v1;
	v2, _, _ =	vpop (xrf0);
	(xrf0) =	vadd.scan.msk.s32 $0xffff, v38  }
0x29: {  	vm8 =	veq.s32 v5, $0x5;
	v2 =	vbroadcast v2, $0xF  }
0x2a: {  	v39 =	vsel vm8, $0x1, v0;
	v1 =	vadd.s32 v3, v1;
	v3, _, _ =	vpop (xrf0)  }
0x2b: {  	vm8 =	veq.s32 v5, $0x6;
	v2 =	vnsel vm0, $0x0, v2;
	v3 =	vbroadcast v3, $0xF;
	v41, _, _ =	vpop (xrf0)  }
0x2c: {  	v43 =	vsel vm8, $0x1, v0;
	v1 =	vadd.s32 v2, v1;
	(xrf0) =	vadd.scan.msk.s32 $0xffff, v39;
	v2 =	vbroadcast v41, $0xF;
	v42, _, _ =	vpop (xrf0)  }
0x2d: {  	v40 =	vld [tilespmem:$0x20];
	vm8 =	veq.s32 v5, $0x7;
	v3 =	vnsel vm1, $0x0, v3;
	v4 =	vbroadcast v42, $0xF  }
0x2e: {  	(xrf0) =	vadd.scan.msk.s32 $0xffff, v43;
	v44, _, _ =	vpop (xrf0);
	v1 =	vadd.s32 v3, v1;
	v2 =	vnsel vm2, $0x0, v2;
	v3 =	vsel vm8, $0x1, v0  }
0x2f: {  	v1 =	vadd.s32 v2, v1;
	v2 =	vnsel vm3, $0x0, v4;
	(xrf0) =	vadd.scan.msk.s32 $0xffff, v3;
	v3 =	vbroadcast v44, $0xF;
	_ =	sdelay $0x1  }
0x30: {  	v3 =	vnsel vm4, $0x0, v3  }
0x31: {  	vm8 =	veq.s32 v40, $0x0;
	v1 =	vadd.s32 v2, v1;
	v2, _, _ =	vpop (xrf0)  }
0x32: {  	v45 =	vsel vm8, $0x1, v0;
	vm8 =	veq.s32 v40, $0x1;
	v2 =	vbroadcast v2, $0xF  }
0x33: {  	(xrf0) =	vadd.scan.msk.s32 $0xffff, v45;
	v46 =	vsel vm8, $0x1, v0;
	vm8 =	veq.s32 v40, $0x2;
	v1 =	vadd.s32 v3, v1;
	v3, _, _ =	vpop (xrf0)  }
0x34: {  	v47 =	vsel vm8, $0x1, v0;
	(xrf0) =	vadd.scan.msk.s32 $0xffff, v46;
	v2 =	vnsel vm5, $0x0, v2;
	v3 =	vbroadcast v3, $0xF  }
0x35: {  	vm8 =	veq.s32 v40, $0x3;
	(xrf0) =	vadd.scan.msk.s32 $0xffff, v47  }
0x36: {  	v48 =	vsel vm8, $0x1, v0;
	v3 =	vnsel vm6, $0x0, v3  }
0x37: {  	v1 =	vadd.s32 v2, v1;
	v2, _, _ =	vpop (xrf0);
	(xrf0) =	vadd.scan.msk.s32 $0xffff, v48  }
0x38: {  	vm8 =	veq.s32 v40, $0x4;
	v2 =	vbroadcast v2, $0xF  }
0x39: {  	v49 =	vsel vm8, $0x1, v0;
	v1 =	vadd.s32 v3, v1;
	v3, _, _ =	vpop (xrf0)  }
0x3a: {  	vm8 =	veq.s32 v40, $0x5;
	v2 =	vnsel vm7, $0x0, v2;
	v3 =	vbroadcast v3, $0xF;
	v50, _, _ =	vpop (xrf0)  }
0x3b: {  	v53 =	vsel vm8, $0x1, v0;
	(xrf0) =	vadd.scan.msk.s32 $0xffff, v49;
	v1 =	vadd.s32 v2, v1;
	v2 =	vbroadcast v50, $0xF;
	v52, _, _ =	vpop (xrf0)  }
0x3c: {  	vm8 =	veq.s32 v40, $0x6;
	v3 =	vnsel vm0, $0x0, v3;
	v5 =	vbroadcast v52, $0xF  }
0x3d: {  	v51 =	vld [tilespmem:$0x30];
	(xrf0) =	vadd.scan.msk.s32 $0xffff, v53;
	v1 =	vadd.s32 v3, v1;
	v2 =	vnsel vm1, $0x0, v2;
	v3 =	vsel vm8, $0x1, v0;
	v54, _, _ =	vpop (xrf0)  }
0x3e: {  	v1 =	vadd.s32 v2, v1;
	v2 =	vnsel vm2, $0x0, v5;
	(xrf0) =	vadd.scan.msk.s32 $0xffff, v3;
	v3 =	vbroadcast v54, $0xF;
	_ =	sdelay $0x1  }
0x3f: {  	v3 =	vnsel vm3, $0x0, v3  }
0x40: {  	vm8 =	veq.s32 v40, $0x7;
	v1 =	vadd.s32 v2, v1;
	v2, _, _ =	vpop (xrf0)  }
0x41: {  	v55 =	vsel vm8, $0x1, v0;
	vm8 =	veq.s32 v51, $0x0;
	v2 =	vbroadcast v2, $0xF  }
0x42: {  	(xrf0) =	vadd.scan.msk.s32 $0xffff, v55;
	v56 =	vsel vm8, $0x1, v0;
	vm8 =	veq.s32 v51, $0x1;
	v1 =	vadd.s32 v3, v1;
	v3, _, _ =	vpop (xrf0)  }
0x43: {  	v57 =	vsel vm8, $0x1, v0;
	(xrf0) =	vadd.scan.msk.s32 $0xffff, v56;
	v2 =	vnsel vm4, $0x0, v2;
	v3 =	vbroadcast v3, $0xF  }
0x44: {  	vm8 =	veq.s32 v51, $0x2;
	(xrf0) =	vadd.scan.msk.s32 $0xffff, v57  }
0x45: {  	v58 =	vsel vm8, $0x1, v0;
	v3 =	vnsel vm5, $0x0, v3  }
0x46: {  	v1 =	vadd.s32 v2, v1;
	v2, _, _ =	vpop (xrf0);
	(xrf0) =	vadd.scan.msk.s32 $0xffff, v58  }
0x47: {  	vm8 =	veq.s32 v51, $0x3;
	v2 =	vbroadcast v2, $0xF  }
0x48: {  	v59 =	vsel vm8, $0x1, v0;
	v1 =	vadd.s32 v3, v1;
	v3, _, _ =	vpop (xrf0)  }
0x49: {  	vm8 =	veq.s32 v51, $0x4;
	v2 =	vnsel vm6, $0x0, v2;
	v3 =	vbroadcast v3, $0xF;
	v60, _, _ =	vpop (xrf0)  }
0x4a: {  	v62 =	vsel vm8, $0x1, v0;
	(xrf0) =	vadd.scan.msk.s32 $0xffff, v59;
	v1 =	vadd.s32 v2, v1;
	v2 =	vbroadcast v60, $0xF;
	v61, _, _ =	vpop (xrf0)  }
0x4b: {  	vm8 =	veq.s32 v51, $0x5;
	v3 =	vnsel vm7, $0x0, v3;
	v5 =	vbroadcast v61, $0xF  }
0x4c: {  	(xrf0) =	vadd.scan.msk.s32 $0xffff, v62;
	v1 =	vadd.s32 v3, v1;
	v2 =	vnsel vm0, $0x0, v2;
	v3 =	vsel vm8, $0x1, v0;
	v8, _, _ =	vpop (xrf0)  }
0x4d: {  	v63 =	vld [tilespmem:$0x40];
	v1 =	vadd.s32 v2, v1;
	v2 =	vnsel vm1, $0x0, v5;
	(xrf0) =	vadd.scan.msk.s32 $0xffff, v3;
	v3 =	vbroadcast v8, $0xF;
	_ =	sdelay $0x1  }
0x4e: {  	v3 =	vnsel vm2, $0x0, v3  }
0x4f: {  	vm8 =	veq.s32 v51, $0x6;
	v1 =	vadd.s32 v2, v1;
	v2, _, _ =	vpop (xrf0)  }
0x50: {  	v9 =	vsel vm8, $0x1, v0;
	vm8 =	veq.s32 v51, $0x7;
	v2 =	vbroadcast v2, $0xF  }
0x51: {  	(xrf0) =	vadd.scan.msk.s32 $0xffff, v9;
	v4 =	vsel vm8, $0x1, v0;
	vm8 =	veq.s32 v63, $0x0;
	v1 =	vadd.s32 v3, v1;
	v3, _, _ =	vpop (xrf0)  }
0x52: {  	v10 =	vsel vm8, $0x1, v0;
	(xrf0) =	vadd.scan.msk.s32 $0xffff, v4;
	v2 =	vnsel vm3, $0x0, v2;
	v3 =	vbroadcast v3, $0xF  }
0x53: {  	(xrf0) =	vadd.scan.msk.s32 $0xffff, v10  }
0x54: {  	v3 =	vnsel vm4, $0x0, v3  }
0x55: {  	v1 =	vadd.s32 v2, v1;
	v2, _, _ =	vpop (xrf0)  }
0x56: {  	vm8 =	veq.s32 v63, $0x1;
	v2 =	vbroadcast v2, $0xF  }
0x57: {  	v11 =	vsel vm8, $0x1, v0;
	vm8 =	veq.s32 v63, $0x2;
	v1 =	vadd.s32 v3, v1;
	v3, _, _ =	vpop (xrf0)  }
0x58: {  	v12 =	vsel vm8, $0x1, v0;
	(xrf0) =	vadd.scan.msk.s32 $0xffff, v11;
	v2 =	vnsel vm5, $0x0, v2;
	v3 =	vbroadcast v3, $0xF;
	v13, _, _ =	vpop (xrf0)  }
0x59: {  	(xrf0) =	vadd.scan.msk.s32 $0xffff, v12;
	v1 =	vadd.s32 v2, v1;
	v2 =	vbroadcast v13, $0xF;
	v14, _, _ =	vpop (xrf0)  }
0x5a: {  	vm8 =	veq.s32 v63, $0x3;
	v3 =	vnsel vm6, $0x0, v3;
	v4 =	vbroadcast v14, $0xF  }
0x5b: {  	v15 =	vsel vm8, $0x1, v0;
	v1 =	vadd.s32 v3, v1;
	v2 =	vnsel vm7, $0x0, v2  }
0x5c: {  	(xrf0) =	vadd.scan.msk.s32 $0xffff, v15;
	v1 =	vadd.s32 v2, v1;
	v2 =	vnsel vm0, $0x0, v4  }
0x5d: {  	vm8 =	veq.s32 v63, $0x4  }
0x5e: {  	v3 =	vsel vm8, $0x1, v0;
	v16, _, _ =	vpop (xrf0);
	vm8 =	veq.s32 v63, $0x5  }
0x5f: {  	(xrf0) =	vadd.scan.msk.s32 $0xffff, v3;
	v3 =	vld [tilespmem:$0x50];
	v17 =	vsel vm8, $0x1, v0;
	vm8 =	veq.s32 v63, $0x6;
	v1 =	vadd.s32 v2, v1;
	v2, _, _ =	vpop (xrf0)  }
0x60: {  	(xrf0) =	vadd.scan.msk.s32 $0xffff, v17;
	v18 =	vsel vm8, $0x1, v0;
	vm8 =	veq.s32 v63, $0x7;
	v2 =	vbroadcast v2, $0xF  }
0x61: {  	v4 =	vbroadcast v16, $0xF;
	v19 =	vsel vm8, $0x1, v0;
	(xrf0) =	vadd.scan.msk.s32 $0xffff, v18  }
0x62: {  	v20, _, _ =	vpop (xrf0);
	(xrf0) =	vadd.scan.msk.s32 $0xffff, v19;
	v2 =	vnsel vm2, $0x0, v2  }
0x63: {  	v4 =	vnsel vm1, $0x0, v4  }
0x64: {  	v1 =	vadd.s32 v4, v1;
	v4 =	vbroadcast v20, $0xF;
	vm8 =	veq.s32 v3, $0x0  }
0x65: {  	v21 =	vsel vm8, $0x1, v0;
	vm8 =	veq.s32 v3, $0x1;
	v1 =	vadd.s32 v2, v1;
	v2, _, _ =	vpop (xrf0)  }
0x66: {  	v4 =	vnsel vm3, $0x0, v4;
	v22 =	vsel vm8, $0x1, v0;
	vm8 =	veq.s32 v3, $0x2;
	(xrf0) =	vadd.scan.msk.s32 $0xffff, v21;
	v23, _, _ =	vpop (xrf0)  }
0x67: {  	v26 =	vsel vm8, $0x1, v0;
	vm8 =	veq.s32 v3, $0x3;
	v2 =	vbroadcast v2, $0xF;
	(xrf0) =	vadd.scan.msk.s32 $0xffff, v22;
	v24, _, _ =	vpop (xrf0)  }
0x68: {  	v1 =	vadd.s32 v4, v1;
	v27 =	vsel vm8, $0x1, v0;
	vm8 =	veq.s32 v3, $0x4;
	v25, _, _ =	vpop (xrf0);
	(xrf0) =	vadd.scan.msk.s32 $0xffff, v26  }
0x69: {  	v31 =	vsel vm8, $0x1, v0;
	v4 =	vbroadcast v23, $0xF;
	v2 =	vnsel vm4, $0x0, v2  }
0x6a: {  	vm8 =	veq.s32 v3, $0x5;
	v1 =	vadd.s32 v2, v1;
	v2 =	vbroadcast v24, $0xF  }
0x6b: {  	v32 =	vsel vm8, $0x1, v0;
	v4 =	vnsel vm5, $0x0, v4;
	v5 =	vbroadcast v25, $0xF  }
0x6c: {  	vm8 =	veq.s32 v3, $0x6;
	v1 =	vadd.s32 v4, v1;
	v2 =	vnsel vm6, $0x0, v2;
	v28, _, _ =	vpop (xrf0)  }
0x6d: {  	(xrf0) =	vadd.scan.msk.s32 $0xffff, v27;
	v1 =	vadd.s32 v2, v1;
	v2 =	vnsel vm7, $0x0, v5;
	v5 =	vbroadcast v28, $0xF;
	v30, _, _ =	vpop (xrf0)  }
0x6e: {  	v33 =	vsel vm8, $0x1, v0;
	vm8 =	veq.s32 v3, $0x7;
	(xrf0) =	vadd.scan.msk.s32 $0xffff, v31;
	v6 =	vbroadcast v30, $0xF;
	v34, _, _ =	vpop (xrf0)  }
0x6f: {  	v1 =	vadd.s32 v2, v1;
	v2 =	vnsel vm0, $0x0, v5;
	v3 =	vbroadcast v34, $0xF  }
0x70: {  	v1 =	vadd.s32 v2, v1;
	v2 =	vnsel vm1, $0x0, v6  }
0x71: {  	v29 =	vld [tilespmem:$0x60];
	v3 =	vnsel vm2, $0x0, v3  }
0x72: {  	(xrf0) =	vadd.scan.msk.s32 $0xffff, v32  }
0x73: {  	v35 =	vsel vm8, $0x1, v0;
	(xrf0) =	vadd.scan.msk.s32 $0xffff, v33;
	v1 =	vadd.s32 v2, v1;
	v2, _, _ =	vpop (xrf0)  }
0x74: {  	(xrf0) =	vadd.scan.msk.s32 $0xffff, v35;
	v1 =	vadd.s32 v3, v1;
	v3, _, _ =	vpop (xrf0)  }
0x75: {  	v3 =	vbroadcast v3, $0xF  }
0x76: {  	vm8 =	veq.s32 v29, $0x0;
	v2 =	vbroadcast v2, $0xF  }
0x77: {  	v36 =	vsel vm8, $0x1, v0;
	vm8 =	veq.s32 v29, $0x1;
	v3 =	vnsel vm4, $0x0, v3  }
0x78: {  	v37 =	vsel vm8, $0x1, v0;
	vm8 =	veq.s32 v29, $0x2;
	(xrf0) =	vadd.scan.msk.s32 $0xffff, v36;
	v2 =	vnsel vm3, $0x0, v2;
	v38, _, _ =	vpop (xrf0)  }
0x79: {  	v39 =	vsel vm8, $0x1, v0;
	(xrf0) =	vadd.scan.msk.s32 $0xffff, v37;
	v1 =	vadd.s32 v2, v1;
	v40, _, _ =	vpop (xrf0)  }
0x7a: {  	(xrf0) =	vadd.scan.msk.s32 $0xffff, v39;
	v1 =	vadd.s32 v3, v1;
	v3, _, _ =	vpop (xrf0)  }
0x7b: {  	v2 =	vbroadcast v38, $0xF;
	v3 =	vbroadcast v3, $0xF  }
0x7c: {  	vm8 =	veq.s32 v29, $0x3;
	v5 =	vbroadcast v40, $0xF  }
0x7d: {  	v41 =	vsel vm8, $0x1, v0;
	v2 =	vnsel vm5, $0x0, v2;
	v3 =	vnsel vm7, $0x0, v3  }
0x7e: {  	vm8 =	veq.s32 v29, $0x4;
	v1 =	vadd.s32 v2, v1;
	v2 =	vnsel vm6, $0x0, v5;
	v42, _, _ =	vpop (xrf0)  }
0x7f: {  	v44 =	vsel vm8, $0x1, v0;
	v1 =	vadd.s32 v2, v1;
	(xrf0) =	vadd.scan.msk.s32 $0xffff, v41;
	v43, _, _ =	vpop (xrf0)  }
0x80: {  	v2 =	vbroadcast v42, $0xF;
	(xrf0) =	vadd.scan.msk.s32 $0xffff, v44;
	v1 =	vadd.s32 v3, v1;
	v3, _, _ =	vpop (xrf0)  }
0x81: {  	v45 =	vld [tilespmem:$0x70];
	v5 =	vbroadcast v43, $0xF;
	v3 =	vbroadcast v3, $0xF  }
0x82: {  	vm8 =	veq.s32 v29, $0x5;
	v2 =	vnsel vm0, $0x0, v2  }
0x83: {  	v46 =	vsel vm8, $0x1, v0;
	v1 =	vadd.s32 v2, v1;
	v2 =	vnsel vm1, $0x0, v5  }
0x84: {  	vm8 =	veq.s32 v29, $0x6;
	v1 =	vadd.s32 v2, v1;
	v2 =	vnsel vm2, $0x0, v3  }
0x85: {  	v47 =	vsel vm8, $0x1, v0;
	vm8 =	veq.s32 v29, $0x7;
	(xrf0) =	vadd.scan.msk.s32 $0xffff, v46;
	v1 =	vadd.s32 v2, v1;
	v3, _, _ =	vpop (xrf0)  }
0x86: {  	(xrf0) =	vadd.scan.msk.s32 $0xffff, v47;
	v2 =	vsel vm8, $0x1, v0;
	vm8 =	veq.s32 v45, $0x0;
	v3 =	vbroadcast v3, $0xF;
	v48, _, _ =	vpop (xrf0)  }
0x87: {  	(xrf0) =	vadd.scan.msk.s32 $0xffff, v2;
	v2 =	vsel vm8, $0x1, v0;
	vm8 =	veq.s32 v45, $0x1;
	v4 =	vbroadcast v48, $0xF  }
0x88: {  	(xrf0) =	vadd.scan.msk.s32 $0xffff, v2;
	v2 =	vsel vm8, $0x1, v0;
	v3 =	vnsel vm3, $0x0, v3  }
0x89: {  	vm8 =	veq.s32 v45, $0x2;
	v1 =	vadd.s32 v3, v1;
	v3 =	vnsel vm4, $0x0, v4  }
0x8a: {  	(xrf0) =	vadd.scan.msk.s32 $0xffff, v2;
	v2 =	vsel vm8, $0x1, v0;
	vm8 =	veq.s32 v45, $0x3  }
0x8b: {  	(xrf0) =	vadd.scan.msk.s32 $0xffff, v2;
	v2 =	vsel vm8, $0x1, v0;
	vm8 =	veq.s32 v45, $0x4  }
0x8c: {  	v1 =	vadd.s32 v3, v1;
	v3, _, _ =	vpop (xrf0);
	(xrf0) =	vadd.scan.msk.s32 $0xffff, v2;
	v2 =	vsel vm8, $0x1, v0;
	vm8 =	veq.s32 v45, $0x5  }
0x8d: {  	v3 =	vbroadcast v3, $0xF;
	v49, _, _ =	vpop (xrf0);
	(xrf0) =	vadd.scan.msk.s32 $0xffff, v2;
	v2 =	vsel vm8, $0x1, v0;
	vm8 =	veq.s32 v45, $0x6  }
0x8e: {  	v4 =	vbroadcast v49, $0xF;
	v50, _, _ =	vpop (xrf0);
	(xrf0) =	vadd.scan.msk.s32 $0xffff, v2;
	v2 =	vsel vm8, $0x1, v0;
	vm8 =	veq.s32 v45, $0x7  }
0x8f: {  	v51, _, _ =	vpop (xrf0);
	(xrf0) =	vadd.scan.msk.s32 $0xffff, v2;
	v2 =	vnsel vm5, $0x0, v3;
	v3 =	vbroadcast v50, $0xF;
	v52 =	vsel vm8, $0x1, v0  }
0x90: {  	v1 =	vadd.s32 v2, v1;
	v2 =	vnsel vm6, $0x0, v4;
	v53 =	vbroadcast v51, $0xF;
	v54, _, _ =	vpop (xrf0);
	(xrf0) =	vadd.scan.msk.s32 $0xffff, v52  }
0x91: {  	v55, _, _ =	vpop (xrf0);
	v1 =	vadd.s32 v2, v1;
	v2 =	vnsel vm7, $0x0, v3;
	v3 =	vbroadcast v54, $0xF  }
0x92: {  	v56, _, _ =	vpop (xrf0);
	v1 =	vadd.s32 v2, v1;
	v2 =	vnsel vm0, $0x0, v53;
	v57 =	vbroadcast v55, $0xF  }
0x93: {  	v58, _, _ =	vpop (xrf0);
	v1 =	vadd.s32 v2, v1;
	v2 =	vnsel vm1, $0x0, v3;
	v3 =	vbroadcast v56, $0xF  }
0x94: {  	v59, _, _ =	vpop (xrf0);
	v1 =	vadd.s32 v2, v1;
	v2 =	vnsel vm2, $0x0, v57;
	v60 =	vbroadcast v58, $0xF  }
0x95: {  	v61, _, _ =	vpop (xrf0);
	v1 =	vadd.s32 v2, v1;
	v2 =	vnsel vm3, $0x0, v3;
	v3 =	vbroadcast v59, $0xF  }
0x96: {  	v1 =	vadd.s32 v2, v1;
	v2 =	vnsel vm4, $0x0, v60;
	v62 =	vbroadcast v61, $0xF;
	v63, _, _ =	vpop (xrf0)  }
0x97: {  	v1 =	vadd.s32 v2, v1;
	v2 =	vnsel vm5, $0x0, v3;
	v3 =	vbroadcast v63, $0xF  }
0x98: {  	v1 =	vadd.s32 v2, v1;
	v2 =	vnsel vm6, $0x0, v62  }
0x99: {  	v1 =	vadd.s32 v2, v1;
	v2 =	vnsel vm7, $0x0, v3  }
0x9a: {  	p0 =	sne.s32 s5, $0x1;
	v1 =	vadd.s32 v2, v1  }
.Ltmp0:
0x9b: {  	[tilespmem:$0x80] =	vst v1;
	(pc) =	sbr.rel @p0 .LBB2_1-.Ltmp0, $4  }
0x9c: {  	[hbm4b:s4+s2] =	stream.linear.scatter [tilespmem:s7], [sflag:$0x1], $0x80, $0x38;
	[tilespmem:$0x100] =	vst v63  }
0x9d: {  	_ =	swait.ge [sflag:s6], $0x80  }
0x9e: {  	[sflag:s6] =	ssyncset.done $0x0  }
0x9f: {  	s5 =	sadd.s32 $0xFFFFFFFF, s5;
	[sflag:s6] =	ssyncadd.s32 $0xFFFFFF80  }
0xa0: {  	_ =	sfence.sel $0x180000  }
0xa1: {  	[bflag:$0x0] =	sbarrier.arrive $0xFFFF  }
0xa2: {  	p0 =	sne.s32 s1, $0x0;
	_ =	strace $0x90000047  }
0xa3: {  	s0 =	sadd.s32 @!p0 $0x100000, s0;
	[bflag:$0x2] =	sbarrier.arrive $0xFFFF  }
0xa4: {  	[sflag:s0] =	ssyncadd.tile.s32 @!p0 $0x1;
	_ =	shalt  }
.Lfunc_end2:
_tile_overlayer_lowered:
.L_overlay_start_2:
0xa5: {  	(tag) =	ssettag $0x2  }
0xa6: {  	s0 =	rddreg [dreg:$0x0];
	s2 =	stileid.u32  }
0xa7: {  	s1 =	rddreg [dreg:$0x1];
	p0 =	sne.s32 s2, $0x0  }
0xa8: {  	s3 =	rddreg [dreg:$0x2];
	[bflag:$0x3] =	sbarrier.arrive $0xFFFF;
	s2 =	simm.s32 @!p0 $0x1C01  }
0xa9: {  	[timem:s3], [sflag:s2] =	dma.local @!p0 [hbm:s0], s1  }
0xaa: {  	s0 =	simm.s32 @!p0 $0x1  }
0xab: {  	_ =	swait.ge @!p0 [sflag:s0], s1  }
0xac: {  	s1 =	ssub.s32 @!p0 $0x0, s1;
	[sflag:s0] =	ssyncset.done @!p0 $0x0  }
0xad: {  	[sflag:s0] =	ssyncadd.s32 @!p0 s1  }
0xae: {  	[bflag:$0x3] =	sbarrier.arrive $0xFFFF  }
0xaf: {  	_ =	shalt  }

// kernel: kernel.9.cloned.1.call-start
scs
__scs_entry_jumppad:
0x0: {  	(pc) =	sbr.rel $0x88, $3  }
0x1: {  	(tag) =	ssettag $0x0;
	lr =	simm.s32 $0x1  }
0x2: {  	[smem:$0x3F9E] =	sst lr;
	_ =	strace $0xD0000000  }
0x3: {  	_ = 	snop  }
0x4: {  	_ = 	snop  }
0x5: {  	_ = 	snop  }
0x6: {  	_ = 	snop  }
0x7: {  	_ = 	snop  }
__scs_overlays_trampoline_lowered:
0x8: {  	[smem:$0x3FAD] =	sst s0  }
0x9: {  	[smem:$0x3FAE] =	sst s1  }
0xa: {  	[smem:$0x3FAF] =	sst s2  }
0xb: {  	[smem:$0x3FB0] =	sst s3  }
0xc: {  	[smem:$0x3FB1] =	sst s4  }
0xd: {  	[smem:$0x3FB2] =	sst s5  }
0xe: {  	[smem:$0x3FB3] =	sst s6  }
0xf: {  	[smem:$0x3FB4] =	sst s7  }
0x10: {  	[smem:$0x3FB5] =	sst s8  }
0x11: {  	[smem:$0x3FB6] =	sst s9;
	s0 =	simm.s32 @!p0 $0x0  }
0x12: {  	s1 =	sld [smem:$0x3F9C];
	s0 =	simm.s32 @p0 $0x1  }
0x13: {  	[smem:$0x3FB7] =	sst s0;
	s0 =	simm.s32 @!p1 $0x0  }
0x14: {  	s2 =	sld [smem:$0x3F9B];
	s0 =	simm.s32 @p1 $0x1  }
0x15: {  	[smem:$0x3FB8] =	sst s0;
	s0 =	simm.s32 @!p2 $0x0  }
0x16: {  	s3 =	sld [smem:$0x3FDB];
	s0 =	simm.s32 @p2 $0x1  }
0x17: {  	s4 =	simm.s32 $0x1BF5;
	[smem:$0x3FBA] =	sst s0  }
0x18: {  	s0 =	sld [smem:$0x3F9D];
	_ =	swait.ge [sflag:s4], $0x0  }
0x19: {  	s7 =	sld [smem:$0x3F9E]  }
0x1a: {  	s8 =	sadd.s32 $0xFFFFE003, lr  }
0x1b: {  	s9 =	sadd.s32 $0xFFFFFEF7, lr;
	s5 =	simm.s32 $0xFFFFFFFF;
	p2 =	slt.u32 s8, $0xFFFFF086  }
0x1c: {  	p1 =	slt.u32 s9, $0xF7A;
	s5 =	simm.s32 @!p2 $0x0  }
0x1d: {  	s5 =	simm.s32 @p1 $0x1;
	p0 =	seq.s32 s7, s2  }
0x1e: {  	s7 =	smul.u32 @!p0 $0xF7A, s2;
	p2 =	seq.s32 @!p0 s5, $0x0  }
0x1f: {  	s9 =	smul.u32 $0xF7A, s1;
	s8 =	simm.s32 @!p0 $0x1BF5;
	p2 =	por !p2, p0  }
0x20: {  	[sflag:s8] =	ssyncset.s32 @!p0 $0xFFFFF086;
	s6 =	sadd.s32 @!p0 s3, s7;
	s7 =	simm.s32 @!p0 $0x108  }
0x21: {  	s3 =	sadd.s32 s3, s9;
	s6 =	sadd.s32 @!p0 $0x88, s6;
	s7 =	simm.s32 @p2 $0x1082  }
0x22: {  	[simem:s7], [sflag:s8] =	dma.local @!p0 [hbm:s6], $0xF7A  }
0x23: {  	s9 =	sor.u32 $0xD0000000, s2;
	s6 =	simm.s32 $0x108;
	_ =	swait.ge @!p0 [sflag:s8], $0x0  }
0x24: {  	s3 =	sadd.s32 $0x88, s3;
	s6 =	simm.s32 @!p1 $0x1082;
	[sflag:s4] =	ssyncset.s32 $0xFFFFF086  }
0x25: {  	[simem:s6], [sflag:s4] =	dma.local [hbm:s3], $0xF7A  }
0x26: {  	[smem:$0x3F9E] =	sst s1;
	(tag) =	ssettag s2;
	_ =	strace s9  }
0x27: {  	s1 =	sld [smem:$0x3FAE]  }
0x28: {  	s2 =	sld [smem:$0x3FAF]  }
0x29: {  	s4 =	sld [smem:$0x3FB1]  }
0x2a: {  	p0 =	seq.s32 s5, $0x0;
	s5 =	sld [smem:$0x3FB2]  }
0x2b: {  	s6 =	sld [smem:$0x3FB3]  }
0x2c: {  	s7 =	sld [smem:$0x3FB4]  }
0x2d: {  	s3 =	simm.s32 $0x108;
	s8 =	sld [smem:$0x3FB5]  }
0x2e: {  	s3 =	simm.s32 @!p0 $0x1082;
	s9 =	sld [smem:$0x3FB6]  }
0x2f: {  	lr =	sadd.s32 s0, s3;
	s0 =	sld [smem:$0x3FAD]  }
0x30: {  	s3 =	sld [smem:$0x3FB0]  }
0x31: {  	[smem:$0x3FB9] =	sst s10  }
0x32: {  	s10 =	sld [smem:$0x3FB7];
	_ =	sdelay $0x3  }
0x33: {  	p0 =	seq.s32 s10, $0x1;
	s10 =	sld [smem:$0x3FB9];
	_ =	sdelay $0x3  }
0x34: {  	[smem:$0x3FB9] =	sst s10  }
0x35: {  	s10 =	sld [smem:$0x3FB8];
	_ =	sdelay $0x3  }
0x36: {  	p1 =	seq.s32 s10, $0x1;
	s10 =	sld [smem:$0x3FB9];
	_ =	sdelay $0x3  }
0x37: {  	[smem:$0x3FB9] =	sst s10  }
0x38: {  	s10 =	sld [smem:$0x3FBA]  }
0x39: {  	_ = 	snop;
	(pc) =	sbr.ind lr, $3  }
0x3a: {  	_ = 	snop  }
0x3b: {  	_ = 	snop  }
0x3c: {  	p2 =	seq.s32 s10, $0x1;
	s10 =	sld [smem:$0x3FB9]  }
0x3d: {  	_ =	shalt  }
0x3e: {  	_ =	shalt  }
0x3f: {  	_ =	shalt  }
0x40: {  	_ =	shalt  }
0x41: {  	_ =	shalt  }
0x42: {  	_ =	shalt  }
0x43: {  	_ =	shalt  }
0x44: {  	_ =	shalt  }
0x45: {  	_ =	shalt  }
0x46: {  	_ =	shalt  }
0x47: {  	_ =	shalt  }
0x48: {  	_ =	shalt  }
0x49: {  	_ =	shalt  }
0x4a: {  	_ =	shalt  }
0x4b: {  	_ =	shalt  }
0x4c: {  	_ =	shalt  }
0x4d: {  	_ =	shalt  }
0x4e: {  	_ =	shalt  }
0x4f: {  	_ =	shalt  }
0x50: {  	_ =	shalt  }
0x51: {  	_ =	shalt  }
0x52: {  	_ =	shalt  }
0x53: {  	_ =	shalt  }
0x54: {  	_ =	shalt  }
0x55: {  	_ =	shalt  }
0x56: {  	_ =	shalt  }
0x57: {  	_ =	shalt  }
0x58: {  	_ =	shalt  }
0x59: {  	_ =	shalt  }
0x5a: {  	_ =	shalt  }
0x5b: {  	_ =	shalt  }
0x5c: {  	_ =	shalt  }
0x5d: {  	_ =	shalt  }
0x5e: {  	_ =	shalt  }
0x5f: {  	_ =	shalt  }
0x60: {  	_ =	shalt  }
0x61: {  	_ =	shalt  }
0x62: {  	_ =	shalt  }
0x63: {  	_ =	shalt  }
0x64: {  	_ =	shalt  }
0x65: {  	_ =	shalt  }
0x66: {  	_ =	shalt  }
0x67: {  	_ =	shalt  }
0x68: {  	_ =	shalt  }
0x69: {  	_ =	shalt  }
0x6a: {  	_ =	shalt  }
0x6b: {  	_ =	shalt  }
0x6c: {  	_ =	shalt  }
0x6d: {  	_ =	shalt  }
0x6e: {  	_ =	shalt  }
0x6f: {  	_ =	shalt  }
0x70: {  	_ =	shalt  }
0x71: {  	_ =	shalt  }
0x72: {  	_ =	shalt  }
0x73: {  	_ =	shalt  }
0x74: {  	_ =	shalt  }
0x75: {  	_ =	shalt  }
0x76: {  	_ =	shalt  }
0x77: {  	_ =	shalt  }
0x78: {  	_ =	shalt  }
0x79: {  	_ =	shalt  }
0x7a: {  	_ =	shalt  }
0x7b: {  	_ =	shalt  }
0x7c: {  	_ =	shalt  }
0x7d: {  	_ =	shalt  }
0x7e: {  	_ =	shalt  }
0x7f: {  	_ =	shalt  }
0x80: {  	_ =	shalt  }
0x81: {  	_ =	shalt  }
0x82: {  	_ =	shalt  }
0x83: {  	_ =	shalt  }
0x84: {  	_ =	shalt  }
0x85: {  	_ =	shalt  }
0x86: {  	_ =	shalt  }
0x87: {  	_ =	shalt  }
.Lfunc_end0:
.L_simem_size_0:
called_computation.1_lowered:
.L_overlay_start_0:
0x88: {  	s2 =	sld [smem:$0x3FD9]  }
0x89: {  	s3 =	sld [smem:$0x3FFE];
	_ =	sdelay $0x1  }
0x8a: {  	s1 =	srdreg.scid  }
0x8b: {  	s0 =	sand.u32 $0x1, s1  }
0x8c: {  	s17 =	sshll.u32 s0, $0xA;
	s2 =	sadd.s32 s3, s2  }
0x8d: {  	s2 =	sadd.s32 s2, s17  }
0x8e: {  	[smem:$0x3FC5] =	sst s2  }
0x8f: {  	_ = 	snop  }
0x90: {  	s2 =	sld [smem:$0x3FD0];
	(tm) =	ssettm $0x1  }
0x91: {  	s18 =	sld [smem:$0x3FFB];
	_ =	sdelay $0x3  }
0x92: {  	_ =	strace s18  }
0x93: {  	s3 =	sld [smem:$0x3FFC];
	_ =	sdelay $0x3  }
0x94: {  	_ =	strace s3  }
0x95: {  	s3 =	sld [smem:$0x3FFD];
	_ =	sdelay $0x3  }
0x96: {  	_ =	strace s3  }
0x97: {  	_ =	strace $0x8FFFFFFF  }
0x98: {  	s19 =	sld [smem:$0x3FDB];
	_ =	sdelay $0x1  }
0x99: {  	s4 =	simm.s32 $_scs_section_size  }
0x9a: {  	s5 =	simm.s32 $_size__tile_overlayer_lowered;
	s6 =	simm.s32 $_tile_overlayer_lowered  }
0x9b: {  	s22 =	simm.s32 $0x1BFF;
	s21 =	sshll.u32 s6, $0x1;
	s3 =	sadd.s32 s4, s19  }
0x9c: {  	s7 =	simm.s32 $0x0;
	s20 =	sshll.u32 s5, $0x1;
	s5 =	sadd.s32 s21, s3  }
0x9d: {  	[timem:s7], [sflag:s22] =	dma.local [hbm:s5], s20  }
0x9e: {  	_ =	swait.ge [sflag:s22], s20  }
0x9f: {  	s4 =	ssub.s32 $0x0, s20;
	[sflag:s22] =	ssyncset.done $0x0  }
0xa0: {  	[sflag:s22] =	ssyncadd.s32 s4;
	_ =	sdelay $0x1  }
0xa1: {  	s23 =	simm.s32 $0x1B8B  }
0xa2: {  	_ =	swait.ge [sflag:s23], $0x1  }
0xa3: {  	[sflag:s23] =	ssyncset.done $0x0  }
0xa4: {  	s25 =	simm.s32 $0x1B8E;
	s24 =	sld [smem:$0x3FFE];
	[sflag:s23] =	ssyncadd.s32 $0xFFFFFFFF  }
0xa5: {  	s26 =	simm.s32 $execute0_lowered;
	[smem:$0x3FD2] =	sst s25  }
0xa6: {  	s5 =	sshll.u32 s26, $0x1;
	_ =	strace $0x80000049;
	[dreg:$0x1] =	wrdreg $0xFFFFFFFF  }
0xa7: {  	s28 =	simm.s32 $_size_execute0_lowered;
	s3 =	sadd.s32 s3, s5;
	[dreg:$0x0] =	wrdreg $0x0  }
0xa8: {  	s5 =	sshll.u32 s28, $0x1;
	[dreg:$0x2] =	wrdreg s3  }
0xa9: {  	[dreg:$0x3] =	wrdreg s5  }
0xaa: {  	[dreg:$0x4] =	wrdreg $0xC0  }
0xab: {  	_ =	task [dreg:s7], $0x5FFFF  }
0xac: {  	[dreg:$0x1] =	wrdreg $0xFFFFFFFF  }
0xad: {  	[dreg:$0x0] =	wrdreg $0x60  }
0xae: {  	[dreg:$0x2] =	wrdreg s24  }
0xaf: {  	[dreg:$0x3] =	wrdreg s2  }
0xb0: {  	[dreg:$0x4] =	wrdreg $0x9  }
0xb1: {  	_ =	task.clear_ibuf [dreg:s7], $0x5FFFF;
	_ =	strace $0x90000049  }
0xb2: {  	s29 =	simm.s32 $0x9;
	_ =	strace $0x8000004B  }
0xb3: {  	_ =	swait.ge [sflag:s29], $0x1  }
0xb4: {  	[sflag:s29] =	ssyncadd.s32 $0xFFFFFFFF  }
0xb5: {  	_ =	strace $0x9000004B  }
0xb6: {  	_ =	sfence  }
0xb7: {  	s30 =	sld [smem:$0x0];
	_ =	sdelay $0x2  }
0xb8: {  	s31 =	sshll.u32 s1, $0xD;
	s1 =	sshrl.u32 s1, $0x2  }
0xb9: {  	s3 =	sand.u32 $0x4000, s31;
	s1 =	sadd.s32 s1, s30  }
0xba: {  	s0 =	sor.u32 s3, s0;
	s1 =	sshll.u32 s1, $0x11  }
0xbb: {  	s0 =	sor.u32 s1, s0  }
0xbc: {  	s0 =	sadd.s32 $0x8F2B, s0  }
0xbd: {  	[sflag:s0] =	ssyncadd.remote.s32 $0x1  }
0xbe: {  	_ =	sfence.sel $0xFFFF  }
0xbf: {  	[dreg:$0x0] =	wrdreg $0xFFFFFFFF;
	(pc) =	sbr.abs _section_cstart, $3  }
0xc0: {  	[dreg:$0x1] =	wrdreg $0xFFFFFFFF  }
0xc1: {  	_ =	task.clear_ibuf [dreg:s7], $0x2FFFF;
	_ =	strace $0x9FFFFFFF  }
0xc2: {  	(tm) =	ssettm $0x7FFFFFFF  }
0xc3: {  	_ =	shalt  }
tec
execute0_lowered:
.L_overlay_start_1:
0x0: {  	(tag) =	ssettag $0x1  }
0x1: {  	s0 =	rddreg [dreg:$0x0]  }
0x2: {  	s2 =	rddreg [dreg:$0x1];
	s25 =	simm.s32 $0x0;
	s3 =	srdreg.scid  }
0x3: {  	s10 =	stileid.u32;
	[smem:$0x7FF] =	sst s25;
	s4 =	sadd.s32 $0x200, s0  }
0x4: {  	s5 =	sand.u32 $0x1, s3;
	s20 =	sshll.u32 s10, $0x1;
	s22 =	sadd.s32 $0x400, s0  }
0x5: {  	s28 =	sadd.s32 $0x500, s0;
	s29 =	sadd.s32 $0x600, s0;
	s21 =	sor.u32 s5, s20  }
0x6: {  	s6 =	sshll.u32 s21, $0x5;
	s8 =	sshll.u32 s21, $0x4;
	p0 =	seq.s32 s21, $0x1F  }
0x7: {  	s6 =	sadd.s32 s6, s0;
	s23 =	sadd.s32 s0, s8;
	s0 =	sadd.s32 $0x700, s0  }
0x8: {  	_ =	strace $0x8000004A;
	[dreg:$0xe] =	wrdreg s0;
	s0 =	simm.s32 @!p0 $0x0  }
0x9: {  	s0 =	simm.s32 @p0 $0x1;
	p0 =	sgt.u32 s21, $0x1C  }
0xa: {  	[smem:$0x7E5] =	sst s0;
	s0 =	simm.s32 @!p0 $0x0  }
0xb: {  	s0 =	simm.s32 @p0 $0x1;
	p0 =	sgt.u32 s21, $0x1A  }
0xc: {  	[smem:$0x7E6] =	sst s0;
	s0 =	simm.s32 @!p0 $0x0  }
0xd: {  	s0 =	simm.s32 @p0 $0x1;
	p0 =	sgt.u32 s21, $0x18  }
0xe: {  	[smem:$0x7E7] =	sst s0;
	s0 =	simm.s32 @!p0 $0x0  }
0xf: {  	s0 =	simm.s32 @p0 $0x1;
	p0 =	sgt.u32 s21, $0x16  }
0x10: {  	[smem:$0x7E8] =	sst s0;
	s0 =	simm.s32 @!p0 $0x0  }
0x11: {  	s0 =	simm.s32 @p0 $0x1;
	p0 =	sgt.u32 s21, $0x14  }
0x12: {  	[smem:$0x7E9] =	sst s0;
	s0 =	simm.s32 @!p0 $0x0  }
0x13: {  	s0 =	simm.s32 @p0 $0x1;
	p0 =	sgt.u32 s21, $0x12  }
0x14: {  	[smem:$0x7EA] =	sst s0;
	s0 =	simm.s32 @!p0 $0x0  }
0x15: {  	s0 =	simm.s32 @p0 $0x1;
	p0 =	sgt.u32 s21, $0x10  }
0x16: {  	[smem:$0x7EB] =	sst s0;
	s0 =	simm.s32 @!p0 $0x0  }
0x17: {  	s0 =	simm.s32 @p0 $0x1;
	p0 =	sgt.u32 s21, $0xE  }
0x18: {  	[smem:$0x7EC] =	sst s0;
	s0 =	simm.s32 @!p0 $0x0  }
0x19: {  	s0 =	simm.s32 @p0 $0x1;
	p0 =	sgt.u32 s21, $0xC  }
0x1a: {  	[smem:$0x7ED] =	sst s0;
	s0 =	simm.s32 @!p0 $0x0  }
0x1b: {  	s0 =	simm.s32 @p0 $0x1;
	p0 =	sgt.u32 s21, $0xA  }
0x1c: {  	[smem:$0x7EE] =	sst s0;
	s0 =	simm.s32 @!p0 $0x0  }
0x1d: {  	s0 =	simm.s32 @p0 $0x1;
	p0 =	sgt.u32 s21, $0x8  }
0x1e: {  	[smem:$0x7EF] =	sst s0;
	s0 =	simm.s32 @!p0 $0x0  }
0x1f: {  	s0 =	simm.s32 @p0 $0x1;
	p0 =	sgt.u32 s21, $0x6  }
0x20: {  	[smem:$0x7F0] =	sst s0;
	s0 =	simm.s32 @!p0 $0x0  }
0x21: {  	s0 =	simm.s32 @p0 $0x1;
	p0 =	sgt.u32 s21, $0x4  }
0x22: {  	s30 =	simm.s32 $0x80;
	[smem:$0x7F1] =	sst s0;
	s0 =	simm.s32 @!p0 $0x0  }
0x23: {  	s31 =	simm.s32 $0x1080;
	s0 =	simm.s32 @p0 $0x1;
	p0 =	sgt.u32 s21, $0x2  }
0x24: {  	p4 =	sgt.u32 s10, $0x5;
	[smem:$0x7F2] =	sst s0;
	s0 =	simm.s32 @!p0 $0x0  }
0x25: {  	[dreg:$0x3] =	wrdreg s4;
	s0 =	simm.s32 @p0 $0x1;
	p0 =	seq.s32 s21, $0x0  }
0x26: {  	p5 =	sgt.u32 s10, $0x4;
	[smem:$0x7F3] =	sst s0;
	s0 =	simm.s32 @!p0 $0x0  }
0x27: {  	[dreg:$0xb] =	wrdreg s22;
	s0 =	simm.s32 @p0 $0x1;
	p0 =	seq.s32 s10, $0xF  }
0x28: {  	p6 =	sgt.u32 s10, $0x3;
	[smem:$0x7F4] =	sst s0;
	s0 =	simm.s32 @!p0 $0x0  }
0x29: {  	[dreg:$0xc] =	wrdreg s28;
	s0 =	simm.s32 @p0 $0x1;
	p0 =	sgt.u32 s10, $0xD  }
0x2a: {  	p1 =	sgt.u32 s10, $0x1;
	[smem:$0x7F5] =	sst s0;
	s0 =	simm.s32 @!p0 $0x0  }
0x2b: {  	[dreg:$0xd] =	wrdreg s29;
	s0 =	simm.s32 @p0 $0x1;
	p0 =	sgt.u32 s10, $0xC  }
0x2c: {  	p2 =	seq.s32 s10, $0x0;
	[smem:$0x7F6] =	sst s0;
	s0 =	simm.s32 @!p0 $0x0  }
0x2d: {  	[dreg:$0x7] =	wrdreg s30;
	s0 =	simm.s32 @p0 $0x1;
	p0 =	sgt.u32 s10, $0xB  }
0x2e: {  	s3 =	simm.s32 $0x3;
	[smem:$0x7F7] =	sst s0;
	s0 =	simm.s32 @!p0 $0x0  }
0x2f: {  	[dreg:$0x8] =	wrdreg s31;
	s0 =	simm.s32 @p0 $0x1;
	p0 =	sgt.u32 s10, $0xA  }
0x30: {  	s5 =	ssub.s32 $0x2, s5;
	[smem:$0x7F8] =	sst s0;
	s0 =	simm.s32 @!p0 $0x0  }
0x31: {  	s7 =	sshrl.u32 s5, $0x1;
	s0 =	simm.s32 @p0 $0x1;
	p0 =	sgt.u32 s10, $0x9  }
0x32: {  	s24 =	sshll.u32 s21, $0xE;
	[smem:$0x7F9] =	sst s0;
	s0 =	simm.s32 @!p0 $0x0  }
0x33: {  	[dreg:$0x4] =	wrdreg s23;
	s0 =	simm.s32 @p0 $0x1;
	p0 =	sgt.u32 s10, $0x8  }
0x34: {  	s2 =	sadd.s32 s2, s24;
	[smem:$0x7FA] =	sst s0;
	s0 =	simm.s32 @!p0 $0x0  }
0x35: {  	[dreg:$0x9] =	wrdreg s2;
	s0 =	simm.s32 @p0 $0x1;
	p0 =	sgt.u32 s10, $0x7  }
0x36: {  	s26 =	sadd.s32 $0x80400, s6;
	[smem:$0x7FB] =	sst s0;
	s0 =	simm.s32 @!p0 $0x0  }
0x37: {  	[dreg:$0x5] =	wrdreg s26;
	s0 =	simm.s32 @p0 $0x1;
	p0 =	sgt.u32 s10, $0x6  }
0x38: {  	v3 =	vlaneseq.u32;
	s2 =	sadd.s32 $0x2000, s2;
	[smem:$0x7FC] =	sst s0;
	s0 =	simm.s32 @!p0 $0x0  }
0x39: {  	vm13 =	vmmov $0xffff;
	v0 =	vimm.s32 $0x0;
	v2 =	vshrl.u32 v3, $0x3;
	s9 =	ssub.s32 s5, s7;
	[dreg:$0x6] =	wrdreg s2;
	s0 =	simm.s32 @p0 $0x1  }
0x3a: {  	v1 =	vand.u32 $0x7, v3;
	v3 =	vor.u32 $0x8, v3;
	v2 =	vmul.u32 $0x8, v2;
	s2 =	smax.u32 s9, $0x1;
	p0 =	sgt.u32 s10, $0x2;
	[smem:$0x7FD] =	sst s0  }
.LBB2_1:
0x3b: {  	[dreg:$0xa] =	wrdreg s2  }
0x3c: {  	s0 =	rddreg [dreg:$0x4]  }
0x3d: {  	s13 =	rddreg [dreg:$0x3]  }
0x3e: {  	[tilespmem:s25], [sflag:$0x1] =	stream.linear.gather [hbm4b:s0+s25], $0x80, $0x38;
	[tilespmem:$0x11180] =	vst v63  }
0x3f: {  	s4 =	rddreg [dreg:$0x7];
	s14 =	simm.s32 $0x2  }
0x40: {  	[tilespmem:s4], [sflag:$0x2] =	stream.linear.gather [hbm4b:s13+s25], $0x1000, $0x38;
	[tilespmem:$0x11180] =	vst v63  }
0x41: {  	_ =	swait.ge [sflag:s14], $0x1000  }
0x42: {  	[sflag:s14] =	ssyncset.done $0x0  }
0x43: {  	[sflag:s14] =	ssyncadd.s32 $0xFFFFF000  }
0x44: {  	v4 =	vld [tilespmem:$0x80]  }
0x45: {  	v5 =	vld [tilespmem:$0x100]  }
0x46: {  	v6 =	vld [tilespmem:$0x180]  }
0x47: {  	v7 =	vld [tilespmem:$0x200]  }
0x48: {  	v8 =	vld [tilespmem:$0x280]  }
0x49: {  	v9 =	vld [tilespmem:$0x300]  }
0x4a: {  	v11 =	vld [tilespmem:$0x380];
	v10 =	vadd.s32 v4, v5  }
0x4b: {  	v12 =	vld [tilespmem:$0x400];
	v10 =	vadd.s32 v6, v10  }
0x4c: {  	v13 =	vld [tilespmem:$0x480];
	v10 =	vadd.s32 v7, v10  }
0x4d: {  	v14 =	vld [tilespmem:$0x500];
	v10 =	vadd.s32 v8, v10  }
0x4e: {  	s15 =	sld [smem:$0x7F4];
	v15 =	vld [tilespmem:$0x580];
	v10 =	vadd.s32 v9, v10  }
0x4f: {  	s16 =	sld [smem:$0x7F3];
	v16 =	vld [tilespmem:$0x600];
	v10 =	vadd.s32 v11, v10  }
0x50: {  	v17 =	vld [tilespmem:$0x680];
	v10 =	vadd.s32 v12, v10  }
0x51: {  	s17 =	sld [smem:$0x7F2];
	v18 =	vld [tilespmem:$0x700];
	p3 =	seq.s32 s15, $0x1;
	v10 =	vadd.s32 v13, v10  }
0x52: {  	v19 =	vld [tilespmem:$0x780];
	v4 =	vpsel p3, $0x0, v4;
	v5 =	vpsel p2, $0x0, v5;
	p3 =	seq.s32 s16, $0x1;
	v10 =	vadd.s32 v14, v10  }
0x53: {  	s18 =	sld [smem:$0x7F1];
	v60 =	vld [tilespmem:$0x800];
	v4 =	vadd.s32 v4, v5;
	v5 =	vpsel !p3, $0x0, v6;
	v59 =	vadd.s32 v15, v10  }
0x54: {  	v61 =	vld [tilespmem:$0x880];
	p3 =	seq.s32 s17, $0x1;
	v4 =	vadd.s32 v5, v4;
	v5 =	vpsel !p1, $0x0, v7;
	v6 =	vadd.s32 v16, v59  }
0x55: {  	s19 =	sld [smem:$0x7F0];
	v62 =	vld [tilespmem:$0x900];
	v4 =	vadd.s32 v5, v4;
	v5 =	vpsel !p3, $0x0, v8;
	v6 =	vadd.s32 v17, v6  }
0x56: {  	v63 =	vld [tilespmem:$0x980];
	p3 =	seq.s32 s18, $0x1;
	v4 =	vadd.s32 v5, v4;
	v5 =	vpsel !p0, $0x0, v9;
	v6 =	vadd.s32 v18, v6  }
0x57: {  	s20 =	sld [smem:$0x7EF];
	v21 =	vld [tilespmem:$0xA00];
	v4 =	vadd.s32 v5, v4;
	v5 =	vpsel !p3, $0x0, v11;
	v6 =	vadd.s32 v19, v6  }
0x58: {  	v22 =	vld [tilespmem:$0xA80];
	p3 =	seq.s32 s19, $0x1;
	v4 =	vadd.s32 v5, v4;
	v5 =	vpsel !p6, $0x0, v12;
	v6 =	vadd.s32 v60, v6  }
0x59: {  	s21 =	sld [smem:$0x7EE];
	v23 =	vld [tilespmem:$0xB00];
	v4 =	vadd.s32 v5, v4;
	v5 =	vpsel !p3, $0x0, v13;
	v6 =	vadd.s32 v61, v6  }
0x5a: {  	s22 =	sld [smem:$0x7FD];
	v24 =	vld [tilespmem:$0xB80];
	p3 =	seq.s32 s20, $0x1;
	v4 =	vadd.s32 v5, v4;
	v5 =	vpsel !p5, $0x0, v14;
	v6 =	vadd.s32 v62, v6  }
0x5b: {  	s23 =	sld [smem:$0x7ED];
	v25 =	vld [tilespmem:$0xC00];
	v4 =	vadd.s32 v5, v4;
	v5 =	vpsel !p3, $0x0, v15;
	v6 =	vadd.s32 v63, v6  }
0x5c: {  	s24 =	sld [smem:$0x7FC];
	v26 =	vld [tilespmem:$0xC80];
	p3 =	seq.s32 s21, $0x1;
	v4 =	vadd.s32 v5, v4;
	v5 =	vpsel !p4, $0x0, v16;
	v6 =	vadd.s32 v21, v6  }
0x5d: {  	s26 =	sld [smem:$0x7EC];
	v27 =	vld [tilespmem:$0xD00];
	v4 =	vadd.s32 v5, v4;
	v5 =	vpsel !p3, $0x0, v17;
	p3 =	seq.s32 s22, $0x1;
	v6 =	vadd.s32 v22, v6  }
0x5e: {  	s28 =	sld [smem:$0x7FB];
	v28 =	vld [tilespmem:$0xD80];
	v4 =	vadd.s32 v5, v4;
	v5 =	vpsel !p3, $0x0, v18;
	p3 =	seq.s32 s23, $0x1;
	v6 =	vadd.s32 v23, v6  }
0x5f: {  	s29 =	sld [smem:$0x7EB];
	v29 =	vld [tilespmem:$0xE00];
	v4 =	vadd.s32 v5, v4;
	v5 =	vpsel !p3, $0x0, v19;
	p3 =	seq.s32 s24, $0x1;
	v6 =	vadd.s32 v24, v6  }
0x60: {  	s30 =	sld [smem:$0x7FA];
	v30 =	vld [tilespmem:$0xE80];
	v4 =	vadd.s32 v5, v4;
	v5 =	vpsel !p3, $0x0, v60;
	p3 =	seq.s32 s26, $0x1;
	v6 =	vadd.s32 v25, v6  }
0x61: {  	s31 =	sld [smem:$0x7EA];
	v31 =	vld [tilespmem:$0xF00];
	v4 =	vadd.s32 v5, v4;
	v5 =	vpsel !p3, $0x0, v61;
	p3 =	seq.s32 s28, $0x1;
	v6 =	vadd.s32 v26, v6  }
0x62: {  	s1 =	sld [smem:$0x7F9];
	v32 =	vld [tilespmem:$0xF80];
	v4 =	vadd.s32 v5, v4;
	v5 =	vpsel !p3, $0x0, v62;
	p3 =	seq.s32 s29, $0x1;
	v6 =	vadd.s32 v27, v6  }
0x63: {  	s2 =	sld [smem:$0x7E9];
	v33 =	vld [tilespmem:$0x1000];
	v4 =	vadd.s32 v5, v4;
	v5 =	vpsel !p3, $0x0, v63;
	p3 =	seq.s32 s30, $0x1;
	v6 =	vadd.s32 v28, v6  }
0x64: {  	s4 =	sld [smem:$0x7F8];
	v4 =	vadd.s32 v5, v4;
	v5 =	vpsel !p3, $0x0, v21;
	p3 =	seq.s32 s31, $0x1;
	v6 =	vadd.s32 v29, v6  }
0x65: {  	s5 =	sld [smem:$0x7E8];
	v4 =	vadd.s32 v5, v4;
	v5 =	vpsel !p3, $0x0, v22;
	p3 =	seq.s32 s1, $0x1;
	v6 =	vadd.s32 v30, v6  }
0x66: {  	s6 =	sld [smem:$0x7F7];
	v4 =	vadd.s32 v5, v4;
	v5 =	vpsel !p3, $0x0, v23;
	p3 =	seq.s32 s2, $0x1;
	v6 =	vadd.s32 v31, v6  }
0x67: {  	s7 =	sld [smem:$0x7E7];
	v4 =	vadd.s32 v5, v4;
	v5 =	vpsel !p3, $0x0, v24;
	p3 =	seq.s32 s4, $0x1;
	v6 =	vadd.s32 v32, v6  }
0x68: {  	s8 =	sld [smem:$0x7F6];
	v4 =	vadd.s32 v5, v4;
	v5 =	vpsel !p3, $0x0, v25;
	p3 =	seq.s32 s5, $0x1;
	v6 =	vadd.s32 v33, v6  }
0x69: {  	s9 =	sld [smem:$0x7E6];
	v4 =	vadd.s32 v5, v4;
	v5 =	vpsel !p3, $0x0, v26;
	p3 =	seq.s32 s6, $0x1;
	(xrf0) =	vadd.scan.msk.s32 $0xffff, v6  }
0x6a: {  	s10 =	sld [smem:$0x7F5];
	v4 =	vadd.s32 v5, v4;
	v5 =	vpsel !p3, $0x0, v27;
	p3 =	seq.s32 s7, $0x1  }
0x6b: {  	s11 =	sld [smem:$0x7E5];
	v4 =	vadd.s32 v5, v4;
	v5 =	vpsel !p3, $0x0, v28;
	p3 =	seq.s32 s8, $0x1  }
0x6c: {  	v4 =	vadd.s32 v5, v4;
	v5 =	vpsel !p3, $0x0, v29;
	p3 =	seq.s32 s9, $0x1  }
0x6d: {  	v4 =	vadd.s32 v5, v4;
	v5 =	vpsel !p3, $0x0, v30;
	p3 =	seq.s32 s10, $0x1  }
0x6e: {  	v4 =	vadd.s32 v5, v4;
	v5 =	vpsel !p3, $0x0, v31;
	p3 =	seq.s32 s11, $0x1  }
0x6f: {  	v4 =	vadd.s32 v5, v4;
	v5 =	vpsel !p3, $0x0, v32;
	v34, _, _ =	vpop (xrf0)  }
0x70: {  	v4 =	vadd.s32 v5, v4;
	v5 =	vsub.s32 v34, v6  }
0x71: {  	v4 =	vadd.s32 v5, v4  }
0x72: {  	(v2sf) =	vpush v4, $0x0  }
0x73: {  	(v2sf) =	vpush v4, $0x1  }
0x74: {  	(v2sf) =	vpush v4, $0x2  }
0x75: {  	(v2sf) =	vpush v4, $0x3  }
0x76: {  	(v2sf) =	vpush v4, $0x4  }
0x77: {  	(v2sf) =	vpush v4, $0x5  }
0x78: {  	(v2sf) =	vpush v4, $0x6  }
0x79: {  	(v2sf) =	vpush v4, $0x7;
	_ =	sdelay $0x7  }
0x7a: {  	s14 =	spop (v2sf)  }
0x7b: {  	s16 =	spop (v2sf)  }
0x7c: {  	s15 =	spop (v2sf)  }
0x7d: {  	s13 =	spop (v2sf)  }
0x7e: {  	s1 =	spop (v2sf)  }
0x7f: {  	s12 =	spop (v2sf)  }
0x80: {  	s17 =	spop (v2sf)  }
0x81: {  	s8 =	simm.s32 $0x1;
	s18 =	spop (v2sf)  }
0x82: {  	_ =	swait.ge [sflag:s8], $0x80  }
0x83: {  	[sflag:s8] =	ssyncset.done $0x0  }
0x84: {  	[sflag:s8] =	ssyncadd.s32 $0xFFFFFF80  }
0x85: {  	v5 =	vld [tilespmem:$0x0];
	_ =	sdelay $0x4  }
0x86: {  	vm2 =	veq.s32 v5, $0x0  }
0x87: {  	vm1 =	veq.s32 v5, $0x1;
	v35 =	vsel vm2, $0x1, v0  }
0x88: {  	vm4 =	veq.s32 v5, $0x2;
	v36 =	vsel vm1, $0x1, v0;
	(xrf0) =	vadd.scan.msk.s32 $0xffff, v35  }
0x89: {  	vm3 =	veq.s32 v5, $0x3;
	v37 =	vsel vm4, $0x1, v0;
	(xrf0) =	vadd.scan.msk.s32 $0xffff, v36  }
0x8a: {  	v4 =	vadd.s32 $0xFFFFFFFF, v4;
	vm5 =	veq.s32 v5, $0x4;
	v39 =	vsel vm3, $0x1, v0;
	(xrf0) =	vadd.scan.msk.s32 $0xffff, v37  }
0x8b: {  	v41 =	vbroadcast v4, $0x0;
	v42 =	vsel vm5, $0x1, v0;
	(xrf0) =	vadd.scan.msk.s32 $0xffff, v39  }
0x8c: {  	v44 =	vbroadcast v4, $0x1;
	v48 =	vbroadcast v4, $0x2;
	vm7 =	veq.s32 v5, $0x5;
	(xrf0) =	vadd.scan.msk.s32 $0xffff, v42  }
0x8d: {  	v50 =	vbroadcast v4, $0x3;
	v54 =	vbroadcast v4, $0x4;
	v46 =	vsel vm7, $0x1, v0  }
0x8e: {  	v56 =	vbroadcast v4, $0x5;
	v59 =	vbroadcast v4, $0x6;
	v47 =	vld [tilespmem:$0x10];
	(xrf0) =	vadd.scan.msk.s32 $0xffff, v46;
	v38, _, _ =	vpop (xrf0)  }
0x8f: {  	v4 =	vbroadcast v4, $0x7;
	(v2sf) =	vpush v38, $0xF;
	v40, _, _ =	vpop (xrf0);
	v7 =	vadd.s32 v38, v41  }
0x90: {  	(v2sf) =	vpush v40, $0xF;
	v7 =	vnsel vm2, $0x0, v7;
	v43, _, _ =	vpop (xrf0);
	vm2 =	veq.s32 v5, $0x6  }
0x91: {  	v31 =	vld [tilespmem:$0x20];
	v6 =	vadd.s32 v40, v44;
	(v2sf) =	vpush v43, $0xF;
	v45, _, _ =	vpop (xrf0);
	v49 =	vsel vm2, $0x1, v0  }
0x92: {  	v6 =	vsel vm1, v6, v7;
	vm1 =	veq.s32 v5, $0x7;
	(v2sf) =	vpush v45, $0xF;
	v51, _, _ =	vpop (xrf0)  }
0x93: {  	vm10 =	veq.s32 v47, $0x0;
	(xrf0) =	vadd.scan.msk.s32 $0xffff, v49;
	v52 =	vsel vm1, $0x1, v0;
	(v2sf) =	vpush v51, $0xF  }
0x94: {  	vm6 =	veq.s32 v47, $0x1;
	vm11 =	veq.s32 v47, $0x2;
	v57 =	vsel vm10, $0x1, v0;
	(xrf0) =	vadd.scan.msk.s32 $0xffff, v52;
	v58, _, _ =	vpop (xrf0)  }
0x95: {  	vm9 =	veq.s32 v47, $0x3;
	v61 =	vsel vm6, $0x1, v0;
	(xrf0) =	vadd.scan.msk.s32 $0xffff, v57;
	(v2sf) =	vpush v58, $0xF  }
0x96: {  	vm8 =	veq.s32 v31, $0x0;
	v17 =	vsel vm11, $0x1, v0;
	v5 =	vadd.s32 v43, v48;
	(xrf0) =	vadd.scan.msk.s32 $0xffff, v61  }
0x97: {  	v21 =	vsel vm9, $0x1, v0;
	v5 =	vsel vm4, v5, v6;
	v53 =	vadd.s32 v45, v50;
	(xrf0) =	vadd.scan.msk.s32 $0xffff, v17  }
0x98: {  	vm4 =	veq.s32 v47, $0x4;
	v5 =	vsel vm3, v53, v5;
	v55 =	vadd.s32 v51, v54;
	(xrf0) =	vadd.scan.msk.s32 $0xffff, v21  }
0x99: {  	v40 =	vsel vm8, $0x1, v0;
	v24 =	vsel vm4, $0x1, v0;
	v5 =	vsel vm5, v55, v5;
	v60, _, _ =	vpop (xrf0)  }
0x9a: {  	v7 =	vadd.s32 v58, v56;
	vm5 =	veq.s32 v31, $0x5;
	(v2sf) =	vpush v60, $0xF;
	v63, _, _ =	vpop (xrf0);
	(xrf0) =	vadd.scan.msk.s32 $0xffff, v24  }
0x9b: {  	v5 =	vsel vm7, v7, v5;
	(v2sf) =	vpush v63, $0xF;
	v19, _, _ =	vpop (xrf0);
	v4 =	vadd.s32 v63, v4;
	v63 =	vld [tilespmem:$0x30]  }
0x9c: {  	vm7 =	veq.s32 v47, $0x6;
	v62 =	vadd.s32 v60, v59;
	(v2sf) =	vpush v19, $0xF;
	v22, _, _ =	vpop (xrf0)  }
0x9d: {  	v37 =	vsel vm7, $0x1, v0;
	v5 =	vsel vm2, v62, v5;
	(v2sf) =	vpush v22, $0xF;
	v27, _, _ =	vpop (xrf0)  }
0x9e: {  	v4 =	vsel vm1, v4, v5;
	vm1 =	veq.s32 v31, $0x3;
	(v2sf) =	vpush v27, $0xF;
	v28, _, _ =	vpop (xrf0);
	s9 =	spop (v2sf)  }
0x9f: {  	v62 =	vsel vm5, $0x1, v0;
	v54 =	vsel vm1, $0x1, v0;
	(v2sf) =	vpush v28, $0xF;
	s14 =	sadd.s32 s14, s9;
	s19 =	spop (v2sf)  }
0xa0: {  	v36, _, _ =	vpop (xrf0);
	vm2 =	veq.s32 v63, $0x2;
	vm3 =	veq.s32 v63, $0x4;
	v16 =	vmov s14;
	s26 =	sadd.s32 s16, s19;
	s20 =	spop (v2sf)  }
0xa1: {  	(v2sf) =	vpush v36, $0xF;
	v8 =	vadd.s32 $0xFFFFFFFF, v16;
	v18 =	vmov s26;
	s21 =	sadd.s32 s15, s20;
	s22 =	spop (v2sf)  }
0xa2: {  	v8 =	vbroadcast v8, $0x0;
	v20 =	vadd.s32 $0xFFFFFFFF, v18;
	s13 =	sadd.s32 s13, s22;
	v23 =	vmov s21;
	s23 =	spop (v2sf)  }
0xa3: {  	v9 =	vbroadcast v20, $0x0;
	v25 =	vadd.s32 $0xFFFFFFFF, v23;
	v26 =	vmov s13;
	s24 =	sadd.s32 s1, s23  }
0xa4: {  	s28 =	spop (v2sf);
	v8 =	vadd.s32 v19, v8;
	v10 =	vadd.s32 $0xFFFFFFFF, v26;
	v29 =	vmov s24  }
0xa5: {  	s28 =	sadd.s32 s12, s28;
	v8 =	vnsel vm10, $0x0, v8;
	v9 =	vadd.s32 v22, v9;
	v10 =	vbroadcast v10, $0x0  }
0xa6: {  	vm10 =	veq.s32 v47, $0x5;
	v33 =	vadd.s32 $0xFFFFFFFF, v29;
	v38 =	vmov s28  }
0xa7: {  	v8 =	vsel vm6, v9, v8;
	v9 =	vbroadcast v25, $0x0;
	v30 =	vsel vm10, $0x1, v0  }
0xa8: {  	v34 =	vbroadcast v33, $0x0;
	vm6 =	veq.s32 v31, $0x4;
	v32 =	vadd.s32 v28, v10  }
0xa9: {  	(xrf0) =	vadd.scan.msk.s32 $0xffff, v30;
	v60 =	vsel vm6, $0x1, v0;
	v28 =	vimm.s32 $0x0;
	v7 =	vadd.s32 v27, v9  }
0xaa: {  	v9 =	vadd.s32 v36, v34;
	s29 =	spop (v2sf);
	v7 =	vsel vm11, v7, v8;
	vm11 =	veq.s32 v47, $0x7  }
0xab: {  	(xrf0) =	vadd.scan.msk.s32 $0xffff, v37;
	s4 =	sadd.s32 s17, s29;
	s30 =	spop (v2sf);
	v35 =	vsel vm9, v32, v7;
	v39 =	vsel vm11, $0x1, v0;
	v7 =	vadd.s32 $0xFFFFFFFF, v38  }
0xac: {  	vm9 =	veq.s32 v31, $0x1;
	v42 =	vmov s4;
	s1 =	sadd.s32 s18, s30;
	v7 =	vbroadcast v7, $0x0  }
0xad: {  	s31 =	spop (v2sf);
	v43 =	vsel vm9, $0x1, v0;
	v6 =	vsel vm4, v9, v35;
	v46 =	vmov s1  }
0xae: {  	(xrf0) =	vadd.scan.msk.s32 $0xffff, v39;
	v44 =	vadd.s32 $0xFFFFFFFF, v42;
	s17 =	sadd.s32 s14, s31;
	s2 =	spop (v2sf);
	vm4 =	veq.s32 v63, $0x5;
	v9 =	vadd.s32 $0xFFFFFFFF, v46  }
0xaf: {  	(xrf0) =	vadd.scan.msk.s32 $0xffff, v40;
	v45 =	vbroadcast v44, $0x0;
	v52 =	vmov s17;
	s5 =	spop (v2sf);
	s18 =	sadd.s32 s26, s2;
	v41, _, _ =	vpop (xrf0);
	v9 =	vbroadcast v9, $0x0  }
0xb0: {  	(xrf0) =	vadd.scan.msk.s32 $0xffff, v43;
	s6 =	sadd.s32 s21, s5;
	v55 =	vmov s18;
	v43 =	vsel vm2, $0x1, v0;
	v7 =	vadd.s32 v41, v7  }
0xb1: {  	s7 =	spop (v2sf);
	(v2sf) =	vpush v41, $0xF;
	v47, _, _ =	vpop (xrf0);
	v56 =	vmov s6;
	v6 =	vsel vm10, v7, v6  }
0xb2: {  	s8 =	sadd.s32 s13, s7;
	vm10 =	veq.s32 v31, $0x2;
	v8 =	vadd.s32 v47, v45;
	(v2sf) =	vpush v47, $0xF  }
0xb3: {  	v7 =	vadd.s32 $0xFFFFFFFF, v55;
	v57 =	vadd.s32 $0xFFFFFFFF, v56;
	v59 =	vmov s8  }
0xb4: {  	s10 =	spop (v2sf);
	v48 =	vsel vm10, $0x1, v0;
	v5 =	vsel vm7, v8, v6;
	v8 =	vadd.s32 $0xFFFFFFFF, v52  }
0xb5: {  	v7 =	vbroadcast v7, $0x0;
	v11 =	vadd.s32 $0xFFFFFFFF, v59;
	s11 =	sadd.s32 s24, s10;
	v49, _, _ =	vpop (xrf0);
	v8 =	vbroadcast v8, $0x0  }
0xb6: {  	v61 =	vbroadcast v11, $0x0;
	v22 =	vmov s11;
	v50 =	vadd.s32 v49, v9  }
0xb7: {  	(v2sf) =	vpush v49, $0xF;
	v51, _, _ =	vpop (xrf0);
	v24 =	vadd.s32 $0xFFFFFFFF, v22;
	v22 =	vimm.s32 $0x0  }
0xb8: {  	(xrf0) =	vadd.scan.msk.s32 $0xffff, v48;
	(v2sf) =	vpush v51, $0xF;
	v53, _, _ =	vpop (xrf0);
	v5 =	vsel vm11, v50, v5;
	v6 =	vadd.s32 v51, v8  }
0xb9: {  	(xrf0) =	vadd.scan.msk.s32 $0xffff, v54;
	v49 =	vld [tilespmem:$0x40];
	v8 =	vbroadcast v57, $0x0;
	v25 =	vbroadcast v24, $0x0;
	(v2sf) =	vpush v53, $0xF  }
0xba: {  	vm11 =	veq.s32 v31, $0x6;
	v51 =	vsel vm3, $0x1, v0;
	v24 =	vimm.s32 $0x0  }
0xbb: {  	(xrf0) =	vadd.scan.msk.s32 $0xffff, v60;
	v6 =	vnsel vm8, $0x0, v6;
	v7 =	vadd.s32 v53, v7;
	v27 =	vsel vm11, $0x1, v0  }
0xbc: {  	vm8 =	veq.s32 v31, $0x7;
	v53 =	vsel vm4, $0x1, v0;
	v6 =	vsel vm9, v7, v6  }
0xbd: {  	v11 =	vsel vm8, $0xFFFFFFFF, v28;
	v29 =	vsel vm8, $0x1, v0;
	vm9 =	veq.s32 v63, $0x0  }
0xbe: {  	v31 =	vsel vm9, $0x1, v0;
	v58, _, _ =	vpop (xrf0);
	vm7 =	veq.s32 v49, $0x0;
	vm8 =	veq.s32 v49, $0x3  }
0xbf: {  	(xrf0) =	vadd.scan.msk.s32 $0xffff, v62;
	vm0 =	veq.s32 v49, $0x4;
	(v2sf) =	vpush v58, $0xF;
	v20 =	vadd.s32 v58, v8;
	v21, _, _ =	vpop (xrf0)  }
0xc0: {  	(xrf0) =	vadd.scan.msk.s32 $0xffff, v27;
	v58 =	vsel vm7, $0x1, v0;
	v6 =	vsel vm10, v20, v6;
	v23 =	vadd.s32 v21, v61  }
0xc1: {  	(v2sf) =	vpush v21, $0xF;
	v30, _, _ =	vpop (xrf0);
	vm10 =	veq.s32 v63, $0x1;
	v21 =	vsel vm8, $0x1, v0  }
0xc2: {  	(xrf0) =	vadd.scan.msk.s32 $0xffff, v29;
	v6 =	vsel vm1, v23, v6;
	v32 =	vadd.s32 v30, v25;
	v34 =	vsel vm10, $0x1, v0;
	s12 =	spop (v2sf)  }
0xc3: {  	(xrf0) =	vadd.scan.msk.s32 $0xffff, v31;
	(v2sf) =	vpush v30, $0xF;
	vm1 =	veq.s32 v63, $0x3;
	v23 =	vsel vm0, $0x1, v0;
	s28 =	sadd.s32 s28, s12  }
0xc4: {  	v6 =	vsel vm6, v32, v6;
	(xrf0) =	vadd.scan.msk.s32 $0xffff, v34;
	vm6 =	veq.s32 v49, $0x1;
	s13 =	spop (v2sf);
	v26 =	vmov s28  }
0xc5: {  	v33, _, _ =	vpop (xrf0);
	v50 =	vsel vm1, $0x1, v0;
	(xrf0) =	vadd.scan.msk.s32 $0xffff, v43;
	v59 =	vsel vm6, $0x1, v0;
	s29 =	sadd.s32 s4, s13;
	v9 =	vadd.s32 $0xFFFFFFFF, v26  }
0xc6: {  	v40, _, _ =	vpop (xrf0);
	v43 =	vimm.s32 $0x0;
	(xrf0) =	vadd.scan.msk.s32 $0xffff, v50;
	v36 =	vmov s29;
	v9 =	vbroadcast v9, $0x0;
	s15 =	spop (v2sf)  }
0xc7: {  	(xrf0) =	vadd.scan.msk.s32 $0xffff, v51;
	v51 =	vimm.s32 $0x0;
	v26 =	vimm.s32 $0x0;
	v37 =	vadd.s32 $0xFFFFFFFF, v36;
	s21 =	spop (v2sf)  }
0xc8: {  	v38 =	vbroadcast v37, $0x0;
	v35 =	vadd.s32 v33, v9;
	s30 =	sadd.s32 s17, s21;
	s22 =	spop (v2sf);
	(v2sf) =	vpush v33, $0xF  }
0xc9: {  	v33 =	vimm.s32 $0x0;
	v7 =	vsel vm5, v35, v6;
	v39 =	vmov s30  }
0xca: {  	s12 =	sadd.s32 s1, s15;
	v8 =	vadd.s32 v40, v38;
	(v2sf) =	vpush v40, $0xF;
	vm5 =	veq.s32 v63, $0x6  }
0xcb: {  	s4 =	sadd.s32 s18, s22;
	v6, _, _ =	vpop (xrf0);
	(xrf0) =	vadd.scan.msk.s32 $0xffff, v53;
	v38 =	vimm.s32 $0x0;
	v40 =	vimm.s32 $0x0;
	v53 =	vmov s12  }
0xcc: {  	v41 =	vadd.s32 $0xFFFFFFFF, v39;
	v42 =	vmov s4;
	v9 =	vsel vm11, v8, v7  }
0xcd: {  	v44, _, _ =	vpop (xrf0);
	(v2sf) =	vpush v6, $0xF;
	v55 =	vsel vm5, $0x1, v0;
	vm11 =	veq.s32 v49, $0x5  }
0xce: {  	[tilespmem:$0x1FF40] =	vst v11;
	v10 =	vbroadcast v41, $0x0;
	v11 =	vadd.s32 $0xFFFFFFFF, v42;
	v46, _, _ =	vpop (xrf0);
	(v2sf) =	vpush v44, $0xF  }
0xcf: {  	v25 =	vsel vm11, $0x1, v0;
	v11 =	vbroadcast v11, $0x0;
	s23 =	spop (v2sf);
	(v2sf) =	vpush v46, $0xF;
	v52, _, _ =	vpop (xrf0)  }
0xd0: {  	v42 =	vimm.s32 $0x0;
	v45 =	vadd.s32 v44, v10;
	s31 =	sadd.s32 s6, s23;
	(v2sf) =	vpush v52, $0xF  }
0xd1: {  	v60, _, _ =	vpop (xrf0);
	v7 =	vnsel vm9, $0x0, v45;
	v47 =	vadd.s32 v46, v11;
	v48 =	vmov s31  }
0xd2: {  	(xrf0) =	vadd.scan.msk.s32 $0xffff, v55;
	s24 =	spop (v2sf);
	vm9 =	veq.s32 v49, $0x2;
	(v2sf) =	vpush v60, $0xF;
	v45 =	vimm.s32 $0x0  }
0xd3: {  	s2 =	sadd.s32 s8, s24;
	v31, _, _ =	vpop (xrf0);
	v15 =	vsel vm10, v47, v7;
	v7 =	vadd.s32 $0xFFFFFFFF, v48;
	vm10 =	veq.s32 v63, $0x7  }
0xd4: {  	v57 =	vmov s2;
	v62 =	vsel vm9, $0x1, v0;
	(v2sf) =	vpush v31, $0xF  }
0xd5: {  	v48 =	vimm.s32 $0x0;
	v7 =	vbroadcast v7, $0x0;
	v8 =	vadd.s32 $0xFFFFFFFF, v57  }
0xd6: {  	v63 =	vld [tilespmem:$0x50];
	v56 =	vsel vm10, $0x1, v0;
	v11, _, _ =	vpop (xrf0);
	v61 =	vbroadcast v8, $0x0;
	v8 =	vsel vm0, $0xFFFFFFFF, v22  }
0xd7: {  	(v2sf) =	vpush v11, $0xF;
	vm0 =	veq.s32 v49, $0x7;
	v54 =	vadd.s32 v52, v7  }
0xd8: {  	s5 =	spop (v2sf);
	[tilespmem:$0x1FF50] =	vst v8;
	v8 =	vsel vm11, $0xFFFFFFFF, v24;
	v29, _, _ =	vpop (xrf0);
	vm11 =	veq.s32 v49, $0x6;
	v34 =	vsel vm0, $0x1, v0  }
0xd9: {  	s0 =	sadd.s32 s11, s5;
	[tilespmem:$0x1FF60] =	vst v8;
	v8 =	vsel vm11, $0xFFFFFFFF, v26;
	(v2sf) =	vpush v29, $0xF;
	v27 =	vsel vm11, $0x1, v0  }
0xda: {  	(xrf0) =	vadd.scan.msk.s32 $0xffff, v56;
	v15 =	vsel vm2, v54, v15;
	v12 =	vadd.s32 v60, v61;
	v54 =	vmov s0  }
0xdb: {  	[tilespmem:$0x1FF80] =	vst v8;
	v8 =	vsel vm0, $0xFFFFFFFF, v33;
	vm11 =	veq.s32 v63, $0x0;
	vm15 =	veq.s32 v63, $0x1  }
0xdc: {  	(xrf0) =	vadd.scan.msk.s32 $0xffff, v58;
	vm14 =	veq.s32 v63, $0x2;
	vm0 =	veq.s32 v63, $0x3;
	vm12 =	veq.s32 v63, $0x7  }
0xdd: {  	v7 =	vld [tilespmem:$0x60];
	(xrf0) =	vadd.scan.msk.s32 $0xffff, v59;
	v32 =	vsel vm1, v12, v15;
	v15 =	vadd.s32 $0xFFFFFFFF, v53;
	v35 =	vsel vm11, $0x1, v0  }
0xde: {  	(xrf0) =	vadd.scan.msk.s32 $0xffff, v62;
	v36 =	vsel vm15, $0x1, v0;
	v37 =	vsel vm14, $0x1, v0;
	v10 =	vsel vm0, $0xFFFFFFFF, v38  }
0xdf: {  	(xrf0) =	vadd.scan.msk.s32 $0xffff, v21;
	v39 =	vsel vm0, $0x1, v0;
	vm0 =	veq.s32 v63, $0x4;
	v19 =	vsel vm12, $0xFFFFFFFF, v45  }
0xe0: {  	[tilespmem:$0x1FF70] =	vst v10;
	v10 =	vsel vm0, $0xFFFFFFFF, v40;
	v41 =	vsel vm0, $0x1, v0;
	vm0 =	veq.s32 v63, $0x5  }
0xe1: {  	v46 =	vsel vm12, $0x1, v0;
	[tilespmem:$0x1FF90] =	vst v10;
	v10 =	vsel vm0, $0xFFFFFFFF, v42;
	v20 =	vsel vm0, $0x1, v0  }
0xe2: {  	[tilespmem:$0x1FFC0] =	vst v8;
	v18, _, _ =	vpop (xrf0);
	vm0 =	veq.s32 v63, $0x6;
	vm12 =	veq.s32 v7, $0x0;
	vm2 =	veq.s32 v7, $0x3  }
0xe3: {  	(xrf0) =	vadd.scan.msk.s32 $0xffff, v23;
	(v2sf) =	vpush v18, $0xF;
	v8 =	vsel vm0, $0xFFFFFFFF, v43;
	v44 =	vsel vm0, $0x1, v0  }
0xe4: {  	(xrf0) =	vadd.scan.msk.s32 $0xffff, v25;
	s10 =	spop (v2sf);
	v30, _, _ =	vpop (xrf0);
	v47 =	vsel vm12, $0x1, v0;
	vm0 =	veq.s32 v7, $0x1;
	v16 =	vsel vm2, $0xFFFFFFFF, v51  }
0xe5: {  	(xrf0) =	vadd.scan.msk.s32 $0xffff, v27;
	v52 =	vsel vm2, $0x1, v0;
	s23 =	sadd.s32 s28, s10;
	vm2 =	veq.s32 v7, $0x6;
	(v2sf) =	vpush v30, $0xF  }
0xe6: {  	s6 =	spop (v2sf);
	v28, _, _ =	vpop (xrf0);
	v49 =	vsel vm0, $0x1, v0;
	[tilespmem:$0x1FFF0] =	vst v16;
	v16 =	vadd.s32 $0xFFFFFFFF, v54;
	v55 =	vmov s23  }
0xe7: {  	(xrf0) =	vadd.scan.msk.s32 $0xffff, v34;
	s7 =	spop (v2sf);
	v34 =	vbroadcast v15, $0x0;
	s13 =	sadd.s32 s29, s6;
	(v2sf) =	vpush v28, $0xF;
	v27, _, _ =	vpop (xrf0);
	v33 =	vbroadcast v16, $0x0  }
0xe8: {  	s16 =	spop (v2sf);
	v56 =	vadd.s32 $0xFFFFFFFF, v55;
	v58 =	vmov s13;
	(v2sf) =	vpush v27, $0xF;
	v26, _, _ =	vpop (xrf0)  }
0xe9: {  	[tilespmem:$0x1FFA0] =	vst v10;
	v57 =	vbroadcast v56, $0x0;
	v6 =	vadd.s32 v6, v34;
	s8 =	sadd.s32 s30, s16;
	s30 =	sadd.s32 s12, s7;
	(v2sf) =	vpush v26, $0xF  }
0xea: {  	[tilespmem:$0x1FFB0] =	vst v8;
	v13, _, _ =	vpop (xrf0);
	v31 =	vadd.s32 v31, v33;
	v59 =	vmov s8;
	v62 =	vmov s30  }
0xeb: {  	(xrf0) =	vadd.scan.msk.s32 $0xffff, v35;
	v35 =	vld [tilespmem:$0x1FF40];
	s19 =	spop (v2sf);
	(v2sf) =	vpush v13, $0xF;
	v31 =	vsel vm3, v31, v32;
	v33 =	vadd.s32 v11, v57  }
0xec: {  	(xrf0) =	vadd.scan.msk.s32 $0xffff, v36;
	s19 =	sadd.s32 s4, s19;
	v14, _, _ =	vpop (xrf0);
	v32 =	vadd.s32 $0xFFFFFFFF, v58;
	v61 =	vadd.s32 $0xFFFFFFFF, v59;
	v63 =	vadd.s32 $0xFFFFFFFF, v62  }
0xed: {  	(xrf0) =	vadd.scan.msk.s32 $0xffff, v37;
	s20 =	spop (v2sf);
	v36 =	vmov s19;
	vm3 =	veq.s32 v7, $0x5;
	(v2sf) =	vpush v14, $0xF  }
0xee: {  	(xrf0) =	vadd.scan.msk.s32 $0xffff, v39;
	s20 =	sadd.s32 s31, s20;
	v10, _, _ =	vpop (xrf0);
	v32 =	vbroadcast v32, $0x0;
	v60 =	vsel vm4, v33, v31;
	v31 =	vbroadcast v61, $0x0  }
0xef: {  	s22 =	spop (v2sf);
	(xrf0) =	vadd.scan.msk.s32 $0xffff, v41;
	v37 =	vadd.s32 $0xFFFFFFFF, v36;
	v38 =	vmov s20;
	(v2sf) =	vpush v10, $0xF  }
0xf0: {  	s22 =	sadd.s32 s2, s22;
	v8, _, _ =	vpop (xrf0);
	(xrf0) =	vadd.scan.msk.s32 $0xffff, v20;
	v20 =	vsel vm0, $0xFFFFFFFF, v48;
	vm0 =	veq.s32 v7, $0x2;
	vm1 =	vnez.u8 v35  }
0xf1: {  	v39 =	vmov s22;
	(v2sf) =	vpush v8, $0xF;
	v50 =	vsel vm0, $0x1, v0  }
0xf2: {  	s18 =	spop (v2sf);
	v6 =	vsel vm1, v6, v9;
	v29 =	vadd.s32 v29, v32;
	v30 =	vadd.s32 v30, v31  }
0xf3: {  	s0 =	sadd.s32 s0, s18;
	v23, _, _ =	vpop (xrf0);
	v31 =	vbroadcast v37, $0x0;
	v32 =	vadd.s32 $0xFFFFFFFF, v38;
	v33 =	vadd.s32 $0xFFFFFFFF, v39  }
0xf4: {  	v42 =	vmov s0;
	vm1 =	veq.s32 v7, $0x7;
	(v2sf) =	vpush v23, $0xF  }
0xf5: {  	(xrf0) =	vadd.scan.msk.s32 $0xffff, v44;
	s21 =	spop (v2sf);
	v9 =	vsel vm5, v29, v60;
	v29 =	vbroadcast v63, $0x0;
	v32 =	vbroadcast v32, $0x0  }
0xf6: {  	v24, _, _ =	vpop (xrf0);
	(xrf0) =	vadd.scan.msk.s32 $0xffff, v46;
	v30 =	vnsel vm7, $0x0, v30;
	v40 =	vbroadcast v33, $0x0;
	s17 =	sadd.s32 s23, s21;
	v44 =	vadd.s32 $0xFFFFFFFF, v42  }
0xf7: {  	v35 =	vld [tilespmem:$0x1FFA0];
	(v2sf) =	vpush v24, $0xF;
	v21, _, _ =	vpop (xrf0);
	(xrf0) =	vadd.scan.msk.s32 $0xffff, v47;
	v28 =	vadd.s32 v28, v31;
	v47 =	vmov s17  }
0xf8: {  	(v2sf) =	vpush v21, $0xF;
	v28 =	vsel vm6, v28, v30;
	v18 =	vadd.s32 v18, v29  }
0xf9: {  	[tilespmem:$0x1FFD0] =	vst v19;
	v39 =	vld [tilespmem:$0x1FF50];
	s26 =	spop (v2sf);
	v22, _, _ =	vpop (xrf0);
	v27 =	vadd.s32 v27, v32;
	v26 =	vadd.s32 v26, v40;
	v29 =	vbroadcast v44, $0x0  }
0xfa: {  	(xrf0) =	vadd.scan.msk.s32 $0xffff, v49;
	v32 =	vadd.s32 $0xFFFFFFFF, v47;
	s13 =	sadd.s32 s13, s26;
	(v2sf) =	vpush v22, $0xF;
	v9 =	vsel vm10, v18, v9  }
0xfb: {  	v30 =	vld [tilespmem:$0x1FF90];
	v19, _, _ =	vpop (xrf0);
	(xrf0) =	vadd.scan.msk.s32 $0xffff, v50;
	v41 =	vsel vm9, v27, v28;
	v32 =	vbroadcast v32, $0x0;
	v54 =	vmov s13  }
0xfc: {  	vm6 =	vnez.u8 v35;
	v17, _, _ =	vpop (xrf0);
	(v2sf) =	vpush v19, $0xF;
	v28 =	vsel vm8, v26, v41;
	v41 =	vld [tilespmem:$0x1FFB0]  }
0xfd: {  	[tilespmem:$0x1FFE0] =	vst v20;
	v29 =	vadd.s32 v13, v29;
	v55 =	vadd.s32 $0xFFFFFFFF, v54;
	(v2sf) =	vpush v17, $0xF;
	v20, _, _ =	vpop (xrf0)  }
0xfe: {  	vm9 =	vnez.u8 v39;
	(xrf0) =	vadd.scan.msk.s32 $0xffff, v52;
	v52 =	vld [tilespmem:$0x1FF60];
	v59 =	vbroadcast v55, $0x0;
	v12, _, _ =	vpop (xrf0);
	s1 =	spop (v2sf);
	(v2sf) =	vpush v20, $0xF  }
0xff: {  	v54 =	vld [tilespmem:$0x1FFE0];
	v28 =	vsel vm9, v29, v28;
	v14 =	vadd.s32 v14, v32;
	s9 =	spop (v2sf);
	(v2sf) =	vpush v12, $0xF;
	v25, _, _ =	vpop (xrf0)  }
0x100: {  	v10 =	vadd.s32 v10, v59;
	vm5 =	vnez.u8 v30;
	s10 =	spop (v2sf);
	(v2sf) =	vpush v25, $0xF;
	v16, _, _ =	vpop (xrf0);
	s8 =	sadd.s32 s8, s9  }
0x101: {  	s24 =	spop (v2sf);
	(v2sf) =	vpush v16, $0xF;
	v15, _, _ =	vpop (xrf0);
	s10 =	sadd.s32 s19, s10;
	v43 =	vmov s8;
	vm7 =	vnez.u8 v41  }
0x102: {  	s11 =	spop (v2sf);
	(v2sf) =	vpush v15, $0xF;
	s23 =	sadd.s32 s20, s24;
	v45 =	vmov s10;
	v37 =	vadd.s32 $0xFFFFFFFF, v43  }
0x103: {  	vm10 =	vnez.u8 v52;
	v46 =	vmov s23;
	v37 =	vbroadcast v37, $0x0  }
0x104: {  	s15 =	spop (v2sf);
	v11, _, _ =	vpop (xrf0);
	s11 =	sadd.s32 s22, s11;
	v51 =	vadd.s32 $0xFFFFFFFF, v45;
	v14 =	vsel vm10, v14, v28;
	vm10 =	vnez.u8 v54  }
0x105: {  	v62 =	vld [tilespmem:$0x1FF70];
	s16 =	spop (v2sf);
	(v2sf) =	vpush v11, $0xF;
	v50 =	vmov s11;
	v29 =	vbroadcast v51, $0x0  }
0x106: {  	v53 =	vadd.s32 $0xFFFFFFFF, v46;
	s0 =	sadd.s32 s0, s15;
	v46 =	vsel vm3, $0x1, v0;
	v23 =	vadd.s32 v23, v37  }
0x107: {  	v52 =	vld [tilespmem:$0x1FFC0];
	v28 =	vbroadcast v53, $0x0;
	v56 =	vadd.s32 $0xFFFFFFFF, v50;
	v58 =	vmov s0  }
0x108: {  	s15 =	sadd.s32 s17, s16;
	v50 =	vsel vm1, $0x1, v0;
	v23 =	vnsel vm11, $0x0, v23;
	v24 =	vadd.s32 v24, v29  }
0x109: {  	s17 =	sadd.s32 s30, s1;
	v57 =	vbroadcast v56, $0x0;
	v60 =	vadd.s32 $0xFFFFFFFF, v58;
	v61 =	vmov s15  }
0x10a: {  	v51 =	vld [tilespmem:$0x70];
	s14 =	spop (v2sf);
	vm11 =	vnez.u8 v62;
	v32 =	vmov s17;
	v23 =	vsel vm15, v24, v23  }
0x10b: {  	v53 =	vld [tilespmem:$0x1FFD0];
	s29 =	spop (v2sf);
	s16 =	sadd.s32 s13, s14;
	v21 =	vadd.s32 v21, v28;
	v24 =	vbroadcast v60, $0x0;
	v63 =	vadd.s32 $0xFFFFFFFF, v61  }
0x10c: {  	v29 =	vld [tilespmem:$0x1FF80];
	s5 =	spop (v2sf);
	v28 =	vmov s16;
	v37 =	vadd.s32 $0xFFFFFFFF, v32;
	vm8 =	vnez.u8 v52  }
0x10d: {  	s6 =	spop (v2sf);
	s19 =	sadd.s32 s8, s5;
	v21 =	vsel vm14, v21, v23;
	v22 =	vadd.s32 v22, v57;
	v31 =	vadd.s32 $0xFFFFFFFF, v28  }
0x10e: {  	s10 =	sadd.s32 s10, s6;
	v48 =	vmov s19;
	v21 =	vsel vm11, v22, v21;
	v19 =	vadd.s32 v19, v24  }
0x10f: {  	s7 =	spop (v2sf);
	v22 =	vbroadcast v63, $0x0;
	vm11 =	veq.s32 v51, $0x2;
	v49 =	vmov s10  }
0x110: {  	s4 =	spop (v2sf);
	s2 =	sadd.s32 s23, s7;
	v39 =	vadd.s32 $0xFFFFFFFF, v48;
	v48 =	vsel vm2, $0x1, v0;
	vm9 =	vnez.u8 v53  }
0x111: {  	v36 =	vmov s2;
	s4 =	sadd.s32 s11, s4;
	vm4 =	vnez.u8 v29;
	v17 =	vadd.s32 v17, v22  }
0x112: {  	v45 =	vadd.s32 $0xFFFFFFFF, v49;
	v29 =	vsel vm11, $0x1, v0;
	v38 =	vmov s4  }
0x113: {  	v10 =	vsel vm4, v10, v14;
	v14 =	vsel vm5, v19, v21;
	v19 =	vbroadcast v31, $0x0  }
0x114: {  	v21 =	vbroadcast v39, $0x0;
	vm4 =	veq.s32 v7, $0x4;
	v47 =	vbroadcast v45, $0x0  }
0x115: {  	s28 =	spop (v2sf);
	v49 =	vadd.s32 $0xFFFFFFFF, v36;
	vm5 =	veq.s32 v51, $0x0;
	v14 =	vsel vm6, v17, v14  }
0x116: {  	s20 =	sadd.s32 s0, s28;
	v17 =	vbroadcast v37, $0x0;
	v44 =	vsel vm4, $0x1, v0;
	v56 =	vadd.s32 $0xFFFFFFFF, v38  }
0x117: {  	s18 =	spop (v2sf);
	v57 =	vmov s20;
	v24 =	vsel vm5, $0x1, v0;
	v19 =	vadd.s32 v20, v19;
	(xrf0) =	vadd.scan.msk.s32 $0xffff, v44  }
0x118: {  	s9 =	spop (v2sf);
	v43 =	vadd.s32 v25, v21;
	v16 =	vadd.s32 v16, v47;
	v58 =	vbroadcast v56, $0x0;
	(xrf0) =	vadd.scan.msk.s32 $0xffff, v46  }
0x119: {  	s24 =	spop (v2sf);
	s21 =	sadd.s32 s16, s9;
	v14 =	vsel vm7, v19, v14;
	v20 =	vnsel vm12, $0x0, v43;
	v8 =	vadd.s32 v8, v17;
	(xrf0) =	vadd.scan.msk.s32 $0xffff, v48  }
0x11a: {  	s31 =	spop (v2sf);
	v17 =	vbroadcast v49, $0x0;
	v32 =	vmov s21;
	vm7 =	veq.s32 v51, $0x3;
	(xrf0) =	vadd.scan.msk.s32 $0xffff, v50  }
0x11b: {  	s5 =	sadd.s32 s19, s31;
	v8 =	vsel vm8, v8, v10;
	vm8 =	veq.s32 v51, $0x1;
	v11 =	vadd.s32 v11, v58  }
0x11c: {  	s6 =	spop (v2sf);
	s19 =	sadd.s32 s17, s29;
	v34 =	vadd.s32 $0xFFFFFFFF, v32;
	v37 =	vsel vm7, $0x1, v0;
	v18 =	vmov s5  }
0x11d: {  	s10 =	sadd.s32 s10, s6;
	s7 =	spop (v2sf);
	v40 =	vmov s19;
	v55 =	vadd.s32 v15, v17;
	v25 =	vsel vm8, $0x1, v0;
	v59, _, _ =	vpop (xrf0)  }
0x11e: {  	s2 =	sadd.s32 s2, s7;
	v27 =	vmov s10;
	v42 =	vadd.s32 $0xFFFFFFFF, v40;
	s12 =	spop (v2sf);
	(v2sf) =	vpush v59, $0xF;
	v60, _, _ =	vpop (xrf0)  }
0x11f: {  	v35 =	vadd.s32 $0xFFFFFFFF, v18;
	v26 =	vmov s2;
	(v2sf) =	vpush v60, $0xF;
	v62, _, _ =	vpop (xrf0)  }
0x120: {  	v19 =	vbroadcast v42, $0x0;
	v15 =	vbroadcast v35, $0x0;
	(v2sf) =	vpush v62, $0xF;
	v63, _, _ =	vpop (xrf0)  }
0x121: {  	v36 =	vadd.s32 $0xFFFFFFFF, v27;
	s2 =	sadd.s32 s4, s12;
	s4 =	sadd.s32 s15, s18;
	(xrf0) =	vadd.scan.msk.s32 $0xffff, v24;
	v39 =	vadd.s32 $0xFFFFFFFF, v26;
	(v2sf) =	vpush v63, $0xF  }
0x122: {  	v30 =	vld [tilespmem:$0x1FFF0];
	v13 =	vmov s2;
	v12 =	vadd.s32 v12, v19;
	v61 =	vmov s4;
	(xrf0) =	vadd.scan.msk.s32 $0xffff, v25  }
0x123: {  	v17 =	vbroadcast v39, $0x0;
	v10 =	vsel vm9, v12, v14;
	v12 =	vsel vm10, v16, v20  }
0x124: {  	v16 =	vadd.s32 $0xFFFFFFFF, v57;
	v19 =	vadd.s32 $0xFFFFFFFF, v61;
	v14 =	vbroadcast v34, $0x0  }
0x125: {  	s2 =	sadd.s32 s19, s24;
	(xrf0) =	vadd.scan.msk.s32 $0xffff, v29;
	v13 =	vadd.s32 $0xFFFFFFFF, v13;
	vm9 =	veq.s32 v51, $0x5;
	v16 =	vbroadcast v16, $0x0  }
0x126: {  	vm10 =	veq.s32 v51, $0x6;
	v48 =	vmov s2;
	v12 =	vsel vm0, v55, v12  }
0x127: {  	vm0 =	vnez.u8 v30;
	v31 =	vadd.s32 v59, v16;
	v16 =	vbroadcast v36, $0x0;
	v38, _, _ =	vpop (xrf0)  }
0x128: {  	v28 =	vbroadcast v19, $0x0;
	(xrf0) =	vadd.scan.msk.s32 $0xffff, v37;
	v11 =	vsel vm0, v11, v12;
	v12 =	vadd.s32 v38, v15;
	v40, _, _ =	vpop (xrf0)  }
0x129: {  	v13 =	vbroadcast v13, $0x0;
	v12 =	vnsel vm5, $0x0, v12;
	v41 =	vadd.s32 v40, v16  }
0x12a: {  	v45 =	vsel vm9, $0x1, v0;
	v12 =	vsel vm8, v41, v12;
	vm8 =	veq.s32 v51, $0x4  }
0x12b: {  	v47 =	vsel vm10, $0x1, v0;
	v7 =	vadd.s32 $0xFFFFFFFF, v48;
	v42, _, _ =	vpop (xrf0);
	v44 =	vsel vm8, $0x1, v0  }
0x12c: {  	v14 =	vadd.s32 v62, v14;
	v33 =	vadd.s32 v60, v28;
	v43 =	vadd.s32 v42, v17;
	(xrf0) =	vadd.scan.msk.s32 $0xffff, v44  }
0x12d: {  	v11 =	vsel vm4, v31, v11;
	v12 =	vsel vm11, v43, v12;
	vm11 =	veq.s32 v51, $0x7;
	(xrf0) =	vadd.scan.msk.s32 $0xffff, v45;
	s22 =	spop (v2sf)  }
0x12e: {  	v7 =	vbroadcast v7, $0x0;
	v11 =	vsel vm3, v33, v11;
	v46, _, _ =	vpop (xrf0);
	v49 =	vsel vm11, $0x1, v0;
	(xrf0) =	vadd.scan.msk.s32 $0xffff, v47;
	s8 =	sadd.s32 s20, s22;
	s23 =	spop (v2sf)  }
0x12f: {  	v11 =	vsel vm2, v14, v11;
	v13 =	vadd.s32 v46, v13;
	(xrf0) =	vadd.scan.msk.s32 $0xffff, v49;
	s4 =	sadd.s32 s4, s23;
	v50 =	vmov s8;
	s24 =	spop (v2sf)  }
0x130: {  	v12 =	vsel vm7, v13, v12;
	s0 =	sadd.s32 s21, s24;
	v51 =	vmov s4;
	s26 =	spop (v2sf);
	v13 =	vadd.s32 $0xFFFFFFFF, v50  }
0x131: {  	[tilespmem:$0x1080] =	vst v4;
	s2 =	sadd.s32 s2, s26;
	v4 =	vbroadcast v13, $0x0;
	v52 =	vadd.s32 $0xFFFFFFFF, v51;
	v53 =	vmov s0  }
0x132: {  	[tilespmem:$0x1090] =	vst v5;
	v54, _, _ =	vpop (xrf0);
	v5 =	vbroadcast v52, $0x0;
	v55 =	vadd.s32 $0xFFFFFFFF, v53;
	v56 =	vmov s2  }
0x133: {  	[tilespmem:$0x10A0] =	vst v6;
	v57, _, _ =	vpop (xrf0);
	v4 =	vadd.s32 v54, v4;
	v58 =	vbroadcast v55, $0x0;
	v59 =	vadd.s32 $0xFFFFFFFF, v56  }
0x134: {  	[tilespmem:$0x10B0] =	vst v9;
	v60, _, _ =	vpop (xrf0);
	v4 =	vsel vm8, v4, v12;
	v5 =	vadd.s32 v57, v5;
	v61 =	vbroadcast v59, $0x0  }
0x135: {  	[tilespmem:$0x1100] =	vst v8;
	v62, _, _ =	vpop (xrf0);
	v4 =	vsel vm9, v5, v4;
	v5 =	vadd.s32 v63, v7;
	v6 =	vadd.s32 v60, v58  }
0x136: {  	[tilespmem:$0x1110] =	vst v10;
	v5 =	vsel vm1, v5, v11;
	v4 =	vsel vm10, v6, v4;
	v63 =	vadd.s32 v62, v61  }
0x137: {  	s28 =	rddreg [dreg:$0x5];
	[tilespmem:$0x1120] =	vst v5;
	v4 =	vsel vm11, v63, v4  }
0x138: {  	s29 =	rddreg [dreg:$0x8];
	s4 =	simm.s32 $0x4;
	[tilespmem:$0x1130] =	vst v4  }
0x139: {  	[hbm4b:s28+s25] =	stream.linear.scatter [tilespmem:s29], [sflag:$0x4], $0x100, $0x38;
	[tilespmem:$0x11180] =	vst v63  }
0x13a: {  	s2 =	rddreg [dreg:$0xa];
	_ =	swait.ge [sflag:s4], $0x100  }
0x13b: {  	[sflag:s4] =	ssyncset.done $0x0  }
0x13c: {  	s8 =	simm.s32 $0x1180;
	s30 =	rddreg [dreg:$0x9];
	[sflag:s4] =	ssyncadd.s32 $0xFFFFFF00  }
0x13d: {  	[tilespmem:s8], [sflag:$0x4] =	stream.linear.gather [hbm4b:s30+s25], $0x10000, $0x38;
	[tilespmem:$0x11180] =	vst v63  }
0x13e: {  	_ =	swait.ge [sflag:s4], $0x10000  }
0x13f: {  	[sflag:s4] =	ssyncset.done $0x0  }
0x140: {  	[sflag:s4] =	ssyncadd.s32 $0xFFFF0000  }
0x141: {  	v4 =	vld [tilespmem:$0x1080];
	_ =	sdelay $0x4  }
0x142: {  	v5 =	vshll.u32 v4, $0x3  }
0x143: {  	v4 =	vand.u32 $0x7, v4;
	v5 =	vand.u32 $0xFFFFFFC0, v5  }
0x144: {  	v4 =	vor.u32 v4, v5  }
0x145: {  	v5 =	vperm.xlane v4, v1;
	_ =	sdelay $0x1  }
0x146: {  	v5 =	vadd.s32 v2, v5;
	_ =	sdelay $0x3  }
0x147: {  	s5 =	rddreg [dreg:$0xb]  }
0x148: {  	[hbm4b:s5+s25] =	stream.indirect_vreg.scatter [tilespmem:s8], [sflag:$0x3], $0x80, v5, vm13, $0xb8;
	[tilespmem:$0x11180] =	vst v63  }
0x149: {  	s9 =	simm.s32 $0x1980;
	s6 =	rddreg [dreg:$0xc];
	v4 =	vperm.xlane v4, v3  }
0x14a: {  	[hbm4b:s6+s25] =	stream.indirect_vreg.scatter [tilespmem:s9], [sflag:$0x3], $0x80, v5, vm13, $0xb8;
	[tilespmem:$0x11180] =	vst v63  }
0x14b: {  	s10 =	simm.s32 $0x2180;
	s7 =	rddreg [dreg:$0xd];
	v4 =	vadd.s32 v2, v4  }
0x14c: {  	[hbm4b:s7+s25] =	stream.indirect_vreg.scatter [tilespmem:s10], [sflag:$0x3], $0x80, v5, vm13, $0xb8;
	[tilespmem:$0x11180] =	vst v63  }
0x14d: {  	s11 =	simm.s32 $0x2980;
	s1 =	rddreg [dreg:$0xe]  }
0x14e: {  	[hbm4b:s1+s25] =	stream.indirect_vreg.scatter [tilespmem:s11], [sflag:$0x3], $0x80, v5, vm13, $0xb8;
	[tilespmem:$0x11180] =	vst v63  }
0x14f: {  	s12 =	simm.s32 $0x3180  }
0x150: {  	[hbm4b:s5+s25] =	stream.indirect_vreg.scatter [tilespmem:s12], [sflag:$0x3], $0x80, v4, vm13, $0xb8;
	[tilespmem:$0x11180] =	vst v63  }
0x151: {  	s13 =	simm.s32 $0x3980  }
0x152: {  	[hbm4b:s6+s25] =	stream.indirect_vreg.scatter [tilespmem:s13], [sflag:$0x3], $0x80, v4, vm13, $0xb8;
	[tilespmem:$0x11180] =	vst v63  }
0x153: {  	s14 =	simm.s32 $0x4180  }
0x154: {  	[hbm4b:s7+s25] =	stream.indirect_vreg.scatter [tilespmem:s14], [sflag:$0x3], $0x80, v4, vm13, $0xb8;
	[tilespmem:$0x11180] =	vst v63  }
0x155: {  	s15 =	simm.s32 $0x4980  }
0x156: {  	[hbm4b:s1+s25] =	stream.indirect_vreg.scatter [tilespmem:s15], [sflag:$0x3], $0x80, v4, vm13, $0xb8;
	[tilespmem:$0x11180] =	vst v63  }
0x157: {  	v4 =	vld [tilespmem:$0x1090];
	_ =	sdelay $0x4  }
0x158: {  	v5 =	vshll.u32 v4, $0x3  }
0x159: {  	v4 =	vand.u32 $0x7, v4;
	v5 =	vand.u32 $0xFFFFFFC0, v5  }
0x15a: {  	v4 =	vor.u32 v4, v5  }
0x15b: {  	v5 =	vperm.xlane v4, v1;
	_ =	sdelay $0x1  }
0x15c: {  	v5 =	vadd.s32 v2, v5;
	_ =	sdelay $0x3  }
0x15d: {  	s16 =	simm.s32 $0x5180  }
0x15e: {  	[hbm4b:s5+s25] =	stream.indirect_vreg.scatter [tilespmem:s16], [sflag:$0x3], $0x80, v5, vm13, $0xb8;
	[tilespmem:$0x11180] =	vst v63  }
0x15f: {  	s17 =	simm.s32 $0x5980;
	v4 =	vperm.xlane v4, v3  }
0x160: {  	[hbm4b:s6+s25] =	stream.indirect_vreg.scatter [tilespmem:s17], [sflag:$0x3], $0x80, v5, vm13, $0xb8;
	[tilespmem:$0x11180] =	vst v63  }
0x161: {  	s18 =	simm.s32 $0x6180;
	v4 =	vadd.s32 v2, v4  }
0x162: {  	[hbm4b:s7+s25] =	stream.indirect_vreg.scatter [tilespmem:s18], [sflag:$0x3], $0x80, v5, vm13, $0xb8;
	[tilespmem:$0x11180] =	vst v63  }
0x163: {  	s19 =	simm.s32 $0x6980  }
0x164: {  	[hbm4b:s1+s25] =	stream.indirect_vreg.scatter [tilespmem:s19], [sflag:$0x3], $0x80, v5, vm13, $0xb8;
	[tilespmem:$0x11180] =	vst v63  }
0x165: {  	s20 =	simm.s32 $0x7180  }
0x166: {  	[hbm4b:s5+s25] =	stream.indirect_vreg.scatter [tilespmem:s20], [sflag:$0x3], $0x80, v4, vm13, $0xb8;
	[tilespmem:$0x11180] =	vst v63  }
0x167: {  	s21 =	simm.s32 $0x7980  }
0x168: {  	[hbm4b:s6+s25] =	stream.indirect_vreg.scatter [tilespmem:s21], [sflag:$0x3], $0x80, v4, vm13, $0xb8;
	[tilespmem:$0x11180] =	vst v63  }
0x169: {  	s22 =	simm.s32 $0x8180  }
0x16a: {  	[hbm4b:s7+s25] =	stream.indirect_vreg.scatter [tilespmem:s22], [sflag:$0x3], $0x80, v4, vm13, $0xb8;
	[tilespmem:$0x11180] =	vst v63  }
0x16b: {  	s23 =	simm.s32 $0x8980  }
0x16c: {  	[hbm4b:s1+s25] =	stream.indirect_vreg.scatter [tilespmem:s23], [sflag:$0x3], $0x80, v4, vm13, $0xb8;
	[tilespmem:$0x11180] =	vst v63  }
0x16d: {  	v4 =	vld [tilespmem:$0x10A0];
	_ =	sdelay $0x4  }
0x16e: {  	v5 =	vshll.u32 v4, $0x3  }
0x16f: {  	v4 =	vand.u32 $0x7, v4;
	v5 =	vand.u32 $0xFFFFFFC0, v5  }
0x170: {  	v4 =	vor.u32 v4, v5  }
0x171: {  	v5 =	vperm.xlane v4, v1;
	_ =	sdelay $0x1  }
0x172: {  	v5 =	vadd.s32 v2, v5;
	_ =	sdelay $0x3  }
0x173: {  	s24 =	simm.s32 $0x9180  }
0x174: {  	[hbm4b:s5+s25] =	stream.indirect_vreg.scatter [tilespmem:s24], [sflag:$0x3], $0x80, v5, vm13, $0xb8;
	[tilespmem:$0x11180] =	vst v63  }
0x175: {  	s31 =	simm.s32 $0x9980;
	v4 =	vperm.xlane v4, v3  }
0x176: {  	[hbm4b:s6+s25] =	stream.indirect_vreg.scatter [tilespmem:s31], [sflag:$0x3], $0x80, v5, vm13, $0xb8;
	[tilespmem:$0x11180] =	vst v63  }
0x177: {  	s26 =	simm.s32 $0xA180;
	v4 =	vadd.s32 v2, v4  }
0x178: {  	[hbm4b:s7+s25] =	stream.indirect_vreg.scatter [tilespmem:s26], [sflag:$0x3], $0x80, v5, vm13, $0xb8;
	[tilespmem:$0x11180] =	vst v63  }
0x179: {  	s28 =	simm.s32 $0xA980  }
0x17a: {  	[hbm4b:s1+s25] =	stream.indirect_vreg.scatter [tilespmem:s28], [sflag:$0x3], $0x80, v5, vm13, $0xb8;
	[tilespmem:$0x11180] =	vst v63  }
0x17b: {  	s29 =	simm.s32 $0xB180  }
0x17c: {  	[hbm4b:s5+s25] =	stream.indirect_vreg.scatter [tilespmem:s29], [sflag:$0x3], $0x80, v4, vm13, $0xb8;
	[tilespmem:$0x11180] =	vst v63  }
0x17d: {  	s30 =	simm.s32 $0xB980  }
0x17e: {  	[hbm4b:s6+s25] =	stream.indirect_vreg.scatter [tilespmem:s30], [sflag:$0x3], $0x80, v4, vm13, $0xb8;
	[tilespmem:$0x11180] =	vst v63  }
0x17f: {  	s31 =	simm.s32 $0xC180  }
0x180: {  	[hbm4b:s7+s25] =	stream.indirect_vreg.scatter [tilespmem:s31], [sflag:$0x3], $0x80, v4, vm13, $0xb8;
	[tilespmem:$0x11180] =	vst v63  }
0x181: {  	s0 =	simm.s32 $0xC980  }
0x182: {  	[hbm4b:s1+s25] =	stream.indirect_vreg.scatter [tilespmem:s0], [sflag:$0x3], $0x80, v4, vm13, $0xb8;
	[tilespmem:$0x11180] =	vst v63  }
0x183: {  	v4 =	vld [tilespmem:$0x10B0];
	_ =	sdelay $0x4  }
0x184: {  	v5 =	vshll.u32 v4, $0x3  }
0x185: {  	v4 =	vand.u32 $0x7, v4;
	v5 =	vand.u32 $0xFFFFFFC0, v5  }
0x186: {  	v4 =	vor.u32 v4, v5  }
0x187: {  	v5 =	vperm.xlane v4, v1;
	_ =	sdelay $0x1  }
0x188: {  	v5 =	vadd.s32 v2, v5;
	_ =	sdelay $0x3  }
0x189: {  	s0 =	simm.s32 $0xD180  }
0x18a: {  	[hbm4b:s5+s25] =	stream.indirect_vreg.scatter [tilespmem:s0], [sflag:$0x3], $0x80, v5, vm13, $0xb8;
	[tilespmem:$0x11180] =	vst v63  }
0x18b: {  	v4 =	vperm.xlane v4, v3;
	s0 =	simm.s32 $0xD980  }
0x18c: {  	[hbm4b:s6+s25] =	stream.indirect_vreg.scatter [tilespmem:s0], [sflag:$0x3], $0x80, v5, vm13, $0xb8;
	[tilespmem:$0x11180] =	vst v63  }
0x18d: {  	v4 =	vadd.s32 v2, v4;
	s0 =	simm.s32 $0xE180  }
0x18e: {  	[hbm4b:s7+s25] =	stream.indirect_vreg.scatter [tilespmem:s0], [sflag:$0x3], $0x80, v5, vm13, $0xb8;
	[tilespmem:$0x11180] =	vst v63  }
0x18f: {  	s0 =	simm.s32 $0xE980  }
0x190: {  	[hbm4b:s1+s25] =	stream.indirect_vreg.scatter [tilespmem:s0], [sflag:$0x3], $0x80, v5, vm13, $0xb8;
	[tilespmem:$0x11180] =	vst v63  }
0x191: {  	s0 =	simm.s32 $0xF180  }
0x192: {  	[hbm4b:s5+s25] =	stream.indirect_vreg.scatter [tilespmem:s0], [sflag:$0x3], $0x80, v4, vm13, $0xb8;
	[tilespmem:$0x11180] =	vst v63  }
0x193: {  	s0 =	simm.s32 $0xF980  }
0x194: {  	[hbm4b:s6+s25] =	stream.indirect_vreg.scatter [tilespmem:s0], [sflag:$0x3], $0x80, v4, vm13, $0xb8;
	[tilespmem:$0x11180] =	vst v63  }
0x195: {  	s0 =	simm.s32 $0x10180  }
0x196: {  	[hbm4b:s7+s25] =	stream.indirect_vreg.scatter [tilespmem:s0], [sflag:$0x3], $0x80, v4, vm13, $0xb8;
	[tilespmem:$0x11180] =	vst v63  }
0x197: {  	s0 =	simm.s32 $0x10980  }
0x198: {  	[hbm4b:s1+s25] =	stream.indirect_vreg.scatter [tilespmem:s0], [sflag:$0x3], $0x80, v4, vm13, $0xb8;
	[tilespmem:$0x11180] =	vst v63  }
0x199: {  	_ =	swait.ge [sflag:s3], $0x10000  }
0x19a: {  	[sflag:s3] =	ssyncset.done $0x0  }
0x19b: {  	s0 =	rddreg [dreg:$0x6];
	[sflag:s3] =	ssyncadd.s32 $0xFFFF0000  }
0x19c: {  	[tilespmem:s8], [sflag:$0x4] =	stream.linear.gather [hbm4b:s0+s25], $0x10000, $0x38;
	[tilespmem:$0x11180] =	vst v63  }
0x19d: {  	_ =	swait.ge [sflag:s4], $0x10000  }
0x19e: {  	[sflag:s4] =	ssyncset.done $0x0  }
0x19f: {  	[sflag:s4] =	ssyncadd.s32 $0xFFFF0000  }
0x1a0: {  	v4 =	vld [tilespmem:$0x1100];
	_ =	sdelay $0x4  }
0x1a1: {  	v5 =	vshll.u32 v4, $0x3  }
0x1a2: {  	v4 =	vand.u32 $0x7, v4;
	v5 =	vand.u32 $0xFFFFFFC0, v5  }
0x1a3: {  	v4 =	vor.u32 v4, v5  }
0x1a4: {  	v5 =	vperm.xlane v4, v1;
	_ =	sdelay $0x1  }
0x1a5: {  	v5 =	vadd.s32 v2, v5;
	_ =	sdelay $0x4  }
0x1a6: {  	[hbm4b:s5+s25] =	stream.indirect_vreg.scatter [tilespmem:s8], [sflag:$0x3], $0x80, v5, vm13, $0xb8;
	[tilespmem:$0x11180] =	vst v63  }
0x1a7: {  	v4 =	vperm.xlane v4, v3  }
0x1a8: {  	[hbm4b:s6+s25] =	stream.indirect_vreg.scatter [tilespmem:s9], [sflag:$0x3], $0x80, v5, vm13, $0xb8;
	[tilespmem:$0x11180] =	vst v63  }
0x1a9: {  	v4 =	vadd.s32 v2, v4  }
0x1aa: {  	[hbm4b:s7+s25] =	stream.indirect_vreg.scatter [tilespmem:s10], [sflag:$0x3], $0x80, v5, vm13, $0xb8;
	[tilespmem:$0x11180] =	vst v63  }
0x1ab: {  	_ = 	snop  }
0x1ac: {  	[hbm4b:s1+s25] =	stream.indirect_vreg.scatter [tilespmem:s11], [sflag:$0x3], $0x80, v5, vm13, $0xb8;
	[tilespmem:$0x11180] =	vst v63  }
0x1ad: {  	_ = 	snop  }
0x1ae: {  	[hbm4b:s5+s25] =	stream.indirect_vreg.scatter [tilespmem:s12], [sflag:$0x3], $0x80, v4, vm13, $0xb8;
	[tilespmem:$0x11180] =	vst v63  }
0x1af: {  	_ = 	snop  }
0x1b0: {  	[hbm4b:s6+s25] =	stream.indirect_vreg.scatter [tilespmem:s13], [sflag:$0x3], $0x80, v4, vm13, $0xb8;
	[tilespmem:$0x11180] =	vst v63  }
0x1b1: {  	_ = 	snop  }
0x1b2: {  	[hbm4b:s7+s25] =	stream.indirect_vreg.scatter [tilespmem:s14], [sflag:$0x3], $0x80, v4, vm13, $0xb8;
	[tilespmem:$0x11180] =	vst v63  }
0x1b3: {  	_ = 	snop  }
0x1b4: {  	[hbm4b:s1+s25] =	stream.indirect_vreg.scatter [tilespmem:s15], [sflag:$0x3], $0x80, v4, vm13, $0xb8;
	[tilespmem:$0x11180] =	vst v63  }
0x1b5: {  	v4 =	vld [tilespmem:$0x1110];
	_ =	sdelay $0x4  }
0x1b6: {  	v5 =	vshll.u32 v4, $0x3  }
0x1b7: {  	v4 =	vand.u32 $0x7, v4;
	v5 =	vand.u32 $0xFFFFFFC0, v5  }
0x1b8: {  	v4 =	vor.u32 v4, v5  }
0x1b9: {  	v5 =	vperm.xlane v4, v1;
	_ =	sdelay $0x1  }
0x1ba: {  	v5 =	vadd.s32 v2, v5;
	_ =	sdelay $0x4  }
0x1bb: {  	[hbm4b:s5+s25] =	stream.indirect_vreg.scatter [tilespmem:s16], [sflag:$0x3], $0x80, v5, vm13, $0xb8;
	[tilespmem:$0x11180] =	vst v63  }
0x1bc: {  	v4 =	vperm.xlane v4, v3  }
0x1bd: {  	[hbm4b:s6+s25] =	stream.indirect_vreg.scatter [tilespmem:s17], [sflag:$0x3], $0x80, v5, vm13, $0xb8;
	[tilespmem:$0x11180] =	vst v63  }
0x1be: {  	v4 =	vadd.s32 v2, v4  }
0x1bf: {  	[hbm4b:s7+s25] =	stream.indirect_vreg.scatter [tilespmem:s18], [sflag:$0x3], $0x80, v5, vm13, $0xb8;
	[tilespmem:$0x11180] =	vst v63  }
0x1c0: {  	_ = 	snop  }
0x1c1: {  	[hbm4b:s1+s25] =	stream.indirect_vreg.scatter [tilespmem:s19], [sflag:$0x3], $0x80, v5, vm13, $0xb8;
	[tilespmem:$0x11180] =	vst v63  }
0x1c2: {  	_ = 	snop  }
0x1c3: {  	[hbm4b:s5+s25] =	stream.indirect_vreg.scatter [tilespmem:s20], [sflag:$0x3], $0x80, v4, vm13, $0xb8;
	[tilespmem:$0x11180] =	vst v63  }
0x1c4: {  	_ = 	snop  }
0x1c5: {  	[hbm4b:s6+s25] =	stream.indirect_vreg.scatter [tilespmem:s21], [sflag:$0x3], $0x80, v4, vm13, $0xb8;
	[tilespmem:$0x11180] =	vst v63  }
0x1c6: {  	_ = 	snop  }
0x1c7: {  	[hbm4b:s7+s25] =	stream.indirect_vreg.scatter [tilespmem:s22], [sflag:$0x3], $0x80, v4, vm13, $0xb8;
	[tilespmem:$0x11180] =	vst v63  }
0x1c8: {  	_ = 	snop  }
0x1c9: {  	[hbm4b:s1+s25] =	stream.indirect_vreg.scatter [tilespmem:s23], [sflag:$0x3], $0x80, v4, vm13, $0xb8;
	[tilespmem:$0x11180] =	vst v63  }
0x1ca: {  	v4 =	vld [tilespmem:$0x1120];
	_ =	sdelay $0x4  }
0x1cb: {  	v5 =	vshll.u32 v4, $0x3  }
0x1cc: {  	v4 =	vand.u32 $0x7, v4;
	v5 =	vand.u32 $0xFFFFFFC0, v5  }
0x1cd: {  	v4 =	vor.u32 v4, v5  }
0x1ce: {  	v5 =	vperm.xlane v4, v1;
	_ =	sdelay $0x1  }
0x1cf: {  	v5 =	vadd.s32 v2, v5;
	_ =	sdelay $0x4  }
0x1d0: {  	[hbm4b:s5+s25] =	stream.indirect_vreg.scatter [tilespmem:s24], [sflag:$0x3], $0x80, v5, vm13, $0xb8;
	[tilespmem:$0x11180] =	vst v63  }
0x1d1: {  	s20 =	simm.s32 $0x9980;
	v4 =	vperm.xlane v4, v3  }
0x1d2: {  	[hbm4b:s6+s25] =	stream.indirect_vreg.scatter [tilespmem:s20], [sflag:$0x3], $0x80, v5, vm13, $0xb8;
	[tilespmem:$0x11180] =	vst v63  }
0x1d3: {  	v4 =	vadd.s32 v2, v4  }
0x1d4: {  	[hbm4b:s7+s25] =	stream.indirect_vreg.scatter [tilespmem:s26], [sflag:$0x3], $0x80, v5, vm13, $0xb8;
	[tilespmem:$0x11180] =	vst v63  }
0x1d5: {  	_ = 	snop  }
0x1d6: {  	[hbm4b:s1+s25] =	stream.indirect_vreg.scatter [tilespmem:s28], [sflag:$0x3], $0x80, v5, vm13, $0xb8;
	[tilespmem:$0x11180] =	vst v63  }
0x1d7: {  	_ = 	snop  }
0x1d8: {  	[hbm4b:s5+s25] =	stream.indirect_vreg.scatter [tilespmem:s29], [sflag:$0x3], $0x80, v4, vm13, $0xb8;
	[tilespmem:$0x11180] =	vst v63  }
0x1d9: {  	_ = 	snop  }
0x1da: {  	[hbm4b:s6+s25] =	stream.indirect_vreg.scatter [tilespmem:s30], [sflag:$0x3], $0x80, v4, vm13, $0xb8;
	[tilespmem:$0x11180] =	vst v63  }
0x1db: {  	_ = 	snop  }
0x1dc: {  	[hbm4b:s7+s25] =	stream.indirect_vreg.scatter [tilespmem:s31], [sflag:$0x3], $0x80, v4, vm13, $0xb8;
	[tilespmem:$0x11180] =	vst v63  }
0x1dd: {  	s21 =	simm.s32 $0xC980  }
0x1de: {  	[hbm4b:s1+s25] =	stream.indirect_vreg.scatter [tilespmem:s21], [sflag:$0x3], $0x80, v4, vm13, $0xb8;
	[tilespmem:$0x11180] =	vst v63  }
0x1df: {  	v4 =	vld [tilespmem:$0x1130];
	_ =	sdelay $0x4  }
0x1e0: {  	v5 =	vshll.u32 v4, $0x3  }
0x1e1: {  	v4 =	vand.u32 $0x7, v4;
	v5 =	vand.u32 $0xFFFFFFC0, v5  }
0x1e2: {  	v4 =	vor.u32 v4, v5  }
0x1e3: {  	v5 =	vperm.xlane v4, v1;
	_ =	sdelay $0x1  }
0x1e4: {  	v5 =	vadd.s32 v2, v5;
	_ =	sdelay $0x3  }
0x1e5: {  	s22 =	simm.s32 $0xD180  }
0x1e6: {  	[hbm4b:s5+s25] =	stream.indirect_vreg.scatter [tilespmem:s22], [sflag:$0x3], $0x80, v5, vm13, $0xb8;
	[tilespmem:$0x11180] =	vst v63  }
0x1e7: {  	s23 =	simm.s32 $0xD980;
	v4 =	vperm.xlane v4, v3  }
0x1e8: {  	[hbm4b:s6+s25] =	stream.indirect_vreg.scatter [tilespmem:s23], [sflag:$0x3], $0x80, v5, vm13, $0xb8;
	[tilespmem:$0x11180] =	vst v63  }
0x1e9: {  	s24 =	simm.s32 $0xE180;
	v4 =	vadd.s32 v2, v4  }
0x1ea: {  	[hbm4b:s7+s25] =	stream.indirect_vreg.scatter [tilespmem:s24], [sflag:$0x3], $0x80, v5, vm13, $0xb8;
	[tilespmem:$0x11180] =	vst v63  }
0x1eb: {  	s26 =	simm.s32 $0xE980  }
0x1ec: {  	[hbm4b:s1+s25] =	stream.indirect_vreg.scatter [tilespmem:s26], [sflag:$0x3], $0x80, v5, vm13, $0xb8;
	[tilespmem:$0x11180] =	vst v63  }
0x1ed: {  	s28 =	simm.s32 $0xF180  }
0x1ee: {  	[hbm4b:s5+s25] =	stream.indirect_vreg.scatter [tilespmem:s28], [sflag:$0x3], $0x80, v4, vm13, $0xb8;
	[tilespmem:$0x11180] =	vst v63  }
0x1ef: {  	s29 =	simm.s32 $0xF980  }
0x1f0: {  	[hbm4b:s6+s25] =	stream.indirect_vreg.scatter [tilespmem:s29], [sflag:$0x3], $0x80, v4, vm13, $0xb8;
	[tilespmem:$0x11180] =	vst v63  }
0x1f1: {  	p3 =	sne.s32 s2, $0x1;
	s30 =	simm.s32 $0x10180  }
0x1f2: {  	[hbm4b:s7+s25] =	stream.indirect_vreg.scatter [tilespmem:s30], [sflag:$0x3], $0x80, v4, vm13, $0xb8;
	[tilespmem:$0x11180] =	vst v63  }
.Ltmp0:
0x1f3: {  	s31 =	simm.s32 $0x10980;
	(pc) =	sbr.rel @p3 .LBB2_1-.Ltmp0, $4  }
0x1f4: {  	[hbm4b:s1+s25] =	stream.indirect_vreg.scatter [tilespmem:s31], [sflag:$0x3], $0x80, v4, vm13, $0xb8;
	[tilespmem:$0x11180] =	vst v63  }
0x1f5: {  	_ =	swait.ge [sflag:s3], $0x10000  }
0x1f6: {  	[sflag:s3] =	ssyncset.done $0x0  }
0x1f7: {  	s2 =	sadd.s32 $0xFFFFFFFF, s2;
	[sflag:s3] =	ssyncadd.s32 $0xFFFF0000  }
0x1f8: {  	_ =	sfence.sel $0x180000  }
0x1f9: {  	[bflag:$0x0] =	sbarrier.arrive $0xFFFF  }
0x1fa: {  	_ =	strace $0x9000004A  }
0x1fb: {  	s0 =	stileid.u32;
	[bflag:$0x2] =	sbarrier.arrive $0xFFFF  }
0x1fc: {  	p0 =	sne.s32 s0, $0x0;
	s0 =	rddreg [dreg:$0x2]  }
0x1fd: {  	s0 =	sadd.s32 @!p0 $0x100000, s0  }
0x1fe: {  	[sflag:s0] =	ssyncadd.tile.s32 @!p0 $0x1;
	_ =	shalt  }
.Lfunc_end2:
_tile_overlayer_lowered:
.L_overlay_start_2:
0x1ff: {  	(tag) =	ssettag $0x2  }
0x200: {  	s0 =	rddreg [dreg:$0x0];
	s2 =	stileid.u32  }
0x201: {  	s1 =	rddreg [dreg:$0x1];
	p0 =	sne.s32 s2, $0x0  }
0x202: {  	s3 =	rddreg [dreg:$0x2];
	[bflag:$0x3] =	sbarrier.arrive $0xFFFF;
	s2 =	simm.s32 @!p0 $0x1C04  }
0x203: {  	[timem:s3], [sflag:s2] =	dma.local @!p0 [hbm:s0], s1  }
0x204: {  	s0 =	simm.s32 @!p0 $0x4  }
0x205: {  	_ =	swait.ge @!p0 [sflag:s0], s1  }
0x206: {  	s1 =	ssub.s32 @!p0 $0x0, s1;
	[sflag:s0] =	ssyncset.done @!p0 $0x0  }
0x207: {  	[sflag:s0] =	ssyncadd.s32 @!p0 s1  }
0x208: {  	[bflag:$0x3] =	sbarrier.arrive $0xFFFF  }
0x209: {  	_ =	shalt  }

</sc_bundles>
